<compile_context>
chip_gen: v7x
topology: tpu7x:2x2x1
jax: 0.10.2.dev20260603
libtpu: 0.0.44.dev20260713+nightly
codegen_flags: <defaults>
</compile_context>

<pallas_src>
import jax
import jax.numpy as jnp
from jax import lax
from jax.experimental import pallas as pl
from jax.experimental.pallas import tpu as pltpu
from jax.experimental.pallas import tpu_sc as plsc

N = 10000
NP = 10240
E = 320000
EP = 327680
D = 128
NG = 64
OUT = 323
NTILES = 32
CHUNK = 128
NH = NP // 2
NHT = NH + CHUNK
CHUNKS_PER_TILE = EP // 16 // CHUNK
ROWS_PER_TILE = NHT // 16
NBLK = 8
BLK = NP // NBLK


def _pre_body(x_ref, w_ref, att_ref, h_ref, a2_ref):
    h = jnp.dot(x_ref[...], w_ref[...], preferred_element_type=jnp.float32)
    h_ref[...] = h
    a2_ref[...] = jnp.dot(h, att_ref[...], preferred_element_type=jnp.float32)


def _pre(x_pad, W, att2):
    return pl.pallas_call(
        _pre_body,
        grid=(NBLK,),
        in_specs=[
            pl.BlockSpec((BLK, D), lambda i: (i, 0)),
            pl.BlockSpec((D, D), lambda i: (0, 0)),
            pl.BlockSpec((D, 2), lambda i: (0, 0)),
        ],
        out_specs=[
            pl.BlockSpec((BLK, D), lambda i: (i, 0)),
            pl.BlockSpec((BLK, 2), lambda i: (i, 0)),
        ],
        out_shape=[
            jax.ShapeDtypeStruct((NP, D), jnp.float32),
            jax.ShapeDtypeStruct((NP, 2), jnp.float32),
        ],
    )(x_pad, W, att2)


def _make_edge_body():
    def _edge_body(h_hbm, asrc_hbm, adst_hbm, epk_hbm, out_hbm,
                   den_hbm, asrc_v, adst_v, epk2d, rows_a, rows_b,
                   wbuf_a, wbuf_b, sidx_a, sidx_b, dloc_a, dloc_b,
                   den_v, acc, gsem_a, gsem_b, ssem_a, ssem_b):
        c = lax.axis_index("c")
        s = lax.axis_index("s")
        base_node = c * NH
        out_base = c * NHT

        pltpu.sync_copy(asrc_hbm, asrc_v)
        pltpu.sync_copy(adst_hbm, adst_v)
        pltpu.sync_copy(epk_hbm.at[pl.ds(s * CHUNKS_PER_TILE, CHUNKS_PER_TILE)],
                        epk2d)

        zero16 = jnp.zeros((16,), jnp.float32)

        def _zero_row(i, carry):
            for k in range(D // 16):
                rows_a[i, pl.ds(k * 16, 16)] = zero16
            return carry
        lax.fori_loop(0, CHUNK, _zero_row, 0)

        def _zero_den(i, carry):
            den_v[pl.ds(i * 16, 16)] = zero16
            return carry
        lax.fori_loop(0, NHT // 16, _zero_den, 0)

        pltpu.sync_copy(rows_a, acc.at[pl.ds(s * ROWS_PER_TILE, CHUNK)])
        pltpu.sync_copy(rows_a,
                        acc.at[pl.ds(s * ROWS_PER_TILE + CHUNK, CHUNK)])
        pltpu.sync_copy(rows_a.at[pl.ds(0, ROWS_PER_TILE - 2 * CHUNK)],
                        acc.at[pl.ds(s * ROWS_PER_TILE + 2 * CHUNK,
                                     ROWS_PER_TILE - 2 * CHUNK)])
        plsc.subcore_barrier()

        def _compute(g, sidx_b, dloc_b, wbuf_b):
            for j in range(CHUNK // 16):
                pk = epk2d[g, pl.ds(j * 16, 16)]
                s16 = lax.shift_right_logical(pk, 14)
                d16 = pk & ((1 << 14) - 1)
                sidx_b[pl.ds(j * 16, 16)] = s16
                dl = d16 - base_node
                dl = jnp.where((dl >= 0) & (dl < NH), dl, NH)
                dloc_b[pl.ds(j * 16, 16)] = dl
                e = (plsc.load_gather(asrc_v, [s16])
                     + plsc.load_gather(adst_v, [d16]))
                e = jnp.maximum(e, 0.2 * e)
                w16 = jnp.exp(e)
                wbuf_b[pl.ds(j * 16, 16)] = w16
                plsc.addupdate_scatter(den_v, [dl], w16)

        def _scale(rows_x, wbuf_x):
            def _grp(j, carry2):
                w16 = wbuf_x[pl.ds(j * 16, 16)]
                base = j * 16
                for l in range(16):
                    ws = w16[l]
                    for k in range(D // 16):
                        rows_x[base + l, pl.ds(k * 16, 16)] = (
                            rows_x[base + l, pl.ds(k * 16, 16)] * ws)
                return carry2
            lax.fori_loop(0, CHUNK // 16, _grp, 0)

        sets = ((sidx_a, dloc_a, wbuf_a, rows_a, gsem_a, ssem_a),
                (sidx_b, dloc_b, wbuf_b, rows_b, gsem_b, ssem_b))

        _compute(0, sidx_a, dloc_a, wbuf_a)
        pltpu.async_copy(h_hbm.at[sidx_a], rows_a, gsem_a)

        def _pair(t, carry):
            for half in range(2):
                sx, dx, wx, rx, gx, ssx = sets[1 - half]
                sy, dy, wy, ry, gy, ssy = sets[half]
                nxt = 2 * t + 1 + half
                cur = 2 * t + half

                @pl.when(nxt < CHUNKS_PER_TILE)
                def _fill():
                    @pl.when(nxt >= 2)
                    def _drain_prev_scatter():
                        pltpu.make_async_copy(rx, acc.at[dx], ssx).wait()
                    _compute(nxt, sx, dx, wx)
                    pltpu.async_copy(h_hbm.at[sx], rx, gx)

                pltpu.make_async_copy(h_hbm.at[sy], ry, gy).wait()
                _scale(ry, wy)
                pltpu.async_copy(ry, acc.at[dy], ssy, add=True)
            return carry
        lax.fori_loop(0, CHUNKS_PER_TILE // 2, _pair, 0)

        pltpu.make_async_copy(rows_a, acc.at[dloc_a], ssem_a).wait()
        pltpu.make_async_copy(rows_b, acc.at[dloc_b], ssem_b).wait()

        plsc.subcore_barrier()
        pltpu.sync_copy(acc.at[pl.ds(s * ROWS_PER_TILE, ROWS_PER_TILE)],
                        out_hbm.at[pl.ds(out_base + s * ROWS_PER_TILE,
                                         ROWS_PER_TILE)])
        pltpu.sync_copy(den_v, den_hbm.at[c * 16 + s])

    return _edge_body


def _edge_all(h, a_src, a_dst, epk):
    mesh = plsc.VectorSubcoreMesh(core_axis_name="c", subcore_axis_name="s",
                                  num_cores=2, num_subcores=16)
    fn = pl.kernel(
        _make_edge_body(),
        out_type=[
            jax.ShapeDtypeStruct((2 * NHT, D), jnp.float32),
            jax.ShapeDtypeStruct((NTILES, NHT), jnp.float32),
        ],
        mesh=mesh,
        scratch_types=[
            pltpu.VMEM((NP,), jnp.float32),
            pltpu.VMEM((NP,), jnp.float32),
            pltpu.VMEM((CHUNKS_PER_TILE, CHUNK), jnp.int32),
            pltpu.VMEM((CHUNK, D), jnp.float32),
            pltpu.VMEM((CHUNK, D), jnp.float32),
            pltpu.VMEM((CHUNK,), jnp.float32),
            pltpu.VMEM((CHUNK,), jnp.float32),
            pltpu.VMEM((CHUNK,), jnp.int32),
            pltpu.VMEM((CHUNK,), jnp.int32),
            pltpu.VMEM((CHUNK,), jnp.int32),
            pltpu.VMEM((CHUNK,), jnp.int32),
            pltpu.VMEM((NHT,), jnp.float32),
            pltpu.VMEM_SHARED((NHT, D), jnp.float32),
            pltpu.SemaphoreType.DMA,
            pltpu.SemaphoreType.DMA,
            pltpu.SemaphoreType.DMA,
            pltpu.SemaphoreType.DMA,
        ],
        compiler_params=pltpu.CompilerParams(needs_layout_passes=False),
    )
    return fn(h, a_src, a_dst, epk)


def _post_body(acc_ref, den_ref, h_ref, a2_ref, x_ref, batch_ref, bias_ref,
               g_ref, b_ref, psum_ref, pcnt_ref):
    i = pl.program_id(0)

    @pl.when(i == 0)
    def _init():
        psum_ref[...] = jnp.zeros_like(psum_ref)
        pcnt_ref[...] = jnp.zeros_like(pcnt_ref)

    rows = acc_ref[0]
    dsum = jnp.sum(den_ref[0], axis=0, keepdims=True)
    den = lax.transpose(dsum, (1, 0))
    a2b = a2_ref[...]
    es = a2b[:, 0:1] + a2b[:, 1:2]
    es = jnp.maximum(es, 0.2 * es)
    wself = jnp.exp(es)
    rows = rows + wself * h_ref[...]
    den = den + wself
    agg = rows / (den + 1e-16) + bias_ref[...]
    h2 = agg + x_ref[...]
    mu = jnp.mean(h2, axis=1, keepdims=True)
    var = jnp.mean((h2 - mu) ** 2, axis=1, keepdims=True)
    hn = (h2 - mu) / jnp.sqrt(var + 1e-5) * g_ref[...] + b_ref[...]

    batch = batch_ref[0, 0]
    gids = lax.broadcasted_iota(jnp.int32, (NG, BLK), 0)
    bb = jnp.broadcast_to(batch.reshape(1, BLK), (NG, BLK))
    rid = i * BLK + lax.broadcasted_iota(jnp.int32, (NG, BLK), 1)
    oh = jnp.where((bb == gids) & (rid < N), jnp.float32(1.0), jnp.float32(0.0))
    psum_ref[...] += jnp.dot(oh, hn, preferred_element_type=jnp.float32)
    pcnt_ref[...] += jnp.broadcast_to(
        jnp.sum(oh, axis=1, keepdims=True), (NG, D))


def _post(acc, den, h, a2, x_pad, batch3, bias, gamma, beta):
    return pl.pallas_call(
        _post_body,
        grid=(NBLK,),
        in_specs=[
            pl.BlockSpec((1, BLK, D), lambda i: (i // 4, i % 4, 0)),
            pl.BlockSpec((1, 16, BLK), lambda i: (i // 4, 0, i % 4)),
            pl.BlockSpec((BLK, D), lambda i: (i, 0)),
            pl.BlockSpec((BLK, 2), lambda i: (i, 0)),
            pl.BlockSpec((BLK, D), lambda i: (i, 0)),
            pl.BlockSpec((1, 1, BLK), lambda i: (i, 0, 0)),
            pl.BlockSpec((1, D), lambda i: (0, 0)),
            pl.BlockSpec((1, D), lambda i: (0, 0)),
            pl.BlockSpec((1, D), lambda i: (0, 0)),
        ],
        out_specs=[
            pl.BlockSpec((NG, D), lambda i: (0, 0)),
            pl.BlockSpec((NG, D), lambda i: (0, 0)),
        ],
        out_shape=[
            jax.ShapeDtypeStruct((NG, D), jnp.float32),
            jax.ShapeDtypeStruct((NG, D), jnp.float32),
        ],
    )(acc, den, h, a2, x_pad, batch3, bias, gamma, beta)


def _clf_body(psum_ref, pcnt_ref, w_ref, b_ref, out_ref):
    pooled = psum_ref[...] / jnp.maximum(pcnt_ref[...], 1.0)
    out_ref[...] = jnp.dot(pooled, w_ref[...],
                           preferred_element_type=jnp.float32) + b_ref[...]


def _clf(psum, pcnt, clf_W, clf_b):
    return pl.pallas_call(
        _clf_body,
        out_shape=jax.ShapeDtypeStruct((NG, OUT), jnp.float32),
    )(psum, pcnt, clf_W, clf_b)


def kernel(x, edge_index, batch, W, att_src, att_dst, bias_gat, ln_gamma,
           ln_beta, clf_W, clf_b):
    x_pad = jnp.pad(x, ((0, NP - N), (0, 0)))
    att2 = jnp.stack([att_src, att_dst], axis=1)
    h, a2 = _pre(x_pad, W, att2)
    a_src = a2[:, 0]
    a_dst = a2[:, 1]
    pad = jnp.full((EP - E,), N, dtype=edge_index.dtype)
    srcp = jnp.concatenate([edge_index[0], pad])
    dstp = jnp.concatenate([edge_index[1], pad])
    epk = ((srcp << 14) | dstp).reshape(EP // CHUNK, CHUNK)
    accf, den = _edge_all(h, a_src, a_dst, epk)
    acc = accf.reshape(2, NHT, D)
    den = den.reshape(2, 16, NHT)
    batch3 = jnp.pad(batch, (0, NP - N), constant_values=NG).reshape(NBLK, 1, BLK)
    psum, pcnt = _post(acc, den, h, a2, x_pad, batch3, bias_gat.reshape(1, D),
                       ln_gamma.reshape(1, D), ln_beta.reshape(1, D))
    return _clf(psum, pcnt, clf_W, clf_b.reshape(1, OUT))

# --- scband reference (transcript-rebuilt; emitter-appended) ---
"""Pipeline reference for scband-protein-gat-30666066493704 (READ-ONLY COPY).

The authoritative reference and input builder live on the scoring server;
editing this copy changes nothing except your own understanding.
"""

import jax, jax.numpy as jnp
import numpy as np

N = 10000
E = 320000
D = 128
NG = 64
OUT = 323


def setup_inputs(seed: int = 0) -> dict:
    key = jax.random.key(seed)
    ks = jax.random.split(key, 12)
    x = jax.random.normal(ks[0], (N, D), dtype=jnp.float32)
    edge_index = jax.random.randint(ks[1], (2, E), 0, N, dtype=jnp.int32)
    batch = jnp.sort(jax.random.randint(ks[2], (N,), 0, NG, dtype=jnp.int32))
    W = jax.random.normal(ks[3], (D, D), dtype=jnp.float32) / jnp.sqrt(D)
    att_src = jax.random.normal(ks[4], (D,), dtype=jnp.float32) / jnp.sqrt(D)
    att_dst = jax.random.normal(ks[5], (D,), dtype=jnp.float32) / jnp.sqrt(D)
    bias_gat = jnp.zeros((D,), dtype=jnp.float32)
    ln_gamma = jnp.ones((D,), dtype=jnp.float32)
    ln_beta = jnp.zeros((D,), dtype=jnp.float32)
    clf_W = jax.random.normal(ks[6], (D, OUT), dtype=jnp.float32) / jnp.sqrt(D)
    clf_b = jnp.zeros((OUT,), dtype=jnp.float32)
    return {"x": x, "edge_index": edge_index, "batch": batch, "W": W,
            "att_src": att_src, "att_dst": att_dst, "bias_gat": bias_gat,
            "ln_gamma": ln_gamma, "ln_beta": ln_beta, "clf_W": clf_W, "clf_b": clf_b}


def reference(x, edge_index, batch, W, att_src, att_dst, bias_gat, ln_gamma, ln_beta, clf_W, clf_b):
    n = x.shape[0]
    # GATConv (heads=1, concat=False) with default add_self_loops=True
    loop = jnp.arange(n, dtype=edge_index.dtype)
    src = jnp.concatenate([edge_index[0], loop])
    dst = jnp.concatenate([edge_index[1], loop])
    h = x @ W  # [N, D]
    a_src = h @ att_src  # [N]
    a_dst = h @ att_dst  # [N]
    e = a_src[src] + a_dst[dst]
    e = jax.nn.leaky_relu(e, negative_slope=0.2)
    # segment softmax over incoming edges per dst node
    e_max = jax.ops.segment_max(e, dst, num_segments=n)
    e_max = jax.lax.stop_gradient(e_max)
    e_exp = jnp.exp(e - e_max[dst])
    denom = jax.ops.segment_sum(e_exp, dst, num_segments=n)
    alpha = e_exp / (denom[dst] + 1e-16)
    msg = h[src] * alpha[:, None]
    agg = jax.ops.segment_sum(msg, dst, num_segments=n) + bias_gat
    # residual + LayerNorm
    h2 = agg + x
    mu = jnp.mean(h2, axis=-1, keepdims=True)
    var = jnp.mean((h2 - mu) ** 2, axis=-1, keepdims=True)
    hn = (h2 - mu) / jnp.sqrt(var + 1e-5) * ln_gamma + ln_beta
    # global mean pool over batch ids
    sums = jax.ops.segment_sum(hn, batch, num_segments=NG)
    counts = jax.ops.segment_sum(jnp.ones((n,), dtype=hn.dtype), batch, num_segments=NG)
    pooled = sums / jnp.maximum(counts, 1.0)[:, None]
    out = pooled @ clf_W + clf_b
    return out

if __name__ == "__main__":
    import jax
    _d = setup_inputs()
    print(jax.jit(kernel)(*tuple(_d.values())))

</pallas_src>

<mosaic_0001>
#map = affine_map<(d0, d1) -> (0, 0)>
#map1 = affine_map<(d0, d1) -> (0)>
module attributes {stable_mosaic.version = 14 : i64} {
  func.func @_edge_body(%arg0: i32, %arg1: i32, %arg2: memref<10240x128xf32, #tpu.memory_space<hbm>>, %arg3: memref<10240xf32, #tpu.memory_space<hbm>>, %arg4: memref<10240xf32, #tpu.memory_space<hbm>>, %arg5: memref<2560x128xi32, #tpu.memory_space<hbm>>, %arg6: memref<10496x128xf32, #tpu.memory_space<hbm>>, %arg7: memref<32x5248xf32, #tpu.memory_space<hbm>>, %arg8: memref<10240xf32, #tpu.memory_space<vmem>>, %arg9: memref<10240xf32, #tpu.memory_space<vmem>>, %arg10: memref<160x128xi32, #tpu.memory_space<vmem>>, %arg11: memref<128x128xf32, #tpu.memory_space<vmem>>, %arg12: memref<128x128xf32, #tpu.memory_space<vmem>>, %arg13: memref<128xf32, #tpu.memory_space<vmem>>, %arg14: memref<128xf32, #tpu.memory_space<vmem>>, %arg15: memref<128xi32, #tpu.memory_space<vmem>>, %arg16: memref<128xi32, #tpu.memory_space<vmem>>, %arg17: memref<128xi32, #tpu.memory_space<vmem>>, %arg18: memref<128xi32, #tpu.memory_space<vmem>>, %arg19: memref<5248xf32, #tpu.memory_space<vmem>>, %arg20: memref<5248x128xf32, #tpu.memory_space<vmem_shared>>, %arg21: memref<!tpu.dma_semaphore, #tpu.memory_space<semaphore_mem>>, %arg22: memref<!tpu.dma_semaphore, #tpu.memory_space<semaphore_mem>>, %arg23: memref<!tpu.dma_semaphore, #tpu.memory_space<semaphore_mem>>, %arg24: memref<!tpu.dma_semaphore, #tpu.memory_space<semaphore_mem>>) attributes {dimension_semantics = [#tpu.dimension_semantics<core_parallel>, #tpu.dimension_semantics<subcore_parallel>], iteration_bounds = array<i64: 2, 16>, scalar_prefetch = 0 : i64, scratch_operands = 17 : i64, tpu.core_type = #tpu.core_type<sc_vector_subcore>, window_params = [{transform_indices = #map}, {transform_indices = #map1}, {transform_indices = #map1}, {transform_indices = #map}, {transform_indices = #map}, {transform_indices = #map}]} {
    %mul3A = arith.constant 5120 : i32
    %mul3A_0 = arith.muli %arg0, %mul3A : i32
    %mul3A_1 = arith.constant 5248 : i32
    %mul3A_2 = arith.muli %arg0, %mul3A_1 : i32
    "tpu.region"() ({
      %run_scoped3A = tpu.sem_alloc : memref<!tpu.dma_semaphore, #tpu.memory_space<semaphore_mem>>
      tpu.enqueue_dma source(%arg3 : memref<10240xf32, #tpu.memory_space<hbm>>) target(%arg8 : memref<10240xf32, #tpu.memory_space<vmem>>) target_semaphore(%run_scoped3A : memref<!tpu.dma_semaphore, #tpu.memory_space<semaphore_mem>>)
      tpu.wait_dma2 semaphore(%run_scoped3A : memref<!tpu.dma_semaphore, #tpu.memory_space<semaphore_mem>>) src(%arg3 : memref<10240xf32, #tpu.memory_space<hbm>>) dst(%arg8 : memref<10240xf32, #tpu.memory_space<vmem>>)
      tpu.yield
    }) : () -> ()
    "tpu.region"() ({
      %run_scoped3A = tpu.sem_alloc : memref<!tpu.dma_semaphore, #tpu.memory_space<semaphore_mem>>
      tpu.enqueue_dma source(%arg4 : memref<10240xf32, #tpu.memory_space<hbm>>) target(%arg9 : memref<10240xf32, #tpu.memory_space<vmem>>) target_semaphore(%run_scoped3A : memref<!tpu.dma_semaphore, #tpu.memory_space<semaphore_mem>>)
      tpu.wait_dma2 semaphore(%run_scoped3A : memref<!tpu.dma_semaphore, #tpu.memory_space<semaphore_mem>>) src(%arg4 : memref<10240xf32, #tpu.memory_space<hbm>>) dst(%arg9 : memref<10240xf32, #tpu.memory_space<vmem>>)
      tpu.yield
    }) : () -> ()
    %mul3A_3 = arith.constant 160 : i32
    %mul3A_4 = arith.muli %arg1, %mul3A_3 : i32
    "tpu.region"() ({
      %run_scoped3A = tpu.sem_alloc : memref<!tpu.dma_semaphore, #tpu.memory_space<semaphore_mem>>
      %dma_start3A_324 = arith.constant 0 : i32
      %dma_start3A_325 = tpu.memref_slice %arg5[%mul3A_4, %dma_start3A_324] : memref<2560x128xi32, #tpu.memory_space<hbm>> -> memref<160x128xi32, #tpu.memory_space<hbm>>
      %dma_start3A_326 = arith.constant 0 : i32
      %dma_start3A_327 = tpu.memref_slice %arg5[%mul3A_4, %dma_start3A_326] : memref<2560x128xi32, #tpu.memory_space<hbm>> -> memref<160x128xi32, #tpu.memory_space<hbm>>
      tpu.enqueue_dma source(%dma_start3A_327 : memref<160x128xi32, #tpu.memory_space<hbm>>) target(%arg10 : memref<160x128xi32, #tpu.memory_space<vmem>>) target_semaphore(%run_scoped3A : memref<!tpu.dma_semaphore, #tpu.memory_space<semaphore_mem>>)
      %dma_wait3A_328 = arith.constant 0 : i32
      %dma_wait3A_329 = tpu.memref_slice %arg5[%mul3A_4, %dma_wait3A_328] : memref<2560x128xi32, #tpu.memory_space<hbm>> -> memref<160x128xi32, #tpu.memory_space<hbm>>
      %dma_wait3A_330 = arith.constant 0 : i32
      %dma_wait3A_331 = tpu.memref_slice %arg5[%mul3A_4, %dma_wait3A_330] : memref<2560x128xi32, #tpu.memory_space<hbm>> -> memref<160x128xi32, #tpu.memory_space<hbm>>
      tpu.wait_dma2 semaphore(%run_scoped3A : memref<!tpu.dma_semaphore, #tpu.memory_space<semaphore_mem>>) src(%dma_wait3A_331 : memref<160x128xi32, #tpu.memory_space<hbm>>) dst(%arg10 : memref<160x128xi32, #tpu.memory_space<vmem>>)
      tpu.yield
    }) : () -> ()
    %broadcast_in_dim3A = arith.constant 0.000000e+00 : f32
    %broadcast_in_dim3A_5 = vector.broadcast %broadcast_in_dim3A : f32 to vector<16xf32>
    %scan3A = arith.constant 0 : i32
    %scan3A_6 = arith.constant 0 : i32
    %scan3A_7 = arith.constant 128 : i32
    %scan3A_8 = arith.addi %scan3A_6, %scan3A_7 : i32
    %scan3A_9 = arith.constant 1 : i32
    scf.for %scan3A_324 = %scan3A_6 to %scan3A_8 step %scan3A_9  : i32 {
      %swap3A_325 = arith.index_cast %scan3A_324 : i32 to index
      %swap3A_326 = arith.constant 0 : index
      %swap3A_327 = tpu.vector_load %arg11[%swap3A_325, %swap3A_326] {strides = array<i32>} : memref<128x128xf32, #tpu.memory_space<vmem>>, vector<16xf32>,
      tpu.vector_store %arg11[%swap3A_325, %swap3A_326], %broadcast_in_dim3A_5 {strides = array<i32>} : memref<128x128xf32, #tpu.memory_space<vmem>>, vector<16xf32>,
      %swap3A_328 = arith.index_cast %scan3A_324 : i32 to index
      %swap3A_329 = arith.constant 16 : index
      %swap3A_330 = tpu.vector_load %arg11[%swap3A_328, %swap3A_329] {strides = array<i32>} : memref<128x128xf32, #tpu.memory_space<vmem>>, vector<16xf32>,
      tpu.vector_store %arg11[%swap3A_328, %swap3A_329], %broadcast_in_dim3A_5 {strides = array<i32>} : memref<128x128xf32, #tpu.memory_space<vmem>>, vector<16xf32>,
      %swap3A_331 = arith.index_cast %scan3A_324 : i32 to index
      %swap3A_332 = arith.constant 32 : index
      %swap3A_333 = tpu.vector_load %arg11[%swap3A_331, %swap3A_332] {strides = array<i32>} : memref<128x128xf32, #tpu.memory_space<vmem>>, vector<16xf32>,
      tpu.vector_store %arg11[%swap3A_331, %swap3A_332], %broadcast_in_dim3A_5 {strides = array<i32>} : memref<128x128xf32, #tpu.memory_space<vmem>>, vector<16xf32>,
      %swap3A_334 = arith.index_cast %scan3A_324 : i32 to index
      %swap3A_335 = arith.constant 48 : index
      %swap3A_336 = tpu.vector_load %arg11[%swap3A_334, %swap3A_335] {strides = array<i32>} : memref<128x128xf32, #tpu.memory_space<vmem>>, vector<16xf32>,
      tpu.vector_store %arg11[%swap3A_334, %swap3A_335], %broadcast_in_dim3A_5 {strides = array<i32>} : memref<128x128xf32, #tpu.memory_space<vmem>>, vector<16xf32>,
      %swap3A_337 = arith.index_cast %scan3A_324 : i32 to index
      %swap3A_338 = arith.constant 64 : index
      %swap3A_339 = tpu.vector_load %arg11[%swap3A_337, %swap3A_338] {strides = array<i32>} : memref<128x128xf32, #tpu.memory_space<vmem>>, vector<16xf32>,
      tpu.vector_store %arg11[%swap3A_337, %swap3A_338], %broadcast_in_dim3A_5 {strides = array<i32>} : memref<128x128xf32, #tpu.memory_space<vmem>>, vector<16xf32>,
      %swap3A_340 = arith.index_cast %scan3A_324 : i32 to index
      %swap3A_341 = arith.constant 80 : index
      %swap3A_342 = tpu.vector_load %arg11[%swap3A_340, %swap3A_341] {strides = array<i32>} : memref<128x128xf32, #tpu.memory_space<vmem>>, vector<16xf32>,
      tpu.vector_store %arg11[%swap3A_340, %swap3A_341], %broadcast_in_dim3A_5 {strides = array<i32>} : memref<128x128xf32, #tpu.memory_space<vmem>>, vector<16xf32>,
      %swap3A_343 = arith.index_cast %scan3A_324 : i32 to index
      %swap3A_344 = arith.constant 96 : index
      %swap3A_345 = tpu.vector_load %arg11[%swap3A_343, %swap3A_344] {strides = array<i32>} : memref<128x128xf32, #tpu.memory_space<vmem>>, vector<16xf32>,
      tpu.vector_store %arg11[%swap3A_343, %swap3A_344], %broadcast_in_dim3A_5 {strides = array<i32>} : memref<128x128xf32, #tpu.memory_space<vmem>>, vector<16xf32>,
      %swap3A_346 = arith.index_cast %scan3A_324 : i32 to index
      %swap3A_347 = arith.constant 112 : index
      %swap3A_348 = tpu.vector_load %arg11[%swap3A_346, %swap3A_347] {strides = array<i32>} : memref<128x128xf32, #tpu.memory_space<vmem>>, vector<16xf32>,
      tpu.vector_store %arg11[%swap3A_346, %swap3A_347], %broadcast_in_dim3A_5 {strides = array<i32>} : memref<128x128xf32, #tpu.memory_space<vmem>>, vector<16xf32>,
    }
    %scan3A_10 = arith.constant 128 : i32
    %scan3A_11 = arith.constant 0 : i32
    %scan3A_12 = arith.constant 0 : i32
    %scan3A_13 = arith.constant 328 : i32
    %scan3A_14 = arith.addi %scan3A_12, %scan3A_13 : i32
    %scan3A_15 = arith.constant 1 : i32
    scf.for %scan3A_324 = %scan3A_12 to %scan3A_14 step %scan3A_15  : i32 {
      %mul3A_325 = arith.constant 16 : i32
      %mul3A_326 = arith.muli %scan3A_324, %mul3A_325 : i32
      %swap3A_327 = arith.index_cast %mul3A_326 : i32 to index
      %swap3A_328 = tpu.vector_load %arg19[%swap3A_327] {strides = array<i32>} : memref<5248xf32, #tpu.memory_space<vmem>>, vector<16xf32>,
      tpu.vector_store %arg19[%swap3A_327], %broadcast_in_dim3A_5 {strides = array<i32>} : memref<5248xf32, #tpu.memory_space<vmem>>, vector<16xf32>,
    }
    %scan3A_16 = arith.constant 328 : i32
    %mul3A_17 = arith.constant 328 : i32
    %mul3A_18 = arith.muli %arg1, %mul3A_17 : i32
    "tpu.region"() ({
      %run_scoped3A = tpu.sem_alloc : memref<!tpu.dma_semaphore, #tpu.memory_space<semaphore_mem>>
      %dma_start3A_324 = arith.constant 0 : i32
      %dma_start3A_325 = tpu.memref_slice %arg20[%mul3A_18, %dma_start3A_324] : memref<5248x128xf32, #tpu.memory_space<vmem_shared>> -> memref<128x128xf32, #tpu.memory_space<vmem_shared>>
      %dma_start3A_326 = arith.constant 0 : i32
      %dma_start3A_327 = tpu.memref_slice %arg20[%mul3A_18, %dma_start3A_326] : memref<5248x128xf32, #tpu.memory_space<vmem_shared>> -> memref<128x128xf32, #tpu.memory_space<vmem_shared>>
      tpu.enqueue_dma source(%arg11 : memref<128x128xf32, #tpu.memory_space<vmem>>) target(%dma_start3A_327 : memref<128x128xf32, #tpu.memory_space<vmem_shared>>) target_semaphore(%run_scoped3A : memref<!tpu.dma_semaphore, #tpu.memory_space<semaphore_mem>>)
      %dma_wait3A_328 = arith.constant 0 : i32
      %dma_wait3A_329 = tpu.memref_slice %arg20[%mul3A_18, %dma_wait3A_328] : memref<5248x128xf32, #tpu.memory_space<vmem_shared>> -> memref<128x128xf32, #tpu.memory_space<vmem_shared>>
      %dma_wait3A_330 = arith.constant 0 : i32
      %dma_wait3A_331 = tpu.memref_slice %arg20[%mul3A_18, %dma_wait3A_330] : memref<5248x128xf32, #tpu.memory_space<vmem_shared>> -> memref<128x128xf32, #tpu.memory_space<vmem_shared>>
      tpu.wait_dma2 semaphore(%run_scoped3A : memref<!tpu.dma_semaphore, #tpu.memory_space<semaphore_mem>>) src(%arg11 : memref<128x128xf32, #tpu.memory_space<vmem>>) dst(%dma_wait3A_331 : memref<128x128xf32, #tpu.memory_space<vmem_shared>>)
      tpu.yield
    }) : () -> ()
    %mul3A_19 = arith.constant 328 : i32
    %mul3A_20 = arith.muli %arg1, %mul3A_19 : i32
    %add3A = arith.constant 128 : i32
    %add3A_21 = arith.addi %mul3A_20, %add3A : i32
    "tpu.region"() ({
      %run_scoped3A = tpu.sem_alloc : memref<!tpu.dma_semaphore, #tpu.memory_space<semaphore_mem>>
      %dma_start3A_324 = arith.constant 0 : i32
      %dma_start3A_325 = tpu.memref_slice %arg20[%add3A_21, %dma_start3A_324] : memref<5248x128xf32, #tpu.memory_space<vmem_shared>> -> memref<128x128xf32, #tpu.memory_space<vmem_shared>>
      %dma_start3A_326 = arith.constant 0 : i32
      %dma_start3A_327 = tpu.memref_slice %arg20[%add3A_21, %dma_start3A_326] : memref<5248x128xf32, #tpu.memory_space<vmem_shared>> -> memref<128x128xf32, #tpu.memory_space<vmem_shared>>
      tpu.enqueue_dma source(%arg11 : memref<128x128xf32, #tpu.memory_space<vmem>>) target(%dma_start3A_327 : memref<128x128xf32, #tpu.memory_space<vmem_shared>>) target_semaphore(%run_scoped3A : memref<!tpu.dma_semaphore, #tpu.memory_space<semaphore_mem>>)
      %dma_wait3A_328 = arith.constant 0 : i32
      %dma_wait3A_329 = tpu.memref_slice %arg20[%add3A_21, %dma_wait3A_328] : memref<5248x128xf32, #tpu.memory_space<vmem_shared>> -> memref<128x128xf32, #tpu.memory_space<vmem_shared>>
      %dma_wait3A_330 = arith.constant 0 : i32
      %dma_wait3A_331 = tpu.memref_slice %arg20[%add3A_21, %dma_wait3A_330] : memref<5248x128xf32, #tpu.memory_space<vmem_shared>> -> memref<128x128xf32, #tpu.memory_space<vmem_shared>>
      tpu.wait_dma2 semaphore(%run_scoped3A : memref<!tpu.dma_semaphore, #tpu.memory_space<semaphore_mem>>) src(%arg11 : memref<128x128xf32, #tpu.memory_space<vmem>>) dst(%dma_wait3A_331 : memref<128x128xf32, #tpu.memory_space<vmem_shared>>)
      tpu.yield
    }) : () -> ()
    %mul3A_22 = arith.constant 328 : i32
    %mul3A_23 = arith.muli %arg1, %mul3A_22 : i32
    %add3A_24 = arith.constant 256 : i32
    %add3A_25 = arith.addi %mul3A_23, %add3A_24 : i32
    "tpu.region"() ({
      %run_scoped3A = tpu.sem_alloc : memref<!tpu.dma_semaphore, #tpu.memory_space<semaphore_mem>>
      %dma_start3A_324 = arith.constant 0 : i32
      %dma_start3A_325 = arith.constant 0 : i32
      %dma_start3A_326 = tpu.memref_slice %arg11[%dma_start3A_324, %dma_start3A_325] : memref<128x128xf32, #tpu.memory_space<vmem>> -> memref<72x128xf32, #tpu.memory_space<vmem>>
      %dma_start3A_327 = arith.constant 0 : i32
      %dma_start3A_328 = tpu.memref_slice %arg20[%add3A_25, %dma_start3A_327] : memref<5248x128xf32, #tpu.memory_space<vmem_shared>> -> memref<72x128xf32, #tpu.memory_space<vmem_shared>>
      %dma_start3A_329 = arith.constant 0 : i32
      %dma_start3A_330 = tpu.memref_slice %arg20[%add3A_25, %dma_start3A_329] : memref<5248x128xf32, #tpu.memory_space<vmem_shared>> -> memref<72x128xf32, #tpu.memory_space<vmem_shared>>
      %dma_start3A_331 = arith.constant 0 : i32
      %dma_start3A_332 = arith.constant 0 : i32
      %dma_start3A_333 = tpu.memref_slice %arg11[%dma_start3A_331, %dma_start3A_332] : memref<128x128xf32, #tpu.memory_space<vmem>> -> memref<72x128xf32, #tpu.memory_space<vmem>>
      tpu.enqueue_dma source(%dma_start3A_333 : memref<72x128xf32, #tpu.memory_space<vmem>>) target(%dma_start3A_330 : memref<72x128xf32, #tpu.memory_space<vmem_shared>>) target_semaphore(%run_scoped3A : memref<!tpu.dma_semaphore, #tpu.memory_space<semaphore_mem>>)
      %dma_wait3A_334 = arith.constant 0 : i32
      %dma_wait3A_335 = arith.constant 0 : i32
      %dma_wait3A_336 = tpu.memref_slice %arg11[%dma_wait3A_334, %dma_wait3A_335] : memref<128x128xf32, #tpu.memory_space<vmem>> -> memref<72x128xf32, #tpu.memory_space<vmem>>
      %dma_wait3A_337 = arith.constant 0 : i32
      %dma_wait3A_338 = tpu.memref_slice %arg20[%add3A_25, %dma_wait3A_337] : memref<5248x128xf32, #tpu.memory_space<vmem_shared>> -> memref<72x128xf32, #tpu.memory_space<vmem_shared>>
      %dma_wait3A_339 = arith.constant 0 : i32
      %dma_wait3A_340 = tpu.memref_slice %arg20[%add3A_25, %dma_wait3A_339] : memref<5248x128xf32, #tpu.memory_space<vmem_shared>> -> memref<72x128xf32, #tpu.memory_space<vmem_shared>>
      %dma_wait3A_341 = arith.constant 0 : i32
      %dma_wait3A_342 = arith.constant 0 : i32
      %dma_wait3A_343 = tpu.memref_slice %arg11[%dma_wait3A_341, %dma_wait3A_342] : memref<128x128xf32, #tpu.memory_space<vmem>> -> memref<72x128xf32, #tpu.memory_space<vmem>>
      tpu.wait_dma2 semaphore(%run_scoped3A : memref<!tpu.dma_semaphore, #tpu.memory_space<semaphore_mem>>) src(%dma_wait3A_343 : memref<72x128xf32, #tpu.memory_space<vmem>>) dst(%dma_wait3A_340 : memref<72x128xf32, #tpu.memory_space<vmem_shared>>)
      tpu.yield
    }) : () -> ()
    %barrier3A = arith.constant 0 : index
    tpu.barrier barrier_id(%barrier3A)
    %get3A = arith.constant 0 : i32
    %get3A_26 = arith.index_cast %get3A : i32 to index
    %get3A_27 = arith.constant 0 : index
    %get3A_28 = tpu.vector_load %arg10[%get3A_26, %get3A_27] {strides = array<i32>} : memref<160x128xi32, #tpu.memory_space<vmem>>, vector<16xi32>,
    %shift_right_logical3A = arith.constant 14 : i32
    %shift_right_logical3A_29 = vector.broadcast %shift_right_logical3A : i32 to vector<16xi32>
    %shift_right_logical3A_30 = arith.shrui %get3A_28, %shift_right_logical3A_29 : vector<16xi32>
    %and3A = arith.constant 16383 : i32
    %and3A_31 = vector.broadcast %and3A : i32 to vector<16xi32>
    %and3A_32 = arith.andi %get3A_28, %and3A_31 : vector<16xi32>
    %swap3A = arith.constant 0 : index
    %swap3A_33 = tpu.vector_load %arg15[%swap3A] {strides = array<i32>} : memref<128xi32, #tpu.memory_space<vmem>>, vector<16xi32>,
    tpu.vector_store %arg15[%swap3A], %shift_right_logical3A_30 {strides = array<i32>} : memref<128xi32, #tpu.memory_space<vmem>>, vector<16xi32>,
    %sub3A = vector.broadcast %mul3A_0 : i32 to vector<16xi32>
    %sub3A_34 = arith.subi %and3A_32, %sub3A : vector<16xi32>
    %ge3A = arith.constant 0 : i32
    %ge3A_35 = vector.broadcast %ge3A : i32 to vector<16xi32>
    %ge3A_36 = arith.cmpi sge, %sub3A_34, %ge3A_35 : vector<16xi32>
    %lt3A = arith.constant 5120 : i32
    %lt3A_37 = vector.broadcast %lt3A : i32 to vector<16xi32>
    %lt3A_38 = arith.cmpi slt, %sub3A_34, %lt3A_37 : vector<16xi32>
    %and3A_39 = arith.andi %ge3A_36, %lt3A_38 : vector<16xi1>
    %jit3A = arith.constant 5120 : i32
    %broadcast_in_dim3A_40 = vector.broadcast %jit3A : i32 to vector<16xi32>
    %select_n3A = arith.select %and3A_39, %sub3A_34, %broadcast_in_dim3A_40 : vector<16xi1>, vector<16xi32>
    %swap3A_41 = arith.constant 0 : index
    %swap3A_42 = tpu.vector_load %arg17[%swap3A_41] {strides = array<i32>} : memref<128xi32, #tpu.memory_space<vmem>>, vector<16xi32>,
    tpu.vector_store %arg17[%swap3A_41], %select_n3A {strides = array<i32>} : memref<128xi32, #tpu.memory_space<vmem>>, vector<16xi32>,
    %gather3A = tpu.vector_load_idx %arg8[%shift_right_logical3A_30] : memref<10240xf32, #tpu.memory_space<vmem>>[vector<16xi32>], vector<16xf32>,
    %gather3A_43 = tpu.vector_load_idx %arg9[%and3A_32] : memref<10240xf32, #tpu.memory_space<vmem>>[vector<16xi32>], vector<16xf32>,
    %add3A_44 = arith.addf %gather3A, %gather3A_43 : vector<16xf32>
    %mul3A_45 = arith.constant 2.000000e-01 : f32
    %mul3A_46 = vector.broadcast %mul3A_45 : f32 to vector<16xf32>
    %mul3A_47 = arith.mulf %mul3A_46, %add3A_44 : vector<16xf32>
    %max3A = arith.maximumf %add3A_44, %mul3A_47 : vector<16xf32>
    %exp3A = math.exp %max3A : vector<16xf32>
    %swap3A_48 = arith.constant 0 : index
    %swap3A_49 = tpu.vector_load %arg13[%swap3A_48] {strides = array<i32>} : memref<128xf32, #tpu.memory_space<vmem>>, vector<16xf32>,
    tpu.vector_store %arg13[%swap3A_48], %exp3A {strides = array<i32>} : memref<128xf32, #tpu.memory_space<vmem>>, vector<16xf32>,
    tpu.vector_store_idx %arg19[%select_n3A], %exp3A {add = true} : memref<5248xf32, #tpu.memory_space<vmem>>[vector<16xi32>], vector<16xf32>,
    %get3A_50 = arith.constant 0 : i32
    %get3A_51 = arith.index_cast %get3A_50 : i32 to index
    %get3A_52 = arith.constant 16 : index
    %get3A_53 = tpu.vector_load %arg10[%get3A_51, %get3A_52] {strides = array<i32>} : memref<160x128xi32, #tpu.memory_space<vmem>>, vector<16xi32>,
    %shift_right_logical3A_54 = arith.constant 14 : i32
    %shift_right_logical3A_55 = vector.broadcast %shift_right_logical3A_54 : i32 to vector<16xi32>
    %shift_right_logical3A_56 = arith.shrui %get3A_53, %shift_right_logical3A_55 : vector<16xi32>
    %and3A_57 = arith.constant 16383 : i32
    %and3A_58 = vector.broadcast %and3A_57 : i32 to vector<16xi32>
    %and3A_59 = arith.andi %get3A_53, %and3A_58 : vector<16xi32>
    %swap3A_60 = arith.constant 16 : index
    %swap3A_61 = tpu.vector_load %arg15[%swap3A_60] {strides = array<i32>} : memref<128xi32, #tpu.memory_space<vmem>>, vector<16xi32>,
    tpu.vector_store %arg15[%swap3A_60], %shift_right_logical3A_56 {strides = array<i32>} : memref<128xi32, #tpu.memory_space<vmem>>, vector<16xi32>,
    %sub3A_62 = vector.broadcast %mul3A_0 : i32 to vector<16xi32>
    %sub3A_63 = arith.subi %and3A_59, %sub3A_62 : vector<16xi32>
    %ge3A_64 = arith.constant 0 : i32
    %ge3A_65 = vector.broadcast %ge3A_64 : i32 to vector<16xi32>
    %ge3A_66 = arith.cmpi sge, %sub3A_63, %ge3A_65 : vector<16xi32>
    %lt3A_67 = arith.constant 5120 : i32
    %lt3A_68 = vector.broadcast %lt3A_67 : i32 to vector<16xi32>
    %lt3A_69 = arith.cmpi slt, %sub3A_63, %lt3A_68 : vector<16xi32>
    %and3A_70 = arith.andi %ge3A_66, %lt3A_69 : vector<16xi1>
    %jit3A_71 = arith.constant 5120 : i32
    %broadcast_in_dim3A_72 = vector.broadcast %jit3A_71 : i32 to vector<16xi32>
    %select_n3A_73 = arith.select %and3A_70, %sub3A_63, %broadcast_in_dim3A_72 : vector<16xi1>, vector<16xi32>
    %swap3A_74 = arith.constant 16 : index
    %swap3A_75 = tpu.vector_load %arg17[%swap3A_74] {strides = array<i32>} : memref<128xi32, #tpu.memory_space<vmem>>, vector<16xi32>,
    tpu.vector_store %arg17[%swap3A_74], %select_n3A_73 {strides = array<i32>} : memref<128xi32, #tpu.memory_space<vmem>>, vector<16xi32>,
    %gather3A_76 = tpu.vector_load_idx %arg8[%shift_right_logical3A_56] : memref<10240xf32, #tpu.memory_space<vmem>>[vector<16xi32>], vector<16xf32>,
    %gather3A_77 = tpu.vector_load_idx %arg9[%and3A_59] : memref<10240xf32, #tpu.memory_space<vmem>>[vector<16xi32>], vector<16xf32>,
    %add3A_78 = arith.addf %gather3A_76, %gather3A_77 : vector<16xf32>
    %mul3A_79 = arith.constant 2.000000e-01 : f32
    %mul3A_80 = vector.broadcast %mul3A_79 : f32 to vector<16xf32>
    %mul3A_81 = arith.mulf %mul3A_80, %add3A_78 : vector<16xf32>
    %max3A_82 = arith.maximumf %add3A_78, %mul3A_81 : vector<16xf32>
    %exp3A_83 = math.exp %max3A_82 : vector<16xf32>
    %swap3A_84 = arith.constant 16 : index
    %swap3A_85 = tpu.vector_load %arg13[%swap3A_84] {strides = array<i32>} : memref<128xf32, #tpu.memory_space<vmem>>, vector<16xf32>,
    tpu.vector_store %arg13[%swap3A_84], %exp3A_83 {strides = array<i32>} : memref<128xf32, #tpu.memory_space<vmem>>, vector<16xf32>,
    tpu.vector_store_idx %arg19[%select_n3A_73], %exp3A_83 {add = true} : memref<5248xf32, #tpu.memory_space<vmem>>[vector<16xi32>], vector<16xf32>,
    %get3A_86 = arith.constant 0 : i32
    %get3A_87 = arith.index_cast %get3A_86 : i32 to index
    %get3A_88 = arith.constant 32 : index
    %get3A_89 = tpu.vector_load %arg10[%get3A_87, %get3A_88] {strides = array<i32>} : memref<160x128xi32, #tpu.memory_space<vmem>>, vector<16xi32>,
    %shift_right_logical3A_90 = arith.constant 14 : i32
    %shift_right_logical3A_91 = vector.broadcast %shift_right_logical3A_90 : i32 to vector<16xi32>
    %shift_right_logical3A_92 = arith.shrui %get3A_89, %shift_right_logical3A_91 : vector<16xi32>
    %and3A_93 = arith.constant 16383 : i32
    %and3A_94 = vector.broadcast %and3A_93 : i32 to vector<16xi32>
    %and3A_95 = arith.andi %get3A_89, %and3A_94 : vector<16xi32>
    %swap3A_96 = arith.constant 32 : index
    %swap3A_97 = tpu.vector_load %arg15[%swap3A_96] {strides = array<i32>} : memref<128xi32, #tpu.memory_space<vmem>>, vector<16xi32>,
    tpu.vector_store %arg15[%swap3A_96], %shift_right_logical3A_92 {strides = array<i32>} : memref<128xi32, #tpu.memory_space<vmem>>, vector<16xi32>,
    %sub3A_98 = vector.broadcast %mul3A_0 : i32 to vector<16xi32>
    %sub3A_99 = arith.subi %and3A_95, %sub3A_98 : vector<16xi32>
    %ge3A_100 = arith.constant 0 : i32
    %ge3A_101 = vector.broadcast %ge3A_100 : i32 to vector<16xi32>
    %ge3A_102 = arith.cmpi sge, %sub3A_99, %ge3A_101 : vector<16xi32>
    %lt3A_103 = arith.constant 5120 : i32
    %lt3A_104 = vector.broadcast %lt3A_103 : i32 to vector<16xi32>
    %lt3A_105 = arith.cmpi slt, %sub3A_99, %lt3A_104 : vector<16xi32>
    %and3A_106 = arith.andi %ge3A_102, %lt3A_105 : vector<16xi1>
    %jit3A_107 = arith.constant 5120 : i32
    %broadcast_in_dim3A_108 = vector.broadcast %jit3A_107 : i32 to vector<16xi32>
    %select_n3A_109 = arith.select %and3A_106, %sub3A_99, %broadcast_in_dim3A_108 : vector<16xi1>, vector<16xi32>
    %swap3A_110 = arith.constant 32 : index
    %swap3A_111 = tpu.vector_load %arg17[%swap3A_110] {strides = array<i32>} : memref<128xi32, #tpu.memory_space<vmem>>, vector<16xi32>,
    tpu.vector_store %arg17[%swap3A_110], %select_n3A_109 {strides = array<i32>} : memref<128xi32, #tpu.memory_space<vmem>>, vector<16xi32>,
    %gather3A_112 = tpu.vector_load_idx %arg8[%shift_right_logical3A_92] : memref<10240xf32, #tpu.memory_space<vmem>>[vector<16xi32>], vector<16xf32>,
    %gather3A_113 = tpu.vector_load_idx %arg9[%and3A_95] : memref<10240xf32, #tpu.memory_space<vmem>>[vector<16xi32>], vector<16xf32>,
    %add3A_114 = arith.addf %gather3A_112, %gather3A_113 : vector<16xf32>
    %mul3A_115 = arith.constant 2.000000e-01 : f32
    %mul3A_116 = vector.broadcast %mul3A_115 : f32 to vector<16xf32>
    %mul3A_117 = arith.mulf %mul3A_116, %add3A_114 : vector<16xf32>
    %max3A_118 = arith.maximumf %add3A_114, %mul3A_117 : vector<16xf32>
    %exp3A_119 = math.exp %max3A_118 : vector<16xf32>
    %swap3A_120 = arith.constant 32 : index
    %swap3A_121 = tpu.vector_load %arg13[%swap3A_120] {strides = array<i32>} : memref<128xf32, #tpu.memory_space<vmem>>, vector<16xf32>,
    tpu.vector_store %arg13[%swap3A_120], %exp3A_119 {strides = array<i32>} : memref<128xf32, #tpu.memory_space<vmem>>, vector<16xf32>,
    tpu.vector_store_idx %arg19[%select_n3A_109], %exp3A_119 {add = true} : memref<5248xf32, #tpu.memory_space<vmem>>[vector<16xi32>], vector<16xf32>,
    %get3A_122 = arith.constant 0 : i32
    %get3A_123 = arith.index_cast %get3A_122 : i32 to index
    %get3A_124 = arith.constant 48 : index
    %get3A_125 = tpu.vector_load %arg10[%get3A_123, %get3A_124] {strides = array<i32>} : memref<160x128xi32, #tpu.memory_space<vmem>>, vector<16xi32>,
    %shift_right_logical3A_126 = arith.constant 14 : i32
    %shift_right_logical3A_127 = vector.broadcast %shift_right_logical3A_126 : i32 to vector<16xi32>
    %shift_right_logical3A_128 = arith.shrui %get3A_125, %shift_right_logical3A_127 : vector<16xi32>
    %and3A_129 = arith.constant 16383 : i32
    %and3A_130 = vector.broadcast %and3A_129 : i32 to vector<16xi32>
    %and3A_131 = arith.andi %get3A_125, %and3A_130 : vector<16xi32>
    %swap3A_132 = arith.constant 48 : index
    %swap3A_133 = tpu.vector_load %arg15[%swap3A_132] {strides = array<i32>} : memref<128xi32, #tpu.memory_space<vmem>>, vector<16xi32>,
    tpu.vector_store %arg15[%swap3A_132], %shift_right_logical3A_128 {strides = array<i32>} : memref<128xi32, #tpu.memory_space<vmem>>, vector<16xi32>,
    %sub3A_134 = vector.broadcast %mul3A_0 : i32 to vector<16xi32>
    %sub3A_135 = arith.subi %and3A_131, %sub3A_134 : vector<16xi32>
    %ge3A_136 = arith.constant 0 : i32
    %ge3A_137 = vector.broadcast %ge3A_136 : i32 to vector<16xi32>
    %ge3A_138 = arith.cmpi sge, %sub3A_135, %ge3A_137 : vector<16xi32>
    %lt3A_139 = arith.constant 5120 : i32
    %lt3A_140 = vector.broadcast %lt3A_139 : i32 to vector<16xi32>
    %lt3A_141 = arith.cmpi slt, %sub3A_135, %lt3A_140 : vector<16xi32>
    %and3A_142 = arith.andi %ge3A_138, %lt3A_141 : vector<16xi1>
    %jit3A_143 = arith.constant 5120 : i32
    %broadcast_in_dim3A_144 = vector.broadcast %jit3A_143 : i32 to vector<16xi32>
    %select_n3A_145 = arith.select %and3A_142, %sub3A_135, %broadcast_in_dim3A_144 : vector<16xi1>, vector<16xi32>
    %swap3A_146 = arith.constant 48 : index
    %swap3A_147 = tpu.vector_load %arg17[%swap3A_146] {strides = array<i32>} : memref<128xi32, #tpu.memory_space<vmem>>, vector<16xi32>,
    tpu.vector_store %arg17[%swap3A_146], %select_n3A_145 {strides = array<i32>} : memref<128xi32, #tpu.memory_space<vmem>>, vector<16xi32>,
    %gather3A_148 = tpu.vector_load_idx %arg8[%shift_right_logical3A_128] : memref<10240xf32, #tpu.memory_space<vmem>>[vector<16xi32>], vector<16xf32>,
    %gather3A_149 = tpu.vector_load_idx %arg9[%and3A_131] : memref<10240xf32, #tpu.memory_space<vmem>>[vector<16xi32>], vector<16xf32>,
    %add3A_150 = arith.addf %gather3A_148, %gather3A_149 : vector<16xf32>
    %mul3A_151 = arith.constant 2.000000e-01 : f32
    %mul3A_152 = vector.broadcast %mul3A_151 : f32 to vector<16xf32>
    %mul3A_153 = arith.mulf %mul3A_152, %add3A_150 : vector<16xf32>
    %max3A_154 = arith.maximumf %add3A_150, %mul3A_153 : vector<16xf32>
    %exp3A_155 = math.exp %max3A_154 : vector<16xf32>
    %swap3A_156 = arith.constant 48 : index
    %swap3A_157 = tpu.vector_load %arg13[%swap3A_156] {strides = array<i32>} : memref<128xf32, #tpu.memory_space<vmem>>, vector<16xf32>,
    tpu.vector_store %arg13[%swap3A_156], %exp3A_155 {strides = array<i32>} : memref<128xf32, #tpu.memory_space<vmem>>, vector<16xf32>,
    tpu.vector_store_idx %arg19[%select_n3A_145], %exp3A_155 {add = true} : memref<5248xf32, #tpu.memory_space<vmem>>[vector<16xi32>], vector<16xf32>,
    %get3A_158 = arith.constant 0 : i32
    %get3A_159 = arith.index_cast %get3A_158 : i32 to index
    %get3A_160 = arith.constant 64 : index
    %get3A_161 = tpu.vector_load %arg10[%get3A_159, %get3A_160] {strides = array<i32>} : memref<160x128xi32, #tpu.memory_space<vmem>>, vector<16xi32>,
    %shift_right_logical3A_162 = arith.constant 14 : i32
    %shift_right_logical3A_163 = vector.broadcast %shift_right_logical3A_162 : i32 to vector<16xi32>
    %shift_right_logical3A_164 = arith.shrui %get3A_161, %shift_right_logical3A_163 : vector<16xi32>
    %and3A_165 = arith.constant 16383 : i32
    %and3A_166 = vector.broadcast %and3A_165 : i32 to vector<16xi32>
    %and3A_167 = arith.andi %get3A_161, %and3A_166 : vector<16xi32>
    %swap3A_168 = arith.constant 64 : index
    %swap3A_169 = tpu.vector_load %arg15[%swap3A_168] {strides = array<i32>} : memref<128xi32, #tpu.memory_space<vmem>>, vector<16xi32>,
    tpu.vector_store %arg15[%swap3A_168], %shift_right_logical3A_164 {strides = array<i32>} : memref<128xi32, #tpu.memory_space<vmem>>, vector<16xi32>,
    %sub3A_170 = vector.broadcast %mul3A_0 : i32 to vector<16xi32>
    %sub3A_171 = arith.subi %and3A_167, %sub3A_170 : vector<16xi32>
    %ge3A_172 = arith.constant 0 : i32
    %ge3A_173 = vector.broadcast %ge3A_172 : i32 to vector<16xi32>
    %ge3A_174 = arith.cmpi sge, %sub3A_171, %ge3A_173 : vector<16xi32>
    %lt3A_175 = arith.constant 5120 : i32
    %lt3A_176 = vector.broadcast %lt3A_175 : i32 to vector<16xi32>
    %lt3A_177 = arith.cmpi slt, %sub3A_171, %lt3A_176 : vector<16xi32>
    %and3A_178 = arith.andi %ge3A_174, %lt3A_177 : vector<16xi1>
    %jit3A_179 = arith.constant 5120 : i32
    %broadcast_in_dim3A_180 = vector.broadcast %jit3A_179 : i32 to vector<16xi32>
    %select_n3A_181 = arith.select %and3A_178, %sub3A_171, %broadcast_in_dim3A_180 : vector<16xi1>, vector<16xi32>
    %swap3A_182 = arith.constant 64 : index
    %swap3A_183 = tpu.vector_load %arg17[%swap3A_182] {strides = array<i32>} : memref<128xi32, #tpu.memory_space<vmem>>, vector<16xi32>,
    tpu.vector_store %arg17[%swap3A_182], %select_n3A_181 {strides = array<i32>} : memref<128xi32, #tpu.memory_space<vmem>>, vector<16xi32>,
    %gather3A_184 = tpu.vector_load_idx %arg8[%shift_right_logical3A_164] : memref<10240xf32, #tpu.memory_space<vmem>>[vector<16xi32>], vector<16xf32>,
    %gather3A_185 = tpu.vector_load_idx %arg9[%and3A_167] : memref<10240xf32, #tpu.memory_space<vmem>>[vector<16xi32>], vector<16xf32>,
    %add3A_186 = arith.addf %gather3A_184, %gather3A_185 : vector<16xf32>
    %mul3A_187 = arith.constant 2.000000e-01 : f32
    %mul3A_188 = vector.broadcast %mul3A_187 : f32 to vector<16xf32>
    %mul3A_189 = arith.mulf %mul3A_188, %add3A_186 : vector<16xf32>
    %max3A_190 = arith.maximumf %add3A_186, %mul3A_189 : vector<16xf32>
    %exp3A_191 = math.exp %max3A_190 : vector<16xf32>
    %swap3A_192 = arith.constant 64 : index
    %swap3A_193 = tpu.vector_load %arg13[%swap3A_192] {strides = array<i32>} : memref<128xf32, #tpu.memory_space<vmem>>, vector<16xf32>,
    tpu.vector_store %arg13[%swap3A_192], %exp3A_191 {strides = array<i32>} : memref<128xf32, #tpu.memory_space<vmem>>, vector<16xf32>,
    tpu.vector_store_idx %arg19[%select_n3A_181], %exp3A_191 {add = true} : memref<5248xf32, #tpu.memory_space<vmem>>[vector<16xi32>], vector<16xf32>,
    %get3A_194 = arith.constant 0 : i32
    %get3A_195 = arith.index_cast %get3A_194 : i32 to index
    %get3A_196 = arith.constant 80 : index
    %get3A_197 = tpu.vector_load %arg10[%get3A_195, %get3A_196] {strides = array<i32>} : memref<160x128xi32, #tpu.memory_space<vmem>>, vector<16xi32>,
    %shift_right_logical3A_198 = arith.constant 14 : i32
    %shift_right_logical3A_199 = vector.broadcast %shift_right_logical3A_198 : i32 to vector<16xi32>
    %shift_right_logical3A_200 = arith.shrui %get3A_197, %shift_right_logical3A_199 : vector<16xi32>
    %and3A_201 = arith.constant 16383 : i32
    %and3A_202 = vector.broadcast %and3A_201 : i32 to vector<16xi32>
    %and3A_203 = arith.andi %get3A_197, %and3A_202 : vector<16xi32>
    %swap3A_204 = arith.constant 80 : index
    %swap3A_205 = tpu.vector_load %arg15[%swap3A_204] {strides = array<i32>} : memref<128xi32, #tpu.memory_space<vmem>>, vector<16xi32>,
    tpu.vector_store %arg15[%swap3A_204], %shift_right_logical3A_200 {strides = array<i32>} : memref<128xi32, #tpu.memory_space<vmem>>, vector<16xi32>,
    %sub3A_206 = vector.broadcast %mul3A_0 : i32 to vector<16xi32>
    %sub3A_207 = arith.subi %and3A_203, %sub3A_206 : vector<16xi32>
    %ge3A_208 = arith.constant 0 : i32
    %ge3A_209 = vector.broadcast %ge3A_208 : i32 to vector<16xi32>
    %ge3A_210 = arith.cmpi sge, %sub3A_207, %ge3A_209 : vector<16xi32>
    %lt3A_211 = arith.constant 5120 : i32
    %lt3A_212 = vector.broadcast %lt3A_211 : i32 to vector<16xi32>
    %lt3A_213 = arith.cmpi slt, %sub3A_207, %lt3A_212 : vector<16xi32>
    %and3A_214 = arith.andi %ge3A_210, %lt3A_213 : vector<16xi1>
    %jit3A_215 = arith.constant 5120 : i32
    %broadcast_in_dim3A_216 = vector.broadcast %jit3A_215 : i32 to vector<16xi32>
    %select_n3A_217 = arith.select %and3A_214, %sub3A_207, %broadcast_in_dim3A_216 : vector<16xi1>, vector<16xi32>
    %swap3A_218 = arith.constant 80 : index
    %swap3A_219 = tpu.vector_load %arg17[%swap3A_218] {strides = array<i32>} : memref<128xi32, #tpu.memory_space<vmem>>, vector<16xi32>,
    tpu.vector_store %arg17[%swap3A_218], %select_n3A_217 {strides = array<i32>} : memref<128xi32, #tpu.memory_space<vmem>>, vector<16xi32>,
    %gather3A_220 = tpu.vector_load_idx %arg8[%shift_right_logical3A_200] : memref<10240xf32, #tpu.memory_space<vmem>>[vector<16xi32>], vector<16xf32>,
    %gather3A_221 = tpu.vector_load_idx %arg9[%and3A_203] : memref<10240xf32, #tpu.memory_space<vmem>>[vector<16xi32>], vector<16xf32>,
    %add3A_222 = arith.addf %gather3A_220, %gather3A_221 : vector<16xf32>
    %mul3A_223 = arith.constant 2.000000e-01 : f32
    %mul3A_224 = vector.broadcast %mul3A_223 : f32 to vector<16xf32>
    %mul3A_225 = arith.mulf %mul3A_224, %add3A_222 : vector<16xf32>
    %max3A_226 = arith.maximumf %add3A_222, %mul3A_225 : vector<16xf32>
    %exp3A_227 = math.exp %max3A_226 : vector<16xf32>
    %swap3A_228 = arith.constant 80 : index
    %swap3A_229 = tpu.vector_load %arg13[%swap3A_228] {strides = array<i32>} : memref<128xf32, #tpu.memory_space<vmem>>, vector<16xf32>,
    tpu.vector_store %arg13[%swap3A_228], %exp3A_227 {strides = array<i32>} : memref<128xf32, #tpu.memory_space<vmem>>, vector<16xf32>,
    tpu.vector_store_idx %arg19[%select_n3A_217], %exp3A_227 {add = true} : memref<5248xf32, #tpu.memory_space<vmem>>[vector<16xi32>], vector<16xf32>,
    %get3A_230 = arith.constant 0 : i32
    %get3A_231 = arith.index_cast %get3A_230 : i32 to index
    %get3A_232 = arith.constant 96 : index
    %get3A_233 = tpu.vector_load %arg10[%get3A_231, %get3A_232] {strides = array<i32>} : memref<160x128xi32, #tpu.memory_space<vmem>>, vector<16xi32>,
    %shift_right_logical3A_234 = arith.constant 14 : i32
    %shift_right_logical3A_235 = vector.broadcast %shift_right_logical3A_234 : i32 to vector<16xi32>
    %shift_right_logical3A_236 = arith.shrui %get3A_233, %shift_right_logical3A_235 : vector<16xi32>
    %and3A_237 = arith.constant 16383 : i32
    %and3A_238 = vector.broadcast %and3A_237 : i32 to vector<16xi32>
    %and3A_239 = arith.andi %get3A_233, %and3A_238 : vector<16xi32>
    %swap3A_240 = arith.constant 96 : index
    %swap3A_241 = tpu.vector_load %arg15[%swap3A_240] {strides = array<i32>} : memref<128xi32, #tpu.memory_space<vmem>>, vector<16xi32>,
    tpu.vector_store %arg15[%swap3A_240], %shift_right_logical3A_236 {strides = array<i32>} : memref<128xi32, #tpu.memory_space<vmem>>, vector<16xi32>,
    %sub3A_242 = vector.broadcast %mul3A_0 : i32 to vector<16xi32>
    %sub3A_243 = arith.subi %and3A_239, %sub3A_242 : vector<16xi32>
    %ge3A_244 = arith.constant 0 : i32
    %ge3A_245 = vector.broadcast %ge3A_244 : i32 to vector<16xi32>
    %ge3A_246 = arith.cmpi sge, %sub3A_243, %ge3A_245 : vector<16xi32>
    %lt3A_247 = arith.constant 5120 : i32
    %lt3A_248 = vector.broadcast %lt3A_247 : i32 to vector<16xi32>
    %lt3A_249 = arith.cmpi slt, %sub3A_243, %lt3A_248 : vector<16xi32>
    %and3A_250 = arith.andi %ge3A_246, %lt3A_249 : vector<16xi1>
    %jit3A_251 = arith.constant 5120 : i32
    %broadcast_in_dim3A_252 = vector.broadcast %jit3A_251 : i32 to vector<16xi32>
    %select_n3A_253 = arith.select %and3A_250, %sub3A_243, %broadcast_in_dim3A_252 : vector<16xi1>, vector<16xi32>
    %swap3A_254 = arith.constant 96 : index
    %swap3A_255 = tpu.vector_load %arg17[%swap3A_254] {strides = array<i32>} : memref<128xi32, #tpu.memory_space<vmem>>, vector<16xi32>,
    tpu.vector_store %arg17[%swap3A_254], %select_n3A_253 {strides = array<i32>} : memref<128xi32, #tpu.memory_space<vmem>>, vector<16xi32>,
    %gather3A_256 = tpu.vector_load_idx %arg8[%shift_right_logical3A_236] : memref<10240xf32, #tpu.memory_space<vmem>>[vector<16xi32>], vector<16xf32>,
    %gather3A_257 = tpu.vector_load_idx %arg9[%and3A_239] : memref<10240xf32, #tpu.memory_space<vmem>>[vector<16xi32>], vector<16xf32>,
    %add3A_258 = arith.addf %gather3A_256, %gather3A_257 : vector<16xf32>
    %mul3A_259 = arith.constant 2.000000e-01 : f32
    %mul3A_260 = vector.broadcast %mul3A_259 : f32 to vector<16xf32>
    %mul3A_261 = arith.mulf %mul3A_260, %add3A_258 : vector<16xf32>
    %max3A_262 = arith.maximumf %add3A_258, %mul3A_261 : vector<16xf32>
    %exp3A_263 = math.exp %max3A_262 : vector<16xf32>
    %swap3A_264 = arith.constant 96 : index
    %swap3A_265 = tpu.vector_load %arg13[%swap3A_264] {strides = array<i32>} : memref<128xf32, #tpu.memory_space<vmem>>, vector<16xf32>,
    tpu.vector_store %arg13[%swap3A_264], %exp3A_263 {strides = array<i32>} : memref<128xf32, #tpu.memory_space<vmem>>, vector<16xf32>,
    tpu.vector_store_idx %arg19[%select_n3A_253], %exp3A_263 {add = true} : memref<5248xf32, #tpu.memory_space<vmem>>[vector<16xi32>], vector<16xf32>,
    %get3A_266 = arith.constant 0 : i32
    %get3A_267 = arith.index_cast %get3A_266 : i32 to index
    %get3A_268 = arith.constant 112 : index
    %get3A_269 = tpu.vector_load %arg10[%get3A_267, %get3A_268] {strides = array<i32>} : memref<160x128xi32, #tpu.memory_space<vmem>>, vector<16xi32>,
    %shift_right_logical3A_270 = arith.constant 14 : i32
    %shift_right_logical3A_271 = vector.broadcast %shift_right_logical3A_270 : i32 to vector<16xi32>
    %shift_right_logical3A_272 = arith.shrui %get3A_269, %shift_right_logical3A_271 : vector<16xi32>
    %and3A_273 = arith.constant 16383 : i32
    %and3A_274 = vector.broadcast %and3A_273 : i32 to vector<16xi32>
    %and3A_275 = arith.andi %get3A_269, %and3A_274 : vector<16xi32>
    %swap3A_276 = arith.constant 112 : index
    %swap3A_277 = tpu.vector_load %arg15[%swap3A_276] {strides = array<i32>} : memref<128xi32, #tpu.memory_space<vmem>>, vector<16xi32>,
    tpu.vector_store %arg15[%swap3A_276], %shift_right_logical3A_272 {strides = array<i32>} : memref<128xi32, #tpu.memory_space<vmem>>, vector<16xi32>,
    %sub3A_278 = vector.broadcast %mul3A_0 : i32 to vector<16xi32>
    %sub3A_279 = arith.subi %and3A_275, %sub3A_278 : vector<16xi32>
    %ge3A_280 = arith.constant 0 : i32
    %ge3A_281 = vector.broadcast %ge3A_280 : i32 to vector<16xi32>
    %ge3A_282 = arith.cmpi sge, %sub3A_279, %ge3A_281 : vector<16xi32>
    %lt3A_283 = arith.constant 5120 : i32
    %lt3A_284 = vector.broadcast %lt3A_283 : i32 to vector<16xi32>
    %lt3A_285 = arith.cmpi slt, %sub3A_279, %lt3A_284 : vector<16xi32>
    %and3A_286 = arith.andi %ge3A_282, %lt3A_285 : vector<16xi1>
    %jit3A_287 = arith.constant 5120 : i32
    %broadcast_in_dim3A_288 = vector.broadcast %jit3A_287 : i32 to vector<16xi32>
    %select_n3A_289 = arith.select %and3A_286, %sub3A_279, %broadcast_in_dim3A_288 : vector<16xi1>, vector<16xi32>
    %swap3A_290 = arith.constant 112 : index
    %swap3A_291 = tpu.vector_load %arg17[%swap3A_290] {strides = array<i32>} : memref<128xi32, #tpu.memory_space<vmem>>, vector<16xi32>,
    tpu.vector_store %arg17[%swap3A_290], %select_n3A_289 {strides = array<i32>} : memref<128xi32, #tpu.memory_space<vmem>>, vector<16xi32>,
    %gather3A_292 = tpu.vector_load_idx %arg8[%shift_right_logical3A_272] : memref<10240xf32, #tpu.memory_space<vmem>>[vector<16xi32>], vector<16xf32>,
    %gather3A_293 = tpu.vector_load_idx %arg9[%and3A_275] : memref<10240xf32, #tpu.memory_space<vmem>>[vector<16xi32>], vector<16xf32>,
    %add3A_294 = arith.addf %gather3A_292, %gather3A_293 : vector<16xf32>
    %mul3A_295 = arith.constant 2.000000e-01 : f32
    %mul3A_296 = vector.broadcast %mul3A_295 : f32 to vector<16xf32>
    %mul3A_297 = arith.mulf %mul3A_296, %add3A_294 : vector<16xf32>
    %max3A_298 = arith.maximumf %add3A_294, %mul3A_297 : vector<16xf32>
    %exp3A_299 = math.exp %max3A_298 : vector<16xf32>
    %swap3A_300 = arith.constant 112 : index
    %swap3A_301 = tpu.vector_load %arg13[%swap3A_300] {strides = array<i32>} : memref<128xf32, #tpu.memory_space<vmem>>, vector<16xf32>,
    tpu.vector_store %arg13[%swap3A_300], %exp3A_299 {strides = array<i32>} : memref<128xf32, #tpu.memory_space<vmem>>, vector<16xf32>,
    tpu.vector_store_idx %arg19[%select_n3A_289], %exp3A_299 {add = true} : memref<5248xf32, #tpu.memory_space<vmem>>[vector<16xi32>], vector<16xf32>,
    %dma_start3A = arith.constant 0 : i32
    %dma_start3A_302 = arith.constant 0 : i32
    %dma_start3A_303 = tpu.memref_slice %arg2[%dma_start3A, %dma_start3A_302] : memref<10240x128xf32, #tpu.memory_space<hbm>> -> memref<10240x128xf32, #tpu.memory_space<hbm>>
    tpu.enqueue_indirect_dma source(%dma_start3A_303 : memref<10240x128xf32, #tpu.memory_space<hbm>>) target(%arg11 : memref<128x128xf32, #tpu.memory_space<vmem>>) offsets(%arg15 : memref<128xi32, #tpu.memory_space<vmem>>) semaphore(%arg21 : memref<!tpu.dma_semaphore, #tpu.memory_space<semaphore_mem>>)
    %scan3A_304 = arith.constant 0 : i32
    %scan3A_305 = arith.constant 0 : i32
    %scan3A_306 = arith.constant 80 : i32
    %scan3A_307 = arith.addi %scan3A_305, %scan3A_306 : i32
    %scan3A_308 = arith.constant 1 : i32
    scf.for %scan3A_324 = %scan3A_305 to %scan3A_307 step %scan3A_308  : i32 {
      %mul3A_325 = arith.constant 2 : i32
      %mul3A_326 = arith.muli %mul3A_325, %scan3A_324 : i32
      %add3A_327 = arith.constant 1 : i32
      %add3A_328 = arith.addi %mul3A_326, %add3A_327 : i32
      %add3A_329 = arith.constant 0 : i32
      %add3A_330 = arith.addi %add3A_328, %add3A_329 : i32
      %mul3A_331 = arith.constant 2 : i32
      %mul3A_332 = arith.muli %mul3A_331, %scan3A_324 : i32
      %add3A_333 = arith.constant 0 : i32
      %add3A_334 = arith.addi %mul3A_332, %add3A_333 : i32
      %lt3A_335 = arith.constant 160 : i32
      %lt3A_336 = arith.cmpi slt, %add3A_330, %lt3A_335 : i32
      %convert_element_type3A = arith.extui %lt3A_336 : i1 to i32
      %cond3A = arith.constant 0 : i32
      %cond3A_337 = arith.cmpi ne, %convert_element_type3A, %cond3A : i32
      scf.if %cond3A_337 {
        %ge3A_377 = arith.constant 2 : i32
        %ge3A_378 = arith.cmpi sge, %add3A_330, %ge3A_377 : i32
        %convert_element_type3A_379 = arith.extui %ge3A_378 : i1 to i32
        %cond3A_380 = arith.constant 0 : i32
        %cond3A_381 = arith.cmpi ne, %convert_element_type3A_379, %cond3A_380 : i32
        scf.if %cond3A_381 {
          %dma_wait3A_665 = arith.constant 0 : i32
          %dma_wait3A_666 = arith.constant 0 : i32
          %dma_wait3A_667 = tpu.memref_slice %arg20[%dma_wait3A_665, %dma_wait3A_666] : memref<5248x128xf32, #tpu.memory_space<vmem_shared>> -> memref<5248x128xf32, #tpu.memory_space<vmem_shared>>
          tpu.wait_indirect_dma semaphore(%arg24 : memref<!tpu.dma_semaphore, #tpu.memory_space<semaphore_mem>>) src(%arg12 : memref<128x128xf32, #tpu.memory_space<vmem>>) dst(%dma_wait3A_667 : memref<5248x128xf32, #tpu.memory_space<vmem_shared>>)
        } else {
        }
        %get3A_382 = arith.index_cast %add3A_330 : i32 to index
        %get3A_383 = arith.constant 0 : index
        %get3A_384 = tpu.vector_load %arg10[%get3A_382, %get3A_383] {strides = array<i32>} : memref<160x128xi32, #tpu.memory_space<vmem>>, vector<16xi32>,
        %shift_right_logical3A_385 = arith.constant 14 : i32
        %shift_right_logical3A_386 = vector.broadcast %shift_right_logical3A_385 : i32 to vector<16xi32>
        %shift_right_logical3A_387 = arith.shrui %get3A_384, %shift_right_logical3A_386 : vector<16xi32>
        %and3A_388 = arith.constant 16383 : i32
        %and3A_389 = vector.broadcast %and3A_388 : i32 to vector<16xi32>
        %and3A_390 = arith.andi %get3A_384, %and3A_389 : vector<16xi32>
        %swap3A_391 = arith.constant 0 : index
        %swap3A_392 = tpu.vector_load %arg16[%swap3A_391] {strides = array<i32>} : memref<128xi32, #tpu.memory_space<vmem>>, vector<16xi32>,
        tpu.vector_store %arg16[%swap3A_391], %shift_right_logical3A_387 {strides = array<i32>} : memref<128xi32, #tpu.memory_space<vmem>>, vector<16xi32>,
        %sub3A_393 = vector.broadcast %mul3A_0 : i32 to vector<16xi32>
        %sub3A_394 = arith.subi %and3A_390, %sub3A_393 : vector<16xi32>
        %ge3A_395 = arith.constant 0 : i32
        %ge3A_396 = vector.broadcast %ge3A_395 : i32 to vector<16xi32>
        %ge3A_397 = arith.cmpi sge, %sub3A_394, %ge3A_396 : vector<16xi32>
        %lt3A_398 = arith.constant 5120 : i32
        %lt3A_399 = vector.broadcast %lt3A_398 : i32 to vector<16xi32>
        %lt3A_400 = arith.cmpi slt, %sub3A_394, %lt3A_399 : vector<16xi32>
        %and3A_401 = arith.andi %ge3A_397, %lt3A_400 : vector<16xi1>
        %jit3A_402 = arith.constant 5120 : i32
        %broadcast_in_dim3A_403 = vector.broadcast %jit3A_402 : i32 to vector<16xi32>
        %select_n3A_404 = arith.select %and3A_401, %sub3A_394, %broadcast_in_dim3A_403 : vector<16xi1>, vector<16xi32>
        %swap3A_405 = arith.constant 0 : index
        %swap3A_406 = tpu.vector_load %arg18[%swap3A_405] {strides = array<i32>} : memref<128xi32, #tpu.memory_space<vmem>>, vector<16xi32>,
        tpu.vector_store %arg18[%swap3A_405], %select_n3A_404 {strides = array<i32>} : memref<128xi32, #tpu.memory_space<vmem>>, vector<16xi32>,
        %gather3A_407 = tpu.vector_load_idx %arg8[%shift_right_logical3A_387] : memref<10240xf32, #tpu.memory_space<vmem>>[vector<16xi32>], vector<16xf32>,
        %gather3A_408 = tpu.vector_load_idx %arg9[%and3A_390] : memref<10240xf32, #tpu.memory_space<vmem>>[vector<16xi32>], vector<16xf32>,
        %add3A_409 = arith.addf %gather3A_407, %gather3A_408 : vector<16xf32>
        %mul3A_410 = arith.constant 2.000000e-01 : f32
        %mul3A_411 = vector.broadcast %mul3A_410 : f32 to vector<16xf32>
        %mul3A_412 = arith.mulf %mul3A_411, %add3A_409 : vector<16xf32>
        %max3A_413 = arith.maximumf %add3A_409, %mul3A_412 : vector<16xf32>
        %exp3A_414 = math.exp %max3A_413 : vector<16xf32>
        %swap3A_415 = arith.constant 0 : index
        %swap3A_416 = tpu.vector_load %arg14[%swap3A_415] {strides = array<i32>} : memref<128xf32, #tpu.memory_space<vmem>>, vector<16xf32>,
        tpu.vector_store %arg14[%swap3A_415], %exp3A_414 {strides = array<i32>} : memref<128xf32, #tpu.memory_space<vmem>>, vector<16xf32>,
        tpu.vector_store_idx %arg19[%select_n3A_404], %exp3A_414 {add = true} : memref<5248xf32, #tpu.memory_space<vmem>>[vector<16xi32>], vector<16xf32>,
        %get3A_417 = arith.index_cast %add3A_330 : i32 to index
        %get3A_418 = arith.constant 16 : index
        %get3A_419 = tpu.vector_load %arg10[%get3A_417, %get3A_418] {strides = array<i32>} : memref<160x128xi32, #tpu.memory_space<vmem>>, vector<16xi32>,
        %shift_right_logical3A_420 = arith.constant 14 : i32
        %shift_right_logical3A_421 = vector.broadcast %shift_right_logical3A_420 : i32 to vector<16xi32>
        %shift_right_logical3A_422 = arith.shrui %get3A_419, %shift_right_logical3A_421 : vector<16xi32>
        %and3A_423 = arith.constant 16383 : i32
        %and3A_424 = vector.broadcast %and3A_423 : i32 to vector<16xi32>
        %and3A_425 = arith.andi %get3A_419, %and3A_424 : vector<16xi32>
        %swap3A_426 = arith.constant 16 : index
        %swap3A_427 = tpu.vector_load %arg16[%swap3A_426] {strides = array<i32>} : memref<128xi32, #tpu.memory_space<vmem>>, vector<16xi32>,
        tpu.vector_store %arg16[%swap3A_426], %shift_right_logical3A_422 {strides = array<i32>} : memref<128xi32, #tpu.memory_space<vmem>>, vector<16xi32>,
        %sub3A_428 = vector.broadcast %mul3A_0 : i32 to vector<16xi32>
        %sub3A_429 = arith.subi %and3A_425, %sub3A_428 : vector<16xi32>
        %ge3A_430 = arith.constant 0 : i32
        %ge3A_431 = vector.broadcast %ge3A_430 : i32 to vector<16xi32>
        %ge3A_432 = arith.cmpi sge, %sub3A_429, %ge3A_431 : vector<16xi32>
        %lt3A_433 = arith.constant 5120 : i32
        %lt3A_434 = vector.broadcast %lt3A_433 : i32 to vector<16xi32>
        %lt3A_435 = arith.cmpi slt, %sub3A_429, %lt3A_434 : vector<16xi32>
        %and3A_436 = arith.andi %ge3A_432, %lt3A_435 : vector<16xi1>
        %jit3A_437 = arith.constant 5120 : i32
        %broadcast_in_dim3A_438 = vector.broadcast %jit3A_437 : i32 to vector<16xi32>
        %select_n3A_439 = arith.select %and3A_436, %sub3A_429, %broadcast_in_dim3A_438 : vector<16xi1>, vector<16xi32>
        %swap3A_440 = arith.constant 16 : index
        %swap3A_441 = tpu.vector_load %arg18[%swap3A_440] {strides = array<i32>} : memref<128xi32, #tpu.memory_space<vmem>>, vector<16xi32>,
        tpu.vector_store %arg18[%swap3A_440], %select_n3A_439 {strides = array<i32>} : memref<128xi32, #tpu.memory_space<vmem>>, vector<16xi32>,
        %gather3A_442 = tpu.vector_load_idx %arg8[%shift_right_logical3A_422] : memref<10240xf32, #tpu.memory_space<vmem>>[vector<16xi32>], vector<16xf32>,
        %gather3A_443 = tpu.vector_load_idx %arg9[%and3A_425] : memref<10240xf32, #tpu.memory_space<vmem>>[vector<16xi32>], vector<16xf32>,
        %add3A_444 = arith.addf %gather3A_442, %gather3A_443 : vector<16xf32>
        %mul3A_445 = arith.constant 2.000000e-01 : f32
        %mul3A_446 = vector.broadcast %mul3A_445 : f32 to vector<16xf32>
        %mul3A_447 = arith.mulf %mul3A_446, %add3A_444 : vector<16xf32>
        %max3A_448 = arith.maximumf %add3A_444, %mul3A_447 : vector<16xf32>
        %exp3A_449 = math.exp %max3A_448 : vector<16xf32>
        %swap3A_450 = arith.constant 16 : index
        %swap3A_451 = tpu.vector_load %arg14[%swap3A_450] {strides = array<i32>} : memref<128xf32, #tpu.memory_space<vmem>>, vector<16xf32>,
        tpu.vector_store %arg14[%swap3A_450], %exp3A_449 {strides = array<i32>} : memref<128xf32, #tpu.memory_space<vmem>>, vector<16xf32>,
        tpu.vector_store_idx %arg19[%select_n3A_439], %exp3A_449 {add = true} : memref<5248xf32, #tpu.memory_space<vmem>>[vector<16xi32>], vector<16xf32>,
        %get3A_452 = arith.index_cast %add3A_330 : i32 to index
        %get3A_453 = arith.constant 32 : index
        %get3A_454 = tpu.vector_load %arg10[%get3A_452, %get3A_453] {strides = array<i32>} : memref<160x128xi32, #tpu.memory_space<vmem>>, vector<16xi32>,
        %shift_right_logical3A_455 = arith.constant 14 : i32
        %shift_right_logical3A_456 = vector.broadcast %shift_right_logical3A_455 : i32 to vector<16xi32>
        %shift_right_logical3A_457 = arith.shrui %get3A_454, %shift_right_logical3A_456 : vector<16xi32>
        %and3A_458 = arith.constant 16383 : i32
        %and3A_459 = vector.broadcast %and3A_458 : i32 to vector<16xi32>
        %and3A_460 = arith.andi %get3A_454, %and3A_459 : vector<16xi32>
        %swap3A_461 = arith.constant 32 : index
        %swap3A_462 = tpu.vector_load %arg16[%swap3A_461] {strides = array<i32>} : memref<128xi32, #tpu.memory_space<vmem>>, vector<16xi32>,
        tpu.vector_store %arg16[%swap3A_461], %shift_right_logical3A_457 {strides = array<i32>} : memref<128xi32, #tpu.memory_space<vmem>>, vector<16xi32>,
        %sub3A_463 = vector.broadcast %mul3A_0 : i32 to vector<16xi32>
        %sub3A_464 = arith.subi %and3A_460, %sub3A_463 : vector<16xi32>
        %ge3A_465 = arith.constant 0 : i32
        %ge3A_466 = vector.broadcast %ge3A_465 : i32 to vector<16xi32>
        %ge3A_467 = arith.cmpi sge, %sub3A_464, %ge3A_466 : vector<16xi32>
        %lt3A_468 = arith.constant 5120 : i32
        %lt3A_469 = vector.broadcast %lt3A_468 : i32 to vector<16xi32>
        %lt3A_470 = arith.cmpi slt, %sub3A_464, %lt3A_469 : vector<16xi32>
        %and3A_471 = arith.andi %ge3A_467, %lt3A_470 : vector<16xi1>
        %jit3A_472 = arith.constant 5120 : i32
        %broadcast_in_dim3A_473 = vector.broadcast %jit3A_472 : i32 to vector<16xi32>
        %select_n3A_474 = arith.select %and3A_471, %sub3A_464, %broadcast_in_dim3A_473 : vector<16xi1>, vector<16xi32>
        %swap3A_475 = arith.constant 32 : index
        %swap3A_476 = tpu.vector_load %arg18[%swap3A_475] {strides = array<i32>} : memref<128xi32, #tpu.memory_space<vmem>>, vector<16xi32>,
        tpu.vector_store %arg18[%swap3A_475], %select_n3A_474 {strides = array<i32>} : memref<128xi32, #tpu.memory_space<vmem>>, vector<16xi32>,
        %gather3A_477 = tpu.vector_load_idx %arg8[%shift_right_logical3A_457] : memref<10240xf32, #tpu.memory_space<vmem>>[vector<16xi32>], vector<16xf32>,
        %gather3A_478 = tpu.vector_load_idx %arg9[%and3A_460] : memref<10240xf32, #tpu.memory_space<vmem>>[vector<16xi32>], vector<16xf32>,
        %add3A_479 = arith.addf %gather3A_477, %gather3A_478 : vector<16xf32>
        %mul3A_480 = arith.constant 2.000000e-01 : f32
        %mul3A_481 = vector.broadcast %mul3A_480 : f32 to vector<16xf32>
        %mul3A_482 = arith.mulf %mul3A_481, %add3A_479 : vector<16xf32>
        %max3A_483 = arith.maximumf %add3A_479, %mul3A_482 : vector<16xf32>
        %exp3A_484 = math.exp %max3A_483 : vector<16xf32>
        %swap3A_485 = arith.constant 32 : index
        %swap3A_486 = tpu.vector_load %arg14[%swap3A_485] {strides = array<i32>} : memref<128xf32, #tpu.memory_space<vmem>>, vector<16xf32>,
        tpu.vector_store %arg14[%swap3A_485], %exp3A_484 {strides = array<i32>} : memref<128xf32, #tpu.memory_space<vmem>>, vector<16xf32>,
        tpu.vector_store_idx %arg19[%select_n3A_474], %exp3A_484 {add = true} : memref<5248xf32, #tpu.memory_space<vmem>>[vector<16xi32>], vector<16xf32>,
        %get3A_487 = arith.index_cast %add3A_330 : i32 to index
        %get3A_488 = arith.constant 48 : index
        %get3A_489 = tpu.vector_load %arg10[%get3A_487, %get3A_488] {strides = array<i32>} : memref<160x128xi32, #tpu.memory_space<vmem>>, vector<16xi32>,
        %shift_right_logical3A_490 = arith.constant 14 : i32
        %shift_right_logical3A_491 = vector.broadcast %shift_right_logical3A_490 : i32 to vector<16xi32>
        %shift_right_logical3A_492 = arith.shrui %get3A_489, %shift_right_logical3A_491 : vector<16xi32>
        %and3A_493 = arith.constant 16383 : i32
        %and3A_494 = vector.broadcast %and3A_493 : i32 to vector<16xi32>
        %and3A_495 = arith.andi %get3A_489, %and3A_494 : vector<16xi32>
        %swap3A_496 = arith.constant 48 : index
        %swap3A_497 = tpu.vector_load %arg16[%swap3A_496] {strides = array<i32>} : memref<128xi32, #tpu.memory_space<vmem>>, vector<16xi32>,
        tpu.vector_store %arg16[%swap3A_496], %shift_right_logical3A_492 {strides = array<i32>} : memref<128xi32, #tpu.memory_space<vmem>>, vector<16xi32>,
        %sub3A_498 = vector.broadcast %mul3A_0 : i32 to vector<16xi32>
        %sub3A_499 = arith.subi %and3A_495, %sub3A_498 : vector<16xi32>
        %ge3A_500 = arith.constant 0 : i32
        %ge3A_501 = vector.broadcast %ge3A_500 : i32 to vector<16xi32>
        %ge3A_502 = arith.cmpi sge, %sub3A_499, %ge3A_501 : vector<16xi32>
        %lt3A_503 = arith.constant 5120 : i32
        %lt3A_504 = vector.broadcast %lt3A_503 : i32 to vector<16xi32>
        %lt3A_505 = arith.cmpi slt, %sub3A_499, %lt3A_504 : vector<16xi32>
        %and3A_506 = arith.andi %ge3A_502, %lt3A_505 : vector<16xi1>
        %jit3A_507 = arith.constant 5120 : i32
        %broadcast_in_dim3A_508 = vector.broadcast %jit3A_507 : i32 to vector<16xi32>
        %select_n3A_509 = arith.select %and3A_506, %sub3A_499, %broadcast_in_dim3A_508 : vector<16xi1>, vector<16xi32>
        %swap3A_510 = arith.constant 48 : index
        %swap3A_511 = tpu.vector_load %arg18[%swap3A_510] {strides = array<i32>} : memref<128xi32, #tpu.memory_space<vmem>>, vector<16xi32>,
        tpu.vector_store %arg18[%swap3A_510], %select_n3A_509 {strides = array<i32>} : memref<128xi32, #tpu.memory_space<vmem>>, vector<16xi32>,
        %gather3A_512 = tpu.vector_load_idx %arg8[%shift_right_logical3A_492] : memref<10240xf32, #tpu.memory_space<vmem>>[vector<16xi32>], vector<16xf32>,
        %gather3A_513 = tpu.vector_load_idx %arg9[%and3A_495] : memref<10240xf32, #tpu.memory_space<vmem>>[vector<16xi32>], vector<16xf32>,
        %add3A_514 = arith.addf %gather3A_512, %gather3A_513 : vector<16xf32>
        %mul3A_515 = arith.constant 2.000000e-01 : f32
        %mul3A_516 = vector.broadcast %mul3A_515 : f32 to vector<16xf32>
        %mul3A_517 = arith.mulf %mul3A_516, %add3A_514 : vector<16xf32>
        %max3A_518 = arith.maximumf %add3A_514, %mul3A_517 : vector<16xf32>
        %exp3A_519 = math.exp %max3A_518 : vector<16xf32>
        %swap3A_520 = arith.constant 48 : index
        %swap3A_521 = tpu.vector_load %arg14[%swap3A_520] {strides = array<i32>} : memref<128xf32, #tpu.memory_space<vmem>>, vector<16xf32>,
        tpu.vector_store %arg14[%swap3A_520], %exp3A_519 {strides = array<i32>} : memref<128xf32, #tpu.memory_space<vmem>>, vector<16xf32>,
        tpu.vector_store_idx %arg19[%select_n3A_509], %exp3A_519 {add = true} : memref<5248xf32, #tpu.memory_space<vmem>>[vector<16xi32>], vector<16xf32>,
        %get3A_522 = arith.index_cast %add3A_330 : i32 to index
        %get3A_523 = arith.constant 64 : index
        %get3A_524 = tpu.vector_load %arg10[%get3A_522, %get3A_523] {strides = array<i32>} : memref<160x128xi32, #tpu.memory_space<vmem>>, vector<16xi32>,
        %shift_right_logical3A_525 = arith.constant 14 : i32
        %shift_right_logical3A_526 = vector.broadcast %shift_right_logical3A_525 : i32 to vector<16xi32>
        %shift_right_logical3A_527 = arith.shrui %get3A_524, %shift_right_logical3A_526 : vector<16xi32>
        %and3A_528 = arith.constant 16383 : i32
        %and3A_529 = vector.broadcast %and3A_528 : i32 to vector<16xi32>
        %and3A_530 = arith.andi %get3A_524, %and3A_529 : vector<16xi32>
        %swap3A_531 = arith.constant 64 : index
        %swap3A_532 = tpu.vector_load %arg16[%swap3A_531] {strides = array<i32>} : memref<128xi32, #tpu.memory_space<vmem>>, vector<16xi32>,
        tpu.vector_store %arg16[%swap3A_531], %shift_right_logical3A_527 {strides = array<i32>} : memref<128xi32, #tpu.memory_space<vmem>>, vector<16xi32>,
        %sub3A_533 = vector.broadcast %mul3A_0 : i32 to vector<16xi32>
        %sub3A_534 = arith.subi %and3A_530, %sub3A_533 : vector<16xi32>
        %ge3A_535 = arith.constant 0 : i32
        %ge3A_536 = vector.broadcast %ge3A_535 : i32 to vector<16xi32>
        %ge3A_537 = arith.cmpi sge, %sub3A_534, %ge3A_536 : vector<16xi32>
        %lt3A_538 = arith.constant 5120 : i32
        %lt3A_539 = vector.broadcast %lt3A_538 : i32 to vector<16xi32>
        %lt3A_540 = arith.cmpi slt, %sub3A_534, %lt3A_539 : vector<16xi32>
        %and3A_541 = arith.andi %ge3A_537, %lt3A_540 : vector<16xi1>
        %jit3A_542 = arith.constant 5120 : i32
        %broadcast_in_dim3A_543 = vector.broadcast %jit3A_542 : i32 to vector<16xi32>
        %select_n3A_544 = arith.select %and3A_541, %sub3A_534, %broadcast_in_dim3A_543 : vector<16xi1>, vector<16xi32>
        %swap3A_545 = arith.constant 64 : index
        %swap3A_546 = tpu.vector_load %arg18[%swap3A_545] {strides = array<i32>} : memref<128xi32, #tpu.memory_space<vmem>>, vector<16xi32>,
        tpu.vector_store %arg18[%swap3A_545], %select_n3A_544 {strides = array<i32>} : memref<128xi32, #tpu.memory_space<vmem>>, vector<16xi32>,
        %gather3A_547 = tpu.vector_load_idx %arg8[%shift_right_logical3A_527] : memref<10240xf32, #tpu.memory_space<vmem>>[vector<16xi32>], vector<16xf32>,
        %gather3A_548 = tpu.vector_load_idx %arg9[%and3A_530] : memref<10240xf32, #tpu.memory_space<vmem>>[vector<16xi32>], vector<16xf32>,
        %add3A_549 = arith.addf %gather3A_547, %gather3A_548 : vector<16xf32>
        %mul3A_550 = arith.constant 2.000000e-01 : f32
        %mul3A_551 = vector.broadcast %mul3A_550 : f32 to vector<16xf32>
        %mul3A_552 = arith.mulf %mul3A_551, %add3A_549 : vector<16xf32>
        %max3A_553 = arith.maximumf %add3A_549, %mul3A_552 : vector<16xf32>
        %exp3A_554 = math.exp %max3A_553 : vector<16xf32>
        %swap3A_555 = arith.constant 64 : index
        %swap3A_556 = tpu.vector_load %arg14[%swap3A_555] {strides = array<i32>} : memref<128xf32, #tpu.memory_space<vmem>>, vector<16xf32>,
        tpu.vector_store %arg14[%swap3A_555], %exp3A_554 {strides = array<i32>} : memref<128xf32, #tpu.memory_space<vmem>>, vector<16xf32>,
        tpu.vector_store_idx %arg19[%select_n3A_544], %exp3A_554 {add = true} : memref<5248xf32, #tpu.memory_space<vmem>>[vector<16xi32>], vector<16xf32>,
        %get3A_557 = arith.index_cast %add3A_330 : i32 to index
        %get3A_558 = arith.constant 80 : index
        %get3A_559 = tpu.vector_load %arg10[%get3A_557, %get3A_558] {strides = array<i32>} : memref<160x128xi32, #tpu.memory_space<vmem>>, vector<16xi32>,
        %shift_right_logical3A_560 = arith.constant 14 : i32
        %shift_right_logical3A_561 = vector.broadcast %shift_right_logical3A_560 : i32 to vector<16xi32>
        %shift_right_logical3A_562 = arith.shrui %get3A_559, %shift_right_logical3A_561 : vector<16xi32>
        %and3A_563 = arith.constant 16383 : i32
        %and3A_564 = vector.broadcast %and3A_563 : i32 to vector<16xi32>
        %and3A_565 = arith.andi %get3A_559, %and3A_564 : vector<16xi32>
        %swap3A_566 = arith.constant 80 : index
        %swap3A_567 = tpu.vector_load %arg16[%swap3A_566] {strides = array<i32>} : memref<128xi32, #tpu.memory_space<vmem>>, vector<16xi32>,
        tpu.vector_store %arg16[%swap3A_566], %shift_right_logical3A_562 {strides = array<i32>} : memref<128xi32, #tpu.memory_space<vmem>>, vector<16xi32>,
        %sub3A_568 = vector.broadcast %mul3A_0 : i32 to vector<16xi32>
        %sub3A_569 = arith.subi %and3A_565, %sub3A_568 : vector<16xi32>
        %ge3A_570 = arith.constant 0 : i32
        %ge3A_571 = vector.broadcast %ge3A_570 : i32 to vector<16xi32>
        %ge3A_572 = arith.cmpi sge, %sub3A_569, %ge3A_571 : vector<16xi32>
        %lt3A_573 = arith.constant 5120 : i32
        %lt3A_574 = vector.broadcast %lt3A_573 : i32 to vector<16xi32>
        %lt3A_575 = arith.cmpi slt, %sub3A_569, %lt3A_574 : vector<16xi32>
        %and3A_576 = arith.andi %ge3A_572, %lt3A_575 : vector<16xi1>
        %jit3A_577 = arith.constant 5120 : i32
        %broadcast_in_dim3A_578 = vector.broadcast %jit3A_577 : i32 to vector<16xi32>
        %select_n3A_579 = arith.select %and3A_576, %sub3A_569, %broadcast_in_dim3A_578 : vector<16xi1>, vector<16xi32>
        %swap3A_580 = arith.constant 80 : index
        %swap3A_581 = tpu.vector_load %arg18[%swap3A_580] {strides = array<i32>} : memref<128xi32, #tpu.memory_space<vmem>>, vector<16xi32>,
        tpu.vector_store %arg18[%swap3A_580], %select_n3A_579 {strides = array<i32>} : memref<128xi32, #tpu.memory_space<vmem>>, vector<16xi32>,
        %gather3A_582 = tpu.vector_load_idx %arg8[%shift_right_logical3A_562] : memref<10240xf32, #tpu.memory_space<vmem>>[vector<16xi32>], vector<16xf32>,
        %gather3A_583 = tpu.vector_load_idx %arg9[%and3A_565] : memref<10240xf32, #tpu.memory_space<vmem>>[vector<16xi32>], vector<16xf32>,
        %add3A_584 = arith.addf %gather3A_582, %gather3A_583 : vector<16xf32>
        %mul3A_585 = arith.constant 2.000000e-01 : f32
        %mul3A_586 = vector.broadcast %mul3A_585 : f32 to vector<16xf32>
        %mul3A_587 = arith.mulf %mul3A_586, %add3A_584 : vector<16xf32>
        %max3A_588 = arith.maximumf %add3A_584, %mul3A_587 : vector<16xf32>
        %exp3A_589 = math.exp %max3A_588 : vector<16xf32>
        %swap3A_590 = arith.constant 80 : index
        %swap3A_591 = tpu.vector_load %arg14[%swap3A_590] {strides = array<i32>} : memref<128xf32, #tpu.memory_space<vmem>>, vector<16xf32>,
        tpu.vector_store %arg14[%swap3A_590], %exp3A_589 {strides = array<i32>} : memref<128xf32, #tpu.memory_space<vmem>>, vector<16xf32>,
        tpu.vector_store_idx %arg19[%select_n3A_579], %exp3A_589 {add = true} : memref<5248xf32, #tpu.memory_space<vmem>>[vector<16xi32>], vector<16xf32>,
        %get3A_592 = arith.index_cast %add3A_330 : i32 to index
        %get3A_593 = arith.constant 96 : index
        %get3A_594 = tpu.vector_load %arg10[%get3A_592, %get3A_593] {strides = array<i32>} : memref<160x128xi32, #tpu.memory_space<vmem>>, vector<16xi32>,
        %shift_right_logical3A_595 = arith.constant 14 : i32
        %shift_right_logical3A_596 = vector.broadcast %shift_right_logical3A_595 : i32 to vector<16xi32>
        %shift_right_logical3A_597 = arith.shrui %get3A_594, %shift_right_logical3A_596 : vector<16xi32>
        %and3A_598 = arith.constant 16383 : i32
        %and3A_599 = vector.broadcast %and3A_598 : i32 to vector<16xi32>
        %and3A_600 = arith.andi %get3A_594, %and3A_599 : vector<16xi32>
        %swap3A_601 = arith.constant 96 : index
        %swap3A_602 = tpu.vector_load %arg16[%swap3A_601] {strides = array<i32>} : memref<128xi32, #tpu.memory_space<vmem>>, vector<16xi32>,
        tpu.vector_store %arg16[%swap3A_601], %shift_right_logical3A_597 {strides = array<i32>} : memref<128xi32, #tpu.memory_space<vmem>>, vector<16xi32>,
        %sub3A_603 = vector.broadcast %mul3A_0 : i32 to vector<16xi32>
        %sub3A_604 = arith.subi %and3A_600, %sub3A_603 : vector<16xi32>
        %ge3A_605 = arith.constant 0 : i32
        %ge3A_606 = vector.broadcast %ge3A_605 : i32 to vector<16xi32>
        %ge3A_607 = arith.cmpi sge, %sub3A_604, %ge3A_606 : vector<16xi32>
        %lt3A_608 = arith.constant 5120 : i32
        %lt3A_609 = vector.broadcast %lt3A_608 : i32 to vector<16xi32>
        %lt3A_610 = arith.cmpi slt, %sub3A_604, %lt3A_609 : vector<16xi32>
        %and3A_611 = arith.andi %ge3A_607, %lt3A_610 : vector<16xi1>
        %jit3A_612 = arith.constant 5120 : i32
        %broadcast_in_dim3A_613 = vector.broadcast %jit3A_612 : i32 to vector<16xi32>
        %select_n3A_614 = arith.select %and3A_611, %sub3A_604, %broadcast_in_dim3A_613 : vector<16xi1>, vector<16xi32>
        %swap3A_615 = arith.constant 96 : index
        %swap3A_616 = tpu.vector_load %arg18[%swap3A_615] {strides = array<i32>} : memref<128xi32, #tpu.memory_space<vmem>>, vector<16xi32>,
        tpu.vector_store %arg18[%swap3A_615], %select_n3A_614 {strides = array<i32>} : memref<128xi32, #tpu.memory_space<vmem>>, vector<16xi32>,
        %gather3A_617 = tpu.vector_load_idx %arg8[%shift_right_logical3A_597] : memref<10240xf32, #tpu.memory_space<vmem>>[vector<16xi32>], vector<16xf32>,
        %gather3A_618 = tpu.vector_load_idx %arg9[%and3A_600] : memref<10240xf32, #tpu.memory_space<vmem>>[vector<16xi32>], vector<16xf32>,
        %add3A_619 = arith.addf %gather3A_617, %gather3A_618 : vector<16xf32>
        %mul3A_620 = arith.constant 2.000000e-01 : f32
        %mul3A_621 = vector.broadcast %mul3A_620 : f32 to vector<16xf32>
        %mul3A_622 = arith.mulf %mul3A_621, %add3A_619 : vector<16xf32>
        %max3A_623 = arith.maximumf %add3A_619, %mul3A_622 : vector<16xf32>
        %exp3A_624 = math.exp %max3A_623 : vector<16xf32>
        %swap3A_625 = arith.constant 96 : index
        %swap3A_626 = tpu.vector_load %arg14[%swap3A_625] {strides = array<i32>} : memref<128xf32, #tpu.memory_space<vmem>>, vector<16xf32>,
        tpu.vector_store %arg14[%swap3A_625], %exp3A_624 {strides = array<i32>} : memref<128xf32, #tpu.memory_space<vmem>>, vector<16xf32>,
        tpu.vector_store_idx %arg19[%select_n3A_614], %exp3A_624 {add = true} : memref<5248xf32, #tpu.memory_space<vmem>>[vector<16xi32>], vector<16xf32>,
        %get3A_627 = arith.index_cast %add3A_330 : i32 to index
        %get3A_628 = arith.constant 112 : index
        %get3A_629 = tpu.vector_load %arg10[%get3A_627, %get3A_628] {strides = array<i32>} : memref<160x128xi32, #tpu.memory_space<vmem>>, vector<16xi32>,
        %shift_right_logical3A_630 = arith.constant 14 : i32
        %shift_right_logical3A_631 = vector.broadcast %shift_right_logical3A_630 : i32 to vector<16xi32>
        %shift_right_logical3A_632 = arith.shrui %get3A_629, %shift_right_logical3A_631 : vector<16xi32>
        %and3A_633 = arith.constant 16383 : i32
        %and3A_634 = vector.broadcast %and3A_633 : i32 to vector<16xi32>
        %and3A_635 = arith.andi %get3A_629, %and3A_634 : vector<16xi32>
        %swap3A_636 = arith.constant 112 : index
        %swap3A_637 = tpu.vector_load %arg16[%swap3A_636] {strides = array<i32>} : memref<128xi32, #tpu.memory_space<vmem>>, vector<16xi32>,
        tpu.vector_store %arg16[%swap3A_636], %shift_right_logical3A_632 {strides = array<i32>} : memref<128xi32, #tpu.memory_space<vmem>>, vector<16xi32>,
        %sub3A_638 = vector.broadcast %mul3A_0 : i32 to vector<16xi32>
        %sub3A_639 = arith.subi %and3A_635, %sub3A_638 : vector<16xi32>
        %ge3A_640 = arith.constant 0 : i32
        %ge3A_641 = vector.broadcast %ge3A_640 : i32 to vector<16xi32>
        %ge3A_642 = arith.cmpi sge, %sub3A_639, %ge3A_641 : vector<16xi32>
        %lt3A_643 = arith.constant 5120 : i32
        %lt3A_644 = vector.broadcast %lt3A_643 : i32 to vector<16xi32>
        %lt3A_645 = arith.cmpi slt, %sub3A_639, %lt3A_644 : vector<16xi32>
        %and3A_646 = arith.andi %ge3A_642, %lt3A_645 : vector<16xi1>
        %jit3A_647 = arith.constant 5120 : i32
        %broadcast_in_dim3A_648 = vector.broadcast %jit3A_647 : i32 to vector<16xi32>
        %select_n3A_649 = arith.select %and3A_646, %sub3A_639, %broadcast_in_dim3A_648 : vector<16xi1>, vector<16xi32>
        %swap3A_650 = arith.constant 112 : index
        %swap3A_651 = tpu.vector_load %arg18[%swap3A_650] {strides = array<i32>} : memref<128xi32, #tpu.memory_space<vmem>>, vector<16xi32>,
        tpu.vector_store %arg18[%swap3A_650], %select_n3A_649 {strides = array<i32>} : memref<128xi32, #tpu.memory_space<vmem>>, vector<16xi32>,
        %gather3A_652 = tpu.vector_load_idx %arg8[%shift_right_logical3A_632] : memref<10240xf32, #tpu.memory_space<vmem>>[vector<16xi32>], vector<16xf32>,
        %gather3A_653 = tpu.vector_load_idx %arg9[%and3A_635] : memref<10240xf32, #tpu.memory_space<vmem>>[vector<16xi32>], vector<16xf32>,
        %add3A_654 = arith.addf %gather3A_652, %gather3A_653 : vector<16xf32>
        %mul3A_655 = arith.constant 2.000000e-01 : f32
        %mul3A_656 = vector.broadcast %mul3A_655 : f32 to vector<16xf32>
        %mul3A_657 = arith.mulf %mul3A_656, %add3A_654 : vector<16xf32>
        %max3A_658 = arith.maximumf %add3A_654, %mul3A_657 : vector<16xf32>
        %exp3A_659 = math.exp %max3A_658 : vector<16xf32>
        %swap3A_660 = arith.constant 112 : index
        %swap3A_661 = tpu.vector_load %arg14[%swap3A_660] {strides = array<i32>} : memref<128xf32, #tpu.memory_space<vmem>>, vector<16xf32>,
        tpu.vector_store %arg14[%swap3A_660], %exp3A_659 {strides = array<i32>} : memref<128xf32, #tpu.memory_space<vmem>>, vector<16xf32>,
        tpu.vector_store_idx %arg19[%select_n3A_649], %exp3A_659 {add = true} : memref<5248xf32, #tpu.memory_space<vmem>>[vector<16xi32>], vector<16xf32>,
        %dma_start3A_662 = arith.constant 0 : i32
        %dma_start3A_663 = arith.constant 0 : i32
        %dma_start3A_664 = tpu.memref_slice %arg2[%dma_start3A_662, %dma_start3A_663] : memref<10240x128xf32, #tpu.memory_space<hbm>> -> memref<10240x128xf32, #tpu.memory_space<hbm>>
        tpu.enqueue_indirect_dma source(%dma_start3A_664 : memref<10240x128xf32, #tpu.memory_space<hbm>>) target(%arg12 : memref<128x128xf32, #tpu.memory_space<vmem>>) offsets(%arg16 : memref<128xi32, #tpu.memory_space<vmem>>) semaphore(%arg22 : memref<!tpu.dma_semaphore, #tpu.memory_space<semaphore_mem>>)
      } else {
      }
      %dma_wait3A_338 = arith.constant 0 : i32
      %dma_wait3A_339 = arith.constant 0 : i32
      %dma_wait3A_340 = tpu.memref_slice %arg2[%dma_wait3A_338, %dma_wait3A_339] : memref<10240x128xf32, #tpu.memory_space<hbm>> -> memref<10240x128xf32, #tpu.memory_space<hbm>>
      tpu.wait_indirect_dma semaphore(%arg21 : memref<!tpu.dma_semaphore, #tpu.memory_space<semaphore_mem>>) src(%dma_wait3A_340 : memref<10240x128xf32, #tpu.memory_space<hbm>>) dst(%arg11 : memref<128x128xf32, #tpu.memory_space<vmem>>)
      %scan3A_341 = arith.constant 0 : i32
      %scan3A_342 = arith.constant 0 : i32
      %scan3A_343 = arith.constant 8 : i32
      %scan3A_344 = arith.addi %scan3A_342, %scan3A_343 : i32
      %scan3A_345 = arith.constant 1 : i32
      scf.for %scan3A_377 = %scan3A_342 to %scan3A_344 step %scan3A_345  : i32 {
        %mul3A_378 = arith.constant 16 : i32
        %mul3A_379 = arith.muli %scan3A_377, %mul3A_378 : i32
        %get3A_380 = arith.index_cast %mul3A_379 : i32 to index
        %get3A_381 = tpu.vector_load %arg13[%get3A_380] {strides = array<i32>} : memref<128xf32, #tpu.memory_space<vmem>>, vector<16xf32>,
        %mul3A_382 = arith.constant 16 : i32
        %mul3A_383 = arith.muli %scan3A_377, %mul3A_382 : i32
        %slice3A = vector.extract_strided_slice %get3A_381 {offsets = [0], sizes = [1], strides = [1]} : vector<16xf32> to vector<1xf32>
        %squeeze3A = vector.extract %slice3A[0] : f32 from vector<1xf32>
        %add3A_384 = arith.constant 0 : i32
        %add3A_385 = arith.addi %mul3A_383, %add3A_384 : i32
        %get3A_386 = arith.index_cast %add3A_385 : i32 to index
        %get3A_387 = arith.constant 0 : index
        %get3A_388 = tpu.vector_load %arg11[%get3A_386, %get3A_387] {strides = array<i32>} : memref<128x128xf32, #tpu.memory_space<vmem>>, vector<16xf32>,
        %mul3A_389 = vector.broadcast %squeeze3A : f32 to vector<16xf32>
        %mul3A_390 = arith.mulf %get3A_388, %mul3A_389 : vector<16xf32>
        %add3A_391 = arith.constant 0 : i32
        %add3A_392 = arith.addi %mul3A_383, %add3A_391 : i32
        %swap3A_393 = arith.index_cast %add3A_392 : i32 to index
        %swap3A_394 = arith.constant 0 : index
        %swap3A_395 = tpu.vector_load %arg11[%swap3A_393, %swap3A_394] {strides = array<i32>} : memref<128x128xf32, #tpu.memory_space<vmem>>, vector<16xf32>,
        tpu.vector_store %arg11[%swap3A_393, %swap3A_394], %mul3A_390 {strides = array<i32>} : memref<128x128xf32, #tpu.memory_space<vmem>>, vector<16xf32>,
        %add3A_396 = arith.constant 0 : i32
        %add3A_397 = arith.addi %mul3A_383, %add3A_396 : i32
        %get3A_398 = arith.index_cast %add3A_397 : i32 to index
        %get3A_399 = arith.constant 16 : index
        %get3A_400 = tpu.vector_load %arg11[%get3A_398, %get3A_399] {strides = array<i32>} : memref<128x128xf32, #tpu.memory_space<vmem>>, vector<16xf32>,
        %mul3A_401 = vector.broadcast %squeeze3A : f32 to vector<16xf32>
        %mul3A_402 = arith.mulf %get3A_400, %mul3A_401 : vector<16xf32>
        %add3A_403 = arith.constant 0 : i32
        %add3A_404 = arith.addi %mul3A_383, %add3A_403 : i32
        %swap3A_405 = arith.index_cast %add3A_404 : i32 to index
        %swap3A_406 = arith.constant 16 : index
        %swap3A_407 = tpu.vector_load %arg11[%swap3A_405, %swap3A_406] {strides = array<i32>} : memref<128x128xf32, #tpu.memory_space<vmem>>, vector<16xf32>,
        tpu.vector_store %arg11[%swap3A_405, %swap3A_406], %mul3A_402 {strides = array<i32>} : memref<128x128xf32, #tpu.memory_space<vmem>>, vector<16xf32>,
        %add3A_408 = arith.constant 0 : i32
        %add3A_409 = arith.addi %mul3A_383, %add3A_408 : i32
        %get3A_410 = arith.index_cast %add3A_409 : i32 to index
        %get3A_411 = arith.constant 32 : index
        %get3A_412 = tpu.vector_load %arg11[%get3A_410, %get3A_411] {strides = array<i32>} : memref<128x128xf32, #tpu.memory_space<vmem>>, vector<16xf32>,
        %mul3A_413 = vector.broadcast %squeeze3A : f32 to vector<16xf32>
        %mul3A_414 = arith.mulf %get3A_412, %mul3A_413 : vector<16xf32>
        %add3A_415 = arith.constant 0 : i32
        %add3A_416 = arith.addi %mul3A_383, %add3A_415 : i32
        %swap3A_417 = arith.index_cast %add3A_416 : i32 to index
        %swap3A_418 = arith.constant 32 : index
        %swap3A_419 = tpu.vector_load %arg11[%swap3A_417, %swap3A_418] {strides = array<i32>} : memref<128x128xf32, #tpu.memory_space<vmem>>, vector<16xf32>,
        tpu.vector_store %arg11[%swap3A_417, %swap3A_418], %mul3A_414 {strides = array<i32>} : memref<128x128xf32, #tpu.memory_space<vmem>>, vector<16xf32>,
        %add3A_420 = arith.constant 0 : i32
        %add3A_421 = arith.addi %mul3A_383, %add3A_420 : i32
        %get3A_422 = arith.index_cast %add3A_421 : i32 to index
        %get3A_423 = arith.constant 48 : index
        %get3A_424 = tpu.vector_load %arg11[%get3A_422, %get3A_423] {strides = array<i32>} : memref<128x128xf32, #tpu.memory_space<vmem>>, vector<16xf32>,
        %mul3A_425 = vector.broadcast %squeeze3A : f32 to vector<16xf32>
        %mul3A_426 = arith.mulf %get3A_424, %mul3A_425 : vector<16xf32>
        %add3A_427 = arith.constant 0 : i32
        %add3A_428 = arith.addi %mul3A_383, %add3A_427 : i32
        %swap3A_429 = arith.index_cast %add3A_428 : i32 to index
        %swap3A_430 = arith.constant 48 : index
        %swap3A_431 = tpu.vector_load %arg11[%swap3A_429, %swap3A_430] {strides = array<i32>} : memref<128x128xf32, #tpu.memory_space<vmem>>, vector<16xf32>,
        tpu.vector_store %arg11[%swap3A_429, %swap3A_430], %mul3A_426 {strides = array<i32>} : memref<128x128xf32, #tpu.memory_space<vmem>>, vector<16xf32>,
        %add3A_432 = arith.constant 0 : i32
        %add3A_433 = arith.addi %mul3A_383, %add3A_432 : i32
        %get3A_434 = arith.index_cast %add3A_433 : i32 to index
        %get3A_435 = arith.constant 64 : index
        %get3A_436 = tpu.vector_load %arg11[%get3A_434, %get3A_435] {strides = array<i32>} : memref<128x128xf32, #tpu.memory_space<vmem>>, vector<16xf32>,
        %mul3A_437 = vector.broadcast %squeeze3A : f32 to vector<16xf32>
        %mul3A_438 = arith.mulf %get3A_436, %mul3A_437 : vector<16xf32>
        %add3A_439 = arith.constant 0 : i32
        %add3A_440 = arith.addi %mul3A_383, %add3A_439 : i32
        %swap3A_441 = arith.index_cast %add3A_440 : i32 to index
        %swap3A_442 = arith.constant 64 : index
        %swap3A_443 = tpu.vector_load %arg11[%swap3A_441, %swap3A_442] {strides = array<i32>} : memref<128x128xf32, #tpu.memory_space<vmem>>, vector<16xf32>,
        tpu.vector_store %arg11[%swap3A_441, %swap3A_442], %mul3A_438 {strides = array<i32>} : memref<128x128xf32, #tpu.memory_space<vmem>>, vector<16xf32>,
        %add3A_444 = arith.constant 0 : i32
        %add3A_445 = arith.addi %mul3A_383, %add3A_444 : i32
        %get3A_446 = arith.index_cast %add3A_445 : i32 to index
        %get3A_447 = arith.constant 80 : index
        %get3A_448 = tpu.vector_load %arg11[%get3A_446, %get3A_447] {strides = array<i32>} : memref<128x128xf32, #tpu.memory_space<vmem>>, vector<16xf32>,
        %mul3A_449 = vector.broadcast %squeeze3A : f32 to vector<16xf32>
        %mul3A_450 = arith.mulf %get3A_448, %mul3A_449 : vector<16xf32>
        %add3A_451 = arith.constant 0 : i32
        %add3A_452 = arith.addi %mul3A_383, %add3A_451 : i32
        %swap3A_453 = arith.index_cast %add3A_452 : i32 to index
        %swap3A_454 = arith.constant 80 : index
        %swap3A_455 = tpu.vector_load %arg11[%swap3A_453, %swap3A_454] {strides = array<i32>} : memref<128x128xf32, #tpu.memory_space<vmem>>, vector<16xf32>,
        tpu.vector_store %arg11[%swap3A_453, %swap3A_454], %mul3A_450 {strides = array<i32>} : memref<128x128xf32, #tpu.memory_space<vmem>>, vector<16xf32>,
        %add3A_456 = arith.constant 0 : i32
        %add3A_457 = arith.addi %mul3A_383, %add3A_456 : i32
        %get3A_458 = arith.index_cast %add3A_457 : i32 to index
        %get3A_459 = arith.constant 96 : index
        %get3A_460 = tpu.vector_load %arg11[%get3A_458, %get3A_459] {strides = array<i32>} : memref<128x128xf32, #tpu.memory_space<vmem>>, vector<16xf32>,
        %mul3A_461 = vector.broadcast %squeeze3A : f32 to vector<16xf32>
        %mul3A_462 = arith.mulf %get3A_460, %mul3A_461 : vector<16xf32>
        %add3A_463 = arith.constant 0 : i32
        %add3A_464 = arith.addi %mul3A_383, %add3A_463 : i32
        %swap3A_465 = arith.index_cast %add3A_464 : i32 to index
        %swap3A_466 = arith.constant 96 : index
        %swap3A_467 = tpu.vector_load %arg11[%swap3A_465, %swap3A_466] {strides = array<i32>} : memref<128x128xf32, #tpu.memory_space<vmem>>, vector<16xf32>,
        tpu.vector_store %arg11[%swap3A_465, %swap3A_466], %mul3A_462 {strides = array<i32>} : memref<128x128xf32, #tpu.memory_space<vmem>>, vector<16xf32>,
        %add3A_468 = arith.constant 0 : i32
        %add3A_469 = arith.addi %mul3A_383, %add3A_468 : i32
        %get3A_470 = arith.index_cast %add3A_469 : i32 to index
        %get3A_471 = arith.constant 112 : index
        %get3A_472 = tpu.vector_load %arg11[%get3A_470, %get3A_471] {strides = array<i32>} : memref<128x128xf32, #tpu.memory_space<vmem>>, vector<16xf32>,
        %mul3A_473 = vector.broadcast %squeeze3A : f32 to vector<16xf32>
        %mul3A_474 = arith.mulf %get3A_472, %mul3A_473 : vector<16xf32>
        %add3A_475 = arith.constant 0 : i32
        %add3A_476 = arith.addi %mul3A_383, %add3A_475 : i32
        %swap3A_477 = arith.index_cast %add3A_476 : i32 to index
        %swap3A_478 = arith.constant 112 : index
        %swap3A_479 = tpu.vector_load %arg11[%swap3A_477, %swap3A_478] {strides = array<i32>} : memref<128x128xf32, #tpu.memory_space<vmem>>, vector<16xf32>,
        tpu.vector_store %arg11[%swap3A_477, %swap3A_478], %mul3A_474 {strides = array<i32>} : memref<128x128xf32, #tpu.memory_space<vmem>>, vector<16xf32>,
        %slice3A_480 = vector.extract_strided_slice %get3A_381 {offsets = [1], sizes = [1], strides = [1]} : vector<16xf32> to vector<1xf32>
        %squeeze3A_481 = vector.extract %slice3A_480[0] : f32 from vector<1xf32>
        %add3A_482 = arith.constant 1 : i32
        %add3A_483 = arith.addi %mul3A_383, %add3A_482 : i32
        %get3A_484 = arith.index_cast %add3A_483 : i32 to index
        %get3A_485 = arith.constant 0 : index
        %get3A_486 = tpu.vector_load %arg11[%get3A_484, %get3A_485] {strides = array<i32>} : memref<128x128xf32, #tpu.memory_space<vmem>>, vector<16xf32>,
        %mul3A_487 = vector.broadcast %squeeze3A_481 : f32 to vector<16xf32>
        %mul3A_488 = arith.mulf %get3A_486, %mul3A_487 : vector<16xf32>
        %add3A_489 = arith.constant 1 : i32
        %add3A_490 = arith.addi %mul3A_383, %add3A_489 : i32
        %swap3A_491 = arith.index_cast %add3A_490 : i32 to index
        %swap3A_492 = arith.constant 0 : index
        %swap3A_493 = tpu.vector_load %arg11[%swap3A_491, %swap3A_492] {strides = array<i32>} : memref<128x128xf32, #tpu.memory_space<vmem>>, vector<16xf32>,
        tpu.vector_store %arg11[%swap3A_491, %swap3A_492], %mul3A_488 {strides = array<i32>} : memref<128x128xf32, #tpu.memory_space<vmem>>, vector<16xf32>,
        %add3A_494 = arith.constant 1 : i32
        %add3A_495 = arith.addi %mul3A_383, %add3A_494 : i32
        %get3A_496 = arith.index_cast %add3A_495 : i32 to index
        %get3A_497 = arith.constant 16 : index
        %get3A_498 = tpu.vector_load %arg11[%get3A_496, %get3A_497] {strides = array<i32>} : memref<128x128xf32, #tpu.memory_space<vmem>>, vector<16xf32>,
        %mul3A_499 = vector.broadcast %squeeze3A_481 : f32 to vector<16xf32>
        %mul3A_500 = arith.mulf %get3A_498, %mul3A_499 : vector<16xf32>
        %add3A_501 = arith.constant 1 : i32
        %add3A_502 = arith.addi %mul3A_383, %add3A_501 : i32
        %swap3A_503 = arith.index_cast %add3A_502 : i32 to index
        %swap3A_504 = arith.constant 16 : index
        %swap3A_505 = tpu.vector_load %arg11[%swap3A_503, %swap3A_504] {strides = array<i32>} : memref<128x128xf32, #tpu.memory_space<vmem>>, vector<16xf32>,
        tpu.vector_store %arg11[%swap3A_503, %swap3A_504], %mul3A_500 {strides = array<i32>} : memref<128x128xf32, #tpu.memory_space<vmem>>, vector<16xf32>,
        %add3A_506 = arith.constant 1 : i32
        %add3A_507 = arith.addi %mul3A_383, %add3A_506 : i32
        %get3A_508 = arith.index_cast %add3A_507 : i32 to index
        %get3A_509 = arith.constant 32 : index
        %get3A_510 = tpu.vector_load %arg11[%get3A_508, %get3A_509] {strides = array<i32>} : memref<128x128xf32, #tpu.memory_space<vmem>>, vector<16xf32>,
        %mul3A_511 = vector.broadcast %squeeze3A_481 : f32 to vector<16xf32>
        %mul3A_512 = arith.mulf %get3A_510, %mul3A_511 : vector<16xf32>
        %add3A_513 = arith.constant 1 : i32
        %add3A_514 = arith.addi %mul3A_383, %add3A_513 : i32
        %swap3A_515 = arith.index_cast %add3A_514 : i32 to index
        %swap3A_516 = arith.constant 32 : index
        %swap3A_517 = tpu.vector_load %arg11[%swap3A_515, %swap3A_516] {strides = array<i32>} : memref<128x128xf32, #tpu.memory_space<vmem>>, vector<16xf32>,
        tpu.vector_store %arg11[%swap3A_515, %swap3A_516], %mul3A_512 {strides = array<i32>} : memref<128x128xf32, #tpu.memory_space<vmem>>, vector<16xf32>,
        %add3A_518 = arith.constant 1 : i32
        %add3A_519 = arith.addi %mul3A_383, %add3A_518 : i32
        %get3A_520 = arith.index_cast %add3A_519 : i32 to index
        %get3A_521 = arith.constant 48 : index
        %get3A_522 = tpu.vector_load %arg11[%get3A_520, %get3A_521] {strides = array<i32>} : memref<128x128xf32, #tpu.memory_space<vmem>>, vector<16xf32>,
        %mul3A_523 = vector.broadcast %squeeze3A_481 : f32 to vector<16xf32>
        %mul3A_524 = arith.mulf %get3A_522, %mul3A_523 : vector<16xf32>
        %add3A_525 = arith.constant 1 : i32
        %add3A_526 = arith.addi %mul3A_383, %add3A_525 : i32
        %swap3A_527 = arith.index_cast %add3A_526 : i32 to index
        %swap3A_528 = arith.constant 48 : index
        %swap3A_529 = tpu.vector_load %arg11[%swap3A_527, %swap3A_528] {strides = array<i32>} : memref<128x128xf32, #tpu.memory_space<vmem>>, vector<16xf32>,
        tpu.vector_store %arg11[%swap3A_527, %swap3A_528], %mul3A_524 {strides = array<i32>} : memref<128x128xf32, #tpu.memory_space<vmem>>, vector<16xf32>,
        %add3A_530 = arith.constant 1 : i32
        %add3A_531 = arith.addi %mul3A_383, %add3A_530 : i32
        %get3A_532 = arith.index_cast %add3A_531 : i32 to index
        %get3A_533 = arith.constant 64 : index
        %get3A_534 = tpu.vector_load %arg11[%get3A_532, %get3A_533] {strides = array<i32>} : memref<128x128xf32, #tpu.memory_space<vmem>>, vector<16xf32>,
        %mul3A_535 = vector.broadcast %squeeze3A_481 : f32 to vector<16xf32>
        %mul3A_536 = arith.mulf %get3A_534, %mul3A_535 : vector<16xf32>
        %add3A_537 = arith.constant 1 : i32
        %add3A_538 = arith.addi %mul3A_383, %add3A_537 : i32
        %swap3A_539 = arith.index_cast %add3A_538 : i32 to index
        %swap3A_540 = arith.constant 64 : index
        %swap3A_541 = tpu.vector_load %arg11[%swap3A_539, %swap3A_540] {strides = array<i32>} : memref<128x128xf32, #tpu.memory_space<vmem>>, vector<16xf32>,
        tpu.vector_store %arg11[%swap3A_539, %swap3A_540], %mul3A_536 {strides = array<i32>} : memref<128x128xf32, #tpu.memory_space<vmem>>, vector<16xf32>,
        %add3A_542 = arith.constant 1 : i32
        %add3A_543 = arith.addi %mul3A_383, %add3A_542 : i32
        %get3A_544 = arith.index_cast %add3A_543 : i32 to index
        %get3A_545 = arith.constant 80 : index
        %get3A_546 = tpu.vector_load %arg11[%get3A_544, %get3A_545] {strides = array<i32>} : memref<128x128xf32, #tpu.memory_space<vmem>>, vector<16xf32>,
        %mul3A_547 = vector.broadcast %squeeze3A_481 : f32 to vector<16xf32>
        %mul3A_548 = arith.mulf %get3A_546, %mul3A_547 : vector<16xf32>
        %add3A_549 = arith.constant 1 : i32
        %add3A_550 = arith.addi %mul3A_383, %add3A_549 : i32
        %swap3A_551 = arith.index_cast %add3A_550 : i32 to index
        %swap3A_552 = arith.constant 80 : index
        %swap3A_553 = tpu.vector_load %arg11[%swap3A_551, %swap3A_552] {strides = array<i32>} : memref<128x128xf32, #tpu.memory_space<vmem>>, vector<16xf32>,
        tpu.vector_store %arg11[%swap3A_551, %swap3A_552], %mul3A_548 {strides = array<i32>} : memref<128x128xf32, #tpu.memory_space<vmem>>, vector<16xf32>,
        %add3A_554 = arith.constant 1 : i32
        %add3A_555 = arith.addi %mul3A_383, %add3A_554 : i32
        %get3A_556 = arith.index_cast %add3A_555 : i32 to index
        %get3A_557 = arith.constant 96 : index
        %get3A_558 = tpu.vector_load %arg11[%get3A_556, %get3A_557] {strides = array<i32>} : memref<128x128xf32, #tpu.memory_space<vmem>>, vector<16xf32>,
        %mul3A_559 = vector.broadcast %squeeze3A_481 : f32 to vector<16xf32>
        %mul3A_560 = arith.mulf %get3A_558, %mul3A_559 : vector<16xf32>
        %add3A_561 = arith.constant 1 : i32
        %add3A_562 = arith.addi %mul3A_383, %add3A_561 : i32
        %swap3A_563 = arith.index_cast %add3A_562 : i32 to index
        %swap3A_564 = arith.constant 96 : index
        %swap3A_565 = tpu.vector_load %arg11[%swap3A_563, %swap3A_564] {strides = array<i32>} : memref<128x128xf32, #tpu.memory_space<vmem>>, vector<16xf32>,
        tpu.vector_store %arg11[%swap3A_563, %swap3A_564], %mul3A_560 {strides = array<i32>} : memref<128x128xf32, #tpu.memory_space<vmem>>, vector<16xf32>,
        %add3A_566 = arith.constant 1 : i32
        %add3A_567 = arith.addi %mul3A_383, %add3A_566 : i32
        %get3A_568 = arith.index_cast %add3A_567 : i32 to index
        %get3A_569 = arith.constant 112 : index
        %get3A_570 = tpu.vector_load %arg11[%get3A_568, %get3A_569] {strides = array<i32>} : memref<128x128xf32, #tpu.memory_space<vmem>>, vector<16xf32>,
        %mul3A_571 = vector.broadcast %squeeze3A_481 : f32 to vector<16xf32>
        %mul3A_572 = arith.mulf %get3A_570, %mul3A_571 : vector<16xf32>
        %add3A_573 = arith.constant 1 : i32
        %add3A_574 = arith.addi %mul3A_383, %add3A_573 : i32
        %swap3A_575 = arith.index_cast %add3A_574 : i32 to index
        %swap3A_576 = arith.constant 112 : index
        %swap3A_577 = tpu.vector_load %arg11[%swap3A_575, %swap3A_576] {strides = array<i32>} : memref<128x128xf32, #tpu.memory_space<vmem>>, vector<16xf32>,
        tpu.vector_store %arg11[%swap3A_575, %swap3A_576], %mul3A_572 {strides = array<i32>} : memref<128x128xf32, #tpu.memory_space<vmem>>, vector<16xf32>,
        %slice3A_578 = vector.extract_strided_slice %get3A_381 {offsets = [2], sizes = [1], strides = [1]} : vector<16xf32> to vector<1xf32>
        %squeeze3A_579 = vector.extract %slice3A_578[0] : f32 from vector<1xf32>
        %add3A_580 = arith.constant 2 : i32
        %add3A_581 = arith.addi %mul3A_383, %add3A_580 : i32
        %get3A_582 = arith.index_cast %add3A_581 : i32 to index
        %get3A_583 = arith.constant 0 : index
        %get3A_584 = tpu.vector_load %arg11[%get3A_582, %get3A_583] {strides = array<i32>} : memref<128x128xf32, #tpu.memory_space<vmem>>, vector<16xf32>,
        %mul3A_585 = vector.broadcast %squeeze3A_579 : f32 to vector<16xf32>
        %mul3A_586 = arith.mulf %get3A_584, %mul3A_585 : vector<16xf32>
        %add3A_587 = arith.constant 2 : i32
        %add3A_588 = arith.addi %mul3A_383, %add3A_587 : i32
        %swap3A_589 = arith.index_cast %add3A_588 : i32 to index
        %swap3A_590 = arith.constant 0 : index
        %swap3A_591 = tpu.vector_load %arg11[%swap3A_589, %swap3A_590] {strides = array<i32>} : memref<128x128xf32, #tpu.memory_space<vmem>>, vector<16xf32>,
        tpu.vector_store %arg11[%swap3A_589, %swap3A_590], %mul3A_586 {strides = array<i32>} : memref<128x128xf32, #tpu.memory_space<vmem>>, vector<16xf32>,
        %add3A_592 = arith.constant 2 : i32
        %add3A_593 = arith.addi %mul3A_383, %add3A_592 : i32
        %get3A_594 = arith.index_cast %add3A_593 : i32 to index
        %get3A_595 = arith.constant 16 : index
        %get3A_596 = tpu.vector_load %arg11[%get3A_594, %get3A_595] {strides = array<i32>} : memref<128x128xf32, #tpu.memory_space<vmem>>, vector<16xf32>,
        %mul3A_597 = vector.broadcast %squeeze3A_579 : f32 to vector<16xf32>
        %mul3A_598 = arith.mulf %get3A_596, %mul3A_597 : vector<16xf32>
        %add3A_599 = arith.constant 2 : i32
        %add3A_600 = arith.addi %mul3A_383, %add3A_599 : i32
        %swap3A_601 = arith.index_cast %add3A_600 : i32 to index
        %swap3A_602 = arith.constant 16 : index
        %swap3A_603 = tpu.vector_load %arg11[%swap3A_601, %swap3A_602] {strides = array<i32>} : memref<128x128xf32, #tpu.memory_space<vmem>>, vector<16xf32>,
        tpu.vector_store %arg11[%swap3A_601, %swap3A_602], %mul3A_598 {strides = array<i32>} : memref<128x128xf32, #tpu.memory_space<vmem>>, vector<16xf32>,
        %add3A_604 = arith.constant 2 : i32
        %add3A_605 = arith.addi %mul3A_383, %add3A_604 : i32
        %get3A_606 = arith.index_cast %add3A_605 : i32 to index
        %get3A_607 = arith.constant 32 : index
        %get3A_608 = tpu.vector_load %arg11[%get3A_606, %get3A_607] {strides = array<i32>} : memref<128x128xf32, #tpu.memory_space<vmem>>, vector<16xf32>,
        %mul3A_609 = vector.broadcast %squeeze3A_579 : f32 to vector<16xf32>
        %mul3A_610 = arith.mulf %get3A_608, %mul3A_609 : vector<16xf32>
        %add3A_611 = arith.constant 2 : i32
        %add3A_612 = arith.addi %mul3A_383, %add3A_611 : i32
        %swap3A_613 = arith.index_cast %add3A_612 : i32 to index
        %swap3A_614 = arith.constant 32 : index
        %swap3A_615 = tpu.vector_load %arg11[%swap3A_613, %swap3A_614] {strides = array<i32>} : memref<128x128xf32, #tpu.memory_space<vmem>>, vector<16xf32>,
        tpu.vector_store %arg11[%swap3A_613, %swap3A_614], %mul3A_610 {strides = array<i32>} : memref<128x128xf32, #tpu.memory_space<vmem>>, vector<16xf32>,
        %add3A_616 = arith.constant 2 : i32
        %add3A_617 = arith.addi %mul3A_383, %add3A_616 : i32
        %get3A_618 = arith.index_cast %add3A_617 : i32 to index
        %get3A_619 = arith.constant 48 : index
        %get3A_620 = tpu.vector_load %arg11[%get3A_618, %get3A_619] {strides = array<i32>} : memref<128x128xf32, #tpu.memory_space<vmem>>, vector<16xf32>,
        %mul3A_621 = vector.broadcast %squeeze3A_579 : f32 to vector<16xf32>
        %mul3A_622 = arith.mulf %get3A_620, %mul3A_621 : vector<16xf32>
        %add3A_623 = arith.constant 2 : i32
        %add3A_624 = arith.addi %mul3A_383, %add3A_623 : i32
        %swap3A_625 = arith.index_cast %add3A_624 : i32 to index
        %swap3A_626 = arith.constant 48 : index
        %swap3A_627 = tpu.vector_load %arg11[%swap3A_625, %swap3A_626] {strides = array<i32>} : memref<128x128xf32, #tpu.memory_space<vmem>>, vector<16xf32>,
        tpu.vector_store %arg11[%swap3A_625, %swap3A_626], %mul3A_622 {strides = array<i32>} : memref<128x128xf32, #tpu.memory_space<vmem>>, vector<16xf32>,
        %add3A_628 = arith.constant 2 : i32
        %add3A_629 = arith.addi %mul3A_383, %add3A_628 : i32
        %get3A_630 = arith.index_cast %add3A_629 : i32 to index
        %get3A_631 = arith.constant 64 : index
        %get3A_632 = tpu.vector_load %arg11[%get3A_630, %get3A_631] {strides = array<i32>} : memref<128x128xf32, #tpu.memory_space<vmem>>, vector<16xf32>,
        %mul3A_633 = vector.broadcast %squeeze3A_579 : f32 to vector<16xf32>
        %mul3A_634 = arith.mulf %get3A_632, %mul3A_633 : vector<16xf32>
        %add3A_635 = arith.constant 2 : i32
        %add3A_636 = arith.addi %mul3A_383, %add3A_635 : i32
        %swap3A_637 = arith.index_cast %add3A_636 : i32 to index
        %swap3A_638 = arith.constant 64 : index
        %swap3A_639 = tpu.vector_load %arg11[%swap3A_637, %swap3A_638] {strides = array<i32>} : memref<128x128xf32, #tpu.memory_space<vmem>>, vector<16xf32>,
        tpu.vector_store %arg11[%swap3A_637, %swap3A_638], %mul3A_634 {strides = array<i32>} : memref<128x128xf32, #tpu.memory_space<vmem>>, vector<16xf32>,
        %add3A_640 = arith.constant 2 : i32
        %add3A_641 = arith.addi %mul3A_383, %add3A_640 : i32
        %get3A_642 = arith.index_cast %add3A_641 : i32 to index
        %get3A_643 = arith.constant 80 : index
        %get3A_644 = tpu.vector_load %arg11[%get3A_642, %get3A_643] {strides = array<i32>} : memref<128x128xf32, #tpu.memory_space<vmem>>, vector<16xf32>,
        %mul3A_645 = vector.broadcast %squeeze3A_579 : f32 to vector<16xf32>
        %mul3A_646 = arith.mulf %get3A_644, %mul3A_645 : vector<16xf32>
        %add3A_647 = arith.constant 2 : i32
        %add3A_648 = arith.addi %mul3A_383, %add3A_647 : i32
        %swap3A_649 = arith.index_cast %add3A_648 : i32 to index
        %swap3A_650 = arith.constant 80 : index
        %swap3A_651 = tpu.vector_load %arg11[%swap3A_649, %swap3A_650] {strides = array<i32>} : memref<128x128xf32, #tpu.memory_space<vmem>>, vector<16xf32>,
        tpu.vector_store %arg11[%swap3A_649, %swap3A_650], %mul3A_646 {strides = array<i32>} : memref<128x128xf32, #tpu.memory_space<vmem>>, vector<16xf32>,
        %add3A_652 = arith.constant 2 : i32
        %add3A_653 = arith.addi %mul3A_383, %add3A_652 : i32
        %get3A_654 = arith.index_cast %add3A_653 : i32 to index
        %get3A_655 = arith.constant 96 : index
        %get3A_656 = tpu.vector_load %arg11[%get3A_654, %get3A_655] {strides = array<i32>} : memref<128x128xf32, #tpu.memory_space<vmem>>, vector<16xf32>,
        %mul3A_657 = vector.broadcast %squeeze3A_579 : f32 to vector<16xf32>
        %mul3A_658 = arith.mulf %get3A_656, %mul3A_657 : vector<16xf32>
        %add3A_659 = arith.constant 2 : i32
        %add3A_660 = arith.addi %mul3A_383, %add3A_659 : i32
        %swap3A_661 = arith.index_cast %add3A_660 : i32 to index
        %swap3A_662 = arith.constant 96 : index
        %swap3A_663 = tpu.vector_load %arg11[%swap3A_661, %swap3A_662] {strides = array<i32>} : memref<128x128xf32, #tpu.memory_space<vmem>>, vector<16xf32>,
        tpu.vector_store %arg11[%swap3A_661, %swap3A_662], %mul3A_658 {strides = array<i32>} : memref<128x128xf32, #tpu.memory_space<vmem>>, vector<16xf32>,
        %add3A_664 = arith.constant 2 : i32
        %add3A_665 = arith.addi %mul3A_383, %add3A_664 : i32
        %get3A_666 = arith.index_cast %add3A_665 : i32 to index
        %get3A_667 = arith.constant 112 : index
        %get3A_668 = tpu.vector_load %arg11[%get3A_666, %get3A_667] {strides = array<i32>} : memref<128x128xf32, #tpu.memory_space<vmem>>, vector<16xf32>,
        %mul3A_669 = vector.broadcast %squeeze3A_579 : f32 to vector<16xf32>
        %mul3A_670 = arith.mulf %get3A_668, %mul3A_669 : vector<16xf32>
        %add3A_671 = arith.constant 2 : i32
        %add3A_672 = arith.addi %mul3A_383, %add3A_671 : i32
        %swap3A_673 = arith.index_cast %add3A_672 : i32 to index
        %swap3A_674 = arith.constant 112 : index
        %swap3A_675 = tpu.vector_load %arg11[%swap3A_673, %swap3A_674] {strides = array<i32>} : memref<128x128xf32, #tpu.memory_space<vmem>>, vector<16xf32>,
        tpu.vector_store %arg11[%swap3A_673, %swap3A_674], %mul3A_670 {strides = array<i32>} : memref<128x128xf32, #tpu.memory_space<vmem>>, vector<16xf32>,
        %slice3A_676 = vector.extract_strided_slice %get3A_381 {offsets = [3], sizes = [1], strides = [1]} : vector<16xf32> to vector<1xf32>
        %squeeze3A_677 = vector.extract %slice3A_676[0] : f32 from vector<1xf32>
        %add3A_678 = arith.constant 3 : i32
        %add3A_679 = arith.addi %mul3A_383, %add3A_678 : i32
        %get3A_680 = arith.index_cast %add3A_679 : i32 to index
        %get3A_681 = arith.constant 0 : index
        %get3A_682 = tpu.vector_load %arg11[%get3A_680, %get3A_681] {strides = array<i32>} : memref<128x128xf32, #tpu.memory_space<vmem>>, vector<16xf32>,
        %mul3A_683 = vector.broadcast %squeeze3A_677 : f32 to vector<16xf32>
        %mul3A_684 = arith.mulf %get3A_682, %mul3A_683 : vector<16xf32>
        %add3A_685 = arith.constant 3 : i32
        %add3A_686 = arith.addi %mul3A_383, %add3A_685 : i32
        %swap3A_687 = arith.index_cast %add3A_686 : i32 to index
        %swap3A_688 = arith.constant 0 : index
        %swap3A_689 = tpu.vector_load %arg11[%swap3A_687, %swap3A_688] {strides = array<i32>} : memref<128x128xf32, #tpu.memory_space<vmem>>, vector<16xf32>,
        tpu.vector_store %arg11[%swap3A_687, %swap3A_688], %mul3A_684 {strides = array<i32>} : memref<128x128xf32, #tpu.memory_space<vmem>>, vector<16xf32>,
        %add3A_690 = arith.constant 3 : i32
        %add3A_691 = arith.addi %mul3A_383, %add3A_690 : i32
        %get3A_692 = arith.index_cast %add3A_691 : i32 to index
        %get3A_693 = arith.constant 16 : index
        %get3A_694 = tpu.vector_load %arg11[%get3A_692, %get3A_693] {strides = array<i32>} : memref<128x128xf32, #tpu.memory_space<vmem>>, vector<16xf32>,
        %mul3A_695 = vector.broadcast %squeeze3A_677 : f32 to vector<16xf32>
        %mul3A_696 = arith.mulf %get3A_694, %mul3A_695 : vector<16xf32>
        %add3A_697 = arith.constant 3 : i32
        %add3A_698 = arith.addi %mul3A_383, %add3A_697 : i32
        %swap3A_699 = arith.index_cast %add3A_698 : i32 to index
        %swap3A_700 = arith.constant 16 : index
        %swap3A_701 = tpu.vector_load %arg11[%swap3A_699, %swap3A_700] {strides = array<i32>} : memref<128x128xf32, #tpu.memory_space<vmem>>, vector<16xf32>,
        tpu.vector_store %arg11[%swap3A_699, %swap3A_700], %mul3A_696 {strides = array<i32>} : memref<128x128xf32, #tpu.memory_space<vmem>>, vector<16xf32>,
        %add3A_702 = arith.constant 3 : i32
        %add3A_703 = arith.addi %mul3A_383, %add3A_702 : i32
        %get3A_704 = arith.index_cast %add3A_703 : i32 to index
        %get3A_705 = arith.constant 32 : index
        %get3A_706 = tpu.vector_load %arg11[%get3A_704, %get3A_705] {strides = array<i32>} : memref<128x128xf32, #tpu.memory_space<vmem>>, vector<16xf32>,
        %mul3A_707 = vector.broadcast %squeeze3A_677 : f32 to vector<16xf32>
        %mul3A_708 = arith.mulf %get3A_706, %mul3A_707 : vector<16xf32>
        %add3A_709 = arith.constant 3 : i32
        %add3A_710 = arith.addi %mul3A_383, %add3A_709 : i32
        %swap3A_711 = arith.index_cast %add3A_710 : i32 to index
        %swap3A_712 = arith.constant 32 : index
        %swap3A_713 = tpu.vector_load %arg11[%swap3A_711, %swap3A_712] {strides = array<i32>} : memref<128x128xf32, #tpu.memory_space<vmem>>, vector<16xf32>,
        tpu.vector_store %arg11[%swap3A_711, %swap3A_712], %mul3A_708 {strides = array<i32>} : memref<128x128xf32, #tpu.memory_space<vmem>>, vector<16xf32>,
        %add3A_714 = arith.constant 3 : i32
        %add3A_715 = arith.addi %mul3A_383, %add3A_714 : i32
        %get3A_716 = arith.index_cast %add3A_715 : i32 to index
        %get3A_717 = arith.constant 48 : index
        %get3A_718 = tpu.vector_load %arg11[%get3A_716, %get3A_717] {strides = array<i32>} : memref<128x128xf32, #tpu.memory_space<vmem>>, vector<16xf32>,
        %mul3A_719 = vector.broadcast %squeeze3A_677 : f32 to vector<16xf32>
        %mul3A_720 = arith.mulf %get3A_718, %mul3A_719 : vector<16xf32>
        %add3A_721 = arith.constant 3 : i32
        %add3A_722 = arith.addi %mul3A_383, %add3A_721 : i32
        %swap3A_723 = arith.index_cast %add3A_722 : i32 to index
        %swap3A_724 = arith.constant 48 : index
        %swap3A_725 = tpu.vector_load %arg11[%swap3A_723, %swap3A_724] {strides = array<i32>} : memref<128x128xf32, #tpu.memory_space<vmem>>, vector<16xf32>,
        tpu.vector_store %arg11[%swap3A_723, %swap3A_724], %mul3A_720 {strides = array<i32>} : memref<128x128xf32, #tpu.memory_space<vmem>>, vector<16xf32>,
        %add3A_726 = arith.constant 3 : i32
        %add3A_727 = arith.addi %mul3A_383, %add3A_726 : i32
        %get3A_728 = arith.index_cast %add3A_727 : i32 to index
        %get3A_729 = arith.constant 64 : index
        %get3A_730 = tpu.vector_load %arg11[%get3A_728, %get3A_729] {strides = array<i32>} : memref<128x128xf32, #tpu.memory_space<vmem>>, vector<16xf32>,
        %mul3A_731 = vector.broadcast %squeeze3A_677 : f32 to vector<16xf32>
        %mul3A_732 = arith.mulf %get3A_730, %mul3A_731 : vector<16xf32>
        %add3A_733 = arith.constant 3 : i32
        %add3A_734 = arith.addi %mul3A_383, %add3A_733 : i32
        %swap3A_735 = arith.index_cast %add3A_734 : i32 to index
        %swap3A_736 = arith.constant 64 : index
        %swap3A_737 = tpu.vector_load %arg11[%swap3A_735, %swap3A_736] {strides = array<i32>} : memref<128x128xf32, #tpu.memory_space<vmem>>, vector<16xf32>,
        tpu.vector_store %arg11[%swap3A_735, %swap3A_736], %mul3A_732 {strides = array<i32>} : memref<128x128xf32, #tpu.memory_space<vmem>>, vector<16xf32>,
        %add3A_738 = arith.constant 3 : i32
        %add3A_739 = arith.addi %mul3A_383, %add3A_738 : i32
        %get3A_740 = arith.index_cast %add3A_739 : i32 to index
        %get3A_741 = arith.constant 80 : index
        %get3A_742 = tpu.vector_load %arg11[%get3A_740, %get3A_741] {strides = array<i32>} : memref<128x128xf32, #tpu.memory_space<vmem>>, vector<16xf32>,
        %mul3A_743 = vector.broadcast %squeeze3A_677 : f32 to vector<16xf32>
        %mul3A_744 = arith.mulf %get3A_742, %mul3A_743 : vector<16xf32>
        %add3A_745 = arith.constant 3 : i32
        %add3A_746 = arith.addi %mul3A_383, %add3A_745 : i32
        %swap3A_747 = arith.index_cast %add3A_746 : i32 to index
        %swap3A_748 = arith.constant 80 : index
        %swap3A_749 = tpu.vector_load %arg11[%swap3A_747, %swap3A_748] {strides = array<i32>} : memref<128x128xf32, #tpu.memory_space<vmem>>, vector<16xf32>,
        tpu.vector_store %arg11[%swap3A_747, %swap3A_748], %mul3A_744 {strides = array<i32>} : memref<128x128xf32, #tpu.memory_space<vmem>>, vector<16xf32>,
        %add3A_750 = arith.constant 3 : i32
        %add3A_751 = arith.addi %mul3A_383, %add3A_750 : i32
        %get3A_752 = arith.index_cast %add3A_751 : i32 to index
        %get3A_753 = arith.constant 96 : index
        %get3A_754 = tpu.vector_load %arg11[%get3A_752, %get3A_753] {strides = array<i32>} : memref<128x128xf32, #tpu.memory_space<vmem>>, vector<16xf32>,
        %mul3A_755 = vector.broadcast %squeeze3A_677 : f32 to vector<16xf32>
        %mul3A_756 = arith.mulf %get3A_754, %mul3A_755 : vector<16xf32>
        %add3A_757 = arith.constant 3 : i32
        %add3A_758 = arith.addi %mul3A_383, %add3A_757 : i32
        %swap3A_759 = arith.index_cast %add3A_758 : i32 to index
        %swap3A_760 = arith.constant 96 : index
        %swap3A_761 = tpu.vector_load %arg11[%swap3A_759, %swap3A_760] {strides = array<i32>} : memref<128x128xf32, #tpu.memory_space<vmem>>, vector<16xf32>,
        tpu.vector_store %arg11[%swap3A_759, %swap3A_760], %mul3A_756 {strides = array<i32>} : memref<128x128xf32, #tpu.memory_space<vmem>>, vector<16xf32>,
        %add3A_762 = arith.constant 3 : i32
        %add3A_763 = arith.addi %mul3A_383, %add3A_762 : i32
        %get3A_764 = arith.index_cast %add3A_763 : i32 to index
        %get3A_765 = arith.constant 112 : index
        %get3A_766 = tpu.vector_load %arg11[%get3A_764, %get3A_765] {strides = array<i32>} : memref<128x128xf32, #tpu.memory_space<vmem>>, vector<16xf32>,
        %mul3A_767 = vector.broadcast %squeeze3A_677 : f32 to vector<16xf32>
        %mul3A_768 = arith.mulf %get3A_766, %mul3A_767 : vector<16xf32>
        %add3A_769 = arith.constant 3 : i32
        %add3A_770 = arith.addi %mul3A_383, %add3A_769 : i32
        %swap3A_771 = arith.index_cast %add3A_770 : i32 to index
        %swap3A_772 = arith.constant 112 : index
        %swap3A_773 = tpu.vector_load %arg11[%swap3A_771, %swap3A_772] {strides = array<i32>} : memref<128x128xf32, #tpu.memory_space<vmem>>, vector<16xf32>,
        tpu.vector_store %arg11[%swap3A_771, %swap3A_772], %mul3A_768 {strides = array<i32>} : memref<128x128xf32, #tpu.memory_space<vmem>>, vector<16xf32>,
        %slice3A_774 = vector.extract_strided_slice %get3A_381 {offsets = [4], sizes = [1], strides = [1]} : vector<16xf32> to vector<1xf32>
        %squeeze3A_775 = vector.extract %slice3A_774[0] : f32 from vector<1xf32>
        %add3A_776 = arith.constant 4 : i32
        %add3A_777 = arith.addi %mul3A_383, %add3A_776 : i32
        %get3A_778 = arith.index_cast %add3A_777 : i32 to index
        %get3A_779 = arith.constant 0 : index
        %get3A_780 = tpu.vector_load %arg11[%get3A_778, %get3A_779] {strides = array<i32>} : memref<128x128xf32, #tpu.memory_space<vmem>>, vector<16xf32>,
        %mul3A_781 = vector.broadcast %squeeze3A_775 : f32 to vector<16xf32>
        %mul3A_782 = arith.mulf %get3A_780, %mul3A_781 : vector<16xf32>
        %add3A_783 = arith.constant 4 : i32
        %add3A_784 = arith.addi %mul3A_383, %add3A_783 : i32
        %swap3A_785 = arith.index_cast %add3A_784 : i32 to index
        %swap3A_786 = arith.constant 0 : index
        %swap3A_787 = tpu.vector_load %arg11[%swap3A_785, %swap3A_786] {strides = array<i32>} : memref<128x128xf32, #tpu.memory_space<vmem>>, vector<16xf32>,
        tpu.vector_store %arg11[%swap3A_785, %swap3A_786], %mul3A_782 {strides = array<i32>} : memref<128x128xf32, #tpu.memory_space<vmem>>, vector<16xf32>,
        %add3A_788 = arith.constant 4 : i32
        %add3A_789 = arith.addi %mul3A_383, %add3A_788 : i32
        %get3A_790 = arith.index_cast %add3A_789 : i32 to index
        %get3A_791 = arith.constant 16 : index
        %get3A_792 = tpu.vector_load %arg11[%get3A_790, %get3A_791] {strides = array<i32>} : memref<128x128xf32, #tpu.memory_space<vmem>>, vector<16xf32>,
        %mul3A_793 = vector.broadcast %squeeze3A_775 : f32 to vector<16xf32>
        %mul3A_794 = arith.mulf %get3A_792, %mul3A_793 : vector<16xf32>
        %add3A_795 = arith.constant 4 : i32
        %add3A_796 = arith.addi %mul3A_383, %add3A_795 : i32
        %swap3A_797 = arith.index_cast %add3A_796 : i32 to index
        %swap3A_798 = arith.constant 16 : index
        %swap3A_799 = tpu.vector_load %arg11[%swap3A_797, %swap3A_798] {strides = array<i32>} : memref<128x128xf32, #tpu.memory_space<vmem>>, vector<16xf32>,
        tpu.vector_store %arg11[%swap3A_797, %swap3A_798], %mul3A_794 {strides = array<i32>} : memref<128x128xf32, #tpu.memory_space<vmem>>, vector<16xf32>,
        %add3A_800 = arith.constant 4 : i32
        %add3A_801 = arith.addi %mul3A_383, %add3A_800 : i32
        %get3A_802 = arith.index_cast %add3A_801 : i32 to index
        %get3A_803 = arith.constant 32 : index
        %get3A_804 = tpu.vector_load %arg11[%get3A_802, %get3A_803] {strides = array<i32>} : memref<128x128xf32, #tpu.memory_space<vmem>>, vector<16xf32>,
        %mul3A_805 = vector.broadcast %squeeze3A_775 : f32 to vector<16xf32>
        %mul3A_806 = arith.mulf %get3A_804, %mul3A_805 : vector<16xf32>
        %add3A_807 = arith.constant 4 : i32
        %add3A_808 = arith.addi %mul3A_383, %add3A_807 : i32
        %swap3A_809 = arith.index_cast %add3A_808 : i32 to index
        %swap3A_810 = arith.constant 32 : index
        %swap3A_811 = tpu.vector_load %arg11[%swap3A_809, %swap3A_810] {strides = array<i32>} : memref<128x128xf32, #tpu.memory_space<vmem>>, vector<16xf32>,
        tpu.vector_store %arg11[%swap3A_809, %swap3A_810], %mul3A_806 {strides = array<i32>} : memref<128x128xf32, #tpu.memory_space<vmem>>, vector<16xf32>,
        %add3A_812 = arith.constant 4 : i32
        %add3A_813 = arith.addi %mul3A_383, %add3A_812 : i32
        %get3A_814 = arith.index_cast %add3A_813 : i32 to index
        %get3A_815 = arith.constant 48 : index
        %get3A_816 = tpu.vector_load %arg11[%get3A_814, %get3A_815] {strides = array<i32>} : memref<128x128xf32, #tpu.memory_space<vmem>>, vector<16xf32>,
        %mul3A_817 = vector.broadcast %squeeze3A_775 : f32 to vector<16xf32>
        %mul3A_818 = arith.mulf %get3A_816, %mul3A_817 : vector<16xf32>
        %add3A_819 = arith.constant 4 : i32
        %add3A_820 = arith.addi %mul3A_383, %add3A_819 : i32
        %swap3A_821 = arith.index_cast %add3A_820 : i32 to index
        %swap3A_822 = arith.constant 48 : index
        %swap3A_823 = tpu.vector_load %arg11[%swap3A_821, %swap3A_822] {strides = array<i32>} : memref<128x128xf32, #tpu.memory_space<vmem>>, vector<16xf32>,
        tpu.vector_store %arg11[%swap3A_821, %swap3A_822], %mul3A_818 {strides = array<i32>} : memref<128x128xf32, #tpu.memory_space<vmem>>, vector<16xf32>,
        %add3A_824 = arith.constant 4 : i32
        %add3A_825 = arith.addi %mul3A_383, %add3A_824 : i32
        %get3A_826 = arith.index_cast %add3A_825 : i32 to index
        %get3A_827 = arith.constant 64 : index
        %get3A_828 = tpu.vector_load %arg11[%get3A_826, %get3A_827] {strides = array<i32>} : memref<128x128xf32, #tpu.memory_space<vmem>>, vector<16xf32>,
        %mul3A_829 = vector.broadcast %squeeze3A_775 : f32 to vector<16xf32>
        %mul3A_830 = arith.mulf %get3A_828, %mul3A_829 : vector<16xf32>
        %add3A_831 = arith.constant 4 : i32
        %add3A_832 = arith.addi %mul3A_383, %add3A_831 : i32
        %swap3A_833 = arith.index_cast %add3A_832 : i32 to index
        %swap3A_834 = arith.constant 64 : index
        %swap3A_835 = tpu.vector_load %arg11[%swap3A_833, %swap3A_834] {strides = array<i32>} : memref<128x128xf32, #tpu.memory_space<vmem>>, vector<16xf32>,
        tpu.vector_store %arg11[%swap3A_833, %swap3A_834], %mul3A_830 {strides = array<i32>} : memref<128x128xf32, #tpu.memory_space<vmem>>, vector<16xf32>,
        %add3A_836 = arith.constant 4 : i32
        %add3A_837 = arith.addi %mul3A_383, %add3A_836 : i32
        %get3A_838 = arith.index_cast %add3A_837 : i32 to index
        %get3A_839 = arith.constant 80 : index
        %get3A_840 = tpu.vector_load %arg11[%get3A_838, %get3A_839] {strides = array<i32>} : memref<128x128xf32, #tpu.memory_space<vmem>>, vector<16xf32>,
        %mul3A_841 = vector.broadcast %squeeze3A_775 : f32 to vector<16xf32>
        %mul3A_842 = arith.mulf %get3A_840, %mul3A_841 : vector<16xf32>
        %add3A_843 = arith.constant 4 : i32
        %add3A_844 = arith.addi %mul3A_383, %add3A_843 : i32
        %swap3A_845 = arith.index_cast %add3A_844 : i32 to index
        %swap3A_846 = arith.constant 80 : index
        %swap3A_847 = tpu.vector_load %arg11[%swap3A_845, %swap3A_846] {strides = array<i32>} : memref<128x128xf32, #tpu.memory_space<vmem>>, vector<16xf32>,
        tpu.vector_store %arg11[%swap3A_845, %swap3A_846], %mul3A_842 {strides = array<i32>} : memref<128x128xf32, #tpu.memory_space<vmem>>, vector<16xf32>,
        %add3A_848 = arith.constant 4 : i32
        %add3A_849 = arith.addi %mul3A_383, %add3A_848 : i32
        %get3A_850 = arith.index_cast %add3A_849 : i32 to index
        %get3A_851 = arith.constant 96 : index
        %get3A_852 = tpu.vector_load %arg11[%get3A_850, %get3A_851] {strides = array<i32>} : memref<128x128xf32, #tpu.memory_space<vmem>>, vector<16xf32>,
        %mul3A_853 = vector.broadcast %squeeze3A_775 : f32 to vector<16xf32>
        %mul3A_854 = arith.mulf %get3A_852, %mul3A_853 : vector<16xf32>
        %add3A_855 = arith.constant 4 : i32
        %add3A_856 = arith.addi %mul3A_383, %add3A_855 : i32
        %swap3A_857 = arith.index_cast %add3A_856 : i32 to index
        %swap3A_858 = arith.constant 96 : index
        %swap3A_859 = tpu.vector_load %arg11[%swap3A_857, %swap3A_858] {strides = array<i32>} : memref<128x128xf32, #tpu.memory_space<vmem>>, vector<16xf32>,
        tpu.vector_store %arg11[%swap3A_857, %swap3A_858], %mul3A_854 {strides = array<i32>} : memref<128x128xf32, #tpu.memory_space<vmem>>, vector<16xf32>,
        %add3A_860 = arith.constant 4 : i32
        %add3A_861 = arith.addi %mul3A_383, %add3A_860 : i32
        %get3A_862 = arith.index_cast %add3A_861 : i32 to index
        %get3A_863 = arith.constant 112 : index
        %get3A_864 = tpu.vector_load %arg11[%get3A_862, %get3A_863] {strides = array<i32>} : memref<128x128xf32, #tpu.memory_space<vmem>>, vector<16xf32>,
        %mul3A_865 = vector.broadcast %squeeze3A_775 : f32 to vector<16xf32>
        %mul3A_866 = arith.mulf %get3A_864, %mul3A_865 : vector<16xf32>
        %add3A_867 = arith.constant 4 : i32
        %add3A_868 = arith.addi %mul3A_383, %add3A_867 : i32
        %swap3A_869 = arith.index_cast %add3A_868 : i32 to index
        %swap3A_870 = arith.constant 112 : index
        %swap3A_871 = tpu.vector_load %arg11[%swap3A_869, %swap3A_870] {strides = array<i32>} : memref<128x128xf32, #tpu.memory_space<vmem>>, vector<16xf32>,
        tpu.vector_store %arg11[%swap3A_869, %swap3A_870], %mul3A_866 {strides = array<i32>} : memref<128x128xf32, #tpu.memory_space<vmem>>, vector<16xf32>,
        %slice3A_872 = vector.extract_strided_slice %get3A_381 {offsets = [5], sizes = [1], strides = [1]} : vector<16xf32> to vector<1xf32>
        %squeeze3A_873 = vector.extract %slice3A_872[0] : f32 from vector<1xf32>
        %add3A_874 = arith.constant 5 : i32
        %add3A_875 = arith.addi %mul3A_383, %add3A_874 : i32
        %get3A_876 = arith.index_cast %add3A_875 : i32 to index
        %get3A_877 = arith.constant 0 : index
        %get3A_878 = tpu.vector_load %arg11[%get3A_876, %get3A_877] {strides = array<i32>} : memref<128x128xf32, #tpu.memory_space<vmem>>, vector<16xf32>,
        %mul3A_879 = vector.broadcast %squeeze3A_873 : f32 to vector<16xf32>
        %mul3A_880 = arith.mulf %get3A_878, %mul3A_879 : vector<16xf32>
        %add3A_881 = arith.constant 5 : i32
        %add3A_882 = arith.addi %mul3A_383, %add3A_881 : i32
        %swap3A_883 = arith.index_cast %add3A_882 : i32 to index
        %swap3A_884 = arith.constant 0 : index
        %swap3A_885 = tpu.vector_load %arg11[%swap3A_883, %swap3A_884] {strides = array<i32>} : memref<128x128xf32, #tpu.memory_space<vmem>>, vector<16xf32>,
        tpu.vector_store %arg11[%swap3A_883, %swap3A_884], %mul3A_880 {strides = array<i32>} : memref<128x128xf32, #tpu.memory_space<vmem>>, vector<16xf32>,
        %add3A_886 = arith.constant 5 : i32
        %add3A_887 = arith.addi %mul3A_383, %add3A_886 : i32
        %get3A_888 = arith.index_cast %add3A_887 : i32 to index
        %get3A_889 = arith.constant 16 : index
        %get3A_890 = tpu.vector_load %arg11[%get3A_888, %get3A_889] {strides = array<i32>} : memref<128x128xf32, #tpu.memory_space<vmem>>, vector<16xf32>,
        %mul3A_891 = vector.broadcast %squeeze3A_873 : f32 to vector<16xf32>
        %mul3A_892 = arith.mulf %get3A_890, %mul3A_891 : vector<16xf32>
        %add3A_893 = arith.constant 5 : i32
        %add3A_894 = arith.addi %mul3A_383, %add3A_893 : i32
        %swap3A_895 = arith.index_cast %add3A_894 : i32 to index
        %swap3A_896 = arith.constant 16 : index
        %swap3A_897 = tpu.vector_load %arg11[%swap3A_895, %swap3A_896] {strides = array<i32>} : memref<128x128xf32, #tpu.memory_space<vmem>>, vector<16xf32>,
        tpu.vector_store %arg11[%swap3A_895, %swap3A_896], %mul3A_892 {strides = array<i32>} : memref<128x128xf32, #tpu.memory_space<vmem>>, vector<16xf32>,
        %add3A_898 = arith.constant 5 : i32
        %add3A_899 = arith.addi %mul3A_383, %add3A_898 : i32
        %get3A_900 = arith.index_cast %add3A_899 : i32 to index
        %get3A_901 = arith.constant 32 : index
        %get3A_902 = tpu.vector_load %arg11[%get3A_900, %get3A_901] {strides = array<i32>} : memref<128x128xf32, #tpu.memory_space<vmem>>, vector<16xf32>,
        %mul3A_903 = vector.broadcast %squeeze3A_873 : f32 to vector<16xf32>
        %mul3A_904 = arith.mulf %get3A_902, %mul3A_903 : vector<16xf32>
        %add3A_905 = arith.constant 5 : i32
        %add3A_906 = arith.addi %mul3A_383, %add3A_905 : i32
        %swap3A_907 = arith.index_cast %add3A_906 : i32 to index
        %swap3A_908 = arith.constant 32 : index
        %swap3A_909 = tpu.vector_load %arg11[%swap3A_907, %swap3A_908] {strides = array<i32>} : memref<128x128xf32, #tpu.memory_space<vmem>>, vector<16xf32>,
        tpu.vector_store %arg11[%swap3A_907, %swap3A_908], %mul3A_904 {strides = array<i32>} : memref<128x128xf32, #tpu.memory_space<vmem>>, vector<16xf32>,
        %add3A_910 = arith.constant 5 : i32
        %add3A_911 = arith.addi %mul3A_383, %add3A_910 : i32
        %get3A_912 = arith.index_cast %add3A_911 : i32 to index
        %get3A_913 = arith.constant 48 : index
        %get3A_914 = tpu.vector_load %arg11[%get3A_912, %get3A_913] {strides = array<i32>} : memref<128x128xf32, #tpu.memory_space<vmem>>, vector<16xf32>,
        %mul3A_915 = vector.broadcast %squeeze3A_873 : f32 to vector<16xf32>
        %mul3A_916 = arith.mulf %get3A_914, %mul3A_915 : vector<16xf32>
        %add3A_917 = arith.constant 5 : i32
        %add3A_918 = arith.addi %mul3A_383, %add3A_917 : i32
        %swap3A_919 = arith.index_cast %add3A_918 : i32 to index
        %swap3A_920 = arith.constant 48 : index
        %swap3A_921 = tpu.vector_load %arg11[%swap3A_919, %swap3A_920] {strides = array<i32>} : memref<128x128xf32, #tpu.memory_space<vmem>>, vector<16xf32>,
        tpu.vector_store %arg11[%swap3A_919, %swap3A_920], %mul3A_916 {strides = array<i32>} : memref<128x128xf32, #tpu.memory_space<vmem>>, vector<16xf32>,
        %add3A_922 = arith.constant 5 : i32
        %add3A_923 = arith.addi %mul3A_383, %add3A_922 : i32
        %get3A_924 = arith.index_cast %add3A_923 : i32 to index
        %get3A_925 = arith.constant 64 : index
        %get3A_926 = tpu.vector_load %arg11[%get3A_924, %get3A_925] {strides = array<i32>} : memref<128x128xf32, #tpu.memory_space<vmem>>, vector<16xf32>,
        %mul3A_927 = vector.broadcast %squeeze3A_873 : f32 to vector<16xf32>
        %mul3A_928 = arith.mulf %get3A_926, %mul3A_927 : vector<16xf32>
        %add3A_929 = arith.constant 5 : i32
        %add3A_930 = arith.addi %mul3A_383, %add3A_929 : i32
        %swap3A_931 = arith.index_cast %add3A_930 : i32 to index
        %swap3A_932 = arith.constant 64 : index
        %swap3A_933 = tpu.vector_load %arg11[%swap3A_931, %swap3A_932] {strides = array<i32>} : memref<128x128xf32, #tpu.memory_space<vmem>>, vector<16xf32>,
        tpu.vector_store %arg11[%swap3A_931, %swap3A_932], %mul3A_928 {strides = array<i32>} : memref<128x128xf32, #tpu.memory_space<vmem>>, vector<16xf32>,
        %add3A_934 = arith.constant 5 : i32
        %add3A_935 = arith.addi %mul3A_383, %add3A_934 : i32
        %get3A_936 = arith.index_cast %add3A_935 : i32 to index
        %get3A_937 = arith.constant 80 : index
        %get3A_938 = tpu.vector_load %arg11[%get3A_936, %get3A_937] {strides = array<i32>} : memref<128x128xf32, #tpu.memory_space<vmem>>, vector<16xf32>,
        %mul3A_939 = vector.broadcast %squeeze3A_873 : f32 to vector<16xf32>
        %mul3A_940 = arith.mulf %get3A_938, %mul3A_939 : vector<16xf32>
        %add3A_941 = arith.constant 5 : i32
        %add3A_942 = arith.addi %mul3A_383, %add3A_941 : i32
        %swap3A_943 = arith.index_cast %add3A_942 : i32 to index
        %swap3A_944 = arith.constant 80 : index
        %swap3A_945 = tpu.vector_load %arg11[%swap3A_943, %swap3A_944] {strides = array<i32>} : memref<128x128xf32, #tpu.memory_space<vmem>>, vector<16xf32>,
        tpu.vector_store %arg11[%swap3A_943, %swap3A_944], %mul3A_940 {strides = array<i32>} : memref<128x128xf32, #tpu.memory_space<vmem>>, vector<16xf32>,
        %add3A_946 = arith.constant 5 : i32
        %add3A_947 = arith.addi %mul3A_383, %add3A_946 : i32
        %get3A_948 = arith.index_cast %add3A_947 : i32 to index
        %get3A_949 = arith.constant 96 : index
        %get3A_950 = tpu.vector_load %arg11[%get3A_948, %get3A_949] {strides = array<i32>} : memref<128x128xf32, #tpu.memory_space<vmem>>, vector<16xf32>,
        %mul3A_951 = vector.broadcast %squeeze3A_873 : f32 to vector<16xf32>
        %mul3A_952 = arith.mulf %get3A_950, %mul3A_951 : vector<16xf32>
        %add3A_953 = arith.constant 5 : i32
        %add3A_954 = arith.addi %mul3A_383, %add3A_953 : i32
        %swap3A_955 = arith.index_cast %add3A_954 : i32 to index
        %swap3A_956 = arith.constant 96 : index
        %swap3A_957 = tpu.vector_load %arg11[%swap3A_955, %swap3A_956] {strides = array<i32>} : memref<128x128xf32, #tpu.memory_space<vmem>>, vector<16xf32>,
        tpu.vector_store %arg11[%swap3A_955, %swap3A_956], %mul3A_952 {strides = array<i32>} : memref<128x128xf32, #tpu.memory_space<vmem>>, vector<16xf32>,
        %add3A_958 = arith.constant 5 : i32
        %add3A_959 = arith.addi %mul3A_383, %add3A_958 : i32
        %get3A_960 = arith.index_cast %add3A_959 : i32 to index
        %get3A_961 = arith.constant 112 : index
        %get3A_962 = tpu.vector_load %arg11[%get3A_960, %get3A_961] {strides = array<i32>} : memref<128x128xf32, #tpu.memory_space<vmem>>, vector<16xf32>,
        %mul3A_963 = vector.broadcast %squeeze3A_873 : f32 to vector<16xf32>
        %mul3A_964 = arith.mulf %get3A_962, %mul3A_963 : vector<16xf32>
        %add3A_965 = arith.constant 5 : i32
        %add3A_966 = arith.addi %mul3A_383, %add3A_965 : i32
        %swap3A_967 = arith.index_cast %add3A_966 : i32 to index
        %swap3A_968 = arith.constant 112 : index
        %swap3A_969 = tpu.vector_load %arg11[%swap3A_967, %swap3A_968] {strides = array<i32>} : memref<128x128xf32, #tpu.memory_space<vmem>>, vector<16xf32>,
        tpu.vector_store %arg11[%swap3A_967, %swap3A_968], %mul3A_964 {strides = array<i32>} : memref<128x128xf32, #tpu.memory_space<vmem>>, vector<16xf32>,
        %slice3A_970 = vector.extract_strided_slice %get3A_381 {offsets = [6], sizes = [1], strides = [1]} : vector<16xf32> to vector<1xf32>
        %squeeze3A_971 = vector.extract %slice3A_970[0] : f32 from vector<1xf32>
        %add3A_972 = arith.constant 6 : i32
        %add3A_973 = arith.addi %mul3A_383, %add3A_972 : i32
        %get3A_974 = arith.index_cast %add3A_973 : i32 to index
        %get3A_975 = arith.constant 0 : index
        %get3A_976 = tpu.vector_load %arg11[%get3A_974, %get3A_975] {strides = array<i32>} : memref<128x128xf32, #tpu.memory_space<vmem>>, vector<16xf32>,
        %mul3A_977 = vector.broadcast %squeeze3A_971 : f32 to vector<16xf32>
        %mul3A_978 = arith.mulf %get3A_976, %mul3A_977 : vector<16xf32>
        %add3A_979 = arith.constant 6 : i32
        %add3A_980 = arith.addi %mul3A_383, %add3A_979 : i32
        %swap3A_981 = arith.index_cast %add3A_980 : i32 to index
        %swap3A_982 = arith.constant 0 : index
        %swap3A_983 = tpu.vector_load %arg11[%swap3A_981, %swap3A_982] {strides = array<i32>} : memref<128x128xf32, #tpu.memory_space<vmem>>, vector<16xf32>,
        tpu.vector_store %arg11[%swap3A_981, %swap3A_982], %mul3A_978 {strides = array<i32>} : memref<128x128xf32, #tpu.memory_space<vmem>>, vector<16xf32>,
        %add3A_984 = arith.constant 6 : i32
        %add3A_985 = arith.addi %mul3A_383, %add3A_984 : i32
        %get3A_986 = arith.index_cast %add3A_985 : i32 to index
        %get3A_987 = arith.constant 16 : index
        %get3A_988 = tpu.vector_load %arg11[%get3A_986, %get3A_987] {strides = array<i32>} : memref<128x128xf32, #tpu.memory_space<vmem>>, vector<16xf32>,
        %mul3A_989 = vector.broadcast %squeeze3A_971 : f32 to vector<16xf32>
        %mul3A_990 = arith.mulf %get3A_988, %mul3A_989 : vector<16xf32>
        %add3A_991 = arith.constant 6 : i32
        %add3A_992 = arith.addi %mul3A_383, %add3A_991 : i32
        %swap3A_993 = arith.index_cast %add3A_992 : i32 to index
        %swap3A_994 = arith.constant 16 : index
        %swap3A_995 = tpu.vector_load %arg11[%swap3A_993, %swap3A_994] {strides = array<i32>} : memref<128x128xf32, #tpu.memory_space<vmem>>, vector<16xf32>,
        tpu.vector_store %arg11[%swap3A_993, %swap3A_994], %mul3A_990 {strides = array<i32>} : memref<128x128xf32, #tpu.memory_space<vmem>>, vector<16xf32>,
        %add3A_996 = arith.constant 6 : i32
        %add3A_997 = arith.addi %mul3A_383, %add3A_996 : i32
        %get3A_998 = arith.index_cast %add3A_997 : i32 to index
        %get3A_999 = arith.constant 32 : index
        %get3A_1000 = tpu.vector_load %arg11[%get3A_998, %get3A_999] {strides = array<i32>} : memref<128x128xf32, #tpu.memory_space<vmem>>, vector<16xf32>,
        %mul3A_1001 = vector.broadcast %squeeze3A_971 : f32 to vector<16xf32>
        %mul3A_1002 = arith.mulf %get3A_1000, %mul3A_1001 : vector<16xf32>
        %add3A_1003 = arith.constant 6 : i32
        %add3A_1004 = arith.addi %mul3A_383, %add3A_1003 : i32
        %swap3A_1005 = arith.index_cast %add3A_1004 : i32 to index
        %swap3A_1006 = arith.constant 32 : index
        %swap3A_1007 = tpu.vector_load %arg11[%swap3A_1005, %swap3A_1006] {strides = array<i32>} : memref<128x128xf32, #tpu.memory_space<vmem>>, vector<16xf32>,
        tpu.vector_store %arg11[%swap3A_1005, %swap3A_1006], %mul3A_1002 {strides = array<i32>} : memref<128x128xf32, #tpu.memory_space<vmem>>, vector<16xf32>,
        %add3A_1008 = arith.constant 6 : i32
        %add3A_1009 = arith.addi %mul3A_383, %add3A_1008 : i32
        %get3A_1010 = arith.index_cast %add3A_1009 : i32 to index
        %get3A_1011 = arith.constant 48 : index
        %get3A_1012 = tpu.vector_load %arg11[%get3A_1010, %get3A_1011] {strides = array<i32>} : memref<128x128xf32, #tpu.memory_space<vmem>>, vector<16xf32>,
        %mul3A_1013 = vector.broadcast %squeeze3A_971 : f32 to vector<16xf32>
        %mul3A_1014 = arith.mulf %get3A_1012, %mul3A_1013 : vector<16xf32>
        %add3A_1015 = arith.constant 6 : i32
        %add3A_1016 = arith.addi %mul3A_383, %add3A_1015 : i32
        %swap3A_1017 = arith.index_cast %add3A_1016 : i32 to index
        %swap3A_1018 = arith.constant 48 : index
        %swap3A_1019 = tpu.vector_load %arg11[%swap3A_1017, %swap3A_1018] {strides = array<i32>} : memref<128x128xf32, #tpu.memory_space<vmem>>, vector<16xf32>,
        tpu.vector_store %arg11[%swap3A_1017, %swap3A_1018], %mul3A_1014 {strides = array<i32>} : memref<128x128xf32, #tpu.memory_space<vmem>>, vector<16xf32>,
        %add3A_1020 = arith.constant 6 : i32
        %add3A_1021 = arith.addi %mul3A_383, %add3A_1020 : i32
        %get3A_1022 = arith.index_cast %add3A_1021 : i32 to index
        %get3A_1023 = arith.constant 64 : index
        %get3A_1024 = tpu.vector_load %arg11[%get3A_1022, %get3A_1023] {strides = array<i32>} : memref<128x128xf32, #tpu.memory_space<vmem>>, vector<16xf32>,
        %mul3A_1025 = vector.broadcast %squeeze3A_971 : f32 to vector<16xf32>
        %mul3A_1026 = arith.mulf %get3A_1024, %mul3A_1025 : vector<16xf32>
        %add3A_1027 = arith.constant 6 : i32
        %add3A_1028 = arith.addi %mul3A_383, %add3A_1027 : i32
        %swap3A_1029 = arith.index_cast %add3A_1028 : i32 to index
        %swap3A_1030 = arith.constant 64 : index
        %swap3A_1031 = tpu.vector_load %arg11[%swap3A_1029, %swap3A_1030] {strides = array<i32>} : memref<128x128xf32, #tpu.memory_space<vmem>>, vector<16xf32>,
        tpu.vector_store %arg11[%swap3A_1029, %swap3A_1030], %mul3A_1026 {strides = array<i32>} : memref<128x128xf32, #tpu.memory_space<vmem>>, vector<16xf32>,
        %add3A_1032 = arith.constant 6 : i32
        %add3A_1033 = arith.addi %mul3A_383, %add3A_1032 : i32
        %get3A_1034 = arith.index_cast %add3A_1033 : i32 to index
        %get3A_1035 = arith.constant 80 : index
        %get3A_1036 = tpu.vector_load %arg11[%get3A_1034, %get3A_1035] {strides = array<i32>} : memref<128x128xf32, #tpu.memory_space<vmem>>, vector<16xf32>,
        %mul3A_1037 = vector.broadcast %squeeze3A_971 : f32 to vector<16xf32>
        %mul3A_1038 = arith.mulf %get3A_1036, %mul3A_1037 : vector<16xf32>
        %add3A_1039 = arith.constant 6 : i32
        %add3A_1040 = arith.addi %mul3A_383, %add3A_1039 : i32
        %swap3A_1041 = arith.index_cast %add3A_1040 : i32 to index
        %swap3A_1042 = arith.constant 80 : index
        %swap3A_1043 = tpu.vector_load %arg11[%swap3A_1041, %swap3A_1042] {strides = array<i32>} : memref<128x128xf32, #tpu.memory_space<vmem>>, vector<16xf32>,
        tpu.vector_store %arg11[%swap3A_1041, %swap3A_1042], %mul3A_1038 {strides = array<i32>} : memref<128x128xf32, #tpu.memory_space<vmem>>, vector<16xf32>,
        %add3A_1044 = arith.constant 6 : i32
        %add3A_1045 = arith.addi %mul3A_383, %add3A_1044 : i32
        %get3A_1046 = arith.index_cast %add3A_1045 : i32 to index
        %get3A_1047 = arith.constant 96 : index
        %get3A_1048 = tpu.vector_load %arg11[%get3A_1046, %get3A_1047] {strides = array<i32>} : memref<128x128xf32, #tpu.memory_space<vmem>>, vector<16xf32>,
        %mul3A_1049 = vector.broadcast %squeeze3A_971 : f32 to vector<16xf32>
        %mul3A_1050 = arith.mulf %get3A_1048, %mul3A_1049 : vector<16xf32>
        %add3A_1051 = arith.constant 6 : i32
        %add3A_1052 = arith.addi %mul3A_383, %add3A_1051 : i32
        %swap3A_1053 = arith.index_cast %add3A_1052 : i32 to index
        %swap3A_1054 = arith.constant 96 : index
        %swap3A_1055 = tpu.vector_load %arg11[%swap3A_1053, %swap3A_1054] {strides = array<i32>} : memref<128x128xf32, #tpu.memory_space<vmem>>, vector<16xf32>,
        tpu.vector_store %arg11[%swap3A_1053, %swap3A_1054], %mul3A_1050 {strides = array<i32>} : memref<128x128xf32, #tpu.memory_space<vmem>>, vector<16xf32>,
        %add3A_1056 = arith.constant 6 : i32
        %add3A_1057 = arith.addi %mul3A_383, %add3A_1056 : i32
        %get3A_1058 = arith.index_cast %add3A_1057 : i32 to index
        %get3A_1059 = arith.constant 112 : index
        %get3A_1060 = tpu.vector_load %arg11[%get3A_1058, %get3A_1059] {strides = array<i32>} : memref<128x128xf32, #tpu.memory_space<vmem>>, vector<16xf32>,
        %mul3A_1061 = vector.broadcast %squeeze3A_971 : f32 to vector<16xf32>
        %mul3A_1062 = arith.mulf %get3A_1060, %mul3A_1061 : vector<16xf32>
        %add3A_1063 = arith.constant 6 : i32
        %add3A_1064 = arith.addi %mul3A_383, %add3A_1063 : i32
        %swap3A_1065 = arith.index_cast %add3A_1064 : i32 to index
        %swap3A_1066 = arith.constant 112 : index
        %swap3A_1067 = tpu.vector_load %arg11[%swap3A_1065, %swap3A_1066] {strides = array<i32>} : memref<128x128xf32, #tpu.memory_space<vmem>>, vector<16xf32>,
        tpu.vector_store %arg11[%swap3A_1065, %swap3A_1066], %mul3A_1062 {strides = array<i32>} : memref<128x128xf32, #tpu.memory_space<vmem>>, vector<16xf32>,
        %slice3A_1068 = vector.extract_strided_slice %get3A_381 {offsets = [7], sizes = [1], strides = [1]} : vector<16xf32> to vector<1xf32>
        %squeeze3A_1069 = vector.extract %slice3A_1068[0] : f32 from vector<1xf32>
        %add3A_1070 = arith.constant 7 : i32
        %add3A_1071 = arith.addi %mul3A_383, %add3A_1070 : i32
        %get3A_1072 = arith.index_cast %add3A_1071 : i32 to index
        %get3A_1073 = arith.constant 0 : index
        %get3A_1074 = tpu.vector_load %arg11[%get3A_1072, %get3A_1073] {strides = array<i32>} : memref<128x128xf32, #tpu.memory_space<vmem>>, vector<16xf32>,
        %mul3A_1075 = vector.broadcast %squeeze3A_1069 : f32 to vector<16xf32>
        %mul3A_1076 = arith.mulf %get3A_1074, %mul3A_1075 : vector<16xf32>
        %add3A_1077 = arith.constant 7 : i32
        %add3A_1078 = arith.addi %mul3A_383, %add3A_1077 : i32
        %swap3A_1079 = arith.index_cast %add3A_1078 : i32 to index
        %swap3A_1080 = arith.constant 0 : index
        %swap3A_1081 = tpu.vector_load %arg11[%swap3A_1079, %swap3A_1080] {strides = array<i32>} : memref<128x128xf32, #tpu.memory_space<vmem>>, vector<16xf32>,
        tpu.vector_store %arg11[%swap3A_1079, %swap3A_1080], %mul3A_1076 {strides = array<i32>} : memref<128x128xf32, #tpu.memory_space<vmem>>, vector<16xf32>,
        %add3A_1082 = arith.constant 7 : i32
        %add3A_1083 = arith.addi %mul3A_383, %add3A_1082 : i32
        %get3A_1084 = arith.index_cast %add3A_1083 : i32 to index
        %get3A_1085 = arith.constant 16 : index
        %get3A_1086 = tpu.vector_load %arg11[%get3A_1084, %get3A_1085] {strides = array<i32>} : memref<128x128xf32, #tpu.memory_space<vmem>>, vector<16xf32>,
        %mul3A_1087 = vector.broadcast %squeeze3A_1069 : f32 to vector<16xf32>
        %mul3A_1088 = arith.mulf %get3A_1086, %mul3A_1087 : vector<16xf32>
        %add3A_1089 = arith.constant 7 : i32
        %add3A_1090 = arith.addi %mul3A_383, %add3A_1089 : i32
        %swap3A_1091 = arith.index_cast %add3A_1090 : i32 to index
        %swap3A_1092 = arith.constant 16 : index
        %swap3A_1093 = tpu.vector_load %arg11[%swap3A_1091, %swap3A_1092] {strides = array<i32>} : memref<128x128xf32, #tpu.memory_space<vmem>>, vector<16xf32>,
        tpu.vector_store %arg11[%swap3A_1091, %swap3A_1092], %mul3A_1088 {strides = array<i32>} : memref<128x128xf32, #tpu.memory_space<vmem>>, vector<16xf32>,
        %add3A_1094 = arith.constant 7 : i32
        %add3A_1095 = arith.addi %mul3A_383, %add3A_1094 : i32
        %get3A_1096 = arith.index_cast %add3A_1095 : i32 to index
        %get3A_1097 = arith.constant 32 : index
        %get3A_1098 = tpu.vector_load %arg11[%get3A_1096, %get3A_1097] {strides = array<i32>} : memref<128x128xf32, #tpu.memory_space<vmem>>, vector<16xf32>,
        %mul3A_1099 = vector.broadcast %squeeze3A_1069 : f32 to vector<16xf32>
        %mul3A_1100 = arith.mulf %get3A_1098, %mul3A_1099 : vector<16xf32>
        %add3A_1101 = arith.constant 7 : i32
        %add3A_1102 = arith.addi %mul3A_383, %add3A_1101 : i32
        %swap3A_1103 = arith.index_cast %add3A_1102 : i32 to index
        %swap3A_1104 = arith.constant 32 : index
        %swap3A_1105 = tpu.vector_load %arg11[%swap3A_1103, %swap3A_1104] {strides = array<i32>} : memref<128x128xf32, #tpu.memory_space<vmem>>, vector<16xf32>,
        tpu.vector_store %arg11[%swap3A_1103, %swap3A_1104], %mul3A_1100 {strides = array<i32>} : memref<128x128xf32, #tpu.memory_space<vmem>>, vector<16xf32>,
        %add3A_1106 = arith.constant 7 : i32
        %add3A_1107 = arith.addi %mul3A_383, %add3A_1106 : i32
        %get3A_1108 = arith.index_cast %add3A_1107 : i32 to index
        %get3A_1109 = arith.constant 48 : index
        %get3A_1110 = tpu.vector_load %arg11[%get3A_1108, %get3A_1109] {strides = array<i32>} : memref<128x128xf32, #tpu.memory_space<vmem>>, vector<16xf32>,
        %mul3A_1111 = vector.broadcast %squeeze3A_1069 : f32 to vector<16xf32>
        %mul3A_1112 = arith.mulf %get3A_1110, %mul3A_1111 : vector<16xf32>
        %add3A_1113 = arith.constant 7 : i32
        %add3A_1114 = arith.addi %mul3A_383, %add3A_1113 : i32
        %swap3A_1115 = arith.index_cast %add3A_1114 : i32 to index
        %swap3A_1116 = arith.constant 48 : index
        %swap3A_1117 = tpu.vector_load %arg11[%swap3A_1115, %swap3A_1116] {strides = array<i32>} : memref<128x128xf32, #tpu.memory_space<vmem>>, vector<16xf32>,
        tpu.vector_store %arg11[%swap3A_1115, %swap3A_1116], %mul3A_1112 {strides = array<i32>} : memref<128x128xf32, #tpu.memory_space<vmem>>, vector<16xf32>,
        %add3A_1118 = arith.constant 7 : i32
        %add3A_1119 = arith.addi %mul3A_383, %add3A_1118 : i32
        %get3A_1120 = arith.index_cast %add3A_1119 : i32 to index
        %get3A_1121 = arith.constant 64 : index
        %get3A_1122 = tpu.vector_load %arg11[%get3A_1120, %get3A_1121] {strides = array<i32>} : memref<128x128xf32, #tpu.memory_space<vmem>>, vector<16xf32>,
        %mul3A_1123 = vector.broadcast %squeeze3A_1069 : f32 to vector<16xf32>
        %mul3A_1124 = arith.mulf %get3A_1122, %mul3A_1123 : vector<16xf32>
        %add3A_1125 = arith.constant 7 : i32
        %add3A_1126 = arith.addi %mul3A_383, %add3A_1125 : i32
        %swap3A_1127 = arith.index_cast %add3A_1126 : i32 to index
        %swap3A_1128 = arith.constant 64 : index
        %swap3A_1129 = tpu.vector_load %arg11[%swap3A_1127, %swap3A_1128] {strides = array<i32>} : memref<128x128xf32, #tpu.memory_space<vmem>>, vector<16xf32>,
        tpu.vector_store %arg11[%swap3A_1127, %swap3A_1128], %mul3A_1124 {strides = array<i32>} : memref<128x128xf32, #tpu.memory_space<vmem>>, vector<16xf32>,
        %add3A_1130 = arith.constant 7 : i32
        %add3A_1131 = arith.addi %mul3A_383, %add3A_1130 : i32
        %get3A_1132 = arith.index_cast %add3A_1131 : i32 to index
        %get3A_1133 = arith.constant 80 : index
        %get3A_1134 = tpu.vector_load %arg11[%get3A_1132, %get3A_1133] {strides = array<i32>} : memref<128x128xf32, #tpu.memory_space<vmem>>, vector<16xf32>,
        %mul3A_1135 = vector.broadcast %squeeze3A_1069 : f32 to vector<16xf32>
        %mul3A_1136 = arith.mulf %get3A_1134, %mul3A_1135 : vector<16xf32>
        %add3A_1137 = arith.constant 7 : i32
        %add3A_1138 = arith.addi %mul3A_383, %add3A_1137 : i32
        %swap3A_1139 = arith.index_cast %add3A_1138 : i32 to index
        %swap3A_1140 = arith.constant 80 : index
        %swap3A_1141 = tpu.vector_load %arg11[%swap3A_1139, %swap3A_1140] {strides = array<i32>} : memref<128x128xf32, #tpu.memory_space<vmem>>, vector<16xf32>,
        tpu.vector_store %arg11[%swap3A_1139, %swap3A_1140], %mul3A_1136 {strides = array<i32>} : memref<128x128xf32, #tpu.memory_space<vmem>>, vector<16xf32>,
        %add3A_1142 = arith.constant 7 : i32
        %add3A_1143 = arith.addi %mul3A_383, %add3A_1142 : i32
        %get3A_1144 = arith.index_cast %add3A_1143 : i32 to index
        %get3A_1145 = arith.constant 96 : index
        %get3A_1146 = tpu.vector_load %arg11[%get3A_1144, %get3A_1145] {strides = array<i32>} : memref<128x128xf32, #tpu.memory_space<vmem>>, vector<16xf32>,
        %mul3A_1147 = vector.broadcast %squeeze3A_1069 : f32 to vector<16xf32>
        %mul3A_1148 = arith.mulf %get3A_1146, %mul3A_1147 : vector<16xf32>
        %add3A_1149 = arith.constant 7 : i32
        %add3A_1150 = arith.addi %mul3A_383, %add3A_1149 : i32
        %swap3A_1151 = arith.index_cast %add3A_1150 : i32 to index
        %swap3A_1152 = arith.constant 96 : index
        %swap3A_1153 = tpu.vector_load %arg11[%swap3A_1151, %swap3A_1152] {strides = array<i32>} : memref<128x128xf32, #tpu.memory_space<vmem>>, vector<16xf32>,
        tpu.vector_store %arg11[%swap3A_1151, %swap3A_1152], %mul3A_1148 {strides = array<i32>} : memref<128x128xf32, #tpu.memory_space<vmem>>, vector<16xf32>,
        %add3A_1154 = arith.constant 7 : i32
        %add3A_1155 = arith.addi %mul3A_383, %add3A_1154 : i32
        %get3A_1156 = arith.index_cast %add3A_1155 : i32 to index
        %get3A_1157 = arith.constant 112 : index
        %get3A_1158 = tpu.vector_load %arg11[%get3A_1156, %get3A_1157] {strides = array<i32>} : memref<128x128xf32, #tpu.memory_space<vmem>>, vector<16xf32>,
        %mul3A_1159 = vector.broadcast %squeeze3A_1069 : f32 to vector<16xf32>
        %mul3A_1160 = arith.mulf %get3A_1158, %mul3A_1159 : vector<16xf32>
        %add3A_1161 = arith.constant 7 : i32
        %add3A_1162 = arith.addi %mul3A_383, %add3A_1161 : i32
        %swap3A_1163 = arith.index_cast %add3A_1162 : i32 to index
        %swap3A_1164 = arith.constant 112 : index
        %swap3A_1165 = tpu.vector_load %arg11[%swap3A_1163, %swap3A_1164] {strides = array<i32>} : memref<128x128xf32, #tpu.memory_space<vmem>>, vector<16xf32>,
        tpu.vector_store %arg11[%swap3A_1163, %swap3A_1164], %mul3A_1160 {strides = array<i32>} : memref<128x128xf32, #tpu.memory_space<vmem>>, vector<16xf32>,
        %slice3A_1166 = vector.extract_strided_slice %get3A_381 {offsets = [8], sizes = [1], strides = [1]} : vector<16xf32> to vector<1xf32>
        %squeeze3A_1167 = vector.extract %slice3A_1166[0] : f32 from vector<1xf32>
        %add3A_1168 = arith.constant 8 : i32
        %add3A_1169 = arith.addi %mul3A_383, %add3A_1168 : i32
        %get3A_1170 = arith.index_cast %add3A_1169 : i32 to index
        %get3A_1171 = arith.constant 0 : index
        %get3A_1172 = tpu.vector_load %arg11[%get3A_1170, %get3A_1171] {strides = array<i32>} : memref<128x128xf32, #tpu.memory_space<vmem>>, vector<16xf32>,
        %mul3A_1173 = vector.broadcast %squeeze3A_1167 : f32 to vector<16xf32>
        %mul3A_1174 = arith.mulf %get3A_1172, %mul3A_1173 : vector<16xf32>
        %add3A_1175 = arith.constant 8 : i32
        %add3A_1176 = arith.addi %mul3A_383, %add3A_1175 : i32
        %swap3A_1177 = arith.index_cast %add3A_1176 : i32 to index
        %swap3A_1178 = arith.constant 0 : index
        %swap3A_1179 = tpu.vector_load %arg11[%swap3A_1177, %swap3A_1178] {strides = array<i32>} : memref<128x128xf32, #tpu.memory_space<vmem>>, vector<16xf32>,
        tpu.vector_store %arg11[%swap3A_1177, %swap3A_1178], %mul3A_1174 {strides = array<i32>} : memref<128x128xf32, #tpu.memory_space<vmem>>, vector<16xf32>,
        %add3A_1180 = arith.constant 8 : i32
        %add3A_1181 = arith.addi %mul3A_383, %add3A_1180 : i32
        %get3A_1182 = arith.index_cast %add3A_1181 : i32 to index
        %get3A_1183 = arith.constant 16 : index
        %get3A_1184 = tpu.vector_load %arg11[%get3A_1182, %get3A_1183] {strides = array<i32>} : memref<128x128xf32, #tpu.memory_space<vmem>>, vector<16xf32>,
        %mul3A_1185 = vector.broadcast %squeeze3A_1167 : f32 to vector<16xf32>
        %mul3A_1186 = arith.mulf %get3A_1184, %mul3A_1185 : vector<16xf32>
        %add3A_1187 = arith.constant 8 : i32
        %add3A_1188 = arith.addi %mul3A_383, %add3A_1187 : i32
        %swap3A_1189 = arith.index_cast %add3A_1188 : i32 to index
        %swap3A_1190 = arith.constant 16 : index
        %swap3A_1191 = tpu.vector_load %arg11[%swap3A_1189, %swap3A_1190] {strides = array<i32>} : memref<128x128xf32, #tpu.memory_space<vmem>>, vector<16xf32>,
        tpu.vector_store %arg11[%swap3A_1189, %swap3A_1190], %mul3A_1186 {strides = array<i32>} : memref<128x128xf32, #tpu.memory_space<vmem>>, vector<16xf32>,
        %add3A_1192 = arith.constant 8 : i32
        %add3A_1193 = arith.addi %mul3A_383, %add3A_1192 : i32
        %get3A_1194 = arith.index_cast %add3A_1193 : i32 to index
        %get3A_1195 = arith.constant 32 : index
        %get3A_1196 = tpu.vector_load %arg11[%get3A_1194, %get3A_1195] {strides = array<i32>} : memref<128x128xf32, #tpu.memory_space<vmem>>, vector<16xf32>,
        %mul3A_1197 = vector.broadcast %squeeze3A_1167 : f32 to vector<16xf32>
        %mul3A_1198 = arith.mulf %get3A_1196, %mul3A_1197 : vector<16xf32>
        %add3A_1199 = arith.constant 8 : i32
        %add3A_1200 = arith.addi %mul3A_383, %add3A_1199 : i32
        %swap3A_1201 = arith.index_cast %add3A_1200 : i32 to index
        %swap3A_1202 = arith.constant 32 : index
        %swap3A_1203 = tpu.vector_load %arg11[%swap3A_1201, %swap3A_1202] {strides = array<i32>} : memref<128x128xf32, #tpu.memory_space<vmem>>, vector<16xf32>,
        tpu.vector_store %arg11[%swap3A_1201, %swap3A_1202], %mul3A_1198 {strides = array<i32>} : memref<128x128xf32, #tpu.memory_space<vmem>>, vector<16xf32>,
        %add3A_1204 = arith.constant 8 : i32
        %add3A_1205 = arith.addi %mul3A_383, %add3A_1204 : i32
        %get3A_1206 = arith.index_cast %add3A_1205 : i32 to index
        %get3A_1207 = arith.constant 48 : index
        %get3A_1208 = tpu.vector_load %arg11[%get3A_1206, %get3A_1207] {strides = array<i32>} : memref<128x128xf32, #tpu.memory_space<vmem>>, vector<16xf32>,
        %mul3A_1209 = vector.broadcast %squeeze3A_1167 : f32 to vector<16xf32>
        %mul3A_1210 = arith.mulf %get3A_1208, %mul3A_1209 : vector<16xf32>
        %add3A_1211 = arith.constant 8 : i32
        %add3A_1212 = arith.addi %mul3A_383, %add3A_1211 : i32
        %swap3A_1213 = arith.index_cast %add3A_1212 : i32 to index
        %swap3A_1214 = arith.constant 48 : index
        %swap3A_1215 = tpu.vector_load %arg11[%swap3A_1213, %swap3A_1214] {strides = array<i32>} : memref<128x128xf32, #tpu.memory_space<vmem>>, vector<16xf32>,
        tpu.vector_store %arg11[%swap3A_1213, %swap3A_1214], %mul3A_1210 {strides = array<i32>} : memref<128x128xf32, #tpu.memory_space<vmem>>, vector<16xf32>,
        %add3A_1216 = arith.constant 8 : i32
        %add3A_1217 = arith.addi %mul3A_383, %add3A_1216 : i32
        %get3A_1218 = arith.index_cast %add3A_1217 : i32 to index
        %get3A_1219 = arith.constant 64 : index
        %get3A_1220 = tpu.vector_load %arg11[%get3A_1218, %get3A_1219] {strides = array<i32>} : memref<128x128xf32, #tpu.memory_space<vmem>>, vector<16xf32>,
        %mul3A_1221 = vector.broadcast %squeeze3A_1167 : f32 to vector<16xf32>
        %mul3A_1222 = arith.mulf %get3A_1220, %mul3A_1221 : vector<16xf32>
        %add3A_1223 = arith.constant 8 : i32
        %add3A_1224 = arith.addi %mul3A_383, %add3A_1223 : i32
        %swap3A_1225 = arith.index_cast %add3A_1224 : i32 to index
        %swap3A_1226 = arith.constant 64 : index
        %swap3A_1227 = tpu.vector_load %arg11[%swap3A_1225, %swap3A_1226] {strides = array<i32>} : memref<128x128xf32, #tpu.memory_space<vmem>>, vector<16xf32>,
        tpu.vector_store %arg11[%swap3A_1225, %swap3A_1226], %mul3A_1222 {strides = array<i32>} : memref<128x128xf32, #tpu.memory_space<vmem>>, vector<16xf32>,
        %add3A_1228 = arith.constant 8 : i32
        %add3A_1229 = arith.addi %mul3A_383, %add3A_1228 : i32
        %get3A_1230 = arith.index_cast %add3A_1229 : i32 to index
        %get3A_1231 = arith.constant 80 : index
        %get3A_1232 = tpu.vector_load %arg11[%get3A_1230, %get3A_1231] {strides = array<i32>} : memref<128x128xf32, #tpu.memory_space<vmem>>, vector<16xf32>,
        %mul3A_1233 = vector.broadcast %squeeze3A_1167 : f32 to vector<16xf32>
        %mul3A_1234 = arith.mulf %get3A_1232, %mul3A_1233 : vector<16xf32>
        %add3A_1235 = arith.constant 8 : i32
        %add3A_1236 = arith.addi %mul3A_383, %add3A_1235 : i32
        %swap3A_1237 = arith.index_cast %add3A_1236 : i32 to index
        %swap3A_1238 = arith.constant 80 : index
        %swap3A_1239 = tpu.vector_load %arg11[%swap3A_1237, %swap3A_1238] {strides = array<i32>} : memref<128x128xf32, #tpu.memory_space<vmem>>, vector<16xf32>,
        tpu.vector_store %arg11[%swap3A_1237, %swap3A_1238], %mul3A_1234 {strides = array<i32>} : memref<128x128xf32, #tpu.memory_space<vmem>>, vector<16xf32>,
        %add3A_1240 = arith.constant 8 : i32
        %add3A_1241 = arith.addi %mul3A_383, %add3A_1240 : i32
        %get3A_1242 = arith.index_cast %add3A_1241 : i32 to index
        %get3A_1243 = arith.constant 96 : index
        %get3A_1244 = tpu.vector_load %arg11[%get3A_1242, %get3A_1243] {strides = array<i32>} : memref<128x128xf32, #tpu.memory_space<vmem>>, vector<16xf32>,
        %mul3A_1245 = vector.broadcast %squeeze3A_1167 : f32 to vector<16xf32>
        %mul3A_1246 = arith.mulf %get3A_1244, %mul3A_1245 : vector<16xf32>
        %add3A_1247 = arith.constant 8 : i32
        %add3A_1248 = arith.addi %mul3A_383, %add3A_1247 : i32
        %swap3A_1249 = arith.index_cast %add3A_1248 : i32 to index
        %swap3A_1250 = arith.constant 96 : index
        %swap3A_1251 = tpu.vector_load %arg11[%swap3A_1249, %swap3A_1250] {strides = array<i32>} : memref<128x128xf32, #tpu.memory_space<vmem>>, vector<16xf32>,
        tpu.vector_store %arg11[%swap3A_1249, %swap3A_1250], %mul3A_1246 {strides = array<i32>} : memref<128x128xf32, #tpu.memory_space<vmem>>, vector<16xf32>,
        %add3A_1252 = arith.constant 8 : i32
        %add3A_1253 = arith.addi %mul3A_383, %add3A_1252 : i32
        %get3A_1254 = arith.index_cast %add3A_1253 : i32 to index
        %get3A_1255 = arith.constant 112 : index
        %get3A_1256 = tpu.vector_load %arg11[%get3A_1254, %get3A_1255] {strides = array<i32>} : memref<128x128xf32, #tpu.memory_space<vmem>>, vector<16xf32>,
        %mul3A_1257 = vector.broadcast %squeeze3A_1167 : f32 to vector<16xf32>
        %mul3A_1258 = arith.mulf %get3A_1256, %mul3A_1257 : vector<16xf32>
        %add3A_1259 = arith.constant 8 : i32
        %add3A_1260 = arith.addi %mul3A_383, %add3A_1259 : i32
        %swap3A_1261 = arith.index_cast %add3A_1260 : i32 to index
        %swap3A_1262 = arith.constant 112 : index
        %swap3A_1263 = tpu.vector_load %arg11[%swap3A_1261, %swap3A_1262] {strides = array<i32>} : memref<128x128xf32, #tpu.memory_space<vmem>>, vector<16xf32>,
        tpu.vector_store %arg11[%swap3A_1261, %swap3A_1262], %mul3A_1258 {strides = array<i32>} : memref<128x128xf32, #tpu.memory_space<vmem>>, vector<16xf32>,
        %slice3A_1264 = vector.extract_strided_slice %get3A_381 {offsets = [9], sizes = [1], strides = [1]} : vector<16xf32> to vector<1xf32>
        %squeeze3A_1265 = vector.extract %slice3A_1264[0] : f32 from vector<1xf32>
        %add3A_1266 = arith.constant 9 : i32
        %add3A_1267 = arith.addi %mul3A_383, %add3A_1266 : i32
        %get3A_1268 = arith.index_cast %add3A_1267 : i32 to index
        %get3A_1269 = arith.constant 0 : index
        %get3A_1270 = tpu.vector_load %arg11[%get3A_1268, %get3A_1269] {strides = array<i32>} : memref<128x128xf32, #tpu.memory_space<vmem>>, vector<16xf32>,
        %mul3A_1271 = vector.broadcast %squeeze3A_1265 : f32 to vector<16xf32>
        %mul3A_1272 = arith.mulf %get3A_1270, %mul3A_1271 : vector<16xf32>
        %add3A_1273 = arith.constant 9 : i32
        %add3A_1274 = arith.addi %mul3A_383, %add3A_1273 : i32
        %swap3A_1275 = arith.index_cast %add3A_1274 : i32 to index
        %swap3A_1276 = arith.constant 0 : index
        %swap3A_1277 = tpu.vector_load %arg11[%swap3A_1275, %swap3A_1276] {strides = array<i32>} : memref<128x128xf32, #tpu.memory_space<vmem>>, vector<16xf32>,
        tpu.vector_store %arg11[%swap3A_1275, %swap3A_1276], %mul3A_1272 {strides = array<i32>} : memref<128x128xf32, #tpu.memory_space<vmem>>, vector<16xf32>,
        %add3A_1278 = arith.constant 9 : i32
        %add3A_1279 = arith.addi %mul3A_383, %add3A_1278 : i32
        %get3A_1280 = arith.index_cast %add3A_1279 : i32 to index
        %get3A_1281 = arith.constant 16 : index
        %get3A_1282 = tpu.vector_load %arg11[%get3A_1280, %get3A_1281] {strides = array<i32>} : memref<128x128xf32, #tpu.memory_space<vmem>>, vector<16xf32>,
        %mul3A_1283 = vector.broadcast %squeeze3A_1265 : f32 to vector<16xf32>
        %mul3A_1284 = arith.mulf %get3A_1282, %mul3A_1283 : vector<16xf32>
        %add3A_1285 = arith.constant 9 : i32
        %add3A_1286 = arith.addi %mul3A_383, %add3A_1285 : i32
        %swap3A_1287 = arith.index_cast %add3A_1286 : i32 to index
        %swap3A_1288 = arith.constant 16 : index
        %swap3A_1289 = tpu.vector_load %arg11[%swap3A_1287, %swap3A_1288] {strides = array<i32>} : memref<128x128xf32, #tpu.memory_space<vmem>>, vector<16xf32>,
        tpu.vector_store %arg11[%swap3A_1287, %swap3A_1288], %mul3A_1284 {strides = array<i32>} : memref<128x128xf32, #tpu.memory_space<vmem>>, vector<16xf32>,
        %add3A_1290 = arith.constant 9 : i32
        %add3A_1291 = arith.addi %mul3A_383, %add3A_1290 : i32
        %get3A_1292 = arith.index_cast %add3A_1291 : i32 to index
        %get3A_1293 = arith.constant 32 : index
        %get3A_1294 = tpu.vector_load %arg11[%get3A_1292, %get3A_1293] {strides = array<i32>} : memref<128x128xf32, #tpu.memory_space<vmem>>, vector<16xf32>,
        %mul3A_1295 = vector.broadcast %squeeze3A_1265 : f32 to vector<16xf32>
        %mul3A_1296 = arith.mulf %get3A_1294, %mul3A_1295 : vector<16xf32>
        %add3A_1297 = arith.constant 9 : i32
        %add3A_1298 = arith.addi %mul3A_383, %add3A_1297 : i32
        %swap3A_1299 = arith.index_cast %add3A_1298 : i32 to index
        %swap3A_1300 = arith.constant 32 : index
        %swap3A_1301 = tpu.vector_load %arg11[%swap3A_1299, %swap3A_1300] {strides = array<i32>} : memref<128x128xf32, #tpu.memory_space<vmem>>, vector<16xf32>,
        tpu.vector_store %arg11[%swap3A_1299, %swap3A_1300], %mul3A_1296 {strides = array<i32>} : memref<128x128xf32, #tpu.memory_space<vmem>>, vector<16xf32>,
        %add3A_1302 = arith.constant 9 : i32
        %add3A_1303 = arith.addi %mul3A_383, %add3A_1302 : i32
        %get3A_1304 = arith.index_cast %add3A_1303 : i32 to index
        %get3A_1305 = arith.constant 48 : index
        %get3A_1306 = tpu.vector_load %arg11[%get3A_1304, %get3A_1305] {strides = array<i32>} : memref<128x128xf32, #tpu.memory_space<vmem>>, vector<16xf32>,
        %mul3A_1307 = vector.broadcast %squeeze3A_1265 : f32 to vector<16xf32>
        %mul3A_1308 = arith.mulf %get3A_1306, %mul3A_1307 : vector<16xf32>
        %add3A_1309 = arith.constant 9 : i32
        %add3A_1310 = arith.addi %mul3A_383, %add3A_1309 : i32
        %swap3A_1311 = arith.index_cast %add3A_1310 : i32 to index
        %swap3A_1312 = arith.constant 48 : index
        %swap3A_1313 = tpu.vector_load %arg11[%swap3A_1311, %swap3A_1312] {strides = array<i32>} : memref<128x128xf32, #tpu.memory_space<vmem>>, vector<16xf32>,
        tpu.vector_store %arg11[%swap3A_1311, %swap3A_1312], %mul3A_1308 {strides = array<i32>} : memref<128x128xf32, #tpu.memory_space<vmem>>, vector<16xf32>,
        %add3A_1314 = arith.constant 9 : i32
        %add3A_1315 = arith.addi %mul3A_383, %add3A_1314 : i32
        %get3A_1316 = arith.index_cast %add3A_1315 : i32 to index
        %get3A_1317 = arith.constant 64 : index
        %get3A_1318 = tpu.vector_load %arg11[%get3A_1316, %get3A_1317] {strides = array<i32>} : memref<128x128xf32, #tpu.memory_space<vmem>>, vector<16xf32>,
        %mul3A_1319 = vector.broadcast %squeeze3A_1265 : f32 to vector<16xf32>
        %mul3A_1320 = arith.mulf %get3A_1318, %mul3A_1319 : vector<16xf32>
        %add3A_1321 = arith.constant 9 : i32
        %add3A_1322 = arith.addi %mul3A_383, %add3A_1321 : i32
        %swap3A_1323 = arith.index_cast %add3A_1322 : i32 to index
        %swap3A_1324 = arith.constant 64 : index
        %swap3A_1325 = tpu.vector_load %arg11[%swap3A_1323, %swap3A_1324] {strides = array<i32>} : memref<128x128xf32, #tpu.memory_space<vmem>>, vector<16xf32>,
        tpu.vector_store %arg11[%swap3A_1323, %swap3A_1324], %mul3A_1320 {strides = array<i32>} : memref<128x128xf32, #tpu.memory_space<vmem>>, vector<16xf32>,
        %add3A_1326 = arith.constant 9 : i32
        %add3A_1327 = arith.addi %mul3A_383, %add3A_1326 : i32
        %get3A_1328 = arith.index_cast %add3A_1327 : i32 to index
        %get3A_1329 = arith.constant 80 : index
        %get3A_1330 = tpu.vector_load %arg11[%get3A_1328, %get3A_1329] {strides = array<i32>} : memref<128x128xf32, #tpu.memory_space<vmem>>, vector<16xf32>,
        %mul3A_1331 = vector.broadcast %squeeze3A_1265 : f32 to vector<16xf32>
        %mul3A_1332 = arith.mulf %get3A_1330, %mul3A_1331 : vector<16xf32>
        %add3A_1333 = arith.constant 9 : i32
        %add3A_1334 = arith.addi %mul3A_383, %add3A_1333 : i32
        %swap3A_1335 = arith.index_cast %add3A_1334 : i32 to index
        %swap3A_1336 = arith.constant 80 : index
        %swap3A_1337 = tpu.vector_load %arg11[%swap3A_1335, %swap3A_1336] {strides = array<i32>} : memref<128x128xf32, #tpu.memory_space<vmem>>, vector<16xf32>,
        tpu.vector_store %arg11[%swap3A_1335, %swap3A_1336], %mul3A_1332 {strides = array<i32>} : memref<128x128xf32, #tpu.memory_space<vmem>>, vector<16xf32>,
        %add3A_1338 = arith.constant 9 : i32
        %add3A_1339 = arith.addi %mul3A_383, %add3A_1338 : i32
        %get3A_1340 = arith.index_cast %add3A_1339 : i32 to index
        %get3A_1341 = arith.constant 96 : index
        %get3A_1342 = tpu.vector_load %arg11[%get3A_1340, %get3A_1341] {strides = array<i32>} : memref<128x128xf32, #tpu.memory_space<vmem>>, vector<16xf32>,
        %mul3A_1343 = vector.broadcast %squeeze3A_1265 : f32 to vector<16xf32>
        %mul3A_1344 = arith.mulf %get3A_1342, %mul3A_1343 : vector<16xf32>
        %add3A_1345 = arith.constant 9 : i32
        %add3A_1346 = arith.addi %mul3A_383, %add3A_1345 : i32
        %swap3A_1347 = arith.index_cast %add3A_1346 : i32 to index
        %swap3A_1348 = arith.constant 96 : index
        %swap3A_1349 = tpu.vector_load %arg11[%swap3A_1347, %swap3A_1348] {strides = array<i32>} : memref<128x128xf32, #tpu.memory_space<vmem>>, vector<16xf32>,
        tpu.vector_store %arg11[%swap3A_1347, %swap3A_1348], %mul3A_1344 {strides = array<i32>} : memref<128x128xf32, #tpu.memory_space<vmem>>, vector<16xf32>,
        %add3A_1350 = arith.constant 9 : i32
        %add3A_1351 = arith.addi %mul3A_383, %add3A_1350 : i32
        %get3A_1352 = arith.index_cast %add3A_1351 : i32 to index
        %get3A_1353 = arith.constant 112 : index
        %get3A_1354 = tpu.vector_load %arg11[%get3A_1352, %get3A_1353] {strides = array<i32>} : memref<128x128xf32, #tpu.memory_space<vmem>>, vector<16xf32>,
        %mul3A_1355 = vector.broadcast %squeeze3A_1265 : f32 to vector<16xf32>
        %mul3A_1356 = arith.mulf %get3A_1354, %mul3A_1355 : vector<16xf32>
        %add3A_1357 = arith.constant 9 : i32
        %add3A_1358 = arith.addi %mul3A_383, %add3A_1357 : i32
        %swap3A_1359 = arith.index_cast %add3A_1358 : i32 to index
        %swap3A_1360 = arith.constant 112 : index
        %swap3A_1361 = tpu.vector_load %arg11[%swap3A_1359, %swap3A_1360] {strides = array<i32>} : memref<128x128xf32, #tpu.memory_space<vmem>>, vector<16xf32>,
        tpu.vector_store %arg11[%swap3A_1359, %swap3A_1360], %mul3A_1356 {strides = array<i32>} : memref<128x128xf32, #tpu.memory_space<vmem>>, vector<16xf32>,
        %slice3A_1362 = vector.extract_strided_slice %get3A_381 {offsets = [10], sizes = [1], strides = [1]} : vector<16xf32> to vector<1xf32>
        %squeeze3A_1363 = vector.extract %slice3A_1362[0] : f32 from vector<1xf32>
        %add3A_1364 = arith.constant 10 : i32
        %add3A_1365 = arith.addi %mul3A_383, %add3A_1364 : i32
        %get3A_1366 = arith.index_cast %add3A_1365 : i32 to index
        %get3A_1367 = arith.constant 0 : index
        %get3A_1368 = tpu.vector_load %arg11[%get3A_1366, %get3A_1367] {strides = array<i32>} : memref<128x128xf32, #tpu.memory_space<vmem>>, vector<16xf32>,
        %mul3A_1369 = vector.broadcast %squeeze3A_1363 : f32 to vector<16xf32>
        %mul3A_1370 = arith.mulf %get3A_1368, %mul3A_1369 : vector<16xf32>
        %add3A_1371 = arith.constant 10 : i32
        %add3A_1372 = arith.addi %mul3A_383, %add3A_1371 : i32
        %swap3A_1373 = arith.index_cast %add3A_1372 : i32 to index
        %swap3A_1374 = arith.constant 0 : index
        %swap3A_1375 = tpu.vector_load %arg11[%swap3A_1373, %swap3A_1374] {strides = array<i32>} : memref<128x128xf32, #tpu.memory_space<vmem>>, vector<16xf32>,
        tpu.vector_store %arg11[%swap3A_1373, %swap3A_1374], %mul3A_1370 {strides = array<i32>} : memref<128x128xf32, #tpu.memory_space<vmem>>, vector<16xf32>,
        %add3A_1376 = arith.constant 10 : i32
        %add3A_1377 = arith.addi %mul3A_383, %add3A_1376 : i32
        %get3A_1378 = arith.index_cast %add3A_1377 : i32 to index
        %get3A_1379 = arith.constant 16 : index
        %get3A_1380 = tpu.vector_load %arg11[%get3A_1378, %get3A_1379] {strides = array<i32>} : memref<128x128xf32, #tpu.memory_space<vmem>>, vector<16xf32>,
        %mul3A_1381 = vector.broadcast %squeeze3A_1363 : f32 to vector<16xf32>
        %mul3A_1382 = arith.mulf %get3A_1380, %mul3A_1381 : vector<16xf32>
        %add3A_1383 = arith.constant 10 : i32
        %add3A_1384 = arith.addi %mul3A_383, %add3A_1383 : i32
        %swap3A_1385 = arith.index_cast %add3A_1384 : i32 to index
        %swap3A_1386 = arith.constant 16 : index
        %swap3A_1387 = tpu.vector_load %arg11[%swap3A_1385, %swap3A_1386] {strides = array<i32>} : memref<128x128xf32, #tpu.memory_space<vmem>>, vector<16xf32>,
        tpu.vector_store %arg11[%swap3A_1385, %swap3A_1386], %mul3A_1382 {strides = array<i32>} : memref<128x128xf32, #tpu.memory_space<vmem>>, vector<16xf32>,
        %add3A_1388 = arith.constant 10 : i32
        %add3A_1389 = arith.addi %mul3A_383, %add3A_1388 : i32
        %get3A_1390 = arith.index_cast %add3A_1389 : i32 to index
        %get3A_1391 = arith.constant 32 : index
        %get3A_1392 = tpu.vector_load %arg11[%get3A_1390, %get3A_1391] {strides = array<i32>} : memref<128x128xf32, #tpu.memory_space<vmem>>, vector<16xf32>,
        %mul3A_1393 = vector.broadcast %squeeze3A_1363 : f32 to vector<16xf32>
        %mul3A_1394 = arith.mulf %get3A_1392, %mul3A_1393 : vector<16xf32>
        %add3A_1395 = arith.constant 10 : i32
        %add3A_1396 = arith.addi %mul3A_383, %add3A_1395 : i32
        %swap3A_1397 = arith.index_cast %add3A_1396 : i32 to index
        %swap3A_1398 = arith.constant 32 : index
        %swap3A_1399 = tpu.vector_load %arg11[%swap3A_1397, %swap3A_1398] {strides = array<i32>} : memref<128x128xf32, #tpu.memory_space<vmem>>, vector<16xf32>,
        tpu.vector_store %arg11[%swap3A_1397, %swap3A_1398], %mul3A_1394 {strides = array<i32>} : memref<128x128xf32, #tpu.memory_space<vmem>>, vector<16xf32>,
        %add3A_1400 = arith.constant 10 : i32
        %add3A_1401 = arith.addi %mul3A_383, %add3A_1400 : i32
        %get3A_1402 = arith.index_cast %add3A_1401 : i32 to index
        %get3A_1403 = arith.constant 48 : index
        %get3A_1404 = tpu.vector_load %arg11[%get3A_1402, %get3A_1403] {strides = array<i32>} : memref<128x128xf32, #tpu.memory_space<vmem>>, vector<16xf32>,
        %mul3A_1405 = vector.broadcast %squeeze3A_1363 : f32 to vector<16xf32>
        %mul3A_1406 = arith.mulf %get3A_1404, %mul3A_1405 : vector<16xf32>
        %add3A_1407 = arith.constant 10 : i32
        %add3A_1408 = arith.addi %mul3A_383, %add3A_1407 : i32
        %swap3A_1409 = arith.index_cast %add3A_1408 : i32 to index
        %swap3A_1410 = arith.constant 48 : index
        %swap3A_1411 = tpu.vector_load %arg11[%swap3A_1409, %swap3A_1410] {strides = array<i32>} : memref<128x128xf32, #tpu.memory_space<vmem>>, vector<16xf32>,
        tpu.vector_store %arg11[%swap3A_1409, %swap3A_1410], %mul3A_1406 {strides = array<i32>} : memref<128x128xf32, #tpu.memory_space<vmem>>, vector<16xf32>,
        %add3A_1412 = arith.constant 10 : i32
        %add3A_1413 = arith.addi %mul3A_383, %add3A_1412 : i32
        %get3A_1414 = arith.index_cast %add3A_1413 : i32 to index
        %get3A_1415 = arith.constant 64 : index
        %get3A_1416 = tpu.vector_load %arg11[%get3A_1414, %get3A_1415] {strides = array<i32>} : memref<128x128xf32, #tpu.memory_space<vmem>>, vector<16xf32>,
        %mul3A_1417 = vector.broadcast %squeeze3A_1363 : f32 to vector<16xf32>
        %mul3A_1418 = arith.mulf %get3A_1416, %mul3A_1417 : vector<16xf32>
        %add3A_1419 = arith.constant 10 : i32
        %add3A_1420 = arith.addi %mul3A_383, %add3A_1419 : i32
        %swap3A_1421 = arith.index_cast %add3A_1420 : i32 to index
        %swap3A_1422 = arith.constant 64 : index
        %swap3A_1423 = tpu.vector_load %arg11[%swap3A_1421, %swap3A_1422] {strides = array<i32>} : memref<128x128xf32, #tpu.memory_space<vmem>>, vector<16xf32>,
        tpu.vector_store %arg11[%swap3A_1421, %swap3A_1422], %mul3A_1418 {strides = array<i32>} : memref<128x128xf32, #tpu.memory_space<vmem>>, vector<16xf32>,
        %add3A_1424 = arith.constant 10 : i32
        %add3A_1425 = arith.addi %mul3A_383, %add3A_1424 : i32
        %get3A_1426 = arith.index_cast %add3A_1425 : i32 to index
        %get3A_1427 = arith.constant 80 : index
        %get3A_1428 = tpu.vector_load %arg11[%get3A_1426, %get3A_1427] {strides = array<i32>} : memref<128x128xf32, #tpu.memory_space<vmem>>, vector<16xf32>,
        %mul3A_1429 = vector.broadcast %squeeze3A_1363 : f32 to vector<16xf32>
        %mul3A_1430 = arith.mulf %get3A_1428, %mul3A_1429 : vector<16xf32>
        %add3A_1431 = arith.constant 10 : i32
        %add3A_1432 = arith.addi %mul3A_383, %add3A_1431 : i32
        %swap3A_1433 = arith.index_cast %add3A_1432 : i32 to index
        %swap3A_1434 = arith.constant 80 : index
        %swap3A_1435 = tpu.vector_load %arg11[%swap3A_1433, %swap3A_1434] {strides = array<i32>} : memref<128x128xf32, #tpu.memory_space<vmem>>, vector<16xf32>,
        tpu.vector_store %arg11[%swap3A_1433, %swap3A_1434], %mul3A_1430 {strides = array<i32>} : memref<128x128xf32, #tpu.memory_space<vmem>>, vector<16xf32>,
        %add3A_1436 = arith.constant 10 : i32
        %add3A_1437 = arith.addi %mul3A_383, %add3A_1436 : i32
        %get3A_1438 = arith.index_cast %add3A_1437 : i32 to index
        %get3A_1439 = arith.constant 96 : index
        %get3A_1440 = tpu.vector_load %arg11[%get3A_1438, %get3A_1439] {strides = array<i32>} : memref<128x128xf32, #tpu.memory_space<vmem>>, vector<16xf32>,
        %mul3A_1441 = vector.broadcast %squeeze3A_1363 : f32 to vector<16xf32>
        %mul3A_1442 = arith.mulf %get3A_1440, %mul3A_1441 : vector<16xf32>
        %add3A_1443 = arith.constant 10 : i32
        %add3A_1444 = arith.addi %mul3A_383, %add3A_1443 : i32
        %swap3A_1445 = arith.index_cast %add3A_1444 : i32 to index
        %swap3A_1446 = arith.constant 96 : index
        %swap3A_1447 = tpu.vector_load %arg11[%swap3A_1445, %swap3A_1446] {strides = array<i32>} : memref<128x128xf32, #tpu.memory_space<vmem>>, vector<16xf32>,
        tpu.vector_store %arg11[%swap3A_1445, %swap3A_1446], %mul3A_1442 {strides = array<i32>} : memref<128x128xf32, #tpu.memory_space<vmem>>, vector<16xf32>,
        %add3A_1448 = arith.constant 10 : i32
        %add3A_1449 = arith.addi %mul3A_383, %add3A_1448 : i32
        %get3A_1450 = arith.index_cast %add3A_1449 : i32 to index
        %get3A_1451 = arith.constant 112 : index
        %get3A_1452 = tpu.vector_load %arg11[%get3A_1450, %get3A_1451] {strides = array<i32>} : memref<128x128xf32, #tpu.memory_space<vmem>>, vector<16xf32>,
        %mul3A_1453 = vector.broadcast %squeeze3A_1363 : f32 to vector<16xf32>
        %mul3A_1454 = arith.mulf %get3A_1452, %mul3A_1453 : vector<16xf32>
        %add3A_1455 = arith.constant 10 : i32
        %add3A_1456 = arith.addi %mul3A_383, %add3A_1455 : i32
        %swap3A_1457 = arith.index_cast %add3A_1456 : i32 to index
        %swap3A_1458 = arith.constant 112 : index
        %swap3A_1459 = tpu.vector_load %arg11[%swap3A_1457, %swap3A_1458] {strides = array<i32>} : memref<128x128xf32, #tpu.memory_space<vmem>>, vector<16xf32>,
        tpu.vector_store %arg11[%swap3A_1457, %swap3A_1458], %mul3A_1454 {strides = array<i32>} : memref<128x128xf32, #tpu.memory_space<vmem>>, vector<16xf32>,
        %slice3A_1460 = vector.extract_strided_slice %get3A_381 {offsets = [11], sizes = [1], strides = [1]} : vector<16xf32> to vector<1xf32>
        %squeeze3A_1461 = vector.extract %slice3A_1460[0] : f32 from vector<1xf32>
        %add3A_1462 = arith.constant 11 : i32
        %add3A_1463 = arith.addi %mul3A_383, %add3A_1462 : i32
        %get3A_1464 = arith.index_cast %add3A_1463 : i32 to index
        %get3A_1465 = arith.constant 0 : index
        %get3A_1466 = tpu.vector_load %arg11[%get3A_1464, %get3A_1465] {strides = array<i32>} : memref<128x128xf32, #tpu.memory_space<vmem>>, vector<16xf32>,
        %mul3A_1467 = vector.broadcast %squeeze3A_1461 : f32 to vector<16xf32>
        %mul3A_1468 = arith.mulf %get3A_1466, %mul3A_1467 : vector<16xf32>
        %add3A_1469 = arith.constant 11 : i32
        %add3A_1470 = arith.addi %mul3A_383, %add3A_1469 : i32
        %swap3A_1471 = arith.index_cast %add3A_1470 : i32 to index
        %swap3A_1472 = arith.constant 0 : index
        %swap3A_1473 = tpu.vector_load %arg11[%swap3A_1471, %swap3A_1472] {strides = array<i32>} : memref<128x128xf32, #tpu.memory_space<vmem>>, vector<16xf32>,
        tpu.vector_store %arg11[%swap3A_1471, %swap3A_1472], %mul3A_1468 {strides = array<i32>} : memref<128x128xf32, #tpu.memory_space<vmem>>, vector<16xf32>,
        %add3A_1474 = arith.constant 11 : i32
        %add3A_1475 = arith.addi %mul3A_383, %add3A_1474 : i32
        %get3A_1476 = arith.index_cast %add3A_1475 : i32 to index
        %get3A_1477 = arith.constant 16 : index
        %get3A_1478 = tpu.vector_load %arg11[%get3A_1476, %get3A_1477] {strides = array<i32>} : memref<128x128xf32, #tpu.memory_space<vmem>>, vector<16xf32>,
        %mul3A_1479 = vector.broadcast %squeeze3A_1461 : f32 to vector<16xf32>
        %mul3A_1480 = arith.mulf %get3A_1478, %mul3A_1479 : vector<16xf32>
        %add3A_1481 = arith.constant 11 : i32
        %add3A_1482 = arith.addi %mul3A_383, %add3A_1481 : i32
        %swap3A_1483 = arith.index_cast %add3A_1482 : i32 to index
        %swap3A_1484 = arith.constant 16 : index
        %swap3A_1485 = tpu.vector_load %arg11[%swap3A_1483, %swap3A_1484] {strides = array<i32>} : memref<128x128xf32, #tpu.memory_space<vmem>>, vector<16xf32>,
        tpu.vector_store %arg11[%swap3A_1483, %swap3A_1484], %mul3A_1480 {strides = array<i32>} : memref<128x128xf32, #tpu.memory_space<vmem>>, vector<16xf32>,
        %add3A_1486 = arith.constant 11 : i32
        %add3A_1487 = arith.addi %mul3A_383, %add3A_1486 : i32
        %get3A_1488 = arith.index_cast %add3A_1487 : i32 to index
        %get3A_1489 = arith.constant 32 : index
        %get3A_1490 = tpu.vector_load %arg11[%get3A_1488, %get3A_1489] {strides = array<i32>} : memref<128x128xf32, #tpu.memory_space<vmem>>, vector<16xf32>,
        %mul3A_1491 = vector.broadcast %squeeze3A_1461 : f32 to vector<16xf32>
        %mul3A_1492 = arith.mulf %get3A_1490, %mul3A_1491 : vector<16xf32>
        %add3A_1493 = arith.constant 11 : i32
        %add3A_1494 = arith.addi %mul3A_383, %add3A_1493 : i32
        %swap3A_1495 = arith.index_cast %add3A_1494 : i32 to index
        %swap3A_1496 = arith.constant 32 : index
        %swap3A_1497 = tpu.vector_load %arg11[%swap3A_1495, %swap3A_1496] {strides = array<i32>} : memref<128x128xf32, #tpu.memory_space<vmem>>, vector<16xf32>,
        tpu.vector_store %arg11[%swap3A_1495, %swap3A_1496], %mul3A_1492 {strides = array<i32>} : memref<128x128xf32, #tpu.memory_space<vmem>>, vector<16xf32>,
        %add3A_1498 = arith.constant 11 : i32
        %add3A_1499 = arith.addi %mul3A_383, %add3A_1498 : i32
        %get3A_1500 = arith.index_cast %add3A_1499 : i32 to index
        %get3A_1501 = arith.constant 48 : index
        %get3A_1502 = tpu.vector_load %arg11[%get3A_1500, %get3A_1501] {strides = array<i32>} : memref<128x128xf32, #tpu.memory_space<vmem>>, vector<16xf32>,
        %mul3A_1503 = vector.broadcast %squeeze3A_1461 : f32 to vector<16xf32>
        %mul3A_1504 = arith.mulf %get3A_1502, %mul3A_1503 : vector<16xf32>
        %add3A_1505 = arith.constant 11 : i32
        %add3A_1506 = arith.addi %mul3A_383, %add3A_1505 : i32
        %swap3A_1507 = arith.index_cast %add3A_1506 : i32 to index
        %swap3A_1508 = arith.constant 48 : index
        %swap3A_1509 = tpu.vector_load %arg11[%swap3A_1507, %swap3A_1508] {strides = array<i32>} : memref<128x128xf32, #tpu.memory_space<vmem>>, vector<16xf32>,
        tpu.vector_store %arg11[%swap3A_1507, %swap3A_1508], %mul3A_1504 {strides = array<i32>} : memref<128x128xf32, #tpu.memory_space<vmem>>, vector<16xf32>,
        %add3A_1510 = arith.constant 11 : i32
        %add3A_1511 = arith.addi %mul3A_383, %add3A_1510 : i32
        %get3A_1512 = arith.index_cast %add3A_1511 : i32 to index
        %get3A_1513 = arith.constant 64 : index
        %get3A_1514 = tpu.vector_load %arg11[%get3A_1512, %get3A_1513] {strides = array<i32>} : memref<128x128xf32, #tpu.memory_space<vmem>>, vector<16xf32>,
        %mul3A_1515 = vector.broadcast %squeeze3A_1461 : f32 to vector<16xf32>
        %mul3A_1516 = arith.mulf %get3A_1514, %mul3A_1515 : vector<16xf32>
        %add3A_1517 = arith.constant 11 : i32
        %add3A_1518 = arith.addi %mul3A_383, %add3A_1517 : i32
        %swap3A_1519 = arith.index_cast %add3A_1518 : i32 to index
        %swap3A_1520 = arith.constant 64 : index
        %swap3A_1521 = tpu.vector_load %arg11[%swap3A_1519, %swap3A_1520] {strides = array<i32>} : memref<128x128xf32, #tpu.memory_space<vmem>>, vector<16xf32>,
        tpu.vector_store %arg11[%swap3A_1519, %swap3A_1520], %mul3A_1516 {strides = array<i32>} : memref<128x128xf32, #tpu.memory_space<vmem>>, vector<16xf32>,
        %add3A_1522 = arith.constant 11 : i32
        %add3A_1523 = arith.addi %mul3A_383, %add3A_1522 : i32
        %get3A_1524 = arith.index_cast %add3A_1523 : i32 to index
        %get3A_1525 = arith.constant 80 : index
        %get3A_1526 = tpu.vector_load %arg11[%get3A_1524, %get3A_1525] {strides = array<i32>} : memref<128x128xf32, #tpu.memory_space<vmem>>, vector<16xf32>,
        %mul3A_1527 = vector.broadcast %squeeze3A_1461 : f32 to vector<16xf32>
        %mul3A_1528 = arith.mulf %get3A_1526, %mul3A_1527 : vector<16xf32>
        %add3A_1529 = arith.constant 11 : i32
        %add3A_1530 = arith.addi %mul3A_383, %add3A_1529 : i32
        %swap3A_1531 = arith.index_cast %add3A_1530 : i32 to index
        %swap3A_1532 = arith.constant 80 : index
        %swap3A_1533 = tpu.vector_load %arg11[%swap3A_1531, %swap3A_1532] {strides = array<i32>} : memref<128x128xf32, #tpu.memory_space<vmem>>, vector<16xf32>,
        tpu.vector_store %arg11[%swap3A_1531, %swap3A_1532], %mul3A_1528 {strides = array<i32>} : memref<128x128xf32, #tpu.memory_space<vmem>>, vector<16xf32>,
        %add3A_1534 = arith.constant 11 : i32
        %add3A_1535 = arith.addi %mul3A_383, %add3A_1534 : i32
        %get3A_1536 = arith.index_cast %add3A_1535 : i32 to index
        %get3A_1537 = arith.constant 96 : index
        %get3A_1538 = tpu.vector_load %arg11[%get3A_1536, %get3A_1537] {strides = array<i32>} : memref<128x128xf32, #tpu.memory_space<vmem>>, vector<16xf32>,
        %mul3A_1539 = vector.broadcast %squeeze3A_1461 : f32 to vector<16xf32>
        %mul3A_1540 = arith.mulf %get3A_1538, %mul3A_1539 : vector<16xf32>
        %add3A_1541 = arith.constant 11 : i32
        %add3A_1542 = arith.addi %mul3A_383, %add3A_1541 : i32
        %swap3A_1543 = arith.index_cast %add3A_1542 : i32 to index
        %swap3A_1544 = arith.constant 96 : index
        %swap3A_1545 = tpu.vector_load %arg11[%swap3A_1543, %swap3A_1544] {strides = array<i32>} : memref<128x128xf32, #tpu.memory_space<vmem>>, vector<16xf32>,
        tpu.vector_store %arg11[%swap3A_1543, %swap3A_1544], %mul3A_1540 {strides = array<i32>} : memref<128x128xf32, #tpu.memory_space<vmem>>, vector<16xf32>,
        %add3A_1546 = arith.constant 11 : i32
        %add3A_1547 = arith.addi %mul3A_383, %add3A_1546 : i32
        %get3A_1548 = arith.index_cast %add3A_1547 : i32 to index
        %get3A_1549 = arith.constant 112 : index
        %get3A_1550 = tpu.vector_load %arg11[%get3A_1548, %get3A_1549] {strides = array<i32>} : memref<128x128xf32, #tpu.memory_space<vmem>>, vector<16xf32>,
        %mul3A_1551 = vector.broadcast %squeeze3A_1461 : f32 to vector<16xf32>
        %mul3A_1552 = arith.mulf %get3A_1550, %mul3A_1551 : vector<16xf32>
        %add3A_1553 = arith.constant 11 : i32
        %add3A_1554 = arith.addi %mul3A_383, %add3A_1553 : i32
        %swap3A_1555 = arith.index_cast %add3A_1554 : i32 to index
        %swap3A_1556 = arith.constant 112 : index
        %swap3A_1557 = tpu.vector_load %arg11[%swap3A_1555, %swap3A_1556] {strides = array<i32>} : memref<128x128xf32, #tpu.memory_space<vmem>>, vector<16xf32>,
        tpu.vector_store %arg11[%swap3A_1555, %swap3A_1556], %mul3A_1552 {strides = array<i32>} : memref<128x128xf32, #tpu.memory_space<vmem>>, vector<16xf32>,
        %slice3A_1558 = vector.extract_strided_slice %get3A_381 {offsets = [12], sizes = [1], strides = [1]} : vector<16xf32> to vector<1xf32>
        %squeeze3A_1559 = vector.extract %slice3A_1558[0] : f32 from vector<1xf32>
        %add3A_1560 = arith.constant 12 : i32
        %add3A_1561 = arith.addi %mul3A_383, %add3A_1560 : i32
        %get3A_1562 = arith.index_cast %add3A_1561 : i32 to index
        %get3A_1563 = arith.constant 0 : index
        %get3A_1564 = tpu.vector_load %arg11[%get3A_1562, %get3A_1563] {strides = array<i32>} : memref<128x128xf32, #tpu.memory_space<vmem>>, vector<16xf32>,
        %mul3A_1565 = vector.broadcast %squeeze3A_1559 : f32 to vector<16xf32>
        %mul3A_1566 = arith.mulf %get3A_1564, %mul3A_1565 : vector<16xf32>
        %add3A_1567 = arith.constant 12 : i32
        %add3A_1568 = arith.addi %mul3A_383, %add3A_1567 : i32
        %swap3A_1569 = arith.index_cast %add3A_1568 : i32 to index
        %swap3A_1570 = arith.constant 0 : index
        %swap3A_1571 = tpu.vector_load %arg11[%swap3A_1569, %swap3A_1570] {strides = array<i32>} : memref<128x128xf32, #tpu.memory_space<vmem>>, vector<16xf32>,
        tpu.vector_store %arg11[%swap3A_1569, %swap3A_1570], %mul3A_1566 {strides = array<i32>} : memref<128x128xf32, #tpu.memory_space<vmem>>, vector<16xf32>,
        %add3A_1572 = arith.constant 12 : i32
        %add3A_1573 = arith.addi %mul3A_383, %add3A_1572 : i32
        %get3A_1574 = arith.index_cast %add3A_1573 : i32 to index
        %get3A_1575 = arith.constant 16 : index
        %get3A_1576 = tpu.vector_load %arg11[%get3A_1574, %get3A_1575] {strides = array<i32>} : memref<128x128xf32, #tpu.memory_space<vmem>>, vector<16xf32>,
        %mul3A_1577 = vector.broadcast %squeeze3A_1559 : f32 to vector<16xf32>
        %mul3A_1578 = arith.mulf %get3A_1576, %mul3A_1577 : vector<16xf32>
        %add3A_1579 = arith.constant 12 : i32
        %add3A_1580 = arith.addi %mul3A_383, %add3A_1579 : i32
        %swap3A_1581 = arith.index_cast %add3A_1580 : i32 to index
        %swap3A_1582 = arith.constant 16 : index
        %swap3A_1583 = tpu.vector_load %arg11[%swap3A_1581, %swap3A_1582] {strides = array<i32>} : memref<128x128xf32, #tpu.memory_space<vmem>>, vector<16xf32>,
        tpu.vector_store %arg11[%swap3A_1581, %swap3A_1582], %mul3A_1578 {strides = array<i32>} : memref<128x128xf32, #tpu.memory_space<vmem>>, vector<16xf32>,
        %add3A_1584 = arith.constant 12 : i32
        %add3A_1585 = arith.addi %mul3A_383, %add3A_1584 : i32
        %get3A_1586 = arith.index_cast %add3A_1585 : i32 to index
        %get3A_1587 = arith.constant 32 : index
        %get3A_1588 = tpu.vector_load %arg11[%get3A_1586, %get3A_1587] {strides = array<i32>} : memref<128x128xf32, #tpu.memory_space<vmem>>, vector<16xf32>,
        %mul3A_1589 = vector.broadcast %squeeze3A_1559 : f32 to vector<16xf32>
        %mul3A_1590 = arith.mulf %get3A_1588, %mul3A_1589 : vector<16xf32>
        %add3A_1591 = arith.constant 12 : i32
        %add3A_1592 = arith.addi %mul3A_383, %add3A_1591 : i32
        %swap3A_1593 = arith.index_cast %add3A_1592 : i32 to index
        %swap3A_1594 = arith.constant 32 : index
        %swap3A_1595 = tpu.vector_load %arg11[%swap3A_1593, %swap3A_1594] {strides = array<i32>} : memref<128x128xf32, #tpu.memory_space<vmem>>, vector<16xf32>,
        tpu.vector_store %arg11[%swap3A_1593, %swap3A_1594], %mul3A_1590 {strides = array<i32>} : memref<128x128xf32, #tpu.memory_space<vmem>>, vector<16xf32>,
        %add3A_1596 = arith.constant 12 : i32
        %add3A_1597 = arith.addi %mul3A_383, %add3A_1596 : i32
        %get3A_1598 = arith.index_cast %add3A_1597 : i32 to index
        %get3A_1599 = arith.constant 48 : index
        %get3A_1600 = tpu.vector_load %arg11[%get3A_1598, %get3A_1599] {strides = array<i32>} : memref<128x128xf32, #tpu.memory_space<vmem>>, vector<16xf32>,
        %mul3A_1601 = vector.broadcast %squeeze3A_1559 : f32 to vector<16xf32>
        %mul3A_1602 = arith.mulf %get3A_1600, %mul3A_1601 : vector<16xf32>
        %add3A_1603 = arith.constant 12 : i32
        %add3A_1604 = arith.addi %mul3A_383, %add3A_1603 : i32
        %swap3A_1605 = arith.index_cast %add3A_1604 : i32 to index
        %swap3A_1606 = arith.constant 48 : index
        %swap3A_1607 = tpu.vector_load %arg11[%swap3A_1605, %swap3A_1606] {strides = array<i32>} : memref<128x128xf32, #tpu.memory_space<vmem>>, vector<16xf32>,
        tpu.vector_store %arg11[%swap3A_1605, %swap3A_1606], %mul3A_1602 {strides = array<i32>} : memref<128x128xf32, #tpu.memory_space<vmem>>, vector<16xf32>,
        %add3A_1608 = arith.constant 12 : i32
        %add3A_1609 = arith.addi %mul3A_383, %add3A_1608 : i32
        %get3A_1610 = arith.index_cast %add3A_1609 : i32 to index
        %get3A_1611 = arith.constant 64 : index
        %get3A_1612 = tpu.vector_load %arg11[%get3A_1610, %get3A_1611] {strides = array<i32>} : memref<128x128xf32, #tpu.memory_space<vmem>>, vector<16xf32>,
        %mul3A_1613 = vector.broadcast %squeeze3A_1559 : f32 to vector<16xf32>
        %mul3A_1614 = arith.mulf %get3A_1612, %mul3A_1613 : vector<16xf32>
        %add3A_1615 = arith.constant 12 : i32
        %add3A_1616 = arith.addi %mul3A_383, %add3A_1615 : i32
        %swap3A_1617 = arith.index_cast %add3A_1616 : i32 to index
        %swap3A_1618 = arith.constant 64 : index
        %swap3A_1619 = tpu.vector_load %arg11[%swap3A_1617, %swap3A_1618] {strides = array<i32>} : memref<128x128xf32, #tpu.memory_space<vmem>>, vector<16xf32>,
        tpu.vector_store %arg11[%swap3A_1617, %swap3A_1618], %mul3A_1614 {strides = array<i32>} : memref<128x128xf32, #tpu.memory_space<vmem>>, vector<16xf32>,
        %add3A_1620 = arith.constant 12 : i32
        %add3A_1621 = arith.addi %mul3A_383, %add3A_1620 : i32
        %get3A_1622 = arith.index_cast %add3A_1621 : i32 to index
        %get3A_1623 = arith.constant 80 : index
        %get3A_1624 = tpu.vector_load %arg11[%get3A_1622, %get3A_1623] {strides = array<i32>} : memref<128x128xf32, #tpu.memory_space<vmem>>, vector<16xf32>,
        %mul3A_1625 = vector.broadcast %squeeze3A_1559 : f32 to vector<16xf32>
        %mul3A_1626 = arith.mulf %get3A_1624, %mul3A_1625 : vector<16xf32>
        %add3A_1627 = arith.constant 12 : i32
        %add3A_1628 = arith.addi %mul3A_383, %add3A_1627 : i32
        %swap3A_1629 = arith.index_cast %add3A_1628 : i32 to index
        %swap3A_1630 = arith.constant 80 : index
        %swap3A_1631 = tpu.vector_load %arg11[%swap3A_1629, %swap3A_1630] {strides = array<i32>} : memref<128x128xf32, #tpu.memory_space<vmem>>, vector<16xf32>,
        tpu.vector_store %arg11[%swap3A_1629, %swap3A_1630], %mul3A_1626 {strides = array<i32>} : memref<128x128xf32, #tpu.memory_space<vmem>>, vector<16xf32>,
        %add3A_1632 = arith.constant 12 : i32
        %add3A_1633 = arith.addi %mul3A_383, %add3A_1632 : i32
        %get3A_1634 = arith.index_cast %add3A_1633 : i32 to index
        %get3A_1635 = arith.constant 96 : index
        %get3A_1636 = tpu.vector_load %arg11[%get3A_1634, %get3A_1635] {strides = array<i32>} : memref<128x128xf32, #tpu.memory_space<vmem>>, vector<16xf32>,
        %mul3A_1637 = vector.broadcast %squeeze3A_1559 : f32 to vector<16xf32>
        %mul3A_1638 = arith.mulf %get3A_1636, %mul3A_1637 : vector<16xf32>
        %add3A_1639 = arith.constant 12 : i32
        %add3A_1640 = arith.addi %mul3A_383, %add3A_1639 : i32
        %swap3A_1641 = arith.index_cast %add3A_1640 : i32 to index
        %swap3A_1642 = arith.constant 96 : index
        %swap3A_1643 = tpu.vector_load %arg11[%swap3A_1641, %swap3A_1642] {strides = array<i32>} : memref<128x128xf32, #tpu.memory_space<vmem>>, vector<16xf32>,
        tpu.vector_store %arg11[%swap3A_1641, %swap3A_1642], %mul3A_1638 {strides = array<i32>} : memref<128x128xf32, #tpu.memory_space<vmem>>, vector<16xf32>,
        %add3A_1644 = arith.constant 12 : i32
        %add3A_1645 = arith.addi %mul3A_383, %add3A_1644 : i32
        %get3A_1646 = arith.index_cast %add3A_1645 : i32 to index
        %get3A_1647 = arith.constant 112 : index
        %get3A_1648 = tpu.vector_load %arg11[%get3A_1646, %get3A_1647] {strides = array<i32>} : memref<128x128xf32, #tpu.memory_space<vmem>>, vector<16xf32>,
        %mul3A_1649 = vector.broadcast %squeeze3A_1559 : f32 to vector<16xf32>
        %mul3A_1650 = arith.mulf %get3A_1648, %mul3A_1649 : vector<16xf32>
        %add3A_1651 = arith.constant 12 : i32
        %add3A_1652 = arith.addi %mul3A_383, %add3A_1651 : i32
        %swap3A_1653 = arith.index_cast %add3A_1652 : i32 to index
        %swap3A_1654 = arith.constant 112 : index
        %swap3A_1655 = tpu.vector_load %arg11[%swap3A_1653, %swap3A_1654] {strides = array<i32>} : memref<128x128xf32, #tpu.memory_space<vmem>>, vector<16xf32>,
        tpu.vector_store %arg11[%swap3A_1653, %swap3A_1654], %mul3A_1650 {strides = array<i32>} : memref<128x128xf32, #tpu.memory_space<vmem>>, vector<16xf32>,
        %slice3A_1656 = vector.extract_strided_slice %get3A_381 {offsets = [13], sizes = [1], strides = [1]} : vector<16xf32> to vector<1xf32>
        %squeeze3A_1657 = vector.extract %slice3A_1656[0] : f32 from vector<1xf32>
        %add3A_1658 = arith.constant 13 : i32
        %add3A_1659 = arith.addi %mul3A_383, %add3A_1658 : i32
        %get3A_1660 = arith.index_cast %add3A_1659 : i32 to index
        %get3A_1661 = arith.constant 0 : index
        %get3A_1662 = tpu.vector_load %arg11[%get3A_1660, %get3A_1661] {strides = array<i32>} : memref<128x128xf32, #tpu.memory_space<vmem>>, vector<16xf32>,
        %mul3A_1663 = vector.broadcast %squeeze3A_1657 : f32 to vector<16xf32>
        %mul3A_1664 = arith.mulf %get3A_1662, %mul3A_1663 : vector<16xf32>
        %add3A_1665 = arith.constant 13 : i32
        %add3A_1666 = arith.addi %mul3A_383, %add3A_1665 : i32
        %swap3A_1667 = arith.index_cast %add3A_1666 : i32 to index
        %swap3A_1668 = arith.constant 0 : index
        %swap3A_1669 = tpu.vector_load %arg11[%swap3A_1667, %swap3A_1668] {strides = array<i32>} : memref<128x128xf32, #tpu.memory_space<vmem>>, vector<16xf32>,
        tpu.vector_store %arg11[%swap3A_1667, %swap3A_1668], %mul3A_1664 {strides = array<i32>} : memref<128x128xf32, #tpu.memory_space<vmem>>, vector<16xf32>,
        %add3A_1670 = arith.constant 13 : i32
        %add3A_1671 = arith.addi %mul3A_383, %add3A_1670 : i32
        %get3A_1672 = arith.index_cast %add3A_1671 : i32 to index
        %get3A_1673 = arith.constant 16 : index
        %get3A_1674 = tpu.vector_load %arg11[%get3A_1672, %get3A_1673] {strides = array<i32>} : memref<128x128xf32, #tpu.memory_space<vmem>>, vector<16xf32>,
        %mul3A_1675 = vector.broadcast %squeeze3A_1657 : f32 to vector<16xf32>
        %mul3A_1676 = arith.mulf %get3A_1674, %mul3A_1675 : vector<16xf32>
        %add3A_1677 = arith.constant 13 : i32
        %add3A_1678 = arith.addi %mul3A_383, %add3A_1677 : i32
        %swap3A_1679 = arith.index_cast %add3A_1678 : i32 to index
        %swap3A_1680 = arith.constant 16 : index
        %swap3A_1681 = tpu.vector_load %arg11[%swap3A_1679, %swap3A_1680] {strides = array<i32>} : memref<128x128xf32, #tpu.memory_space<vmem>>, vector<16xf32>,
        tpu.vector_store %arg11[%swap3A_1679, %swap3A_1680], %mul3A_1676 {strides = array<i32>} : memref<128x128xf32, #tpu.memory_space<vmem>>, vector<16xf32>,
        %add3A_1682 = arith.constant 13 : i32
        %add3A_1683 = arith.addi %mul3A_383, %add3A_1682 : i32
        %get3A_1684 = arith.index_cast %add3A_1683 : i32 to index
        %get3A_1685 = arith.constant 32 : index
        %get3A_1686 = tpu.vector_load %arg11[%get3A_1684, %get3A_1685] {strides = array<i32>} : memref<128x128xf32, #tpu.memory_space<vmem>>, vector<16xf32>,
        %mul3A_1687 = vector.broadcast %squeeze3A_1657 : f32 to vector<16xf32>
        %mul3A_1688 = arith.mulf %get3A_1686, %mul3A_1687 : vector<16xf32>
        %add3A_1689 = arith.constant 13 : i32
        %add3A_1690 = arith.addi %mul3A_383, %add3A_1689 : i32
        %swap3A_1691 = arith.index_cast %add3A_1690 : i32 to index
        %swap3A_1692 = arith.constant 32 : index
        %swap3A_1693 = tpu.vector_load %arg11[%swap3A_1691, %swap3A_1692] {strides = array<i32>} : memref<128x128xf32, #tpu.memory_space<vmem>>, vector<16xf32>,
        tpu.vector_store %arg11[%swap3A_1691, %swap3A_1692], %mul3A_1688 {strides = array<i32>} : memref<128x128xf32, #tpu.memory_space<vmem>>, vector<16xf32>,
        %add3A_1694 = arith.constant 13 : i32
        %add3A_1695 = arith.addi %mul3A_383, %add3A_1694 : i32
        %get3A_1696 = arith.index_cast %add3A_1695 : i32 to index
        %get3A_1697 = arith.constant 48 : index
        %get3A_1698 = tpu.vector_load %arg11[%get3A_1696, %get3A_1697] {strides = array<i32>} : memref<128x128xf32, #tpu.memory_space<vmem>>, vector<16xf32>,
        %mul3A_1699 = vector.broadcast %squeeze3A_1657 : f32 to vector<16xf32>
        %mul3A_1700 = arith.mulf %get3A_1698, %mul3A_1699 : vector<16xf32>
        %add3A_1701 = arith.constant 13 : i32
        %add3A_1702 = arith.addi %mul3A_383, %add3A_1701 : i32
        %swap3A_1703 = arith.index_cast %add3A_1702 : i32 to index
        %swap3A_1704 = arith.constant 48 : index
        %swap3A_1705 = tpu.vector_load %arg11[%swap3A_1703, %swap3A_1704] {strides = array<i32>} : memref<128x128xf32, #tpu.memory_space<vmem>>, vector<16xf32>,
        tpu.vector_store %arg11[%swap3A_1703, %swap3A_1704], %mul3A_1700 {strides = array<i32>} : memref<128x128xf32, #tpu.memory_space<vmem>>, vector<16xf32>,
        %add3A_1706 = arith.constant 13 : i32
        %add3A_1707 = arith.addi %mul3A_383, %add3A_1706 : i32
        %get3A_1708 = arith.index_cast %add3A_1707 : i32 to index
        %get3A_1709 = arith.constant 64 : index
        %get3A_1710 = tpu.vector_load %arg11[%get3A_1708, %get3A_1709] {strides = array<i32>} : memref<128x128xf32, #tpu.memory_space<vmem>>, vector<16xf32>,
        %mul3A_1711 = vector.broadcast %squeeze3A_1657 : f32 to vector<16xf32>
        %mul3A_1712 = arith.mulf %get3A_1710, %mul3A_1711 : vector<16xf32>
        %add3A_1713 = arith.constant 13 : i32
        %add3A_1714 = arith.addi %mul3A_383, %add3A_1713 : i32
        %swap3A_1715 = arith.index_cast %add3A_1714 : i32 to index
        %swap3A_1716 = arith.constant 64 : index
        %swap3A_1717 = tpu.vector_load %arg11[%swap3A_1715, %swap3A_1716] {strides = array<i32>} : memref<128x128xf32, #tpu.memory_space<vmem>>, vector<16xf32>,
        tpu.vector_store %arg11[%swap3A_1715, %swap3A_1716], %mul3A_1712 {strides = array<i32>} : memref<128x128xf32, #tpu.memory_space<vmem>>, vector<16xf32>,
        %add3A_1718 = arith.constant 13 : i32
        %add3A_1719 = arith.addi %mul3A_383, %add3A_1718 : i32
        %get3A_1720 = arith.index_cast %add3A_1719 : i32 to index
        %get3A_1721 = arith.constant 80 : index
        %get3A_1722 = tpu.vector_load %arg11[%get3A_1720, %get3A_1721] {strides = array<i32>} : memref<128x128xf32, #tpu.memory_space<vmem>>, vector<16xf32>,
        %mul3A_1723 = vector.broadcast %squeeze3A_1657 : f32 to vector<16xf32>
        %mul3A_1724 = arith.mulf %get3A_1722, %mul3A_1723 : vector<16xf32>
        %add3A_1725 = arith.constant 13 : i32
        %add3A_1726 = arith.addi %mul3A_383, %add3A_1725 : i32
        %swap3A_1727 = arith.index_cast %add3A_1726 : i32 to index
        %swap3A_1728 = arith.constant 80 : index
        %swap3A_1729 = tpu.vector_load %arg11[%swap3A_1727, %swap3A_1728] {strides = array<i32>} : memref<128x128xf32, #tpu.memory_space<vmem>>, vector<16xf32>,
        tpu.vector_store %arg11[%swap3A_1727, %swap3A_1728], %mul3A_1724 {strides = array<i32>} : memref<128x128xf32, #tpu.memory_space<vmem>>, vector<16xf32>,
        %add3A_1730 = arith.constant 13 : i32
        %add3A_1731 = arith.addi %mul3A_383, %add3A_1730 : i32
        %get3A_1732 = arith.index_cast %add3A_1731 : i32 to index
        %get3A_1733 = arith.constant 96 : index
        %get3A_1734 = tpu.vector_load %arg11[%get3A_1732, %get3A_1733] {strides = array<i32>} : memref<128x128xf32, #tpu.memory_space<vmem>>, vector<16xf32>,
        %mul3A_1735 = vector.broadcast %squeeze3A_1657 : f32 to vector<16xf32>
        %mul3A_1736 = arith.mulf %get3A_1734, %mul3A_1735 : vector<16xf32>
        %add3A_1737 = arith.constant 13 : i32
        %add3A_1738 = arith.addi %mul3A_383, %add3A_1737 : i32
        %swap3A_1739 = arith.index_cast %add3A_1738 : i32 to index
        %swap3A_1740 = arith.constant 96 : index
        %swap3A_1741 = tpu.vector_load %arg11[%swap3A_1739, %swap3A_1740] {strides = array<i32>} : memref<128x128xf32, #tpu.memory_space<vmem>>, vector<16xf32>,
        tpu.vector_store %arg11[%swap3A_1739, %swap3A_1740], %mul3A_1736 {strides = array<i32>} : memref<128x128xf32, #tpu.memory_space<vmem>>, vector<16xf32>,
        %add3A_1742 = arith.constant 13 : i32
        %add3A_1743 = arith.addi %mul3A_383, %add3A_1742 : i32
        %get3A_1744 = arith.index_cast %add3A_1743 : i32 to index
        %get3A_1745 = arith.constant 112 : index
        %get3A_1746 = tpu.vector_load %arg11[%get3A_1744, %get3A_1745] {strides = array<i32>} : memref<128x128xf32, #tpu.memory_space<vmem>>, vector<16xf32>,
        %mul3A_1747 = vector.broadcast %squeeze3A_1657 : f32 to vector<16xf32>
        %mul3A_1748 = arith.mulf %get3A_1746, %mul3A_1747 : vector<16xf32>
        %add3A_1749 = arith.constant 13 : i32
        %add3A_1750 = arith.addi %mul3A_383, %add3A_1749 : i32
        %swap3A_1751 = arith.index_cast %add3A_1750 : i32 to index
        %swap3A_1752 = arith.constant 112 : index
        %swap3A_1753 = tpu.vector_load %arg11[%swap3A_1751, %swap3A_1752] {strides = array<i32>} : memref<128x128xf32, #tpu.memory_space<vmem>>, vector<16xf32>,
        tpu.vector_store %arg11[%swap3A_1751, %swap3A_1752], %mul3A_1748 {strides = array<i32>} : memref<128x128xf32, #tpu.memory_space<vmem>>, vector<16xf32>,
        %slice3A_1754 = vector.extract_strided_slice %get3A_381 {offsets = [14], sizes = [1], strides = [1]} : vector<16xf32> to vector<1xf32>
        %squeeze3A_1755 = vector.extract %slice3A_1754[0] : f32 from vector<1xf32>
        %add3A_1756 = arith.constant 14 : i32
        %add3A_1757 = arith.addi %mul3A_383, %add3A_1756 : i32
        %get3A_1758 = arith.index_cast %add3A_1757 : i32 to index
        %get3A_1759 = arith.constant 0 : index
        %get3A_1760 = tpu.vector_load %arg11[%get3A_1758, %get3A_1759] {strides = array<i32>} : memref<128x128xf32, #tpu.memory_space<vmem>>, vector<16xf32>,
        %mul3A_1761 = vector.broadcast %squeeze3A_1755 : f32 to vector<16xf32>
        %mul3A_1762 = arith.mulf %get3A_1760, %mul3A_1761 : vector<16xf32>
        %add3A_1763 = arith.constant 14 : i32
        %add3A_1764 = arith.addi %mul3A_383, %add3A_1763 : i32
        %swap3A_1765 = arith.index_cast %add3A_1764 : i32 to index
        %swap3A_1766 = arith.constant 0 : index
        %swap3A_1767 = tpu.vector_load %arg11[%swap3A_1765, %swap3A_1766] {strides = array<i32>} : memref<128x128xf32, #tpu.memory_space<vmem>>, vector<16xf32>,
        tpu.vector_store %arg11[%swap3A_1765, %swap3A_1766], %mul3A_1762 {strides = array<i32>} : memref<128x128xf32, #tpu.memory_space<vmem>>, vector<16xf32>,
        %add3A_1768 = arith.constant 14 : i32
        %add3A_1769 = arith.addi %mul3A_383, %add3A_1768 : i32
        %get3A_1770 = arith.index_cast %add3A_1769 : i32 to index
        %get3A_1771 = arith.constant 16 : index
        %get3A_1772 = tpu.vector_load %arg11[%get3A_1770, %get3A_1771] {strides = array<i32>} : memref<128x128xf32, #tpu.memory_space<vmem>>, vector<16xf32>,
        %mul3A_1773 = vector.broadcast %squeeze3A_1755 : f32 to vector<16xf32>
        %mul3A_1774 = arith.mulf %get3A_1772, %mul3A_1773 : vector<16xf32>
        %add3A_1775 = arith.constant 14 : i32
        %add3A_1776 = arith.addi %mul3A_383, %add3A_1775 : i32
        %swap3A_1777 = arith.index_cast %add3A_1776 : i32 to index
        %swap3A_1778 = arith.constant 16 : index
        %swap3A_1779 = tpu.vector_load %arg11[%swap3A_1777, %swap3A_1778] {strides = array<i32>} : memref<128x128xf32, #tpu.memory_space<vmem>>, vector<16xf32>,
        tpu.vector_store %arg11[%swap3A_1777, %swap3A_1778], %mul3A_1774 {strides = array<i32>} : memref<128x128xf32, #tpu.memory_space<vmem>>, vector<16xf32>,
        %add3A_1780 = arith.constant 14 : i32
        %add3A_1781 = arith.addi %mul3A_383, %add3A_1780 : i32
        %get3A_1782 = arith.index_cast %add3A_1781 : i32 to index
        %get3A_1783 = arith.constant 32 : index
        %get3A_1784 = tpu.vector_load %arg11[%get3A_1782, %get3A_1783] {strides = array<i32>} : memref<128x128xf32, #tpu.memory_space<vmem>>, vector<16xf32>,
        %mul3A_1785 = vector.broadcast %squeeze3A_1755 : f32 to vector<16xf32>
        %mul3A_1786 = arith.mulf %get3A_1784, %mul3A_1785 : vector<16xf32>
        %add3A_1787 = arith.constant 14 : i32
        %add3A_1788 = arith.addi %mul3A_383, %add3A_1787 : i32
        %swap3A_1789 = arith.index_cast %add3A_1788 : i32 to index
        %swap3A_1790 = arith.constant 32 : index
        %swap3A_1791 = tpu.vector_load %arg11[%swap3A_1789, %swap3A_1790] {strides = array<i32>} : memref<128x128xf32, #tpu.memory_space<vmem>>, vector<16xf32>,
        tpu.vector_store %arg11[%swap3A_1789, %swap3A_1790], %mul3A_1786 {strides = array<i32>} : memref<128x128xf32, #tpu.memory_space<vmem>>, vector<16xf32>,
        %add3A_1792 = arith.constant 14 : i32
        %add3A_1793 = arith.addi %mul3A_383, %add3A_1792 : i32
        %get3A_1794 = arith.index_cast %add3A_1793 : i32 to index
        %get3A_1795 = arith.constant 48 : index
        %get3A_1796 = tpu.vector_load %arg11[%get3A_1794, %get3A_1795] {strides = array<i32>} : memref<128x128xf32, #tpu.memory_space<vmem>>, vector<16xf32>,
        %mul3A_1797 = vector.broadcast %squeeze3A_1755 : f32 to vector<16xf32>
        %mul3A_1798 = arith.mulf %get3A_1796, %mul3A_1797 : vector<16xf32>
        %add3A_1799 = arith.constant 14 : i32
        %add3A_1800 = arith.addi %mul3A_383, %add3A_1799 : i32
        %swap3A_1801 = arith.index_cast %add3A_1800 : i32 to index
        %swap3A_1802 = arith.constant 48 : index
        %swap3A_1803 = tpu.vector_load %arg11[%swap3A_1801, %swap3A_1802] {strides = array<i32>} : memref<128x128xf32, #tpu.memory_space<vmem>>, vector<16xf32>,
        tpu.vector_store %arg11[%swap3A_1801, %swap3A_1802], %mul3A_1798 {strides = array<i32>} : memref<128x128xf32, #tpu.memory_space<vmem>>, vector<16xf32>,
        %add3A_1804 = arith.constant 14 : i32
        %add3A_1805 = arith.addi %mul3A_383, %add3A_1804 : i32
        %get3A_1806 = arith.index_cast %add3A_1805 : i32 to index
        %get3A_1807 = arith.constant 64 : index
        %get3A_1808 = tpu.vector_load %arg11[%get3A_1806, %get3A_1807] {strides = array<i32>} : memref<128x128xf32, #tpu.memory_space<vmem>>, vector<16xf32>,
        %mul3A_1809 = vector.broadcast %squeeze3A_1755 : f32 to vector<16xf32>
        %mul3A_1810 = arith.mulf %get3A_1808, %mul3A_1809 : vector<16xf32>
        %add3A_1811 = arith.constant 14 : i32
        %add3A_1812 = arith.addi %mul3A_383, %add3A_1811 : i32
        %swap3A_1813 = arith.index_cast %add3A_1812 : i32 to index
        %swap3A_1814 = arith.constant 64 : index
        %swap3A_1815 = tpu.vector_load %arg11[%swap3A_1813, %swap3A_1814] {strides = array<i32>} : memref<128x128xf32, #tpu.memory_space<vmem>>, vector<16xf32>,
        tpu.vector_store %arg11[%swap3A_1813, %swap3A_1814], %mul3A_1810 {strides = array<i32>} : memref<128x128xf32, #tpu.memory_space<vmem>>, vector<16xf32>,
        %add3A_1816 = arith.constant 14 : i32
        %add3A_1817 = arith.addi %mul3A_383, %add3A_1816 : i32
        %get3A_1818 = arith.index_cast %add3A_1817 : i32 to index
        %get3A_1819 = arith.constant 80 : index
        %get3A_1820 = tpu.vector_load %arg11[%get3A_1818, %get3A_1819] {strides = array<i32>} : memref<128x128xf32, #tpu.memory_space<vmem>>, vector<16xf32>,
        %mul3A_1821 = vector.broadcast %squeeze3A_1755 : f32 to vector<16xf32>
        %mul3A_1822 = arith.mulf %get3A_1820, %mul3A_1821 : vector<16xf32>
        %add3A_1823 = arith.constant 14 : i32
        %add3A_1824 = arith.addi %mul3A_383, %add3A_1823 : i32
        %swap3A_1825 = arith.index_cast %add3A_1824 : i32 to index
        %swap3A_1826 = arith.constant 80 : index
        %swap3A_1827 = tpu.vector_load %arg11[%swap3A_1825, %swap3A_1826] {strides = array<i32>} : memref<128x128xf32, #tpu.memory_space<vmem>>, vector<16xf32>,
        tpu.vector_store %arg11[%swap3A_1825, %swap3A_1826], %mul3A_1822 {strides = array<i32>} : memref<128x128xf32, #tpu.memory_space<vmem>>, vector<16xf32>,
        %add3A_1828 = arith.constant 14 : i32
        %add3A_1829 = arith.addi %mul3A_383, %add3A_1828 : i32
        %get3A_1830 = arith.index_cast %add3A_1829 : i32 to index
        %get3A_1831 = arith.constant 96 : index
        %get3A_1832 = tpu.vector_load %arg11[%get3A_1830, %get3A_1831] {strides = array<i32>} : memref<128x128xf32, #tpu.memory_space<vmem>>, vector<16xf32>,
        %mul3A_1833 = vector.broadcast %squeeze3A_1755 : f32 to vector<16xf32>
        %mul3A_1834 = arith.mulf %get3A_1832, %mul3A_1833 : vector<16xf32>
        %add3A_1835 = arith.constant 14 : i32
        %add3A_1836 = arith.addi %mul3A_383, %add3A_1835 : i32
        %swap3A_1837 = arith.index_cast %add3A_1836 : i32 to index
        %swap3A_1838 = arith.constant 96 : index
        %swap3A_1839 = tpu.vector_load %arg11[%swap3A_1837, %swap3A_1838] {strides = array<i32>} : memref<128x128xf32, #tpu.memory_space<vmem>>, vector<16xf32>,
        tpu.vector_store %arg11[%swap3A_1837, %swap3A_1838], %mul3A_1834 {strides = array<i32>} : memref<128x128xf32, #tpu.memory_space<vmem>>, vector<16xf32>,
        %add3A_1840 = arith.constant 14 : i32
        %add3A_1841 = arith.addi %mul3A_383, %add3A_1840 : i32
        %get3A_1842 = arith.index_cast %add3A_1841 : i32 to index
        %get3A_1843 = arith.constant 112 : index
        %get3A_1844 = tpu.vector_load %arg11[%get3A_1842, %get3A_1843] {strides = array<i32>} : memref<128x128xf32, #tpu.memory_space<vmem>>, vector<16xf32>,
        %mul3A_1845 = vector.broadcast %squeeze3A_1755 : f32 to vector<16xf32>
        %mul3A_1846 = arith.mulf %get3A_1844, %mul3A_1845 : vector<16xf32>
        %add3A_1847 = arith.constant 14 : i32
        %add3A_1848 = arith.addi %mul3A_383, %add3A_1847 : i32
        %swap3A_1849 = arith.index_cast %add3A_1848 : i32 to index
        %swap3A_1850 = arith.constant 112 : index
        %swap3A_1851 = tpu.vector_load %arg11[%swap3A_1849, %swap3A_1850] {strides = array<i32>} : memref<128x128xf32, #tpu.memory_space<vmem>>, vector<16xf32>,
        tpu.vector_store %arg11[%swap3A_1849, %swap3A_1850], %mul3A_1846 {strides = array<i32>} : memref<128x128xf32, #tpu.memory_space<vmem>>, vector<16xf32>,
        %slice3A_1852 = vector.extract_strided_slice %get3A_381 {offsets = [15], sizes = [1], strides = [1]} : vector<16xf32> to vector<1xf32>
        %squeeze3A_1853 = vector.extract %slice3A_1852[0] : f32 from vector<1xf32>
        %add3A_1854 = arith.constant 15 : i32
        %add3A_1855 = arith.addi %mul3A_383, %add3A_1854 : i32
        %get3A_1856 = arith.index_cast %add3A_1855 : i32 to index
        %get3A_1857 = arith.constant 0 : index
        %get3A_1858 = tpu.vector_load %arg11[%get3A_1856, %get3A_1857] {strides = array<i32>} : memref<128x128xf32, #tpu.memory_space<vmem>>, vector<16xf32>,
        %mul3A_1859 = vector.broadcast %squeeze3A_1853 : f32 to vector<16xf32>
        %mul3A_1860 = arith.mulf %get3A_1858, %mul3A_1859 : vector<16xf32>
        %add3A_1861 = arith.constant 15 : i32
        %add3A_1862 = arith.addi %mul3A_383, %add3A_1861 : i32
        %swap3A_1863 = arith.index_cast %add3A_1862 : i32 to index
        %swap3A_1864 = arith.constant 0 : index
        %swap3A_1865 = tpu.vector_load %arg11[%swap3A_1863, %swap3A_1864] {strides = array<i32>} : memref<128x128xf32, #tpu.memory_space<vmem>>, vector<16xf32>,
        tpu.vector_store %arg11[%swap3A_1863, %swap3A_1864], %mul3A_1860 {strides = array<i32>} : memref<128x128xf32, #tpu.memory_space<vmem>>, vector<16xf32>,
        %add3A_1866 = arith.constant 15 : i32
        %add3A_1867 = arith.addi %mul3A_383, %add3A_1866 : i32
        %get3A_1868 = arith.index_cast %add3A_1867 : i32 to index
        %get3A_1869 = arith.constant 16 : index
        %get3A_1870 = tpu.vector_load %arg11[%get3A_1868, %get3A_1869] {strides = array<i32>} : memref<128x128xf32, #tpu.memory_space<vmem>>, vector<16xf32>,
        %mul3A_1871 = vector.broadcast %squeeze3A_1853 : f32 to vector<16xf32>
        %mul3A_1872 = arith.mulf %get3A_1870, %mul3A_1871 : vector<16xf32>
        %add3A_1873 = arith.constant 15 : i32
        %add3A_1874 = arith.addi %mul3A_383, %add3A_1873 : i32
        %swap3A_1875 = arith.index_cast %add3A_1874 : i32 to index
        %swap3A_1876 = arith.constant 16 : index
        %swap3A_1877 = tpu.vector_load %arg11[%swap3A_1875, %swap3A_1876] {strides = array<i32>} : memref<128x128xf32, #tpu.memory_space<vmem>>, vector<16xf32>,
        tpu.vector_store %arg11[%swap3A_1875, %swap3A_1876], %mul3A_1872 {strides = array<i32>} : memref<128x128xf32, #tpu.memory_space<vmem>>, vector<16xf32>,
        %add3A_1878 = arith.constant 15 : i32
        %add3A_1879 = arith.addi %mul3A_383, %add3A_1878 : i32
        %get3A_1880 = arith.index_cast %add3A_1879 : i32 to index
        %get3A_1881 = arith.constant 32 : index
        %get3A_1882 = tpu.vector_load %arg11[%get3A_1880, %get3A_1881] {strides = array<i32>} : memref<128x128xf32, #tpu.memory_space<vmem>>, vector<16xf32>,
        %mul3A_1883 = vector.broadcast %squeeze3A_1853 : f32 to vector<16xf32>
        %mul3A_1884 = arith.mulf %get3A_1882, %mul3A_1883 : vector<16xf32>
        %add3A_1885 = arith.constant 15 : i32
        %add3A_1886 = arith.addi %mul3A_383, %add3A_1885 : i32
        %swap3A_1887 = arith.index_cast %add3A_1886 : i32 to index
        %swap3A_1888 = arith.constant 32 : index
        %swap3A_1889 = tpu.vector_load %arg11[%swap3A_1887, %swap3A_1888] {strides = array<i32>} : memref<128x128xf32, #tpu.memory_space<vmem>>, vector<16xf32>,
        tpu.vector_store %arg11[%swap3A_1887, %swap3A_1888], %mul3A_1884 {strides = array<i32>} : memref<128x128xf32, #tpu.memory_space<vmem>>, vector<16xf32>,
        %add3A_1890 = arith.constant 15 : i32
        %add3A_1891 = arith.addi %mul3A_383, %add3A_1890 : i32
        %get3A_1892 = arith.index_cast %add3A_1891 : i32 to index
        %get3A_1893 = arith.constant 48 : index
        %get3A_1894 = tpu.vector_load %arg11[%get3A_1892, %get3A_1893] {strides = array<i32>} : memref<128x128xf32, #tpu.memory_space<vmem>>, vector<16xf32>,
        %mul3A_1895 = vector.broadcast %squeeze3A_1853 : f32 to vector<16xf32>
        %mul3A_1896 = arith.mulf %get3A_1894, %mul3A_1895 : vector<16xf32>
        %add3A_1897 = arith.constant 15 : i32
        %add3A_1898 = arith.addi %mul3A_383, %add3A_1897 : i32
        %swap3A_1899 = arith.index_cast %add3A_1898 : i32 to index
        %swap3A_1900 = arith.constant 48 : index
        %swap3A_1901 = tpu.vector_load %arg11[%swap3A_1899, %swap3A_1900] {strides = array<i32>} : memref<128x128xf32, #tpu.memory_space<vmem>>, vector<16xf32>,
        tpu.vector_store %arg11[%swap3A_1899, %swap3A_1900], %mul3A_1896 {strides = array<i32>} : memref<128x128xf32, #tpu.memory_space<vmem>>, vector<16xf32>,
        %add3A_1902 = arith.constant 15 : i32
        %add3A_1903 = arith.addi %mul3A_383, %add3A_1902 : i32
        %get3A_1904 = arith.index_cast %add3A_1903 : i32 to index
        %get3A_1905 = arith.constant 64 : index
        %get3A_1906 = tpu.vector_load %arg11[%get3A_1904, %get3A_1905] {strides = array<i32>} : memref<128x128xf32, #tpu.memory_space<vmem>>, vector<16xf32>,
        %mul3A_1907 = vector.broadcast %squeeze3A_1853 : f32 to vector<16xf32>
        %mul3A_1908 = arith.mulf %get3A_1906, %mul3A_1907 : vector<16xf32>
        %add3A_1909 = arith.constant 15 : i32
        %add3A_1910 = arith.addi %mul3A_383, %add3A_1909 : i32
        %swap3A_1911 = arith.index_cast %add3A_1910 : i32 to index
        %swap3A_1912 = arith.constant 64 : index
        %swap3A_1913 = tpu.vector_load %arg11[%swap3A_1911, %swap3A_1912] {strides = array<i32>} : memref<128x128xf32, #tpu.memory_space<vmem>>, vector<16xf32>,
        tpu.vector_store %arg11[%swap3A_1911, %swap3A_1912], %mul3A_1908 {strides = array<i32>} : memref<128x128xf32, #tpu.memory_space<vmem>>, vector<16xf32>,
        %add3A_1914 = arith.constant 15 : i32
        %add3A_1915 = arith.addi %mul3A_383, %add3A_1914 : i32
        %get3A_1916 = arith.index_cast %add3A_1915 : i32 to index
        %get3A_1917 = arith.constant 80 : index
        %get3A_1918 = tpu.vector_load %arg11[%get3A_1916, %get3A_1917] {strides = array<i32>} : memref<128x128xf32, #tpu.memory_space<vmem>>, vector<16xf32>,
        %mul3A_1919 = vector.broadcast %squeeze3A_1853 : f32 to vector<16xf32>
        %mul3A_1920 = arith.mulf %get3A_1918, %mul3A_1919 : vector<16xf32>
        %add3A_1921 = arith.constant 15 : i32
        %add3A_1922 = arith.addi %mul3A_383, %add3A_1921 : i32
        %swap3A_1923 = arith.index_cast %add3A_1922 : i32 to index
        %swap3A_1924 = arith.constant 80 : index
        %swap3A_1925 = tpu.vector_load %arg11[%swap3A_1923, %swap3A_1924] {strides = array<i32>} : memref<128x128xf32, #tpu.memory_space<vmem>>, vector<16xf32>,
        tpu.vector_store %arg11[%swap3A_1923, %swap3A_1924], %mul3A_1920 {strides = array<i32>} : memref<128x128xf32, #tpu.memory_space<vmem>>, vector<16xf32>,
        %add3A_1926 = arith.constant 15 : i32
        %add3A_1927 = arith.addi %mul3A_383, %add3A_1926 : i32
        %get3A_1928 = arith.index_cast %add3A_1927 : i32 to index
        %get3A_1929 = arith.constant 96 : index
        %get3A_1930 = tpu.vector_load %arg11[%get3A_1928, %get3A_1929] {strides = array<i32>} : memref<128x128xf32, #tpu.memory_space<vmem>>, vector<16xf32>,
        %mul3A_1931 = vector.broadcast %squeeze3A_1853 : f32 to vector<16xf32>
        %mul3A_1932 = arith.mulf %get3A_1930, %mul3A_1931 : vector<16xf32>
        %add3A_1933 = arith.constant 15 : i32
        %add3A_1934 = arith.addi %mul3A_383, %add3A_1933 : i32
        %swap3A_1935 = arith.index_cast %add3A_1934 : i32 to index
        %swap3A_1936 = arith.constant 96 : index
        %swap3A_1937 = tpu.vector_load %arg11[%swap3A_1935, %swap3A_1936] {strides = array<i32>} : memref<128x128xf32, #tpu.memory_space<vmem>>, vector<16xf32>,
        tpu.vector_store %arg11[%swap3A_1935, %swap3A_1936], %mul3A_1932 {strides = array<i32>} : memref<128x128xf32, #tpu.memory_space<vmem>>, vector<16xf32>,
        %add3A_1938 = arith.constant 15 : i32
        %add3A_1939 = arith.addi %mul3A_383, %add3A_1938 : i32
        %get3A_1940 = arith.index_cast %add3A_1939 : i32 to index
        %get3A_1941 = arith.constant 112 : index
        %get3A_1942 = tpu.vector_load %arg11[%get3A_1940, %get3A_1941] {strides = array<i32>} : memref<128x128xf32, #tpu.memory_space<vmem>>, vector<16xf32>,
        %mul3A_1943 = vector.broadcast %squeeze3A_1853 : f32 to vector<16xf32>
        %mul3A_1944 = arith.mulf %get3A_1942, %mul3A_1943 : vector<16xf32>
        %add3A_1945 = arith.constant 15 : i32
        %add3A_1946 = arith.addi %mul3A_383, %add3A_1945 : i32
        %swap3A_1947 = arith.index_cast %add3A_1946 : i32 to index
        %swap3A_1948 = arith.constant 112 : index
        %swap3A_1949 = tpu.vector_load %arg11[%swap3A_1947, %swap3A_1948] {strides = array<i32>} : memref<128x128xf32, #tpu.memory_space<vmem>>, vector<16xf32>,
        tpu.vector_store %arg11[%swap3A_1947, %swap3A_1948], %mul3A_1944 {strides = array<i32>} : memref<128x128xf32, #tpu.memory_space<vmem>>, vector<16xf32>,
      }
      %scan3A_346 = arith.constant 8 : i32
      %dma_start3A_347 = arith.constant 0 : i32
      %dma_start3A_348 = arith.constant 0 : i32
      %dma_start3A_349 = tpu.memref_slice %arg20[%dma_start3A_347, %dma_start3A_348] : memref<5248x128xf32, #tpu.memory_space<vmem_shared>> -> memref<5248x128xf32, #tpu.memory_space<vmem_shared>>
      tpu.enqueue_indirect_dma source(%arg11 : memref<128x128xf32, #tpu.memory_space<vmem>>) target(%dma_start3A_349 : memref<5248x128xf32, #tpu.memory_space<vmem_shared>>) offsets(%arg17 : memref<128xi32, #tpu.memory_space<vmem>>) semaphore(%arg23 : memref<!tpu.dma_semaphore, #tpu.memory_space<semaphore_mem>>) {add = true}
      %mul3A_350 = arith.constant 2 : i32
      %mul3A_351 = arith.muli %mul3A_350, %scan3A_324 : i32
      %add3A_352 = arith.constant 1 : i32
      %add3A_353 = arith.addi %mul3A_351, %add3A_352 : i32
      %add3A_354 = arith.constant 1 : i32
      %add3A_355 = arith.addi %add3A_353, %add3A_354 : i32
      %mul3A_356 = arith.constant 2 : i32
      %mul3A_357 = arith.muli %mul3A_356, %scan3A_324 : i32
      %add3A_358 = arith.constant 1 : i32
      %add3A_359 = arith.addi %mul3A_357, %add3A_358 : i32
      %lt3A_360 = arith.constant 160 : i32
      %lt3A_361 = arith.cmpi slt, %add3A_355, %lt3A_360 : i32
      %convert_element_type3A_362 = arith.extui %lt3A_361 : i1 to i32
      %cond3A_363 = arith.constant 0 : i32
      %cond3A_364 = arith.cmpi ne, %convert_element_type3A_362, %cond3A_363 : i32
      scf.if %cond3A_364 {
        %ge3A_377 = arith.constant 2 : i32
        %ge3A_378 = arith.cmpi sge, %add3A_355, %ge3A_377 : i32
        %convert_element_type3A_379 = arith.extui %ge3A_378 : i1 to i32
        %cond3A_380 = arith.constant 0 : i32
        %cond3A_381 = arith.cmpi ne, %convert_element_type3A_379, %cond3A_380 : i32
        scf.if %cond3A_381 {
          %dma_wait3A_665 = arith.constant 0 : i32
          %dma_wait3A_666 = arith.constant 0 : i32
          %dma_wait3A_667 = tpu.memref_slice %arg20[%dma_wait3A_665, %dma_wait3A_666] : memref<5248x128xf32, #tpu.memory_space<vmem_shared>> -> memref<5248x128xf32, #tpu.memory_space<vmem_shared>>
          tpu.wait_indirect_dma semaphore(%arg23 : memref<!tpu.dma_semaphore, #tpu.memory_space<semaphore_mem>>) src(%arg11 : memref<128x128xf32, #tpu.memory_space<vmem>>) dst(%dma_wait3A_667 : memref<5248x128xf32, #tpu.memory_space<vmem_shared>>)
        } else {
        }
        %get3A_382 = arith.index_cast %add3A_355 : i32 to index
        %get3A_383 = arith.constant 0 : index
        %get3A_384 = tpu.vector_load %arg10[%get3A_382, %get3A_383] {strides = array<i32>} : memref<160x128xi32, #tpu.memory_space<vmem>>, vector<16xi32>,
        %shift_right_logical3A_385 = arith.constant 14 : i32
        %shift_right_logical3A_386 = vector.broadcast %shift_right_logical3A_385 : i32 to vector<16xi32>
        %shift_right_logical3A_387 = arith.shrui %get3A_384, %shift_right_logical3A_386 : vector<16xi32>
        %and3A_388 = arith.constant 16383 : i32
        %and3A_389 = vector.broadcast %and3A_388 : i32 to vector<16xi32>
        %and3A_390 = arith.andi %get3A_384, %and3A_389 : vector<16xi32>
        %swap3A_391 = arith.constant 0 : index
        %swap3A_392 = tpu.vector_load %arg15[%swap3A_391] {strides = array<i32>} : memref<128xi32, #tpu.memory_space<vmem>>, vector<16xi32>,
        tpu.vector_store %arg15[%swap3A_391], %shift_right_logical3A_387 {strides = array<i32>} : memref<128xi32, #tpu.memory_space<vmem>>, vector<16xi32>,
        %sub3A_393 = vector.broadcast %mul3A_0 : i32 to vector<16xi32>
        %sub3A_394 = arith.subi %and3A_390, %sub3A_393 : vector<16xi32>
        %ge3A_395 = arith.constant 0 : i32
        %ge3A_396 = vector.broadcast %ge3A_395 : i32 to vector<16xi32>
        %ge3A_397 = arith.cmpi sge, %sub3A_394, %ge3A_396 : vector<16xi32>
        %lt3A_398 = arith.constant 5120 : i32
        %lt3A_399 = vector.broadcast %lt3A_398 : i32 to vector<16xi32>
        %lt3A_400 = arith.cmpi slt, %sub3A_394, %lt3A_399 : vector<16xi32>
        %and3A_401 = arith.andi %ge3A_397, %lt3A_400 : vector<16xi1>
        %jit3A_402 = arith.constant 5120 : i32
        %broadcast_in_dim3A_403 = vector.broadcast %jit3A_402 : i32 to vector<16xi32>
        %select_n3A_404 = arith.select %and3A_401, %sub3A_394, %broadcast_in_dim3A_403 : vector<16xi1>, vector<16xi32>
        %swap3A_405 = arith.constant 0 : index
        %swap3A_406 = tpu.vector_load %arg17[%swap3A_405] {strides = array<i32>} : memref<128xi32, #tpu.memory_space<vmem>>, vector<16xi32>,
        tpu.vector_store %arg17[%swap3A_405], %select_n3A_404 {strides = array<i32>} : memref<128xi32, #tpu.memory_space<vmem>>, vector<16xi32>,
        %gather3A_407 = tpu.vector_load_idx %arg8[%shift_right_logical3A_387] : memref<10240xf32, #tpu.memory_space<vmem>>[vector<16xi32>], vector<16xf32>,
        %gather3A_408 = tpu.vector_load_idx %arg9[%and3A_390] : memref<10240xf32, #tpu.memory_space<vmem>>[vector<16xi32>], vector<16xf32>,
        %add3A_409 = arith.addf %gather3A_407, %gather3A_408 : vector<16xf32>
        %mul3A_410 = arith.constant 2.000000e-01 : f32
        %mul3A_411 = vector.broadcast %mul3A_410 : f32 to vector<16xf32>
        %mul3A_412 = arith.mulf %mul3A_411, %add3A_409 : vector<16xf32>
        %max3A_413 = arith.maximumf %add3A_409, %mul3A_412 : vector<16xf32>
        %exp3A_414 = math.exp %max3A_413 : vector<16xf32>
        %swap3A_415 = arith.constant 0 : index
        %swap3A_416 = tpu.vector_load %arg13[%swap3A_415] {strides = array<i32>} : memref<128xf32, #tpu.memory_space<vmem>>, vector<16xf32>,
        tpu.vector_store %arg13[%swap3A_415], %exp3A_414 {strides = array<i32>} : memref<128xf32, #tpu.memory_space<vmem>>, vector<16xf32>,
        tpu.vector_store_idx %arg19[%select_n3A_404], %exp3A_414 {add = true} : memref<5248xf32, #tpu.memory_space<vmem>>[vector<16xi32>], vector<16xf32>,
        %get3A_417 = arith.index_cast %add3A_355 : i32 to index
        %get3A_418 = arith.constant 16 : index
        %get3A_419 = tpu.vector_load %arg10[%get3A_417, %get3A_418] {strides = array<i32>} : memref<160x128xi32, #tpu.memory_space<vmem>>, vector<16xi32>,
        %shift_right_logical3A_420 = arith.constant 14 : i32
        %shift_right_logical3A_421 = vector.broadcast %shift_right_logical3A_420 : i32 to vector<16xi32>
        %shift_right_logical3A_422 = arith.shrui %get3A_419, %shift_right_logical3A_421 : vector<16xi32>
        %and3A_423 = arith.constant 16383 : i32
        %and3A_424 = vector.broadcast %and3A_423 : i32 to vector<16xi32>
        %and3A_425 = arith.andi %get3A_419, %and3A_424 : vector<16xi32>
        %swap3A_426 = arith.constant 16 : index
        %swap3A_427 = tpu.vector_load %arg15[%swap3A_426] {strides = array<i32>} : memref<128xi32, #tpu.memory_space<vmem>>, vector<16xi32>,
        tpu.vector_store %arg15[%swap3A_426], %shift_right_logical3A_422 {strides = array<i32>} : memref<128xi32, #tpu.memory_space<vmem>>, vector<16xi32>,
        %sub3A_428 = vector.broadcast %mul3A_0 : i32 to vector<16xi32>
        %sub3A_429 = arith.subi %and3A_425, %sub3A_428 : vector<16xi32>
        %ge3A_430 = arith.constant 0 : i32
        %ge3A_431 = vector.broadcast %ge3A_430 : i32 to vector<16xi32>
        %ge3A_432 = arith.cmpi sge, %sub3A_429, %ge3A_431 : vector<16xi32>
        %lt3A_433 = arith.constant 5120 : i32
        %lt3A_434 = vector.broadcast %lt3A_433 : i32 to vector<16xi32>
        %lt3A_435 = arith.cmpi slt, %sub3A_429, %lt3A_434 : vector<16xi32>
        %and3A_436 = arith.andi %ge3A_432, %lt3A_435 : vector<16xi1>
        %jit3A_437 = arith.constant 5120 : i32
        %broadcast_in_dim3A_438 = vector.broadcast %jit3A_437 : i32 to vector<16xi32>
        %select_n3A_439 = arith.select %and3A_436, %sub3A_429, %broadcast_in_dim3A_438 : vector<16xi1>, vector<16xi32>
        %swap3A_440 = arith.constant 16 : index
        %swap3A_441 = tpu.vector_load %arg17[%swap3A_440] {strides = array<i32>} : memref<128xi32, #tpu.memory_space<vmem>>, vector<16xi32>,
        tpu.vector_store %arg17[%swap3A_440], %select_n3A_439 {strides = array<i32>} : memref<128xi32, #tpu.memory_space<vmem>>, vector<16xi32>,
        %gather3A_442 = tpu.vector_load_idx %arg8[%shift_right_logical3A_422] : memref<10240xf32, #tpu.memory_space<vmem>>[vector<16xi32>], vector<16xf32>,
        %gather3A_443 = tpu.vector_load_idx %arg9[%and3A_425] : memref<10240xf32, #tpu.memory_space<vmem>>[vector<16xi32>], vector<16xf32>,
        %add3A_444 = arith.addf %gather3A_442, %gather3A_443 : vector<16xf32>
        %mul3A_445 = arith.constant 2.000000e-01 : f32
        %mul3A_446 = vector.broadcast %mul3A_445 : f32 to vector<16xf32>
        %mul3A_447 = arith.mulf %mul3A_446, %add3A_444 : vector<16xf32>
        %max3A_448 = arith.maximumf %add3A_444, %mul3A_447 : vector<16xf32>
        %exp3A_449 = math.exp %max3A_448 : vector<16xf32>
        %swap3A_450 = arith.constant 16 : index
        %swap3A_451 = tpu.vector_load %arg13[%swap3A_450] {strides = array<i32>} : memref<128xf32, #tpu.memory_space<vmem>>, vector<16xf32>,
        tpu.vector_store %arg13[%swap3A_450], %exp3A_449 {strides = array<i32>} : memref<128xf32, #tpu.memory_space<vmem>>, vector<16xf32>,
        tpu.vector_store_idx %arg19[%select_n3A_439], %exp3A_449 {add = true} : memref<5248xf32, #tpu.memory_space<vmem>>[vector<16xi32>], vector<16xf32>,
        %get3A_452 = arith.index_cast %add3A_355 : i32 to index
        %get3A_453 = arith.constant 32 : index
        %get3A_454 = tpu.vector_load %arg10[%get3A_452, %get3A_453] {strides = array<i32>} : memref<160x128xi32, #tpu.memory_space<vmem>>, vector<16xi32>,
        %shift_right_logical3A_455 = arith.constant 14 : i32
        %shift_right_logical3A_456 = vector.broadcast %shift_right_logical3A_455 : i32 to vector<16xi32>
        %shift_right_logical3A_457 = arith.shrui %get3A_454, %shift_right_logical3A_456 : vector<16xi32>
        %and3A_458 = arith.constant 16383 : i32
        %and3A_459 = vector.broadcast %and3A_458 : i32 to vector<16xi32>
        %and3A_460 = arith.andi %get3A_454, %and3A_459 : vector<16xi32>
        %swap3A_461 = arith.constant 32 : index
        %swap3A_462 = tpu.vector_load %arg15[%swap3A_461] {strides = array<i32>} : memref<128xi32, #tpu.memory_space<vmem>>, vector<16xi32>,
        tpu.vector_store %arg15[%swap3A_461], %shift_right_logical3A_457 {strides = array<i32>} : memref<128xi32, #tpu.memory_space<vmem>>, vector<16xi32>,
        %sub3A_463 = vector.broadcast %mul3A_0 : i32 to vector<16xi32>
        %sub3A_464 = arith.subi %and3A_460, %sub3A_463 : vector<16xi32>
        %ge3A_465 = arith.constant 0 : i32
        %ge3A_466 = vector.broadcast %ge3A_465 : i32 to vector<16xi32>
        %ge3A_467 = arith.cmpi sge, %sub3A_464, %ge3A_466 : vector<16xi32>
        %lt3A_468 = arith.constant 5120 : i32
        %lt3A_469 = vector.broadcast %lt3A_468 : i32 to vector<16xi32>
        %lt3A_470 = arith.cmpi slt, %sub3A_464, %lt3A_469 : vector<16xi32>
        %and3A_471 = arith.andi %ge3A_467, %lt3A_470 : vector<16xi1>
        %jit3A_472 = arith.constant 5120 : i32
        %broadcast_in_dim3A_473 = vector.broadcast %jit3A_472 : i32 to vector<16xi32>
        %select_n3A_474 = arith.select %and3A_471, %sub3A_464, %broadcast_in_dim3A_473 : vector<16xi1>, vector<16xi32>
        %swap3A_475 = arith.constant 32 : index
        %swap3A_476 = tpu.vector_load %arg17[%swap3A_475] {strides = array<i32>} : memref<128xi32, #tpu.memory_space<vmem>>, vector<16xi32>,
        tpu.vector_store %arg17[%swap3A_475], %select_n3A_474 {strides = array<i32>} : memref<128xi32, #tpu.memory_space<vmem>>, vector<16xi32>,
        %gather3A_477 = tpu.vector_load_idx %arg8[%shift_right_logical3A_457] : memref<10240xf32, #tpu.memory_space<vmem>>[vector<16xi32>], vector<16xf32>,
        %gather3A_478 = tpu.vector_load_idx %arg9[%and3A_460] : memref<10240xf32, #tpu.memory_space<vmem>>[vector<16xi32>], vector<16xf32>,
        %add3A_479 = arith.addf %gather3A_477, %gather3A_478 : vector<16xf32>
        %mul3A_480 = arith.constant 2.000000e-01 : f32
        %mul3A_481 = vector.broadcast %mul3A_480 : f32 to vector<16xf32>
        %mul3A_482 = arith.mulf %mul3A_481, %add3A_479 : vector<16xf32>
        %max3A_483 = arith.maximumf %add3A_479, %mul3A_482 : vector<16xf32>
        %exp3A_484 = math.exp %max3A_483 : vector<16xf32>
        %swap3A_485 = arith.constant 32 : index
        %swap3A_486 = tpu.vector_load %arg13[%swap3A_485] {strides = array<i32>} : memref<128xf32, #tpu.memory_space<vmem>>, vector<16xf32>,
        tpu.vector_store %arg13[%swap3A_485], %exp3A_484 {strides = array<i32>} : memref<128xf32, #tpu.memory_space<vmem>>, vector<16xf32>,
        tpu.vector_store_idx %arg19[%select_n3A_474], %exp3A_484 {add = true} : memref<5248xf32, #tpu.memory_space<vmem>>[vector<16xi32>], vector<16xf32>,
        %get3A_487 = arith.index_cast %add3A_355 : i32 to index
        %get3A_488 = arith.constant 48 : index
        %get3A_489 = tpu.vector_load %arg10[%get3A_487, %get3A_488] {strides = array<i32>} : memref<160x128xi32, #tpu.memory_space<vmem>>, vector<16xi32>,
        %shift_right_logical3A_490 = arith.constant 14 : i32
        %shift_right_logical3A_491 = vector.broadcast %shift_right_logical3A_490 : i32 to vector<16xi32>
        %shift_right_logical3A_492 = arith.shrui %get3A_489, %shift_right_logical3A_491 : vector<16xi32>
        %and3A_493 = arith.constant 16383 : i32
        %and3A_494 = vector.broadcast %and3A_493 : i32 to vector<16xi32>
        %and3A_495 = arith.andi %get3A_489, %and3A_494 : vector<16xi32>
        %swap3A_496 = arith.constant 48 : index
        %swap3A_497 = tpu.vector_load %arg15[%swap3A_496] {strides = array<i32>} : memref<128xi32, #tpu.memory_space<vmem>>, vector<16xi32>,
        tpu.vector_store %arg15[%swap3A_496], %shift_right_logical3A_492 {strides = array<i32>} : memref<128xi32, #tpu.memory_space<vmem>>, vector<16xi32>,
        %sub3A_498 = vector.broadcast %mul3A_0 : i32 to vector<16xi32>
        %sub3A_499 = arith.subi %and3A_495, %sub3A_498 : vector<16xi32>
        %ge3A_500 = arith.constant 0 : i32
        %ge3A_501 = vector.broadcast %ge3A_500 : i32 to vector<16xi32>
        %ge3A_502 = arith.cmpi sge, %sub3A_499, %ge3A_501 : vector<16xi32>
        %lt3A_503 = arith.constant 5120 : i32
        %lt3A_504 = vector.broadcast %lt3A_503 : i32 to vector<16xi32>
        %lt3A_505 = arith.cmpi slt, %sub3A_499, %lt3A_504 : vector<16xi32>
        %and3A_506 = arith.andi %ge3A_502, %lt3A_505 : vector<16xi1>
        %jit3A_507 = arith.constant 5120 : i32
        %broadcast_in_dim3A_508 = vector.broadcast %jit3A_507 : i32 to vector<16xi32>
        %select_n3A_509 = arith.select %and3A_506, %sub3A_499, %broadcast_in_dim3A_508 : vector<16xi1>, vector<16xi32>
        %swap3A_510 = arith.constant 48 : index
        %swap3A_511 = tpu.vector_load %arg17[%swap3A_510] {strides = array<i32>} : memref<128xi32, #tpu.memory_space<vmem>>, vector<16xi32>,
        tpu.vector_store %arg17[%swap3A_510], %select_n3A_509 {strides = array<i32>} : memref<128xi32, #tpu.memory_space<vmem>>, vector<16xi32>,
        %gather3A_512 = tpu.vector_load_idx %arg8[%shift_right_logical3A_492] : memref<10240xf32, #tpu.memory_space<vmem>>[vector<16xi32>], vector<16xf32>,
        %gather3A_513 = tpu.vector_load_idx %arg9[%and3A_495] : memref<10240xf32, #tpu.memory_space<vmem>>[vector<16xi32>], vector<16xf32>,
        %add3A_514 = arith.addf %gather3A_512, %gather3A_513 : vector<16xf32>
        %mul3A_515 = arith.constant 2.000000e-01 : f32
        %mul3A_516 = vector.broadcast %mul3A_515 : f32 to vector<16xf32>
        %mul3A_517 = arith.mulf %mul3A_516, %add3A_514 : vector<16xf32>
        %max3A_518 = arith.maximumf %add3A_514, %mul3A_517 : vector<16xf32>
        %exp3A_519 = math.exp %max3A_518 : vector<16xf32>
        %swap3A_520 = arith.constant 48 : index
        %swap3A_521 = tpu.vector_load %arg13[%swap3A_520] {strides = array<i32>} : memref<128xf32, #tpu.memory_space<vmem>>, vector<16xf32>,
        tpu.vector_store %arg13[%swap3A_520], %exp3A_519 {strides = array<i32>} : memref<128xf32, #tpu.memory_space<vmem>>, vector<16xf32>,
        tpu.vector_store_idx %arg19[%select_n3A_509], %exp3A_519 {add = true} : memref<5248xf32, #tpu.memory_space<vmem>>[vector<16xi32>], vector<16xf32>,
        %get3A_522 = arith.index_cast %add3A_355 : i32 to index
        %get3A_523 = arith.constant 64 : index
        %get3A_524 = tpu.vector_load %arg10[%get3A_522, %get3A_523] {strides = array<i32>} : memref<160x128xi32, #tpu.memory_space<vmem>>, vector<16xi32>,
        %shift_right_logical3A_525 = arith.constant 14 : i32
        %shift_right_logical3A_526 = vector.broadcast %shift_right_logical3A_525 : i32 to vector<16xi32>
        %shift_right_logical3A_527 = arith.shrui %get3A_524, %shift_right_logical3A_526 : vector<16xi32>
        %and3A_528 = arith.constant 16383 : i32
        %and3A_529 = vector.broadcast %and3A_528 : i32 to vector<16xi32>
        %and3A_530 = arith.andi %get3A_524, %and3A_529 : vector<16xi32>
        %swap3A_531 = arith.constant 64 : index
        %swap3A_532 = tpu.vector_load %arg15[%swap3A_531] {strides = array<i32>} : memref<128xi32, #tpu.memory_space<vmem>>, vector<16xi32>,
        tpu.vector_store %arg15[%swap3A_531], %shift_right_logical3A_527 {strides = array<i32>} : memref<128xi32, #tpu.memory_space<vmem>>, vector<16xi32>,
        %sub3A_533 = vector.broadcast %mul3A_0 : i32 to vector<16xi32>
        %sub3A_534 = arith.subi %and3A_530, %sub3A_533 : vector<16xi32>
        %ge3A_535 = arith.constant 0 : i32
        %ge3A_536 = vector.broadcast %ge3A_535 : i32 to vector<16xi32>
        %ge3A_537 = arith.cmpi sge, %sub3A_534, %ge3A_536 : vector<16xi32>
        %lt3A_538 = arith.constant 5120 : i32
        %lt3A_539 = vector.broadcast %lt3A_538 : i32 to vector<16xi32>
        %lt3A_540 = arith.cmpi slt, %sub3A_534, %lt3A_539 : vector<16xi32>
        %and3A_541 = arith.andi %ge3A_537, %lt3A_540 : vector<16xi1>
        %jit3A_542 = arith.constant 5120 : i32
        %broadcast_in_dim3A_543 = vector.broadcast %jit3A_542 : i32 to vector<16xi32>
        %select_n3A_544 = arith.select %and3A_541, %sub3A_534, %broadcast_in_dim3A_543 : vector<16xi1>, vector<16xi32>
        %swap3A_545 = arith.constant 64 : index
        %swap3A_546 = tpu.vector_load %arg17[%swap3A_545] {strides = array<i32>} : memref<128xi32, #tpu.memory_space<vmem>>, vector<16xi32>,
        tpu.vector_store %arg17[%swap3A_545], %select_n3A_544 {strides = array<i32>} : memref<128xi32, #tpu.memory_space<vmem>>, vector<16xi32>,
        %gather3A_547 = tpu.vector_load_idx %arg8[%shift_right_logical3A_527] : memref<10240xf32, #tpu.memory_space<vmem>>[vector<16xi32>], vector<16xf32>,
        %gather3A_548 = tpu.vector_load_idx %arg9[%and3A_530] : memref<10240xf32, #tpu.memory_space<vmem>>[vector<16xi32>], vector<16xf32>,
        %add3A_549 = arith.addf %gather3A_547, %gather3A_548 : vector<16xf32>
        %mul3A_550 = arith.constant 2.000000e-01 : f32
        %mul3A_551 = vector.broadcast %mul3A_550 : f32 to vector<16xf32>
        %mul3A_552 = arith.mulf %mul3A_551, %add3A_549 : vector<16xf32>
        %max3A_553 = arith.maximumf %add3A_549, %mul3A_552 : vector<16xf32>
        %exp3A_554 = math.exp %max3A_553 : vector<16xf32>
        %swap3A_555 = arith.constant 64 : index
        %swap3A_556 = tpu.vector_load %arg13[%swap3A_555] {strides = array<i32>} : memref<128xf32, #tpu.memory_space<vmem>>, vector<16xf32>,
        tpu.vector_store %arg13[%swap3A_555], %exp3A_554 {strides = array<i32>} : memref<128xf32, #tpu.memory_space<vmem>>, vector<16xf32>,
        tpu.vector_store_idx %arg19[%select_n3A_544], %exp3A_554 {add = true} : memref<5248xf32, #tpu.memory_space<vmem>>[vector<16xi32>], vector<16xf32>,
        %get3A_557 = arith.index_cast %add3A_355 : i32 to index
        %get3A_558 = arith.constant 80 : index
        %get3A_559 = tpu.vector_load %arg10[%get3A_557, %get3A_558] {strides = array<i32>} : memref<160x128xi32, #tpu.memory_space<vmem>>, vector<16xi32>,
        %shift_right_logical3A_560 = arith.constant 14 : i32
        %shift_right_logical3A_561 = vector.broadcast %shift_right_logical3A_560 : i32 to vector<16xi32>
        %shift_right_logical3A_562 = arith.shrui %get3A_559, %shift_right_logical3A_561 : vector<16xi32>
        %and3A_563 = arith.constant 16383 : i32
        %and3A_564 = vector.broadcast %and3A_563 : i32 to vector<16xi32>
        %and3A_565 = arith.andi %get3A_559, %and3A_564 : vector<16xi32>
        %swap3A_566 = arith.constant 80 : index
        %swap3A_567 = tpu.vector_load %arg15[%swap3A_566] {strides = array<i32>} : memref<128xi32, #tpu.memory_space<vmem>>, vector<16xi32>,
        tpu.vector_store %arg15[%swap3A_566], %shift_right_logical3A_562 {strides = array<i32>} : memref<128xi32, #tpu.memory_space<vmem>>, vector<16xi32>,
        %sub3A_568 = vector.broadcast %mul3A_0 : i32 to vector<16xi32>
        %sub3A_569 = arith.subi %and3A_565, %sub3A_568 : vector<16xi32>
        %ge3A_570 = arith.constant 0 : i32
        %ge3A_571 = vector.broadcast %ge3A_570 : i32 to vector<16xi32>
        %ge3A_572 = arith.cmpi sge, %sub3A_569, %ge3A_571 : vector<16xi32>
        %lt3A_573 = arith.constant 5120 : i32
        %lt3A_574 = vector.broadcast %lt3A_573 : i32 to vector<16xi32>
        %lt3A_575 = arith.cmpi slt, %sub3A_569, %lt3A_574 : vector<16xi32>
        %and3A_576 = arith.andi %ge3A_572, %lt3A_575 : vector<16xi1>
        %jit3A_577 = arith.constant 5120 : i32
        %broadcast_in_dim3A_578 = vector.broadcast %jit3A_577 : i32 to vector<16xi32>
        %select_n3A_579 = arith.select %and3A_576, %sub3A_569, %broadcast_in_dim3A_578 : vector<16xi1>, vector<16xi32>
        %swap3A_580 = arith.constant 80 : index
        %swap3A_581 = tpu.vector_load %arg17[%swap3A_580] {strides = array<i32>} : memref<128xi32, #tpu.memory_space<vmem>>, vector<16xi32>,
        tpu.vector_store %arg17[%swap3A_580], %select_n3A_579 {strides = array<i32>} : memref<128xi32, #tpu.memory_space<vmem>>, vector<16xi32>,
        %gather3A_582 = tpu.vector_load_idx %arg8[%shift_right_logical3A_562] : memref<10240xf32, #tpu.memory_space<vmem>>[vector<16xi32>], vector<16xf32>,
        %gather3A_583 = tpu.vector_load_idx %arg9[%and3A_565] : memref<10240xf32, #tpu.memory_space<vmem>>[vector<16xi32>], vector<16xf32>,
        %add3A_584 = arith.addf %gather3A_582, %gather3A_583 : vector<16xf32>
        %mul3A_585 = arith.constant 2.000000e-01 : f32
        %mul3A_586 = vector.broadcast %mul3A_585 : f32 to vector<16xf32>
        %mul3A_587 = arith.mulf %mul3A_586, %add3A_584 : vector<16xf32>
        %max3A_588 = arith.maximumf %add3A_584, %mul3A_587 : vector<16xf32>
        %exp3A_589 = math.exp %max3A_588 : vector<16xf32>
        %swap3A_590 = arith.constant 80 : index
        %swap3A_591 = tpu.vector_load %arg13[%swap3A_590] {strides = array<i32>} : memref<128xf32, #tpu.memory_space<vmem>>, vector<16xf32>,
        tpu.vector_store %arg13[%swap3A_590], %exp3A_589 {strides = array<i32>} : memref<128xf32, #tpu.memory_space<vmem>>, vector<16xf32>,
        tpu.vector_store_idx %arg19[%select_n3A_579], %exp3A_589 {add = true} : memref<5248xf32, #tpu.memory_space<vmem>>[vector<16xi32>], vector<16xf32>,
        %get3A_592 = arith.index_cast %add3A_355 : i32 to index
        %get3A_593 = arith.constant 96 : index
        %get3A_594 = tpu.vector_load %arg10[%get3A_592, %get3A_593] {strides = array<i32>} : memref<160x128xi32, #tpu.memory_space<vmem>>, vector<16xi32>,
        %shift_right_logical3A_595 = arith.constant 14 : i32
        %shift_right_logical3A_596 = vector.broadcast %shift_right_logical3A_595 : i32 to vector<16xi32>
        %shift_right_logical3A_597 = arith.shrui %get3A_594, %shift_right_logical3A_596 : vector<16xi32>
        %and3A_598 = arith.constant 16383 : i32
        %and3A_599 = vector.broadcast %and3A_598 : i32 to vector<16xi32>
        %and3A_600 = arith.andi %get3A_594, %and3A_599 : vector<16xi32>
        %swap3A_601 = arith.constant 96 : index
        %swap3A_602 = tpu.vector_load %arg15[%swap3A_601] {strides = array<i32>} : memref<128xi32, #tpu.memory_space<vmem>>, vector<16xi32>,
        tpu.vector_store %arg15[%swap3A_601], %shift_right_logical3A_597 {strides = array<i32>} : memref<128xi32, #tpu.memory_space<vmem>>, vector<16xi32>,
        %sub3A_603 = vector.broadcast %mul3A_0 : i32 to vector<16xi32>
        %sub3A_604 = arith.subi %and3A_600, %sub3A_603 : vector<16xi32>
        %ge3A_605 = arith.constant 0 : i32
        %ge3A_606 = vector.broadcast %ge3A_605 : i32 to vector<16xi32>
        %ge3A_607 = arith.cmpi sge, %sub3A_604, %ge3A_606 : vector<16xi32>
        %lt3A_608 = arith.constant 5120 : i32
        %lt3A_609 = vector.broadcast %lt3A_608 : i32 to vector<16xi32>
        %lt3A_610 = arith.cmpi slt, %sub3A_604, %lt3A_609 : vector<16xi32>
        %and3A_611 = arith.andi %ge3A_607, %lt3A_610 : vector<16xi1>
        %jit3A_612 = arith.constant 5120 : i32
        %broadcast_in_dim3A_613 = vector.broadcast %jit3A_612 : i32 to vector<16xi32>
        %select_n3A_614 = arith.select %and3A_611, %sub3A_604, %broadcast_in_dim3A_613 : vector<16xi1>, vector<16xi32>
        %swap3A_615 = arith.constant 96 : index
        %swap3A_616 = tpu.vector_load %arg17[%swap3A_615] {strides = array<i32>} : memref<128xi32, #tpu.memory_space<vmem>>, vector<16xi32>,
        tpu.vector_store %arg17[%swap3A_615], %select_n3A_614 {strides = array<i32>} : memref<128xi32, #tpu.memory_space<vmem>>, vector<16xi32>,
        %gather3A_617 = tpu.vector_load_idx %arg8[%shift_right_logical3A_597] : memref<10240xf32, #tpu.memory_space<vmem>>[vector<16xi32>], vector<16xf32>,
        %gather3A_618 = tpu.vector_load_idx %arg9[%and3A_600] : memref<10240xf32, #tpu.memory_space<vmem>>[vector<16xi32>], vector<16xf32>,
        %add3A_619 = arith.addf %gather3A_617, %gather3A_618 : vector<16xf32>
        %mul3A_620 = arith.constant 2.000000e-01 : f32
        %mul3A_621 = vector.broadcast %mul3A_620 : f32 to vector<16xf32>
        %mul3A_622 = arith.mulf %mul3A_621, %add3A_619 : vector<16xf32>
        %max3A_623 = arith.maximumf %add3A_619, %mul3A_622 : vector<16xf32>
        %exp3A_624 = math.exp %max3A_623 : vector<16xf32>
        %swap3A_625 = arith.constant 96 : index
        %swap3A_626 = tpu.vector_load %arg13[%swap3A_625] {strides = array<i32>} : memref<128xf32, #tpu.memory_space<vmem>>, vector<16xf32>,
        tpu.vector_store %arg13[%swap3A_625], %exp3A_624 {strides = array<i32>} : memref<128xf32, #tpu.memory_space<vmem>>, vector<16xf32>,
        tpu.vector_store_idx %arg19[%select_n3A_614], %exp3A_624 {add = true} : memref<5248xf32, #tpu.memory_space<vmem>>[vector<16xi32>], vector<16xf32>,
        %get3A_627 = arith.index_cast %add3A_355 : i32 to index
        %get3A_628 = arith.constant 112 : index
        %get3A_629 = tpu.vector_load %arg10[%get3A_627, %get3A_628] {strides = array<i32>} : memref<160x128xi32, #tpu.memory_space<vmem>>, vector<16xi32>,
        %shift_right_logical3A_630 = arith.constant 14 : i32
        %shift_right_logical3A_631 = vector.broadcast %shift_right_logical3A_630 : i32 to vector<16xi32>
        %shift_right_logical3A_632 = arith.shrui %get3A_629, %shift_right_logical3A_631 : vector<16xi32>
        %and3A_633 = arith.constant 16383 : i32
        %and3A_634 = vector.broadcast %and3A_633 : i32 to vector<16xi32>
        %and3A_635 = arith.andi %get3A_629, %and3A_634 : vector<16xi32>
        %swap3A_636 = arith.constant 112 : index
        %swap3A_637 = tpu.vector_load %arg15[%swap3A_636] {strides = array<i32>} : memref<128xi32, #tpu.memory_space<vmem>>, vector<16xi32>,
        tpu.vector_store %arg15[%swap3A_636], %shift_right_logical3A_632 {strides = array<i32>} : memref<128xi32, #tpu.memory_space<vmem>>, vector<16xi32>,
        %sub3A_638 = vector.broadcast %mul3A_0 : i32 to vector<16xi32>
        %sub3A_639 = arith.subi %and3A_635, %sub3A_638 : vector<16xi32>
        %ge3A_640 = arith.constant 0 : i32
        %ge3A_641 = vector.broadcast %ge3A_640 : i32 to vector<16xi32>
        %ge3A_642 = arith.cmpi sge, %sub3A_639, %ge3A_641 : vector<16xi32>
        %lt3A_643 = arith.constant 5120 : i32
        %lt3A_644 = vector.broadcast %lt3A_643 : i32 to vector<16xi32>
        %lt3A_645 = arith.cmpi slt, %sub3A_639, %lt3A_644 : vector<16xi32>
        %and3A_646 = arith.andi %ge3A_642, %lt3A_645 : vector<16xi1>
        %jit3A_647 = arith.constant 5120 : i32
        %broadcast_in_dim3A_648 = vector.broadcast %jit3A_647 : i32 to vector<16xi32>
        %select_n3A_649 = arith.select %and3A_646, %sub3A_639, %broadcast_in_dim3A_648 : vector<16xi1>, vector<16xi32>
        %swap3A_650 = arith.constant 112 : index
        %swap3A_651 = tpu.vector_load %arg17[%swap3A_650] {strides = array<i32>} : memref<128xi32, #tpu.memory_space<vmem>>, vector<16xi32>,
        tpu.vector_store %arg17[%swap3A_650], %select_n3A_649 {strides = array<i32>} : memref<128xi32, #tpu.memory_space<vmem>>, vector<16xi32>,
        %gather3A_652 = tpu.vector_load_idx %arg8[%shift_right_logical3A_632] : memref<10240xf32, #tpu.memory_space<vmem>>[vector<16xi32>], vector<16xf32>,
        %gather3A_653 = tpu.vector_load_idx %arg9[%and3A_635] : memref<10240xf32, #tpu.memory_space<vmem>>[vector<16xi32>], vector<16xf32>,
        %add3A_654 = arith.addf %gather3A_652, %gather3A_653 : vector<16xf32>
        %mul3A_655 = arith.constant 2.000000e-01 : f32
        %mul3A_656 = vector.broadcast %mul3A_655 : f32 to vector<16xf32>
        %mul3A_657 = arith.mulf %mul3A_656, %add3A_654 : vector<16xf32>
        %max3A_658 = arith.maximumf %add3A_654, %mul3A_657 : vector<16xf32>
        %exp3A_659 = math.exp %max3A_658 : vector<16xf32>
        %swap3A_660 = arith.constant 112 : index
        %swap3A_661 = tpu.vector_load %arg13[%swap3A_660] {strides = array<i32>} : memref<128xf32, #tpu.memory_space<vmem>>, vector<16xf32>,
        tpu.vector_store %arg13[%swap3A_660], %exp3A_659 {strides = array<i32>} : memref<128xf32, #tpu.memory_space<vmem>>, vector<16xf32>,
        tpu.vector_store_idx %arg19[%select_n3A_649], %exp3A_659 {add = true} : memref<5248xf32, #tpu.memory_space<vmem>>[vector<16xi32>], vector<16xf32>,
        %dma_start3A_662 = arith.constant 0 : i32
        %dma_start3A_663 = arith.constant 0 : i32
        %dma_start3A_664 = tpu.memref_slice %arg2[%dma_start3A_662, %dma_start3A_663] : memref<10240x128xf32, #tpu.memory_space<hbm>> -> memref<10240x128xf32, #tpu.memory_space<hbm>>
        tpu.enqueue_indirect_dma source(%dma_start3A_664 : memref<10240x128xf32, #tpu.memory_space<hbm>>) target(%arg11 : memref<128x128xf32, #tpu.memory_space<vmem>>) offsets(%arg15 : memref<128xi32, #tpu.memory_space<vmem>>) semaphore(%arg21 : memref<!tpu.dma_semaphore, #tpu.memory_space<semaphore_mem>>)
      } else {
      }
      %dma_wait3A_365 = arith.constant 0 : i32
      %dma_wait3A_366 = arith.constant 0 : i32
      %dma_wait3A_367 = tpu.memref_slice %arg2[%dma_wait3A_365, %dma_wait3A_366] : memref<10240x128xf32, #tpu.memory_space<hbm>> -> memref<10240x128xf32, #tpu.memory_space<hbm>>
      tpu.wait_indirect_dma semaphore(%arg22 : memref<!tpu.dma_semaphore, #tpu.memory_space<semaphore_mem>>) src(%dma_wait3A_367 : memref<10240x128xf32, #tpu.memory_space<hbm>>) dst(%arg12 : memref<128x128xf32, #tpu.memory_space<vmem>>)
      %scan3A_368 = arith.constant 0 : i32
      %scan3A_369 = arith.constant 0 : i32
      %scan3A_370 = arith.constant 8 : i32
      %scan3A_371 = arith.addi %scan3A_369, %scan3A_370 : i32
      %scan3A_372 = arith.constant 1 : i32
      scf.for %scan3A_377 = %scan3A_369 to %scan3A_371 step %scan3A_372  : i32 {
        %mul3A_378 = arith.constant 16 : i32
        %mul3A_379 = arith.muli %scan3A_377, %mul3A_378 : i32
        %get3A_380 = arith.index_cast %mul3A_379 : i32 to index
        %get3A_381 = tpu.vector_load %arg14[%get3A_380] {strides = array<i32>} : memref<128xf32, #tpu.memory_space<vmem>>, vector<16xf32>,
        %mul3A_382 = arith.constant 16 : i32
        %mul3A_383 = arith.muli %scan3A_377, %mul3A_382 : i32
        %slice3A = vector.extract_strided_slice %get3A_381 {offsets = [0], sizes = [1], strides = [1]} : vector<16xf32> to vector<1xf32>
        %squeeze3A = vector.extract %slice3A[0] : f32 from vector<1xf32>
        %add3A_384 = arith.constant 0 : i32
        %add3A_385 = arith.addi %mul3A_383, %add3A_384 : i32
        %get3A_386 = arith.index_cast %add3A_385 : i32 to index
        %get3A_387 = arith.constant 0 : index
        %get3A_388 = tpu.vector_load %arg12[%get3A_386, %get3A_387] {strides = array<i32>} : memref<128x128xf32, #tpu.memory_space<vmem>>, vector<16xf32>,
        %mul3A_389 = vector.broadcast %squeeze3A : f32 to vector<16xf32>
        %mul3A_390 = arith.mulf %get3A_388, %mul3A_389 : vector<16xf32>
        %add3A_391 = arith.constant 0 : i32
        %add3A_392 = arith.addi %mul3A_383, %add3A_391 : i32
        %swap3A_393 = arith.index_cast %add3A_392 : i32 to index
        %swap3A_394 = arith.constant 0 : index
        %swap3A_395 = tpu.vector_load %arg12[%swap3A_393, %swap3A_394] {strides = array<i32>} : memref<128x128xf32, #tpu.memory_space<vmem>>, vector<16xf32>,
        tpu.vector_store %arg12[%swap3A_393, %swap3A_394], %mul3A_390 {strides = array<i32>} : memref<128x128xf32, #tpu.memory_space<vmem>>, vector<16xf32>,
        %add3A_396 = arith.constant 0 : i32
        %add3A_397 = arith.addi %mul3A_383, %add3A_396 : i32
        %get3A_398 = arith.index_cast %add3A_397 : i32 to index
        %get3A_399 = arith.constant 16 : index
        %get3A_400 = tpu.vector_load %arg12[%get3A_398, %get3A_399] {strides = array<i32>} : memref<128x128xf32, #tpu.memory_space<vmem>>, vector<16xf32>,
        %mul3A_401 = vector.broadcast %squeeze3A : f32 to vector<16xf32>
        %mul3A_402 = arith.mulf %get3A_400, %mul3A_401 : vector<16xf32>
        %add3A_403 = arith.constant 0 : i32
        %add3A_404 = arith.addi %mul3A_383, %add3A_403 : i32
        %swap3A_405 = arith.index_cast %add3A_404 : i32 to index
        %swap3A_406 = arith.constant 16 : index
        %swap3A_407 = tpu.vector_load %arg12[%swap3A_405, %swap3A_406] {strides = array<i32>} : memref<128x128xf32, #tpu.memory_space<vmem>>, vector<16xf32>,
        tpu.vector_store %arg12[%swap3A_405, %swap3A_406], %mul3A_402 {strides = array<i32>} : memref<128x128xf32, #tpu.memory_space<vmem>>, vector<16xf32>,
        %add3A_408 = arith.constant 0 : i32
        %add3A_409 = arith.addi %mul3A_383, %add3A_408 : i32
        %get3A_410 = arith.index_cast %add3A_409 : i32 to index
        %get3A_411 = arith.constant 32 : index
        %get3A_412 = tpu.vector_load %arg12[%get3A_410, %get3A_411] {strides = array<i32>} : memref<128x128xf32, #tpu.memory_space<vmem>>, vector<16xf32>,
        %mul3A_413 = vector.broadcast %squeeze3A : f32 to vector<16xf32>
        %mul3A_414 = arith.mulf %get3A_412, %mul3A_413 : vector<16xf32>
        %add3A_415 = arith.constant 0 : i32
        %add3A_416 = arith.addi %mul3A_383, %add3A_415 : i32
        %swap3A_417 = arith.index_cast %add3A_416 : i32 to index
        %swap3A_418 = arith.constant 32 : index
        %swap3A_419 = tpu.vector_load %arg12[%swap3A_417, %swap3A_418] {strides = array<i32>} : memref<128x128xf32, #tpu.memory_space<vmem>>, vector<16xf32>,
        tpu.vector_store %arg12[%swap3A_417, %swap3A_418], %mul3A_414 {strides = array<i32>} : memref<128x128xf32, #tpu.memory_space<vmem>>, vector<16xf32>,
        %add3A_420 = arith.constant 0 : i32
        %add3A_421 = arith.addi %mul3A_383, %add3A_420 : i32
        %get3A_422 = arith.index_cast %add3A_421 : i32 to index
        %get3A_423 = arith.constant 48 : index
        %get3A_424 = tpu.vector_load %arg12[%get3A_422, %get3A_423] {strides = array<i32>} : memref<128x128xf32, #tpu.memory_space<vmem>>, vector<16xf32>,
        %mul3A_425 = vector.broadcast %squeeze3A : f32 to vector<16xf32>
        %mul3A_426 = arith.mulf %get3A_424, %mul3A_425 : vector<16xf32>
        %add3A_427 = arith.constant 0 : i32
        %add3A_428 = arith.addi %mul3A_383, %add3A_427 : i32
        %swap3A_429 = arith.index_cast %add3A_428 : i32 to index
        %swap3A_430 = arith.constant 48 : index
        %swap3A_431 = tpu.vector_load %arg12[%swap3A_429, %swap3A_430] {strides = array<i32>} : memref<128x128xf32, #tpu.memory_space<vmem>>, vector<16xf32>,
        tpu.vector_store %arg12[%swap3A_429, %swap3A_430], %mul3A_426 {strides = array<i32>} : memref<128x128xf32, #tpu.memory_space<vmem>>, vector<16xf32>,
        %add3A_432 = arith.constant 0 : i32
        %add3A_433 = arith.addi %mul3A_383, %add3A_432 : i32
        %get3A_434 = arith.index_cast %add3A_433 : i32 to index
        %get3A_435 = arith.constant 64 : index
        %get3A_436 = tpu.vector_load %arg12[%get3A_434, %get3A_435] {strides = array<i32>} : memref<128x128xf32, #tpu.memory_space<vmem>>, vector<16xf32>,
        %mul3A_437 = vector.broadcast %squeeze3A : f32 to vector<16xf32>
        %mul3A_438 = arith.mulf %get3A_436, %mul3A_437 : vector<16xf32>
        %add3A_439 = arith.constant 0 : i32
        %add3A_440 = arith.addi %mul3A_383, %add3A_439 : i32
        %swap3A_441 = arith.index_cast %add3A_440 : i32 to index
        %swap3A_442 = arith.constant 64 : index
        %swap3A_443 = tpu.vector_load %arg12[%swap3A_441, %swap3A_442] {strides = array<i32>} : memref<128x128xf32, #tpu.memory_space<vmem>>, vector<16xf32>,
        tpu.vector_store %arg12[%swap3A_441, %swap3A_442], %mul3A_438 {strides = array<i32>} : memref<128x128xf32, #tpu.memory_space<vmem>>, vector<16xf32>,
        %add3A_444 = arith.constant 0 : i32
        %add3A_445 = arith.addi %mul3A_383, %add3A_444 : i32
        %get3A_446 = arith.index_cast %add3A_445 : i32 to index
        %get3A_447 = arith.constant 80 : index
        %get3A_448 = tpu.vector_load %arg12[%get3A_446, %get3A_447] {strides = array<i32>} : memref<128x128xf32, #tpu.memory_space<vmem>>, vector<16xf32>,
        %mul3A_449 = vector.broadcast %squeeze3A : f32 to vector<16xf32>
        %mul3A_450 = arith.mulf %get3A_448, %mul3A_449 : vector<16xf32>
        %add3A_451 = arith.constant 0 : i32
        %add3A_452 = arith.addi %mul3A_383, %add3A_451 : i32
        %swap3A_453 = arith.index_cast %add3A_452 : i32 to index
        %swap3A_454 = arith.constant 80 : index
        %swap3A_455 = tpu.vector_load %arg12[%swap3A_453, %swap3A_454] {strides = array<i32>} : memref<128x128xf32, #tpu.memory_space<vmem>>, vector<16xf32>,
        tpu.vector_store %arg12[%swap3A_453, %swap3A_454], %mul3A_450 {strides = array<i32>} : memref<128x128xf32, #tpu.memory_space<vmem>>, vector<16xf32>,
        %add3A_456 = arith.constant 0 : i32
        %add3A_457 = arith.addi %mul3A_383, %add3A_456 : i32
        %get3A_458 = arith.index_cast %add3A_457 : i32 to index
        %get3A_459 = arith.constant 96 : index
        %get3A_460 = tpu.vector_load %arg12[%get3A_458, %get3A_459] {strides = array<i32>} : memref<128x128xf32, #tpu.memory_space<vmem>>, vector<16xf32>,
        %mul3A_461 = vector.broadcast %squeeze3A : f32 to vector<16xf32>
        %mul3A_462 = arith.mulf %get3A_460, %mul3A_461 : vector<16xf32>
        %add3A_463 = arith.constant 0 : i32
        %add3A_464 = arith.addi %mul3A_383, %add3A_463 : i32
        %swap3A_465 = arith.index_cast %add3A_464 : i32 to index
        %swap3A_466 = arith.constant 96 : index
        %swap3A_467 = tpu.vector_load %arg12[%swap3A_465, %swap3A_466] {strides = array<i32>} : memref<128x128xf32, #tpu.memory_space<vmem>>, vector<16xf32>,
        tpu.vector_store %arg12[%swap3A_465, %swap3A_466], %mul3A_462 {strides = array<i32>} : memref<128x128xf32, #tpu.memory_space<vmem>>, vector<16xf32>,
        %add3A_468 = arith.constant 0 : i32
        %add3A_469 = arith.addi %mul3A_383, %add3A_468 : i32
        %get3A_470 = arith.index_cast %add3A_469 : i32 to index
        %get3A_471 = arith.constant 112 : index
        %get3A_472 = tpu.vector_load %arg12[%get3A_470, %get3A_471] {strides = array<i32>} : memref<128x128xf32, #tpu.memory_space<vmem>>, vector<16xf32>,
        %mul3A_473 = vector.broadcast %squeeze3A : f32 to vector<16xf32>
        %mul3A_474 = arith.mulf %get3A_472, %mul3A_473 : vector<16xf32>
        %add3A_475 = arith.constant 0 : i32
        %add3A_476 = arith.addi %mul3A_383, %add3A_475 : i32
        %swap3A_477 = arith.index_cast %add3A_476 : i32 to index
        %swap3A_478 = arith.constant 112 : index
        %swap3A_479 = tpu.vector_load %arg12[%swap3A_477, %swap3A_478] {strides = array<i32>} : memref<128x128xf32, #tpu.memory_space<vmem>>, vector<16xf32>,
        tpu.vector_store %arg12[%swap3A_477, %swap3A_478], %mul3A_474 {strides = array<i32>} : memref<128x128xf32, #tpu.memory_space<vmem>>, vector<16xf32>,
        %slice3A_480 = vector.extract_strided_slice %get3A_381 {offsets = [1], sizes = [1], strides = [1]} : vector<16xf32> to vector<1xf32>
        %squeeze3A_481 = vector.extract %slice3A_480[0] : f32 from vector<1xf32>
        %add3A_482 = arith.constant 1 : i32
        %add3A_483 = arith.addi %mul3A_383, %add3A_482 : i32
        %get3A_484 = arith.index_cast %add3A_483 : i32 to index
        %get3A_485 = arith.constant 0 : index
        %get3A_486 = tpu.vector_load %arg12[%get3A_484, %get3A_485] {strides = array<i32>} : memref<128x128xf32, #tpu.memory_space<vmem>>, vector<16xf32>,
        %mul3A_487 = vector.broadcast %squeeze3A_481 : f32 to vector<16xf32>
        %mul3A_488 = arith.mulf %get3A_486, %mul3A_487 : vector<16xf32>
        %add3A_489 = arith.constant 1 : i32
        %add3A_490 = arith.addi %mul3A_383, %add3A_489 : i32
        %swap3A_491 = arith.index_cast %add3A_490 : i32 to index
        %swap3A_492 = arith.constant 0 : index
        %swap3A_493 = tpu.vector_load %arg12[%swap3A_491, %swap3A_492] {strides = array<i32>} : memref<128x128xf32, #tpu.memory_space<vmem>>, vector<16xf32>,
        tpu.vector_store %arg12[%swap3A_491, %swap3A_492], %mul3A_488 {strides = array<i32>} : memref<128x128xf32, #tpu.memory_space<vmem>>, vector<16xf32>,
        %add3A_494 = arith.constant 1 : i32
        %add3A_495 = arith.addi %mul3A_383, %add3A_494 : i32
        %get3A_496 = arith.index_cast %add3A_495 : i32 to index
        %get3A_497 = arith.constant 16 : index
        %get3A_498 = tpu.vector_load %arg12[%get3A_496, %get3A_497] {strides = array<i32>} : memref<128x128xf32, #tpu.memory_space<vmem>>, vector<16xf32>,
        %mul3A_499 = vector.broadcast %squeeze3A_481 : f32 to vector<16xf32>
        %mul3A_500 = arith.mulf %get3A_498, %mul3A_499 : vector<16xf32>
        %add3A_501 = arith.constant 1 : i32
        %add3A_502 = arith.addi %mul3A_383, %add3A_501 : i32
        %swap3A_503 = arith.index_cast %add3A_502 : i32 to index
        %swap3A_504 = arith.constant 16 : index
        %swap3A_505 = tpu.vector_load %arg12[%swap3A_503, %swap3A_504] {strides = array<i32>} : memref<128x128xf32, #tpu.memory_space<vmem>>, vector<16xf32>,
        tpu.vector_store %arg12[%swap3A_503, %swap3A_504], %mul3A_500 {strides = array<i32>} : memref<128x128xf32, #tpu.memory_space<vmem>>, vector<16xf32>,
        %add3A_506 = arith.constant 1 : i32
        %add3A_507 = arith.addi %mul3A_383, %add3A_506 : i32
        %get3A_508 = arith.index_cast %add3A_507 : i32 to index
        %get3A_509 = arith.constant 32 : index
        %get3A_510 = tpu.vector_load %arg12[%get3A_508, %get3A_509] {strides = array<i32>} : memref<128x128xf32, #tpu.memory_space<vmem>>, vector<16xf32>,
        %mul3A_511 = vector.broadcast %squeeze3A_481 : f32 to vector<16xf32>
        %mul3A_512 = arith.mulf %get3A_510, %mul3A_511 : vector<16xf32>
        %add3A_513 = arith.constant 1 : i32
        %add3A_514 = arith.addi %mul3A_383, %add3A_513 : i32
        %swap3A_515 = arith.index_cast %add3A_514 : i32 to index
        %swap3A_516 = arith.constant 32 : index
        %swap3A_517 = tpu.vector_load %arg12[%swap3A_515, %swap3A_516] {strides = array<i32>} : memref<128x128xf32, #tpu.memory_space<vmem>>, vector<16xf32>,
        tpu.vector_store %arg12[%swap3A_515, %swap3A_516], %mul3A_512 {strides = array<i32>} : memref<128x128xf32, #tpu.memory_space<vmem>>, vector<16xf32>,
        %add3A_518 = arith.constant 1 : i32
        %add3A_519 = arith.addi %mul3A_383, %add3A_518 : i32
        %get3A_520 = arith.index_cast %add3A_519 : i32 to index
        %get3A_521 = arith.constant 48 : index
        %get3A_522 = tpu.vector_load %arg12[%get3A_520, %get3A_521] {strides = array<i32>} : memref<128x128xf32, #tpu.memory_space<vmem>>, vector<16xf32>,
        %mul3A_523 = vector.broadcast %squeeze3A_481 : f32 to vector<16xf32>
        %mul3A_524 = arith.mulf %get3A_522, %mul3A_523 : vector<16xf32>
        %add3A_525 = arith.constant 1 : i32
        %add3A_526 = arith.addi %mul3A_383, %add3A_525 : i32
        %swap3A_527 = arith.index_cast %add3A_526 : i32 to index
        %swap3A_528 = arith.constant 48 : index
        %swap3A_529 = tpu.vector_load %arg12[%swap3A_527, %swap3A_528] {strides = array<i32>} : memref<128x128xf32, #tpu.memory_space<vmem>>, vector<16xf32>,
        tpu.vector_store %arg12[%swap3A_527, %swap3A_528], %mul3A_524 {strides = array<i32>} : memref<128x128xf32, #tpu.memory_space<vmem>>, vector<16xf32>,
        %add3A_530 = arith.constant 1 : i32
        %add3A_531 = arith.addi %mul3A_383, %add3A_530 : i32
        %get3A_532 = arith.index_cast %add3A_531 : i32 to index
        %get3A_533 = arith.constant 64 : index
        %get3A_534 = tpu.vector_load %arg12[%get3A_532, %get3A_533] {strides = array<i32>} : memref<128x128xf32, #tpu.memory_space<vmem>>, vector<16xf32>,
        %mul3A_535 = vector.broadcast %squeeze3A_481 : f32 to vector<16xf32>
        %mul3A_536 = arith.mulf %get3A_534, %mul3A_535 : vector<16xf32>
        %add3A_537 = arith.constant 1 : i32
        %add3A_538 = arith.addi %mul3A_383, %add3A_537 : i32
        %swap3A_539 = arith.index_cast %add3A_538 : i32 to index
        %swap3A_540 = arith.constant 64 : index
        %swap3A_541 = tpu.vector_load %arg12[%swap3A_539, %swap3A_540] {strides = array<i32>} : memref<128x128xf32, #tpu.memory_space<vmem>>, vector<16xf32>,
        tpu.vector_store %arg12[%swap3A_539, %swap3A_540], %mul3A_536 {strides = array<i32>} : memref<128x128xf32, #tpu.memory_space<vmem>>, vector<16xf32>,
        %add3A_542 = arith.constant 1 : i32
        %add3A_543 = arith.addi %mul3A_383, %add3A_542 : i32
        %get3A_544 = arith.index_cast %add3A_543 : i32 to index
        %get3A_545 = arith.constant 80 : index
        %get3A_546 = tpu.vector_load %arg12[%get3A_544, %get3A_545] {strides = array<i32>} : memref<128x128xf32, #tpu.memory_space<vmem>>, vector<16xf32>,
        %mul3A_547 = vector.broadcast %squeeze3A_481 : f32 to vector<16xf32>
        %mul3A_548 = arith.mulf %get3A_546, %mul3A_547 : vector<16xf32>
        %add3A_549 = arith.constant 1 : i32
        %add3A_550 = arith.addi %mul3A_383, %add3A_549 : i32
        %swap3A_551 = arith.index_cast %add3A_550 : i32 to index
        %swap3A_552 = arith.constant 80 : index
        %swap3A_553 = tpu.vector_load %arg12[%swap3A_551, %swap3A_552] {strides = array<i32>} : memref<128x128xf32, #tpu.memory_space<vmem>>, vector<16xf32>,
        tpu.vector_store %arg12[%swap3A_551, %swap3A_552], %mul3A_548 {strides = array<i32>} : memref<128x128xf32, #tpu.memory_space<vmem>>, vector<16xf32>,
        %add3A_554 = arith.constant 1 : i32
        %add3A_555 = arith.addi %mul3A_383, %add3A_554 : i32
        %get3A_556 = arith.index_cast %add3A_555 : i32 to index
        %get3A_557 = arith.constant 96 : index
        %get3A_558 = tpu.vector_load %arg12[%get3A_556, %get3A_557] {strides = array<i32>} : memref<128x128xf32, #tpu.memory_space<vmem>>, vector<16xf32>,
        %mul3A_559 = vector.broadcast %squeeze3A_481 : f32 to vector<16xf32>
        %mul3A_560 = arith.mulf %get3A_558, %mul3A_559 : vector<16xf32>
        %add3A_561 = arith.constant 1 : i32
        %add3A_562 = arith.addi %mul3A_383, %add3A_561 : i32
        %swap3A_563 = arith.index_cast %add3A_562 : i32 to index
        %swap3A_564 = arith.constant 96 : index
        %swap3A_565 = tpu.vector_load %arg12[%swap3A_563, %swap3A_564] {strides = array<i32>} : memref<128x128xf32, #tpu.memory_space<vmem>>, vector<16xf32>,
        tpu.vector_store %arg12[%swap3A_563, %swap3A_564], %mul3A_560 {strides = array<i32>} : memref<128x128xf32, #tpu.memory_space<vmem>>, vector<16xf32>,
        %add3A_566 = arith.constant 1 : i32
        %add3A_567 = arith.addi %mul3A_383, %add3A_566 : i32
        %get3A_568 = arith.index_cast %add3A_567 : i32 to index
        %get3A_569 = arith.constant 112 : index
        %get3A_570 = tpu.vector_load %arg12[%get3A_568, %get3A_569] {strides = array<i32>} : memref<128x128xf32, #tpu.memory_space<vmem>>, vector<16xf32>,
        %mul3A_571 = vector.broadcast %squeeze3A_481 : f32 to vector<16xf32>
        %mul3A_572 = arith.mulf %get3A_570, %mul3A_571 : vector<16xf32>
        %add3A_573 = arith.constant 1 : i32
        %add3A_574 = arith.addi %mul3A_383, %add3A_573 : i32
        %swap3A_575 = arith.index_cast %add3A_574 : i32 to index
        %swap3A_576 = arith.constant 112 : index
        %swap3A_577 = tpu.vector_load %arg12[%swap3A_575, %swap3A_576] {strides = array<i32>} : memref<128x128xf32, #tpu.memory_space<vmem>>, vector<16xf32>,
        tpu.vector_store %arg12[%swap3A_575, %swap3A_576], %mul3A_572 {strides = array<i32>} : memref<128x128xf32, #tpu.memory_space<vmem>>, vector<16xf32>,
        %slice3A_578 = vector.extract_strided_slice %get3A_381 {offsets = [2], sizes = [1], strides = [1]} : vector<16xf32> to vector<1xf32>
        %squeeze3A_579 = vector.extract %slice3A_578[0] : f32 from vector<1xf32>
        %add3A_580 = arith.constant 2 : i32
        %add3A_581 = arith.addi %mul3A_383, %add3A_580 : i32
        %get3A_582 = arith.index_cast %add3A_581 : i32 to index
        %get3A_583 = arith.constant 0 : index
        %get3A_584 = tpu.vector_load %arg12[%get3A_582, %get3A_583] {strides = array<i32>} : memref<128x128xf32, #tpu.memory_space<vmem>>, vector<16xf32>,
        %mul3A_585 = vector.broadcast %squeeze3A_579 : f32 to vector<16xf32>
        %mul3A_586 = arith.mulf %get3A_584, %mul3A_585 : vector<16xf32>
        %add3A_587 = arith.constant 2 : i32
        %add3A_588 = arith.addi %mul3A_383, %add3A_587 : i32
        %swap3A_589 = arith.index_cast %add3A_588 : i32 to index
        %swap3A_590 = arith.constant 0 : index
        %swap3A_591 = tpu.vector_load %arg12[%swap3A_589, %swap3A_590] {strides = array<i32>} : memref<128x128xf32, #tpu.memory_space<vmem>>, vector<16xf32>,
        tpu.vector_store %arg12[%swap3A_589, %swap3A_590], %mul3A_586 {strides = array<i32>} : memref<128x128xf32, #tpu.memory_space<vmem>>, vector<16xf32>,
        %add3A_592 = arith.constant 2 : i32
        %add3A_593 = arith.addi %mul3A_383, %add3A_592 : i32
        %get3A_594 = arith.index_cast %add3A_593 : i32 to index
        %get3A_595 = arith.constant 16 : index
        %get3A_596 = tpu.vector_load %arg12[%get3A_594, %get3A_595] {strides = array<i32>} : memref<128x128xf32, #tpu.memory_space<vmem>>, vector<16xf32>,
        %mul3A_597 = vector.broadcast %squeeze3A_579 : f32 to vector<16xf32>
        %mul3A_598 = arith.mulf %get3A_596, %mul3A_597 : vector<16xf32>
        %add3A_599 = arith.constant 2 : i32
        %add3A_600 = arith.addi %mul3A_383, %add3A_599 : i32
        %swap3A_601 = arith.index_cast %add3A_600 : i32 to index
        %swap3A_602 = arith.constant 16 : index
        %swap3A_603 = tpu.vector_load %arg12[%swap3A_601, %swap3A_602] {strides = array<i32>} : memref<128x128xf32, #tpu.memory_space<vmem>>, vector<16xf32>,
        tpu.vector_store %arg12[%swap3A_601, %swap3A_602], %mul3A_598 {strides = array<i32>} : memref<128x128xf32, #tpu.memory_space<vmem>>, vector<16xf32>,
        %add3A_604 = arith.constant 2 : i32
        %add3A_605 = arith.addi %mul3A_383, %add3A_604 : i32
        %get3A_606 = arith.index_cast %add3A_605 : i32 to index
        %get3A_607 = arith.constant 32 : index
        %get3A_608 = tpu.vector_load %arg12[%get3A_606, %get3A_607] {strides = array<i32>} : memref<128x128xf32, #tpu.memory_space<vmem>>, vector<16xf32>,
        %mul3A_609 = vector.broadcast %squeeze3A_579 : f32 to vector<16xf32>
        %mul3A_610 = arith.mulf %get3A_608, %mul3A_609 : vector<16xf32>
        %add3A_611 = arith.constant 2 : i32
        %add3A_612 = arith.addi %mul3A_383, %add3A_611 : i32
        %swap3A_613 = arith.index_cast %add3A_612 : i32 to index
        %swap3A_614 = arith.constant 32 : index
        %swap3A_615 = tpu.vector_load %arg12[%swap3A_613, %swap3A_614] {strides = array<i32>} : memref<128x128xf32, #tpu.memory_space<vmem>>, vector<16xf32>,
        tpu.vector_store %arg12[%swap3A_613, %swap3A_614], %mul3A_610 {strides = array<i32>} : memref<128x128xf32, #tpu.memory_space<vmem>>, vector<16xf32>,
        %add3A_616 = arith.constant 2 : i32
        %add3A_617 = arith.addi %mul3A_383, %add3A_616 : i32
        %get3A_618 = arith.index_cast %add3A_617 : i32 to index
        %get3A_619 = arith.constant 48 : index
        %get3A_620 = tpu.vector_load %arg12[%get3A_618, %get3A_619] {strides = array<i32>} : memref<128x128xf32, #tpu.memory_space<vmem>>, vector<16xf32>,
        %mul3A_621 = vector.broadcast %squeeze3A_579 : f32 to vector<16xf32>
        %mul3A_622 = arith.mulf %get3A_620, %mul3A_621 : vector<16xf32>
        %add3A_623 = arith.constant 2 : i32
        %add3A_624 = arith.addi %mul3A_383, %add3A_623 : i32
        %swap3A_625 = arith.index_cast %add3A_624 : i32 to index
        %swap3A_626 = arith.constant 48 : index
        %swap3A_627 = tpu.vector_load %arg12[%swap3A_625, %swap3A_626] {strides = array<i32>} : memref<128x128xf32, #tpu.memory_space<vmem>>, vector<16xf32>,
        tpu.vector_store %arg12[%swap3A_625, %swap3A_626], %mul3A_622 {strides = array<i32>} : memref<128x128xf32, #tpu.memory_space<vmem>>, vector<16xf32>,
        %add3A_628 = arith.constant 2 : i32
        %add3A_629 = arith.addi %mul3A_383, %add3A_628 : i32
        %get3A_630 = arith.index_cast %add3A_629 : i32 to index
        %get3A_631 = arith.constant 64 : index
        %get3A_632 = tpu.vector_load %arg12[%get3A_630, %get3A_631] {strides = array<i32>} : memref<128x128xf32, #tpu.memory_space<vmem>>, vector<16xf32>,
        %mul3A_633 = vector.broadcast %squeeze3A_579 : f32 to vector<16xf32>
        %mul3A_634 = arith.mulf %get3A_632, %mul3A_633 : vector<16xf32>
        %add3A_635 = arith.constant 2 : i32
        %add3A_636 = arith.addi %mul3A_383, %add3A_635 : i32
        %swap3A_637 = arith.index_cast %add3A_636 : i32 to index
        %swap3A_638 = arith.constant 64 : index
        %swap3A_639 = tpu.vector_load %arg12[%swap3A_637, %swap3A_638] {strides = array<i32>} : memref<128x128xf32, #tpu.memory_space<vmem>>, vector<16xf32>,
        tpu.vector_store %arg12[%swap3A_637, %swap3A_638], %mul3A_634 {strides = array<i32>} : memref<128x128xf32, #tpu.memory_space<vmem>>, vector<16xf32>,
        %add3A_640 = arith.constant 2 : i32
        %add3A_641 = arith.addi %mul3A_383, %add3A_640 : i32
        %get3A_642 = arith.index_cast %add3A_641 : i32 to index
        %get3A_643 = arith.constant 80 : index
        %get3A_644 = tpu.vector_load %arg12[%get3A_642, %get3A_643] {strides = array<i32>} : memref<128x128xf32, #tpu.memory_space<vmem>>, vector<16xf32>,
        %mul3A_645 = vector.broadcast %squeeze3A_579 : f32 to vector<16xf32>
        %mul3A_646 = arith.mulf %get3A_644, %mul3A_645 : vector<16xf32>
        %add3A_647 = arith.constant 2 : i32
        %add3A_648 = arith.addi %mul3A_383, %add3A_647 : i32
        %swap3A_649 = arith.index_cast %add3A_648 : i32 to index
        %swap3A_650 = arith.constant 80 : index
        %swap3A_651 = tpu.vector_load %arg12[%swap3A_649, %swap3A_650] {strides = array<i32>} : memref<128x128xf32, #tpu.memory_space<vmem>>, vector<16xf32>,
        tpu.vector_store %arg12[%swap3A_649, %swap3A_650], %mul3A_646 {strides = array<i32>} : memref<128x128xf32, #tpu.memory_space<vmem>>, vector<16xf32>,
        %add3A_652 = arith.constant 2 : i32
        %add3A_653 = arith.addi %mul3A_383, %add3A_652 : i32
        %get3A_654 = arith.index_cast %add3A_653 : i32 to index
        %get3A_655 = arith.constant 96 : index
        %get3A_656 = tpu.vector_load %arg12[%get3A_654, %get3A_655] {strides = array<i32>} : memref<128x128xf32, #tpu.memory_space<vmem>>, vector<16xf32>,
        %mul3A_657 = vector.broadcast %squeeze3A_579 : f32 to vector<16xf32>
        %mul3A_658 = arith.mulf %get3A_656, %mul3A_657 : vector<16xf32>
        %add3A_659 = arith.constant 2 : i32
        %add3A_660 = arith.addi %mul3A_383, %add3A_659 : i32
        %swap3A_661 = arith.index_cast %add3A_660 : i32 to index
        %swap3A_662 = arith.constant 96 : index
        %swap3A_663 = tpu.vector_load %arg12[%swap3A_661, %swap3A_662] {strides = array<i32>} : memref<128x128xf32, #tpu.memory_space<vmem>>, vector<16xf32>,
        tpu.vector_store %arg12[%swap3A_661, %swap3A_662], %mul3A_658 {strides = array<i32>} : memref<128x128xf32, #tpu.memory_space<vmem>>, vector<16xf32>,
        %add3A_664 = arith.constant 2 : i32
        %add3A_665 = arith.addi %mul3A_383, %add3A_664 : i32
        %get3A_666 = arith.index_cast %add3A_665 : i32 to index
        %get3A_667 = arith.constant 112 : index
        %get3A_668 = tpu.vector_load %arg12[%get3A_666, %get3A_667] {strides = array<i32>} : memref<128x128xf32, #tpu.memory_space<vmem>>, vector<16xf32>,
        %mul3A_669 = vector.broadcast %squeeze3A_579 : f32 to vector<16xf32>
        %mul3A_670 = arith.mulf %get3A_668, %mul3A_669 : vector<16xf32>
        %add3A_671 = arith.constant 2 : i32
        %add3A_672 = arith.addi %mul3A_383, %add3A_671 : i32
        %swap3A_673 = arith.index_cast %add3A_672 : i32 to index
        %swap3A_674 = arith.constant 112 : index
        %swap3A_675 = tpu.vector_load %arg12[%swap3A_673, %swap3A_674] {strides = array<i32>} : memref<128x128xf32, #tpu.memory_space<vmem>>, vector<16xf32>,
        tpu.vector_store %arg12[%swap3A_673, %swap3A_674], %mul3A_670 {strides = array<i32>} : memref<128x128xf32, #tpu.memory_space<vmem>>, vector<16xf32>,
        %slice3A_676 = vector.extract_strided_slice %get3A_381 {offsets = [3], sizes = [1], strides = [1]} : vector<16xf32> to vector<1xf32>
        %squeeze3A_677 = vector.extract %slice3A_676[0] : f32 from vector<1xf32>
        %add3A_678 = arith.constant 3 : i32
        %add3A_679 = arith.addi %mul3A_383, %add3A_678 : i32
        %get3A_680 = arith.index_cast %add3A_679 : i32 to index
        %get3A_681 = arith.constant 0 : index
        %get3A_682 = tpu.vector_load %arg12[%get3A_680, %get3A_681] {strides = array<i32>} : memref<128x128xf32, #tpu.memory_space<vmem>>, vector<16xf32>,
        %mul3A_683 = vector.broadcast %squeeze3A_677 : f32 to vector<16xf32>
        %mul3A_684 = arith.mulf %get3A_682, %mul3A_683 : vector<16xf32>
        %add3A_685 = arith.constant 3 : i32
        %add3A_686 = arith.addi %mul3A_383, %add3A_685 : i32
        %swap3A_687 = arith.index_cast %add3A_686 : i32 to index
        %swap3A_688 = arith.constant 0 : index
        %swap3A_689 = tpu.vector_load %arg12[%swap3A_687, %swap3A_688] {strides = array<i32>} : memref<128x128xf32, #tpu.memory_space<vmem>>, vector<16xf32>,
        tpu.vector_store %arg12[%swap3A_687, %swap3A_688], %mul3A_684 {strides = array<i32>} : memref<128x128xf32, #tpu.memory_space<vmem>>, vector<16xf32>,
        %add3A_690 = arith.constant 3 : i32
        %add3A_691 = arith.addi %mul3A_383, %add3A_690 : i32
        %get3A_692 = arith.index_cast %add3A_691 : i32 to index
        %get3A_693 = arith.constant 16 : index
        %get3A_694 = tpu.vector_load %arg12[%get3A_692, %get3A_693] {strides = array<i32>} : memref<128x128xf32, #tpu.memory_space<vmem>>, vector<16xf32>,
        %mul3A_695 = vector.broadcast %squeeze3A_677 : f32 to vector<16xf32>
        %mul3A_696 = arith.mulf %get3A_694, %mul3A_695 : vector<16xf32>
        %add3A_697 = arith.constant 3 : i32
        %add3A_698 = arith.addi %mul3A_383, %add3A_697 : i32
        %swap3A_699 = arith.index_cast %add3A_698 : i32 to index
        %swap3A_700 = arith.constant 16 : index
        %swap3A_701 = tpu.vector_load %arg12[%swap3A_699, %swap3A_700] {strides = array<i32>} : memref<128x128xf32, #tpu.memory_space<vmem>>, vector<16xf32>,
        tpu.vector_store %arg12[%swap3A_699, %swap3A_700], %mul3A_696 {strides = array<i32>} : memref<128x128xf32, #tpu.memory_space<vmem>>, vector<16xf32>,
        %add3A_702 = arith.constant 3 : i32
        %add3A_703 = arith.addi %mul3A_383, %add3A_702 : i32
        %get3A_704 = arith.index_cast %add3A_703 : i32 to index
        %get3A_705 = arith.constant 32 : index
        %get3A_706 = tpu.vector_load %arg12[%get3A_704, %get3A_705] {strides = array<i32>} : memref<128x128xf32, #tpu.memory_space<vmem>>, vector<16xf32>,
        %mul3A_707 = vector.broadcast %squeeze3A_677 : f32 to vector<16xf32>
        %mul3A_708 = arith.mulf %get3A_706, %mul3A_707 : vector<16xf32>
        %add3A_709 = arith.constant 3 : i32
        %add3A_710 = arith.addi %mul3A_383, %add3A_709 : i32
        %swap3A_711 = arith.index_cast %add3A_710 : i32 to index
        %swap3A_712 = arith.constant 32 : index
        %swap3A_713 = tpu.vector_load %arg12[%swap3A_711, %swap3A_712] {strides = array<i32>} : memref<128x128xf32, #tpu.memory_space<vmem>>, vector<16xf32>,
        tpu.vector_store %arg12[%swap3A_711, %swap3A_712], %mul3A_708 {strides = array<i32>} : memref<128x128xf32, #tpu.memory_space<vmem>>, vector<16xf32>,
        %add3A_714 = arith.constant 3 : i32
        %add3A_715 = arith.addi %mul3A_383, %add3A_714 : i32
        %get3A_716 = arith.index_cast %add3A_715 : i32 to index
        %get3A_717 = arith.constant 48 : index
        %get3A_718 = tpu.vector_load %arg12[%get3A_716, %get3A_717] {strides = array<i32>} : memref<128x128xf32, #tpu.memory_space<vmem>>, vector<16xf32>,
        %mul3A_719 = vector.broadcast %squeeze3A_677 : f32 to vector<16xf32>
        %mul3A_720 = arith.mulf %get3A_718, %mul3A_719 : vector<16xf32>
        %add3A_721 = arith.constant 3 : i32
        %add3A_722 = arith.addi %mul3A_383, %add3A_721 : i32
        %swap3A_723 = arith.index_cast %add3A_722 : i32 to index
        %swap3A_724 = arith.constant 48 : index
        %swap3A_725 = tpu.vector_load %arg12[%swap3A_723, %swap3A_724] {strides = array<i32>} : memref<128x128xf32, #tpu.memory_space<vmem>>, vector<16xf32>,
        tpu.vector_store %arg12[%swap3A_723, %swap3A_724], %mul3A_720 {strides = array<i32>} : memref<128x128xf32, #tpu.memory_space<vmem>>, vector<16xf32>,
        %add3A_726 = arith.constant 3 : i32
        %add3A_727 = arith.addi %mul3A_383, %add3A_726 : i32
        %get3A_728 = arith.index_cast %add3A_727 : i32 to index
        %get3A_729 = arith.constant 64 : index
        %get3A_730 = tpu.vector_load %arg12[%get3A_728, %get3A_729] {strides = array<i32>} : memref<128x128xf32, #tpu.memory_space<vmem>>, vector<16xf32>,
        %mul3A_731 = vector.broadcast %squeeze3A_677 : f32 to vector<16xf32>
        %mul3A_732 = arith.mulf %get3A_730, %mul3A_731 : vector<16xf32>
        %add3A_733 = arith.constant 3 : i32
        %add3A_734 = arith.addi %mul3A_383, %add3A_733 : i32
        %swap3A_735 = arith.index_cast %add3A_734 : i32 to index
        %swap3A_736 = arith.constant 64 : index
        %swap3A_737 = tpu.vector_load %arg12[%swap3A_735, %swap3A_736] {strides = array<i32>} : memref<128x128xf32, #tpu.memory_space<vmem>>, vector<16xf32>,
        tpu.vector_store %arg12[%swap3A_735, %swap3A_736], %mul3A_732 {strides = array<i32>} : memref<128x128xf32, #tpu.memory_space<vmem>>, vector<16xf32>,
        %add3A_738 = arith.constant 3 : i32
        %add3A_739 = arith.addi %mul3A_383, %add3A_738 : i32
        %get3A_740 = arith.index_cast %add3A_739 : i32 to index
        %get3A_741 = arith.constant 80 : index
        %get3A_742 = tpu.vector_load %arg12[%get3A_740, %get3A_741] {strides = array<i32>} : memref<128x128xf32, #tpu.memory_space<vmem>>, vector<16xf32>,
        %mul3A_743 = vector.broadcast %squeeze3A_677 : f32 to vector<16xf32>
        %mul3A_744 = arith.mulf %get3A_742, %mul3A_743 : vector<16xf32>
        %add3A_745 = arith.constant 3 : i32
        %add3A_746 = arith.addi %mul3A_383, %add3A_745 : i32
        %swap3A_747 = arith.index_cast %add3A_746 : i32 to index
        %swap3A_748 = arith.constant 80 : index
        %swap3A_749 = tpu.vector_load %arg12[%swap3A_747, %swap3A_748] {strides = array<i32>} : memref<128x128xf32, #tpu.memory_space<vmem>>, vector<16xf32>,
        tpu.vector_store %arg12[%swap3A_747, %swap3A_748], %mul3A_744 {strides = array<i32>} : memref<128x128xf32, #tpu.memory_space<vmem>>, vector<16xf32>,
        %add3A_750 = arith.constant 3 : i32
        %add3A_751 = arith.addi %mul3A_383, %add3A_750 : i32
        %get3A_752 = arith.index_cast %add3A_751 : i32 to index
        %get3A_753 = arith.constant 96 : index
        %get3A_754 = tpu.vector_load %arg12[%get3A_752, %get3A_753] {strides = array<i32>} : memref<128x128xf32, #tpu.memory_space<vmem>>, vector<16xf32>,
        %mul3A_755 = vector.broadcast %squeeze3A_677 : f32 to vector<16xf32>
        %mul3A_756 = arith.mulf %get3A_754, %mul3A_755 : vector<16xf32>
        %add3A_757 = arith.constant 3 : i32
        %add3A_758 = arith.addi %mul3A_383, %add3A_757 : i32
        %swap3A_759 = arith.index_cast %add3A_758 : i32 to index
        %swap3A_760 = arith.constant 96 : index
        %swap3A_761 = tpu.vector_load %arg12[%swap3A_759, %swap3A_760] {strides = array<i32>} : memref<128x128xf32, #tpu.memory_space<vmem>>, vector<16xf32>,
        tpu.vector_store %arg12[%swap3A_759, %swap3A_760], %mul3A_756 {strides = array<i32>} : memref<128x128xf32, #tpu.memory_space<vmem>>, vector<16xf32>,
        %add3A_762 = arith.constant 3 : i32
        %add3A_763 = arith.addi %mul3A_383, %add3A_762 : i32
        %get3A_764 = arith.index_cast %add3A_763 : i32 to index
        %get3A_765 = arith.constant 112 : index
        %get3A_766 = tpu.vector_load %arg12[%get3A_764, %get3A_765] {strides = array<i32>} : memref<128x128xf32, #tpu.memory_space<vmem>>, vector<16xf32>,
        %mul3A_767 = vector.broadcast %squeeze3A_677 : f32 to vector<16xf32>
        %mul3A_768 = arith.mulf %get3A_766, %mul3A_767 : vector<16xf32>
        %add3A_769 = arith.constant 3 : i32
        %add3A_770 = arith.addi %mul3A_383, %add3A_769 : i32
        %swap3A_771 = arith.index_cast %add3A_770 : i32 to index
        %swap3A_772 = arith.constant 112 : index
        %swap3A_773 = tpu.vector_load %arg12[%swap3A_771, %swap3A_772] {strides = array<i32>} : memref<128x128xf32, #tpu.memory_space<vmem>>, vector<16xf32>,
        tpu.vector_store %arg12[%swap3A_771, %swap3A_772], %mul3A_768 {strides = array<i32>} : memref<128x128xf32, #tpu.memory_space<vmem>>, vector<16xf32>,
        %slice3A_774 = vector.extract_strided_slice %get3A_381 {offsets = [4], sizes = [1], strides = [1]} : vector<16xf32> to vector<1xf32>
        %squeeze3A_775 = vector.extract %slice3A_774[0] : f32 from vector<1xf32>
        %add3A_776 = arith.constant 4 : i32
        %add3A_777 = arith.addi %mul3A_383, %add3A_776 : i32
        %get3A_778 = arith.index_cast %add3A_777 : i32 to index
        %get3A_779 = arith.constant 0 : index
        %get3A_780 = tpu.vector_load %arg12[%get3A_778, %get3A_779] {strides = array<i32>} : memref<128x128xf32, #tpu.memory_space<vmem>>, vector<16xf32>,
        %mul3A_781 = vector.broadcast %squeeze3A_775 : f32 to vector<16xf32>
        %mul3A_782 = arith.mulf %get3A_780, %mul3A_781 : vector<16xf32>
        %add3A_783 = arith.constant 4 : i32
        %add3A_784 = arith.addi %mul3A_383, %add3A_783 : i32
        %swap3A_785 = arith.index_cast %add3A_784 : i32 to index
        %swap3A_786 = arith.constant 0 : index
        %swap3A_787 = tpu.vector_load %arg12[%swap3A_785, %swap3A_786] {strides = array<i32>} : memref<128x128xf32, #tpu.memory_space<vmem>>, vector<16xf32>,
        tpu.vector_store %arg12[%swap3A_785, %swap3A_786], %mul3A_782 {strides = array<i32>} : memref<128x128xf32, #tpu.memory_space<vmem>>, vector<16xf32>,
        %add3A_788 = arith.constant 4 : i32
        %add3A_789 = arith.addi %mul3A_383, %add3A_788 : i32
        %get3A_790 = arith.index_cast %add3A_789 : i32 to index
        %get3A_791 = arith.constant 16 : index
        %get3A_792 = tpu.vector_load %arg12[%get3A_790, %get3A_791] {strides = array<i32>} : memref<128x128xf32, #tpu.memory_space<vmem>>, vector<16xf32>,
        %mul3A_793 = vector.broadcast %squeeze3A_775 : f32 to vector<16xf32>
        %mul3A_794 = arith.mulf %get3A_792, %mul3A_793 : vector<16xf32>
        %add3A_795 = arith.constant 4 : i32
        %add3A_796 = arith.addi %mul3A_383, %add3A_795 : i32
        %swap3A_797 = arith.index_cast %add3A_796 : i32 to index
        %swap3A_798 = arith.constant 16 : index
        %swap3A_799 = tpu.vector_load %arg12[%swap3A_797, %swap3A_798] {strides = array<i32>} : memref<128x128xf32, #tpu.memory_space<vmem>>, vector<16xf32>,
        tpu.vector_store %arg12[%swap3A_797, %swap3A_798], %mul3A_794 {strides = array<i32>} : memref<128x128xf32, #tpu.memory_space<vmem>>, vector<16xf32>,
        %add3A_800 = arith.constant 4 : i32
        %add3A_801 = arith.addi %mul3A_383, %add3A_800 : i32
        %get3A_802 = arith.index_cast %add3A_801 : i32 to index
        %get3A_803 = arith.constant 32 : index
        %get3A_804 = tpu.vector_load %arg12[%get3A_802, %get3A_803] {strides = array<i32>} : memref<128x128xf32, #tpu.memory_space<vmem>>, vector<16xf32>,
        %mul3A_805 = vector.broadcast %squeeze3A_775 : f32 to vector<16xf32>
        %mul3A_806 = arith.mulf %get3A_804, %mul3A_805 : vector<16xf32>
        %add3A_807 = arith.constant 4 : i32
        %add3A_808 = arith.addi %mul3A_383, %add3A_807 : i32
        %swap3A_809 = arith.index_cast %add3A_808 : i32 to index
        %swap3A_810 = arith.constant 32 : index
        %swap3A_811 = tpu.vector_load %arg12[%swap3A_809, %swap3A_810] {strides = array<i32>} : memref<128x128xf32, #tpu.memory_space<vmem>>, vector<16xf32>,
        tpu.vector_store %arg12[%swap3A_809, %swap3A_810], %mul3A_806 {strides = array<i32>} : memref<128x128xf32, #tpu.memory_space<vmem>>, vector<16xf32>,
        %add3A_812 = arith.constant 4 : i32
        %add3A_813 = arith.addi %mul3A_383, %add3A_812 : i32
        %get3A_814 = arith.index_cast %add3A_813 : i32 to index
        %get3A_815 = arith.constant 48 : index
        %get3A_816 = tpu.vector_load %arg12[%get3A_814, %get3A_815] {strides = array<i32>} : memref<128x128xf32, #tpu.memory_space<vmem>>, vector<16xf32>,
        %mul3A_817 = vector.broadcast %squeeze3A_775 : f32 to vector<16xf32>
        %mul3A_818 = arith.mulf %get3A_816, %mul3A_817 : vector<16xf32>
        %add3A_819 = arith.constant 4 : i32
        %add3A_820 = arith.addi %mul3A_383, %add3A_819 : i32
        %swap3A_821 = arith.index_cast %add3A_820 : i32 to index
        %swap3A_822 = arith.constant 48 : index
        %swap3A_823 = tpu.vector_load %arg12[%swap3A_821, %swap3A_822] {strides = array<i32>} : memref<128x128xf32, #tpu.memory_space<vmem>>, vector<16xf32>,
        tpu.vector_store %arg12[%swap3A_821, %swap3A_822], %mul3A_818 {strides = array<i32>} : memref<128x128xf32, #tpu.memory_space<vmem>>, vector<16xf32>,
        %add3A_824 = arith.constant 4 : i32
        %add3A_825 = arith.addi %mul3A_383, %add3A_824 : i32
        %get3A_826 = arith.index_cast %add3A_825 : i32 to index
        %get3A_827 = arith.constant 64 : index
        %get3A_828 = tpu.vector_load %arg12[%get3A_826, %get3A_827] {strides = array<i32>} : memref<128x128xf32, #tpu.memory_space<vmem>>, vector<16xf32>,
        %mul3A_829 = vector.broadcast %squeeze3A_775 : f32 to vector<16xf32>
        %mul3A_830 = arith.mulf %get3A_828, %mul3A_829 : vector<16xf32>
        %add3A_831 = arith.constant 4 : i32
        %add3A_832 = arith.addi %mul3A_383, %add3A_831 : i32
        %swap3A_833 = arith.index_cast %add3A_832 : i32 to index
        %swap3A_834 = arith.constant 64 : index
        %swap3A_835 = tpu.vector_load %arg12[%swap3A_833, %swap3A_834] {strides = array<i32>} : memref<128x128xf32, #tpu.memory_space<vmem>>, vector<16xf32>,
        tpu.vector_store %arg12[%swap3A_833, %swap3A_834], %mul3A_830 {strides = array<i32>} : memref<128x128xf32, #tpu.memory_space<vmem>>, vector<16xf32>,
        %add3A_836 = arith.constant 4 : i32
        %add3A_837 = arith.addi %mul3A_383, %add3A_836 : i32
        %get3A_838 = arith.index_cast %add3A_837 : i32 to index
        %get3A_839 = arith.constant 80 : index
        %get3A_840 = tpu.vector_load %arg12[%get3A_838, %get3A_839] {strides = array<i32>} : memref<128x128xf32, #tpu.memory_space<vmem>>, vector<16xf32>,
        %mul3A_841 = vector.broadcast %squeeze3A_775 : f32 to vector<16xf32>
        %mul3A_842 = arith.mulf %get3A_840, %mul3A_841 : vector<16xf32>
        %add3A_843 = arith.constant 4 : i32
        %add3A_844 = arith.addi %mul3A_383, %add3A_843 : i32
        %swap3A_845 = arith.index_cast %add3A_844 : i32 to index
        %swap3A_846 = arith.constant 80 : index
        %swap3A_847 = tpu.vector_load %arg12[%swap3A_845, %swap3A_846] {strides = array<i32>} : memref<128x128xf32, #tpu.memory_space<vmem>>, vector<16xf32>,
        tpu.vector_store %arg12[%swap3A_845, %swap3A_846], %mul3A_842 {strides = array<i32>} : memref<128x128xf32, #tpu.memory_space<vmem>>, vector<16xf32>,
        %add3A_848 = arith.constant 4 : i32
        %add3A_849 = arith.addi %mul3A_383, %add3A_848 : i32
        %get3A_850 = arith.index_cast %add3A_849 : i32 to index
        %get3A_851 = arith.constant 96 : index
        %get3A_852 = tpu.vector_load %arg12[%get3A_850, %get3A_851] {strides = array<i32>} : memref<128x128xf32, #tpu.memory_space<vmem>>, vector<16xf32>,
        %mul3A_853 = vector.broadcast %squeeze3A_775 : f32 to vector<16xf32>
        %mul3A_854 = arith.mulf %get3A_852, %mul3A_853 : vector<16xf32>
        %add3A_855 = arith.constant 4 : i32
        %add3A_856 = arith.addi %mul3A_383, %add3A_855 : i32
        %swap3A_857 = arith.index_cast %add3A_856 : i32 to index
        %swap3A_858 = arith.constant 96 : index
        %swap3A_859 = tpu.vector_load %arg12[%swap3A_857, %swap3A_858] {strides = array<i32>} : memref<128x128xf32, #tpu.memory_space<vmem>>, vector<16xf32>,
        tpu.vector_store %arg12[%swap3A_857, %swap3A_858], %mul3A_854 {strides = array<i32>} : memref<128x128xf32, #tpu.memory_space<vmem>>, vector<16xf32>,
        %add3A_860 = arith.constant 4 : i32
        %add3A_861 = arith.addi %mul3A_383, %add3A_860 : i32
        %get3A_862 = arith.index_cast %add3A_861 : i32 to index
        %get3A_863 = arith.constant 112 : index
        %get3A_864 = tpu.vector_load %arg12[%get3A_862, %get3A_863] {strides = array<i32>} : memref<128x128xf32, #tpu.memory_space<vmem>>, vector<16xf32>,
        %mul3A_865 = vector.broadcast %squeeze3A_775 : f32 to vector<16xf32>
        %mul3A_866 = arith.mulf %get3A_864, %mul3A_865 : vector<16xf32>
        %add3A_867 = arith.constant 4 : i32
        %add3A_868 = arith.addi %mul3A_383, %add3A_867 : i32
        %swap3A_869 = arith.index_cast %add3A_868 : i32 to index
        %swap3A_870 = arith.constant 112 : index
        %swap3A_871 = tpu.vector_load %arg12[%swap3A_869, %swap3A_870] {strides = array<i32>} : memref<128x128xf32, #tpu.memory_space<vmem>>, vector<16xf32>,
        tpu.vector_store %arg12[%swap3A_869, %swap3A_870], %mul3A_866 {strides = array<i32>} : memref<128x128xf32, #tpu.memory_space<vmem>>, vector<16xf32>,
        %slice3A_872 = vector.extract_strided_slice %get3A_381 {offsets = [5], sizes = [1], strides = [1]} : vector<16xf32> to vector<1xf32>
        %squeeze3A_873 = vector.extract %slice3A_872[0] : f32 from vector<1xf32>
        %add3A_874 = arith.constant 5 : i32
        %add3A_875 = arith.addi %mul3A_383, %add3A_874 : i32
        %get3A_876 = arith.index_cast %add3A_875 : i32 to index
        %get3A_877 = arith.constant 0 : index
        %get3A_878 = tpu.vector_load %arg12[%get3A_876, %get3A_877] {strides = array<i32>} : memref<128x128xf32, #tpu.memory_space<vmem>>, vector<16xf32>,
        %mul3A_879 = vector.broadcast %squeeze3A_873 : f32 to vector<16xf32>
        %mul3A_880 = arith.mulf %get3A_878, %mul3A_879 : vector<16xf32>
        %add3A_881 = arith.constant 5 : i32
        %add3A_882 = arith.addi %mul3A_383, %add3A_881 : i32
        %swap3A_883 = arith.index_cast %add3A_882 : i32 to index
        %swap3A_884 = arith.constant 0 : index
        %swap3A_885 = tpu.vector_load %arg12[%swap3A_883, %swap3A_884] {strides = array<i32>} : memref<128x128xf32, #tpu.memory_space<vmem>>, vector<16xf32>,
        tpu.vector_store %arg12[%swap3A_883, %swap3A_884], %mul3A_880 {strides = array<i32>} : memref<128x128xf32, #tpu.memory_space<vmem>>, vector<16xf32>,
        %add3A_886 = arith.constant 5 : i32
        %add3A_887 = arith.addi %mul3A_383, %add3A_886 : i32
        %get3A_888 = arith.index_cast %add3A_887 : i32 to index
        %get3A_889 = arith.constant 16 : index
        %get3A_890 = tpu.vector_load %arg12[%get3A_888, %get3A_889] {strides = array<i32>} : memref<128x128xf32, #tpu.memory_space<vmem>>, vector<16xf32>,
        %mul3A_891 = vector.broadcast %squeeze3A_873 : f32 to vector<16xf32>
        %mul3A_892 = arith.mulf %get3A_890, %mul3A_891 : vector<16xf32>
        %add3A_893 = arith.constant 5 : i32
        %add3A_894 = arith.addi %mul3A_383, %add3A_893 : i32
        %swap3A_895 = arith.index_cast %add3A_894 : i32 to index
        %swap3A_896 = arith.constant 16 : index
        %swap3A_897 = tpu.vector_load %arg12[%swap3A_895, %swap3A_896] {strides = array<i32>} : memref<128x128xf32, #tpu.memory_space<vmem>>, vector<16xf32>,
        tpu.vector_store %arg12[%swap3A_895, %swap3A_896], %mul3A_892 {strides = array<i32>} : memref<128x128xf32, #tpu.memory_space<vmem>>, vector<16xf32>,
        %add3A_898 = arith.constant 5 : i32
        %add3A_899 = arith.addi %mul3A_383, %add3A_898 : i32
        %get3A_900 = arith.index_cast %add3A_899 : i32 to index
        %get3A_901 = arith.constant 32 : index
        %get3A_902 = tpu.vector_load %arg12[%get3A_900, %get3A_901] {strides = array<i32>} : memref<128x128xf32, #tpu.memory_space<vmem>>, vector<16xf32>,
        %mul3A_903 = vector.broadcast %squeeze3A_873 : f32 to vector<16xf32>
        %mul3A_904 = arith.mulf %get3A_902, %mul3A_903 : vector<16xf32>
        %add3A_905 = arith.constant 5 : i32
        %add3A_906 = arith.addi %mul3A_383, %add3A_905 : i32
        %swap3A_907 = arith.index_cast %add3A_906 : i32 to index
        %swap3A_908 = arith.constant 32 : index
        %swap3A_909 = tpu.vector_load %arg12[%swap3A_907, %swap3A_908] {strides = array<i32>} : memref<128x128xf32, #tpu.memory_space<vmem>>, vector<16xf32>,
        tpu.vector_store %arg12[%swap3A_907, %swap3A_908], %mul3A_904 {strides = array<i32>} : memref<128x128xf32, #tpu.memory_space<vmem>>, vector<16xf32>,
        %add3A_910 = arith.constant 5 : i32
        %add3A_911 = arith.addi %mul3A_383, %add3A_910 : i32
        %get3A_912 = arith.index_cast %add3A_911 : i32 to index
        %get3A_913 = arith.constant 48 : index
        %get3A_914 = tpu.vector_load %arg12[%get3A_912, %get3A_913] {strides = array<i32>} : memref<128x128xf32, #tpu.memory_space<vmem>>, vector<16xf32>,
        %mul3A_915 = vector.broadcast %squeeze3A_873 : f32 to vector<16xf32>
        %mul3A_916 = arith.mulf %get3A_914, %mul3A_915 : vector<16xf32>
        %add3A_917 = arith.constant 5 : i32
        %add3A_918 = arith.addi %mul3A_383, %add3A_917 : i32
        %swap3A_919 = arith.index_cast %add3A_918 : i32 to index
        %swap3A_920 = arith.constant 48 : index
        %swap3A_921 = tpu.vector_load %arg12[%swap3A_919, %swap3A_920] {strides = array<i32>} : memref<128x128xf32, #tpu.memory_space<vmem>>, vector<16xf32>,
        tpu.vector_store %arg12[%swap3A_919, %swap3A_920], %mul3A_916 {strides = array<i32>} : memref<128x128xf32, #tpu.memory_space<vmem>>, vector<16xf32>,
        %add3A_922 = arith.constant 5 : i32
        %add3A_923 = arith.addi %mul3A_383, %add3A_922 : i32
        %get3A_924 = arith.index_cast %add3A_923 : i32 to index
        %get3A_925 = arith.constant 64 : index
        %get3A_926 = tpu.vector_load %arg12[%get3A_924, %get3A_925] {strides = array<i32>} : memref<128x128xf32, #tpu.memory_space<vmem>>, vector<16xf32>,
        %mul3A_927 = vector.broadcast %squeeze3A_873 : f32 to vector<16xf32>
        %mul3A_928 = arith.mulf %get3A_926, %mul3A_927 : vector<16xf32>
        %add3A_929 = arith.constant 5 : i32
        %add3A_930 = arith.addi %mul3A_383, %add3A_929 : i32
        %swap3A_931 = arith.index_cast %add3A_930 : i32 to index
        %swap3A_932 = arith.constant 64 : index
        %swap3A_933 = tpu.vector_load %arg12[%swap3A_931, %swap3A_932] {strides = array<i32>} : memref<128x128xf32, #tpu.memory_space<vmem>>, vector<16xf32>,
        tpu.vector_store %arg12[%swap3A_931, %swap3A_932], %mul3A_928 {strides = array<i32>} : memref<128x128xf32, #tpu.memory_space<vmem>>, vector<16xf32>,
        %add3A_934 = arith.constant 5 : i32
        %add3A_935 = arith.addi %mul3A_383, %add3A_934 : i32
        %get3A_936 = arith.index_cast %add3A_935 : i32 to index
        %get3A_937 = arith.constant 80 : index
        %get3A_938 = tpu.vector_load %arg12[%get3A_936, %get3A_937] {strides = array<i32>} : memref<128x128xf32, #tpu.memory_space<vmem>>, vector<16xf32>,
        %mul3A_939 = vector.broadcast %squeeze3A_873 : f32 to vector<16xf32>
        %mul3A_940 = arith.mulf %get3A_938, %mul3A_939 : vector<16xf32>
        %add3A_941 = arith.constant 5 : i32
        %add3A_942 = arith.addi %mul3A_383, %add3A_941 : i32
        %swap3A_943 = arith.index_cast %add3A_942 : i32 to index
        %swap3A_944 = arith.constant 80 : index
        %swap3A_945 = tpu.vector_load %arg12[%swap3A_943, %swap3A_944] {strides = array<i32>} : memref<128x128xf32, #tpu.memory_space<vmem>>, vector<16xf32>,
        tpu.vector_store %arg12[%swap3A_943, %swap3A_944], %mul3A_940 {strides = array<i32>} : memref<128x128xf32, #tpu.memory_space<vmem>>, vector<16xf32>,
        %add3A_946 = arith.constant 5 : i32
        %add3A_947 = arith.addi %mul3A_383, %add3A_946 : i32
        %get3A_948 = arith.index_cast %add3A_947 : i32 to index
        %get3A_949 = arith.constant 96 : index
        %get3A_950 = tpu.vector_load %arg12[%get3A_948, %get3A_949] {strides = array<i32>} : memref<128x128xf32, #tpu.memory_space<vmem>>, vector<16xf32>,
        %mul3A_951 = vector.broadcast %squeeze3A_873 : f32 to vector<16xf32>
        %mul3A_952 = arith.mulf %get3A_950, %mul3A_951 : vector<16xf32>
        %add3A_953 = arith.constant 5 : i32
        %add3A_954 = arith.addi %mul3A_383, %add3A_953 : i32
        %swap3A_955 = arith.index_cast %add3A_954 : i32 to index
        %swap3A_956 = arith.constant 96 : index
        %swap3A_957 = tpu.vector_load %arg12[%swap3A_955, %swap3A_956] {strides = array<i32>} : memref<128x128xf32, #tpu.memory_space<vmem>>, vector<16xf32>,
        tpu.vector_store %arg12[%swap3A_955, %swap3A_956], %mul3A_952 {strides = array<i32>} : memref<128x128xf32, #tpu.memory_space<vmem>>, vector<16xf32>,
        %add3A_958 = arith.constant 5 : i32
        %add3A_959 = arith.addi %mul3A_383, %add3A_958 : i32
        %get3A_960 = arith.index_cast %add3A_959 : i32 to index
        %get3A_961 = arith.constant 112 : index
        %get3A_962 = tpu.vector_load %arg12[%get3A_960, %get3A_961] {strides = array<i32>} : memref<128x128xf32, #tpu.memory_space<vmem>>, vector<16xf32>,
        %mul3A_963 = vector.broadcast %squeeze3A_873 : f32 to vector<16xf32>
        %mul3A_964 = arith.mulf %get3A_962, %mul3A_963 : vector<16xf32>
        %add3A_965 = arith.constant 5 : i32
        %add3A_966 = arith.addi %mul3A_383, %add3A_965 : i32
        %swap3A_967 = arith.index_cast %add3A_966 : i32 to index
        %swap3A_968 = arith.constant 112 : index
        %swap3A_969 = tpu.vector_load %arg12[%swap3A_967, %swap3A_968] {strides = array<i32>} : memref<128x128xf32, #tpu.memory_space<vmem>>, vector<16xf32>,
        tpu.vector_store %arg12[%swap3A_967, %swap3A_968], %mul3A_964 {strides = array<i32>} : memref<128x128xf32, #tpu.memory_space<vmem>>, vector<16xf32>,
        %slice3A_970 = vector.extract_strided_slice %get3A_381 {offsets = [6], sizes = [1], strides = [1]} : vector<16xf32> to vector<1xf32>
        %squeeze3A_971 = vector.extract %slice3A_970[0] : f32 from vector<1xf32>
        %add3A_972 = arith.constant 6 : i32
        %add3A_973 = arith.addi %mul3A_383, %add3A_972 : i32
        %get3A_974 = arith.index_cast %add3A_973 : i32 to index
        %get3A_975 = arith.constant 0 : index
        %get3A_976 = tpu.vector_load %arg12[%get3A_974, %get3A_975] {strides = array<i32>} : memref<128x128xf32, #tpu.memory_space<vmem>>, vector<16xf32>,
        %mul3A_977 = vector.broadcast %squeeze3A_971 : f32 to vector<16xf32>
        %mul3A_978 = arith.mulf %get3A_976, %mul3A_977 : vector<16xf32>
        %add3A_979 = arith.constant 6 : i32
        %add3A_980 = arith.addi %mul3A_383, %add3A_979 : i32
        %swap3A_981 = arith.index_cast %add3A_980 : i32 to index
        %swap3A_982 = arith.constant 0 : index
        %swap3A_983 = tpu.vector_load %arg12[%swap3A_981, %swap3A_982] {strides = array<i32>} : memref<128x128xf32, #tpu.memory_space<vmem>>, vector<16xf32>,
        tpu.vector_store %arg12[%swap3A_981, %swap3A_982], %mul3A_978 {strides = array<i32>} : memref<128x128xf32, #tpu.memory_space<vmem>>, vector<16xf32>,
        %add3A_984 = arith.constant 6 : i32
        %add3A_985 = arith.addi %mul3A_383, %add3A_984 : i32
        %get3A_986 = arith.index_cast %add3A_985 : i32 to index
        %get3A_987 = arith.constant 16 : index
        %get3A_988 = tpu.vector_load %arg12[%get3A_986, %get3A_987] {strides = array<i32>} : memref<128x128xf32, #tpu.memory_space<vmem>>, vector<16xf32>,
        %mul3A_989 = vector.broadcast %squeeze3A_971 : f32 to vector<16xf32>
        %mul3A_990 = arith.mulf %get3A_988, %mul3A_989 : vector<16xf32>
        %add3A_991 = arith.constant 6 : i32
        %add3A_992 = arith.addi %mul3A_383, %add3A_991 : i32
        %swap3A_993 = arith.index_cast %add3A_992 : i32 to index
        %swap3A_994 = arith.constant 16 : index
        %swap3A_995 = tpu.vector_load %arg12[%swap3A_993, %swap3A_994] {strides = array<i32>} : memref<128x128xf32, #tpu.memory_space<vmem>>, vector<16xf32>,
        tpu.vector_store %arg12[%swap3A_993, %swap3A_994], %mul3A_990 {strides = array<i32>} : memref<128x128xf32, #tpu.memory_space<vmem>>, vector<16xf32>,
        %add3A_996 = arith.constant 6 : i32
        %add3A_997 = arith.addi %mul3A_383, %add3A_996 : i32
        %get3A_998 = arith.index_cast %add3A_997 : i32 to index
        %get3A_999 = arith.constant 32 : index
        %get3A_1000 = tpu.vector_load %arg12[%get3A_998, %get3A_999] {strides = array<i32>} : memref<128x128xf32, #tpu.memory_space<vmem>>, vector<16xf32>,
        %mul3A_1001 = vector.broadcast %squeeze3A_971 : f32 to vector<16xf32>
        %mul3A_1002 = arith.mulf %get3A_1000, %mul3A_1001 : vector<16xf32>
        %add3A_1003 = arith.constant 6 : i32
        %add3A_1004 = arith.addi %mul3A_383, %add3A_1003 : i32
        %swap3A_1005 = arith.index_cast %add3A_1004 : i32 to index
        %swap3A_1006 = arith.constant 32 : index
        %swap3A_1007 = tpu.vector_load %arg12[%swap3A_1005, %swap3A_1006] {strides = array<i32>} : memref<128x128xf32, #tpu.memory_space<vmem>>, vector<16xf32>,
        tpu.vector_store %arg12[%swap3A_1005, %swap3A_1006], %mul3A_1002 {strides = array<i32>} : memref<128x128xf32, #tpu.memory_space<vmem>>, vector<16xf32>,
        %add3A_1008 = arith.constant 6 : i32
        %add3A_1009 = arith.addi %mul3A_383, %add3A_1008 : i32
        %get3A_1010 = arith.index_cast %add3A_1009 : i32 to index
        %get3A_1011 = arith.constant 48 : index
        %get3A_1012 = tpu.vector_load %arg12[%get3A_1010, %get3A_1011] {strides = array<i32>} : memref<128x128xf32, #tpu.memory_space<vmem>>, vector<16xf32>,
        %mul3A_1013 = vector.broadcast %squeeze3A_971 : f32 to vector<16xf32>
        %mul3A_1014 = arith.mulf %get3A_1012, %mul3A_1013 : vector<16xf32>
        %add3A_1015 = arith.constant 6 : i32
        %add3A_1016 = arith.addi %mul3A_383, %add3A_1015 : i32
        %swap3A_1017 = arith.index_cast %add3A_1016 : i32 to index
        %swap3A_1018 = arith.constant 48 : index
        %swap3A_1019 = tpu.vector_load %arg12[%swap3A_1017, %swap3A_1018] {strides = array<i32>} : memref<128x128xf32, #tpu.memory_space<vmem>>, vector<16xf32>,
        tpu.vector_store %arg12[%swap3A_1017, %swap3A_1018], %mul3A_1014 {strides = array<i32>} : memref<128x128xf32, #tpu.memory_space<vmem>>, vector<16xf32>,
        %add3A_1020 = arith.constant 6 : i32
        %add3A_1021 = arith.addi %mul3A_383, %add3A_1020 : i32
        %get3A_1022 = arith.index_cast %add3A_1021 : i32 to index
        %get3A_1023 = arith.constant 64 : index
        %get3A_1024 = tpu.vector_load %arg12[%get3A_1022, %get3A_1023] {strides = array<i32>} : memref<128x128xf32, #tpu.memory_space<vmem>>, vector<16xf32>,
        %mul3A_1025 = vector.broadcast %squeeze3A_971 : f32 to vector<16xf32>
        %mul3A_1026 = arith.mulf %get3A_1024, %mul3A_1025 : vector<16xf32>
        %add3A_1027 = arith.constant 6 : i32
        %add3A_1028 = arith.addi %mul3A_383, %add3A_1027 : i32
        %swap3A_1029 = arith.index_cast %add3A_1028 : i32 to index
        %swap3A_1030 = arith.constant 64 : index
        %swap3A_1031 = tpu.vector_load %arg12[%swap3A_1029, %swap3A_1030] {strides = array<i32>} : memref<128x128xf32, #tpu.memory_space<vmem>>, vector<16xf32>,
        tpu.vector_store %arg12[%swap3A_1029, %swap3A_1030], %mul3A_1026 {strides = array<i32>} : memref<128x128xf32, #tpu.memory_space<vmem>>, vector<16xf32>,
        %add3A_1032 = arith.constant 6 : i32
        %add3A_1033 = arith.addi %mul3A_383, %add3A_1032 : i32
        %get3A_1034 = arith.index_cast %add3A_1033 : i32 to index
        %get3A_1035 = arith.constant 80 : index
        %get3A_1036 = tpu.vector_load %arg12[%get3A_1034, %get3A_1035] {strides = array<i32>} : memref<128x128xf32, #tpu.memory_space<vmem>>, vector<16xf32>,
        %mul3A_1037 = vector.broadcast %squeeze3A_971 : f32 to vector<16xf32>
        %mul3A_1038 = arith.mulf %get3A_1036, %mul3A_1037 : vector<16xf32>
        %add3A_1039 = arith.constant 6 : i32
        %add3A_1040 = arith.addi %mul3A_383, %add3A_1039 : i32
        %swap3A_1041 = arith.index_cast %add3A_1040 : i32 to index
        %swap3A_1042 = arith.constant 80 : index
        %swap3A_1043 = tpu.vector_load %arg12[%swap3A_1041, %swap3A_1042] {strides = array<i32>} : memref<128x128xf32, #tpu.memory_space<vmem>>, vector<16xf32>,
        tpu.vector_store %arg12[%swap3A_1041, %swap3A_1042], %mul3A_1038 {strides = array<i32>} : memref<128x128xf32, #tpu.memory_space<vmem>>, vector<16xf32>,
        %add3A_1044 = arith.constant 6 : i32
        %add3A_1045 = arith.addi %mul3A_383, %add3A_1044 : i32
        %get3A_1046 = arith.index_cast %add3A_1045 : i32 to index
        %get3A_1047 = arith.constant 96 : index
        %get3A_1048 = tpu.vector_load %arg12[%get3A_1046, %get3A_1047] {strides = array<i32>} : memref<128x128xf32, #tpu.memory_space<vmem>>, vector<16xf32>,
        %mul3A_1049 = vector.broadcast %squeeze3A_971 : f32 to vector<16xf32>
        %mul3A_1050 = arith.mulf %get3A_1048, %mul3A_1049 : vector<16xf32>
        %add3A_1051 = arith.constant 6 : i32
        %add3A_1052 = arith.addi %mul3A_383, %add3A_1051 : i32
        %swap3A_1053 = arith.index_cast %add3A_1052 : i32 to index
        %swap3A_1054 = arith.constant 96 : index
        %swap3A_1055 = tpu.vector_load %arg12[%swap3A_1053, %swap3A_1054] {strides = array<i32>} : memref<128x128xf32, #tpu.memory_space<vmem>>, vector<16xf32>,
        tpu.vector_store %arg12[%swap3A_1053, %swap3A_1054], %mul3A_1050 {strides = array<i32>} : memref<128x128xf32, #tpu.memory_space<vmem>>, vector<16xf32>,
        %add3A_1056 = arith.constant 6 : i32
        %add3A_1057 = arith.addi %mul3A_383, %add3A_1056 : i32
        %get3A_1058 = arith.index_cast %add3A_1057 : i32 to index
        %get3A_1059 = arith.constant 112 : index
        %get3A_1060 = tpu.vector_load %arg12[%get3A_1058, %get3A_1059] {strides = array<i32>} : memref<128x128xf32, #tpu.memory_space<vmem>>, vector<16xf32>,
        %mul3A_1061 = vector.broadcast %squeeze3A_971 : f32 to vector<16xf32>
        %mul3A_1062 = arith.mulf %get3A_1060, %mul3A_1061 : vector<16xf32>
        %add3A_1063 = arith.constant 6 : i32
        %add3A_1064 = arith.addi %mul3A_383, %add3A_1063 : i32
        %swap3A_1065 = arith.index_cast %add3A_1064 : i32 to index
        %swap3A_1066 = arith.constant 112 : index
        %swap3A_1067 = tpu.vector_load %arg12[%swap3A_1065, %swap3A_1066] {strides = array<i32>} : memref<128x128xf32, #tpu.memory_space<vmem>>, vector<16xf32>,
        tpu.vector_store %arg12[%swap3A_1065, %swap3A_1066], %mul3A_1062 {strides = array<i32>} : memref<128x128xf32, #tpu.memory_space<vmem>>, vector<16xf32>,
        %slice3A_1068 = vector.extract_strided_slice %get3A_381 {offsets = [7], sizes = [1], strides = [1]} : vector<16xf32> to vector<1xf32>
        %squeeze3A_1069 = vector.extract %slice3A_1068[0] : f32 from vector<1xf32>
        %add3A_1070 = arith.constant 7 : i32
        %add3A_1071 = arith.addi %mul3A_383, %add3A_1070 : i32
        %get3A_1072 = arith.index_cast %add3A_1071 : i32 to index
        %get3A_1073 = arith.constant 0 : index
        %get3A_1074 = tpu.vector_load %arg12[%get3A_1072, %get3A_1073] {strides = array<i32>} : memref<128x128xf32, #tpu.memory_space<vmem>>, vector<16xf32>,
        %mul3A_1075 = vector.broadcast %squeeze3A_1069 : f32 to vector<16xf32>
        %mul3A_1076 = arith.mulf %get3A_1074, %mul3A_1075 : vector<16xf32>
        %add3A_1077 = arith.constant 7 : i32
        %add3A_1078 = arith.addi %mul3A_383, %add3A_1077 : i32
        %swap3A_1079 = arith.index_cast %add3A_1078 : i32 to index
        %swap3A_1080 = arith.constant 0 : index
        %swap3A_1081 = tpu.vector_load %arg12[%swap3A_1079, %swap3A_1080] {strides = array<i32>} : memref<128x128xf32, #tpu.memory_space<vmem>>, vector<16xf32>,
        tpu.vector_store %arg12[%swap3A_1079, %swap3A_1080], %mul3A_1076 {strides = array<i32>} : memref<128x128xf32, #tpu.memory_space<vmem>>, vector<16xf32>,
        %add3A_1082 = arith.constant 7 : i32
        %add3A_1083 = arith.addi %mul3A_383, %add3A_1082 : i32
        %get3A_1084 = arith.index_cast %add3A_1083 : i32 to index
        %get3A_1085 = arith.constant 16 : index
        %get3A_1086 = tpu.vector_load %arg12[%get3A_1084, %get3A_1085] {strides = array<i32>} : memref<128x128xf32, #tpu.memory_space<vmem>>, vector<16xf32>,
        %mul3A_1087 = vector.broadcast %squeeze3A_1069 : f32 to vector<16xf32>
        %mul3A_1088 = arith.mulf %get3A_1086, %mul3A_1087 : vector<16xf32>
        %add3A_1089 = arith.constant 7 : i32
        %add3A_1090 = arith.addi %mul3A_383, %add3A_1089 : i32
        %swap3A_1091 = arith.index_cast %add3A_1090 : i32 to index
        %swap3A_1092 = arith.constant 16 : index
        %swap3A_1093 = tpu.vector_load %arg12[%swap3A_1091, %swap3A_1092] {strides = array<i32>} : memref<128x128xf32, #tpu.memory_space<vmem>>, vector<16xf32>,
        tpu.vector_store %arg12[%swap3A_1091, %swap3A_1092], %mul3A_1088 {strides = array<i32>} : memref<128x128xf32, #tpu.memory_space<vmem>>, vector<16xf32>,
        %add3A_1094 = arith.constant 7 : i32
        %add3A_1095 = arith.addi %mul3A_383, %add3A_1094 : i32
        %get3A_1096 = arith.index_cast %add3A_1095 : i32 to index
        %get3A_1097 = arith.constant 32 : index
        %get3A_1098 = tpu.vector_load %arg12[%get3A_1096, %get3A_1097] {strides = array<i32>} : memref<128x128xf32, #tpu.memory_space<vmem>>, vector<16xf32>,
        %mul3A_1099 = vector.broadcast %squeeze3A_1069 : f32 to vector<16xf32>
        %mul3A_1100 = arith.mulf %get3A_1098, %mul3A_1099 : vector<16xf32>
        %add3A_1101 = arith.constant 7 : i32
        %add3A_1102 = arith.addi %mul3A_383, %add3A_1101 : i32
        %swap3A_1103 = arith.index_cast %add3A_1102 : i32 to index
        %swap3A_1104 = arith.constant 32 : index
        %swap3A_1105 = tpu.vector_load %arg12[%swap3A_1103, %swap3A_1104] {strides = array<i32>} : memref<128x128xf32, #tpu.memory_space<vmem>>, vector<16xf32>,
        tpu.vector_store %arg12[%swap3A_1103, %swap3A_1104], %mul3A_1100 {strides = array<i32>} : memref<128x128xf32, #tpu.memory_space<vmem>>, vector<16xf32>,
        %add3A_1106 = arith.constant 7 : i32
        %add3A_1107 = arith.addi %mul3A_383, %add3A_1106 : i32
        %get3A_1108 = arith.index_cast %add3A_1107 : i32 to index
        %get3A_1109 = arith.constant 48 : index
        %get3A_1110 = tpu.vector_load %arg12[%get3A_1108, %get3A_1109] {strides = array<i32>} : memref<128x128xf32, #tpu.memory_space<vmem>>, vector<16xf32>,
        %mul3A_1111 = vector.broadcast %squeeze3A_1069 : f32 to vector<16xf32>
        %mul3A_1112 = arith.mulf %get3A_1110, %mul3A_1111 : vector<16xf32>
        %add3A_1113 = arith.constant 7 : i32
        %add3A_1114 = arith.addi %mul3A_383, %add3A_1113 : i32
        %swap3A_1115 = arith.index_cast %add3A_1114 : i32 to index
        %swap3A_1116 = arith.constant 48 : index
        %swap3A_1117 = tpu.vector_load %arg12[%swap3A_1115, %swap3A_1116] {strides = array<i32>} : memref<128x128xf32, #tpu.memory_space<vmem>>, vector<16xf32>,
        tpu.vector_store %arg12[%swap3A_1115, %swap3A_1116], %mul3A_1112 {strides = array<i32>} : memref<128x128xf32, #tpu.memory_space<vmem>>, vector<16xf32>,
        %add3A_1118 = arith.constant 7 : i32
        %add3A_1119 = arith.addi %mul3A_383, %add3A_1118 : i32
        %get3A_1120 = arith.index_cast %add3A_1119 : i32 to index
        %get3A_1121 = arith.constant 64 : index
        %get3A_1122 = tpu.vector_load %arg12[%get3A_1120, %get3A_1121] {strides = array<i32>} : memref<128x128xf32, #tpu.memory_space<vmem>>, vector<16xf32>,
        %mul3A_1123 = vector.broadcast %squeeze3A_1069 : f32 to vector<16xf32>
        %mul3A_1124 = arith.mulf %get3A_1122, %mul3A_1123 : vector<16xf32>
        %add3A_1125 = arith.constant 7 : i32
        %add3A_1126 = arith.addi %mul3A_383, %add3A_1125 : i32
        %swap3A_1127 = arith.index_cast %add3A_1126 : i32 to index
        %swap3A_1128 = arith.constant 64 : index
        %swap3A_1129 = tpu.vector_load %arg12[%swap3A_1127, %swap3A_1128] {strides = array<i32>} : memref<128x128xf32, #tpu.memory_space<vmem>>, vector<16xf32>,
        tpu.vector_store %arg12[%swap3A_1127, %swap3A_1128], %mul3A_1124 {strides = array<i32>} : memref<128x128xf32, #tpu.memory_space<vmem>>, vector<16xf32>,
        %add3A_1130 = arith.constant 7 : i32
        %add3A_1131 = arith.addi %mul3A_383, %add3A_1130 : i32
        %get3A_1132 = arith.index_cast %add3A_1131 : i32 to index
        %get3A_1133 = arith.constant 80 : index
        %get3A_1134 = tpu.vector_load %arg12[%get3A_1132, %get3A_1133] {strides = array<i32>} : memref<128x128xf32, #tpu.memory_space<vmem>>, vector<16xf32>,
        %mul3A_1135 = vector.broadcast %squeeze3A_1069 : f32 to vector<16xf32>
        %mul3A_1136 = arith.mulf %get3A_1134, %mul3A_1135 : vector<16xf32>
        %add3A_1137 = arith.constant 7 : i32
        %add3A_1138 = arith.addi %mul3A_383, %add3A_1137 : i32
        %swap3A_1139 = arith.index_cast %add3A_1138 : i32 to index
        %swap3A_1140 = arith.constant 80 : index
        %swap3A_1141 = tpu.vector_load %arg12[%swap3A_1139, %swap3A_1140] {strides = array<i32>} : memref<128x128xf32, #tpu.memory_space<vmem>>, vector<16xf32>,
        tpu.vector_store %arg12[%swap3A_1139, %swap3A_1140], %mul3A_1136 {strides = array<i32>} : memref<128x128xf32, #tpu.memory_space<vmem>>, vector<16xf32>,
        %add3A_1142 = arith.constant 7 : i32
        %add3A_1143 = arith.addi %mul3A_383, %add3A_1142 : i32
        %get3A_1144 = arith.index_cast %add3A_1143 : i32 to index
        %get3A_1145 = arith.constant 96 : index
        %get3A_1146 = tpu.vector_load %arg12[%get3A_1144, %get3A_1145] {strides = array<i32>} : memref<128x128xf32, #tpu.memory_space<vmem>>, vector<16xf32>,
        %mul3A_1147 = vector.broadcast %squeeze3A_1069 : f32 to vector<16xf32>
        %mul3A_1148 = arith.mulf %get3A_1146, %mul3A_1147 : vector<16xf32>
        %add3A_1149 = arith.constant 7 : i32
        %add3A_1150 = arith.addi %mul3A_383, %add3A_1149 : i32
        %swap3A_1151 = arith.index_cast %add3A_1150 : i32 to index
        %swap3A_1152 = arith.constant 96 : index
        %swap3A_1153 = tpu.vector_load %arg12[%swap3A_1151, %swap3A_1152] {strides = array<i32>} : memref<128x128xf32, #tpu.memory_space<vmem>>, vector<16xf32>,
        tpu.vector_store %arg12[%swap3A_1151, %swap3A_1152], %mul3A_1148 {strides = array<i32>} : memref<128x128xf32, #tpu.memory_space<vmem>>, vector<16xf32>,
        %add3A_1154 = arith.constant 7 : i32
        %add3A_1155 = arith.addi %mul3A_383, %add3A_1154 : i32
        %get3A_1156 = arith.index_cast %add3A_1155 : i32 to index
        %get3A_1157 = arith.constant 112 : index
        %get3A_1158 = tpu.vector_load %arg12[%get3A_1156, %get3A_1157] {strides = array<i32>} : memref<128x128xf32, #tpu.memory_space<vmem>>, vector<16xf32>,
        %mul3A_1159 = vector.broadcast %squeeze3A_1069 : f32 to vector<16xf32>
        %mul3A_1160 = arith.mulf %get3A_1158, %mul3A_1159 : vector<16xf32>
        %add3A_1161 = arith.constant 7 : i32
        %add3A_1162 = arith.addi %mul3A_383, %add3A_1161 : i32
        %swap3A_1163 = arith.index_cast %add3A_1162 : i32 to index
        %swap3A_1164 = arith.constant 112 : index
        %swap3A_1165 = tpu.vector_load %arg12[%swap3A_1163, %swap3A_1164] {strides = array<i32>} : memref<128x128xf32, #tpu.memory_space<vmem>>, vector<16xf32>,
        tpu.vector_store %arg12[%swap3A_1163, %swap3A_1164], %mul3A_1160 {strides = array<i32>} : memref<128x128xf32, #tpu.memory_space<vmem>>, vector<16xf32>,
        %slice3A_1166 = vector.extract_strided_slice %get3A_381 {offsets = [8], sizes = [1], strides = [1]} : vector<16xf32> to vector<1xf32>
        %squeeze3A_1167 = vector.extract %slice3A_1166[0] : f32 from vector<1xf32>
        %add3A_1168 = arith.constant 8 : i32
        %add3A_1169 = arith.addi %mul3A_383, %add3A_1168 : i32
        %get3A_1170 = arith.index_cast %add3A_1169 : i32 to index
        %get3A_1171 = arith.constant 0 : index
        %get3A_1172 = tpu.vector_load %arg12[%get3A_1170, %get3A_1171] {strides = array<i32>} : memref<128x128xf32, #tpu.memory_space<vmem>>, vector<16xf32>,
        %mul3A_1173 = vector.broadcast %squeeze3A_1167 : f32 to vector<16xf32>
        %mul3A_1174 = arith.mulf %get3A_1172, %mul3A_1173 : vector<16xf32>
        %add3A_1175 = arith.constant 8 : i32
        %add3A_1176 = arith.addi %mul3A_383, %add3A_1175 : i32
        %swap3A_1177 = arith.index_cast %add3A_1176 : i32 to index
        %swap3A_1178 = arith.constant 0 : index
        %swap3A_1179 = tpu.vector_load %arg12[%swap3A_1177, %swap3A_1178] {strides = array<i32>} : memref<128x128xf32, #tpu.memory_space<vmem>>, vector<16xf32>,
        tpu.vector_store %arg12[%swap3A_1177, %swap3A_1178], %mul3A_1174 {strides = array<i32>} : memref<128x128xf32, #tpu.memory_space<vmem>>, vector<16xf32>,
        %add3A_1180 = arith.constant 8 : i32
        %add3A_1181 = arith.addi %mul3A_383, %add3A_1180 : i32
        %get3A_1182 = arith.index_cast %add3A_1181 : i32 to index
        %get3A_1183 = arith.constant 16 : index
        %get3A_1184 = tpu.vector_load %arg12[%get3A_1182, %get3A_1183] {strides = array<i32>} : memref<128x128xf32, #tpu.memory_space<vmem>>, vector<16xf32>,
        %mul3A_1185 = vector.broadcast %squeeze3A_1167 : f32 to vector<16xf32>
        %mul3A_1186 = arith.mulf %get3A_1184, %mul3A_1185 : vector<16xf32>
        %add3A_1187 = arith.constant 8 : i32
        %add3A_1188 = arith.addi %mul3A_383, %add3A_1187 : i32
        %swap3A_1189 = arith.index_cast %add3A_1188 : i32 to index
        %swap3A_1190 = arith.constant 16 : index
        %swap3A_1191 = tpu.vector_load %arg12[%swap3A_1189, %swap3A_1190] {strides = array<i32>} : memref<128x128xf32, #tpu.memory_space<vmem>>, vector<16xf32>,
        tpu.vector_store %arg12[%swap3A_1189, %swap3A_1190], %mul3A_1186 {strides = array<i32>} : memref<128x128xf32, #tpu.memory_space<vmem>>, vector<16xf32>,
        %add3A_1192 = arith.constant 8 : i32
        %add3A_1193 = arith.addi %mul3A_383, %add3A_1192 : i32
        %get3A_1194 = arith.index_cast %add3A_1193 : i32 to index
        %get3A_1195 = arith.constant 32 : index
        %get3A_1196 = tpu.vector_load %arg12[%get3A_1194, %get3A_1195] {strides = array<i32>} : memref<128x128xf32, #tpu.memory_space<vmem>>, vector<16xf32>,
        %mul3A_1197 = vector.broadcast %squeeze3A_1167 : f32 to vector<16xf32>
        %mul3A_1198 = arith.mulf %get3A_1196, %mul3A_1197 : vector<16xf32>
        %add3A_1199 = arith.constant 8 : i32
        %add3A_1200 = arith.addi %mul3A_383, %add3A_1199 : i32
        %swap3A_1201 = arith.index_cast %add3A_1200 : i32 to index
        %swap3A_1202 = arith.constant 32 : index
        %swap3A_1203 = tpu.vector_load %arg12[%swap3A_1201, %swap3A_1202] {strides = array<i32>} : memref<128x128xf32, #tpu.memory_space<vmem>>, vector<16xf32>,
        tpu.vector_store %arg12[%swap3A_1201, %swap3A_1202], %mul3A_1198 {strides = array<i32>} : memref<128x128xf32, #tpu.memory_space<vmem>>, vector<16xf32>,
        %add3A_1204 = arith.constant 8 : i32
        %add3A_1205 = arith.addi %mul3A_383, %add3A_1204 : i32
        %get3A_1206 = arith.index_cast %add3A_1205 : i32 to index
        %get3A_1207 = arith.constant 48 : index
        %get3A_1208 = tpu.vector_load %arg12[%get3A_1206, %get3A_1207] {strides = array<i32>} : memref<128x128xf32, #tpu.memory_space<vmem>>, vector<16xf32>,
        %mul3A_1209 = vector.broadcast %squeeze3A_1167 : f32 to vector<16xf32>
        %mul3A_1210 = arith.mulf %get3A_1208, %mul3A_1209 : vector<16xf32>
        %add3A_1211 = arith.constant 8 : i32
        %add3A_1212 = arith.addi %mul3A_383, %add3A_1211 : i32
        %swap3A_1213 = arith.index_cast %add3A_1212 : i32 to index
        %swap3A_1214 = arith.constant 48 : index
        %swap3A_1215 = tpu.vector_load %arg12[%swap3A_1213, %swap3A_1214] {strides = array<i32>} : memref<128x128xf32, #tpu.memory_space<vmem>>, vector<16xf32>,
        tpu.vector_store %arg12[%swap3A_1213, %swap3A_1214], %mul3A_1210 {strides = array<i32>} : memref<128x128xf32, #tpu.memory_space<vmem>>, vector<16xf32>,
        %add3A_1216 = arith.constant 8 : i32
        %add3A_1217 = arith.addi %mul3A_383, %add3A_1216 : i32
        %get3A_1218 = arith.index_cast %add3A_1217 : i32 to index
        %get3A_1219 = arith.constant 64 : index
        %get3A_1220 = tpu.vector_load %arg12[%get3A_1218, %get3A_1219] {strides = array<i32>} : memref<128x128xf32, #tpu.memory_space<vmem>>, vector<16xf32>,
        %mul3A_1221 = vector.broadcast %squeeze3A_1167 : f32 to vector<16xf32>
        %mul3A_1222 = arith.mulf %get3A_1220, %mul3A_1221 : vector<16xf32>
        %add3A_1223 = arith.constant 8 : i32
        %add3A_1224 = arith.addi %mul3A_383, %add3A_1223 : i32
        %swap3A_1225 = arith.index_cast %add3A_1224 : i32 to index
        %swap3A_1226 = arith.constant 64 : index
        %swap3A_1227 = tpu.vector_load %arg12[%swap3A_1225, %swap3A_1226] {strides = array<i32>} : memref<128x128xf32, #tpu.memory_space<vmem>>, vector<16xf32>,
        tpu.vector_store %arg12[%swap3A_1225, %swap3A_1226], %mul3A_1222 {strides = array<i32>} : memref<128x128xf32, #tpu.memory_space<vmem>>, vector<16xf32>,
        %add3A_1228 = arith.constant 8 : i32
        %add3A_1229 = arith.addi %mul3A_383, %add3A_1228 : i32
        %get3A_1230 = arith.index_cast %add3A_1229 : i32 to index
        %get3A_1231 = arith.constant 80 : index
        %get3A_1232 = tpu.vector_load %arg12[%get3A_1230, %get3A_1231] {strides = array<i32>} : memref<128x128xf32, #tpu.memory_space<vmem>>, vector<16xf32>,
        %mul3A_1233 = vector.broadcast %squeeze3A_1167 : f32 to vector<16xf32>
        %mul3A_1234 = arith.mulf %get3A_1232, %mul3A_1233 : vector<16xf32>
        %add3A_1235 = arith.constant 8 : i32
        %add3A_1236 = arith.addi %mul3A_383, %add3A_1235 : i32
        %swap3A_1237 = arith.index_cast %add3A_1236 : i32 to index
        %swap3A_1238 = arith.constant 80 : index
        %swap3A_1239 = tpu.vector_load %arg12[%swap3A_1237, %swap3A_1238] {strides = array<i32>} : memref<128x128xf32, #tpu.memory_space<vmem>>, vector<16xf32>,
        tpu.vector_store %arg12[%swap3A_1237, %swap3A_1238], %mul3A_1234 {strides = array<i32>} : memref<128x128xf32, #tpu.memory_space<vmem>>, vector<16xf32>,
        %add3A_1240 = arith.constant 8 : i32
        %add3A_1241 = arith.addi %mul3A_383, %add3A_1240 : i32
        %get3A_1242 = arith.index_cast %add3A_1241 : i32 to index
        %get3A_1243 = arith.constant 96 : index
        %get3A_1244 = tpu.vector_load %arg12[%get3A_1242, %get3A_1243] {strides = array<i32>} : memref<128x128xf32, #tpu.memory_space<vmem>>, vector<16xf32>,
        %mul3A_1245 = vector.broadcast %squeeze3A_1167 : f32 to vector<16xf32>
        %mul3A_1246 = arith.mulf %get3A_1244, %mul3A_1245 : vector<16xf32>
        %add3A_1247 = arith.constant 8 : i32
        %add3A_1248 = arith.addi %mul3A_383, %add3A_1247 : i32
        %swap3A_1249 = arith.index_cast %add3A_1248 : i32 to index
        %swap3A_1250 = arith.constant 96 : index
        %swap3A_1251 = tpu.vector_load %arg12[%swap3A_1249, %swap3A_1250] {strides = array<i32>} : memref<128x128xf32, #tpu.memory_space<vmem>>, vector<16xf32>,
        tpu.vector_store %arg12[%swap3A_1249, %swap3A_1250], %mul3A_1246 {strides = array<i32>} : memref<128x128xf32, #tpu.memory_space<vmem>>, vector<16xf32>,
        %add3A_1252 = arith.constant 8 : i32
        %add3A_1253 = arith.addi %mul3A_383, %add3A_1252 : i32
        %get3A_1254 = arith.index_cast %add3A_1253 : i32 to index
        %get3A_1255 = arith.constant 112 : index
        %get3A_1256 = tpu.vector_load %arg12[%get3A_1254, %get3A_1255] {strides = array<i32>} : memref<128x128xf32, #tpu.memory_space<vmem>>, vector<16xf32>,
        %mul3A_1257 = vector.broadcast %squeeze3A_1167 : f32 to vector<16xf32>
        %mul3A_1258 = arith.mulf %get3A_1256, %mul3A_1257 : vector<16xf32>
        %add3A_1259 = arith.constant 8 : i32
        %add3A_1260 = arith.addi %mul3A_383, %add3A_1259 : i32
        %swap3A_1261 = arith.index_cast %add3A_1260 : i32 to index
        %swap3A_1262 = arith.constant 112 : index
        %swap3A_1263 = tpu.vector_load %arg12[%swap3A_1261, %swap3A_1262] {strides = array<i32>} : memref<128x128xf32, #tpu.memory_space<vmem>>, vector<16xf32>,
        tpu.vector_store %arg12[%swap3A_1261, %swap3A_1262], %mul3A_1258 {strides = array<i32>} : memref<128x128xf32, #tpu.memory_space<vmem>>, vector<16xf32>,
        %slice3A_1264 = vector.extract_strided_slice %get3A_381 {offsets = [9], sizes = [1], strides = [1]} : vector<16xf32> to vector<1xf32>
        %squeeze3A_1265 = vector.extract %slice3A_1264[0] : f32 from vector<1xf32>
        %add3A_1266 = arith.constant 9 : i32
        %add3A_1267 = arith.addi %mul3A_383, %add3A_1266 : i32
        %get3A_1268 = arith.index_cast %add3A_1267 : i32 to index
        %get3A_1269 = arith.constant 0 : index
        %get3A_1270 = tpu.vector_load %arg12[%get3A_1268, %get3A_1269] {strides = array<i32>} : memref<128x128xf32, #tpu.memory_space<vmem>>, vector<16xf32>,
        %mul3A_1271 = vector.broadcast %squeeze3A_1265 : f32 to vector<16xf32>
        %mul3A_1272 = arith.mulf %get3A_1270, %mul3A_1271 : vector<16xf32>
        %add3A_1273 = arith.constant 9 : i32
        %add3A_1274 = arith.addi %mul3A_383, %add3A_1273 : i32
        %swap3A_1275 = arith.index_cast %add3A_1274 : i32 to index
        %swap3A_1276 = arith.constant 0 : index
        %swap3A_1277 = tpu.vector_load %arg12[%swap3A_1275, %swap3A_1276] {strides = array<i32>} : memref<128x128xf32, #tpu.memory_space<vmem>>, vector<16xf32>,
        tpu.vector_store %arg12[%swap3A_1275, %swap3A_1276], %mul3A_1272 {strides = array<i32>} : memref<128x128xf32, #tpu.memory_space<vmem>>, vector<16xf32>,
        %add3A_1278 = arith.constant 9 : i32
        %add3A_1279 = arith.addi %mul3A_383, %add3A_1278 : i32
        %get3A_1280 = arith.index_cast %add3A_1279 : i32 to index
        %get3A_1281 = arith.constant 16 : index
        %get3A_1282 = tpu.vector_load %arg12[%get3A_1280, %get3A_1281] {strides = array<i32>} : memref<128x128xf32, #tpu.memory_space<vmem>>, vector<16xf32>,
        %mul3A_1283 = vector.broadcast %squeeze3A_1265 : f32 to vector<16xf32>
        %mul3A_1284 = arith.mulf %get3A_1282, %mul3A_1283 : vector<16xf32>
        %add3A_1285 = arith.constant 9 : i32
        %add3A_1286 = arith.addi %mul3A_383, %add3A_1285 : i32
        %swap3A_1287 = arith.index_cast %add3A_1286 : i32 to index
        %swap3A_1288 = arith.constant 16 : index
        %swap3A_1289 = tpu.vector_load %arg12[%swap3A_1287, %swap3A_1288] {strides = array<i32>} : memref<128x128xf32, #tpu.memory_space<vmem>>, vector<16xf32>,
        tpu.vector_store %arg12[%swap3A_1287, %swap3A_1288], %mul3A_1284 {strides = array<i32>} : memref<128x128xf32, #tpu.memory_space<vmem>>, vector<16xf32>,
        %add3A_1290 = arith.constant 9 : i32
        %add3A_1291 = arith.addi %mul3A_383, %add3A_1290 : i32
        %get3A_1292 = arith.index_cast %add3A_1291 : i32 to index
        %get3A_1293 = arith.constant 32 : index
        %get3A_1294 = tpu.vector_load %arg12[%get3A_1292, %get3A_1293] {strides = array<i32>} : memref<128x128xf32, #tpu.memory_space<vmem>>, vector<16xf32>,
        %mul3A_1295 = vector.broadcast %squeeze3A_1265 : f32 to vector<16xf32>
        %mul3A_1296 = arith.mulf %get3A_1294, %mul3A_1295 : vector<16xf32>
        %add3A_1297 = arith.constant 9 : i32
        %add3A_1298 = arith.addi %mul3A_383, %add3A_1297 : i32
        %swap3A_1299 = arith.index_cast %add3A_1298 : i32 to index
        %swap3A_1300 = arith.constant 32 : index
        %swap3A_1301 = tpu.vector_load %arg12[%swap3A_1299, %swap3A_1300] {strides = array<i32>} : memref<128x128xf32, #tpu.memory_space<vmem>>, vector<16xf32>,
        tpu.vector_store %arg12[%swap3A_1299, %swap3A_1300], %mul3A_1296 {strides = array<i32>} : memref<128x128xf32, #tpu.memory_space<vmem>>, vector<16xf32>,
        %add3A_1302 = arith.constant 9 : i32
        %add3A_1303 = arith.addi %mul3A_383, %add3A_1302 : i32
        %get3A_1304 = arith.index_cast %add3A_1303 : i32 to index
        %get3A_1305 = arith.constant 48 : index
        %get3A_1306 = tpu.vector_load %arg12[%get3A_1304, %get3A_1305] {strides = array<i32>} : memref<128x128xf32, #tpu.memory_space<vmem>>, vector<16xf32>,
        %mul3A_1307 = vector.broadcast %squeeze3A_1265 : f32 to vector<16xf32>
        %mul3A_1308 = arith.mulf %get3A_1306, %mul3A_1307 : vector<16xf32>
        %add3A_1309 = arith.constant 9 : i32
        %add3A_1310 = arith.addi %mul3A_383, %add3A_1309 : i32
        %swap3A_1311 = arith.index_cast %add3A_1310 : i32 to index
        %swap3A_1312 = arith.constant 48 : index
        %swap3A_1313 = tpu.vector_load %arg12[%swap3A_1311, %swap3A_1312] {strides = array<i32>} : memref<128x128xf32, #tpu.memory_space<vmem>>, vector<16xf32>,
        tpu.vector_store %arg12[%swap3A_1311, %swap3A_1312], %mul3A_1308 {strides = array<i32>} : memref<128x128xf32, #tpu.memory_space<vmem>>, vector<16xf32>,
        %add3A_1314 = arith.constant 9 : i32
        %add3A_1315 = arith.addi %mul3A_383, %add3A_1314 : i32
        %get3A_1316 = arith.index_cast %add3A_1315 : i32 to index
        %get3A_1317 = arith.constant 64 : index
        %get3A_1318 = tpu.vector_load %arg12[%get3A_1316, %get3A_1317] {strides = array<i32>} : memref<128x128xf32, #tpu.memory_space<vmem>>, vector<16xf32>,
        %mul3A_1319 = vector.broadcast %squeeze3A_1265 : f32 to vector<16xf32>
        %mul3A_1320 = arith.mulf %get3A_1318, %mul3A_1319 : vector<16xf32>
        %add3A_1321 = arith.constant 9 : i32
        %add3A_1322 = arith.addi %mul3A_383, %add3A_1321 : i32
        %swap3A_1323 = arith.index_cast %add3A_1322 : i32 to index
        %swap3A_1324 = arith.constant 64 : index
        %swap3A_1325 = tpu.vector_load %arg12[%swap3A_1323, %swap3A_1324] {strides = array<i32>} : memref<128x128xf32, #tpu.memory_space<vmem>>, vector<16xf32>,
        tpu.vector_store %arg12[%swap3A_1323, %swap3A_1324], %mul3A_1320 {strides = array<i32>} : memref<128x128xf32, #tpu.memory_space<vmem>>, vector<16xf32>,
        %add3A_1326 = arith.constant 9 : i32
        %add3A_1327 = arith.addi %mul3A_383, %add3A_1326 : i32
        %get3A_1328 = arith.index_cast %add3A_1327 : i32 to index
        %get3A_1329 = arith.constant 80 : index
        %get3A_1330 = tpu.vector_load %arg12[%get3A_1328, %get3A_1329] {strides = array<i32>} : memref<128x128xf32, #tpu.memory_space<vmem>>, vector<16xf32>,
        %mul3A_1331 = vector.broadcast %squeeze3A_1265 : f32 to vector<16xf32>
        %mul3A_1332 = arith.mulf %get3A_1330, %mul3A_1331 : vector<16xf32>
        %add3A_1333 = arith.constant 9 : i32
        %add3A_1334 = arith.addi %mul3A_383, %add3A_1333 : i32
        %swap3A_1335 = arith.index_cast %add3A_1334 : i32 to index
        %swap3A_1336 = arith.constant 80 : index
        %swap3A_1337 = tpu.vector_load %arg12[%swap3A_1335, %swap3A_1336] {strides = array<i32>} : memref<128x128xf32, #tpu.memory_space<vmem>>, vector<16xf32>,
        tpu.vector_store %arg12[%swap3A_1335, %swap3A_1336], %mul3A_1332 {strides = array<i32>} : memref<128x128xf32, #tpu.memory_space<vmem>>, vector<16xf32>,
        %add3A_1338 = arith.constant 9 : i32
        %add3A_1339 = arith.addi %mul3A_383, %add3A_1338 : i32
        %get3A_1340 = arith.index_cast %add3A_1339 : i32 to index
        %get3A_1341 = arith.constant 96 : index
        %get3A_1342 = tpu.vector_load %arg12[%get3A_1340, %get3A_1341] {strides = array<i32>} : memref<128x128xf32, #tpu.memory_space<vmem>>, vector<16xf32>,
        %mul3A_1343 = vector.broadcast %squeeze3A_1265 : f32 to vector<16xf32>
        %mul3A_1344 = arith.mulf %get3A_1342, %mul3A_1343 : vector<16xf32>
        %add3A_1345 = arith.constant 9 : i32
        %add3A_1346 = arith.addi %mul3A_383, %add3A_1345 : i32
        %swap3A_1347 = arith.index_cast %add3A_1346 : i32 to index
        %swap3A_1348 = arith.constant 96 : index
        %swap3A_1349 = tpu.vector_load %arg12[%swap3A_1347, %swap3A_1348] {strides = array<i32>} : memref<128x128xf32, #tpu.memory_space<vmem>>, vector<16xf32>,
        tpu.vector_store %arg12[%swap3A_1347, %swap3A_1348], %mul3A_1344 {strides = array<i32>} : memref<128x128xf32, #tpu.memory_space<vmem>>, vector<16xf32>,
        %add3A_1350 = arith.constant 9 : i32
        %add3A_1351 = arith.addi %mul3A_383, %add3A_1350 : i32
        %get3A_1352 = arith.index_cast %add3A_1351 : i32 to index
        %get3A_1353 = arith.constant 112 : index
        %get3A_1354 = tpu.vector_load %arg12[%get3A_1352, %get3A_1353] {strides = array<i32>} : memref<128x128xf32, #tpu.memory_space<vmem>>, vector<16xf32>,
        %mul3A_1355 = vector.broadcast %squeeze3A_1265 : f32 to vector<16xf32>
        %mul3A_1356 = arith.mulf %get3A_1354, %mul3A_1355 : vector<16xf32>
        %add3A_1357 = arith.constant 9 : i32
        %add3A_1358 = arith.addi %mul3A_383, %add3A_1357 : i32
        %swap3A_1359 = arith.index_cast %add3A_1358 : i32 to index
        %swap3A_1360 = arith.constant 112 : index
        %swap3A_1361 = tpu.vector_load %arg12[%swap3A_1359, %swap3A_1360] {strides = array<i32>} : memref<128x128xf32, #tpu.memory_space<vmem>>, vector<16xf32>,
        tpu.vector_store %arg12[%swap3A_1359, %swap3A_1360], %mul3A_1356 {strides = array<i32>} : memref<128x128xf32, #tpu.memory_space<vmem>>, vector<16xf32>,
        %slice3A_1362 = vector.extract_strided_slice %get3A_381 {offsets = [10], sizes = [1], strides = [1]} : vector<16xf32> to vector<1xf32>
        %squeeze3A_1363 = vector.extract %slice3A_1362[0] : f32 from vector<1xf32>
        %add3A_1364 = arith.constant 10 : i32
        %add3A_1365 = arith.addi %mul3A_383, %add3A_1364 : i32
        %get3A_1366 = arith.index_cast %add3A_1365 : i32 to index
        %get3A_1367 = arith.constant 0 : index
        %get3A_1368 = tpu.vector_load %arg12[%get3A_1366, %get3A_1367] {strides = array<i32>} : memref<128x128xf32, #tpu.memory_space<vmem>>, vector<16xf32>,
        %mul3A_1369 = vector.broadcast %squeeze3A_1363 : f32 to vector<16xf32>
        %mul3A_1370 = arith.mulf %get3A_1368, %mul3A_1369 : vector<16xf32>
        %add3A_1371 = arith.constant 10 : i32
        %add3A_1372 = arith.addi %mul3A_383, %add3A_1371 : i32
        %swap3A_1373 = arith.index_cast %add3A_1372 : i32 to index
        %swap3A_1374 = arith.constant 0 : index
        %swap3A_1375 = tpu.vector_load %arg12[%swap3A_1373, %swap3A_1374] {strides = array<i32>} : memref<128x128xf32, #tpu.memory_space<vmem>>, vector<16xf32>,
        tpu.vector_store %arg12[%swap3A_1373, %swap3A_1374], %mul3A_1370 {strides = array<i32>} : memref<128x128xf32, #tpu.memory_space<vmem>>, vector<16xf32>,
        %add3A_1376 = arith.constant 10 : i32
        %add3A_1377 = arith.addi %mul3A_383, %add3A_1376 : i32
        %get3A_1378 = arith.index_cast %add3A_1377 : i32 to index
        %get3A_1379 = arith.constant 16 : index
        %get3A_1380 = tpu.vector_load %arg12[%get3A_1378, %get3A_1379] {strides = array<i32>} : memref<128x128xf32, #tpu.memory_space<vmem>>, vector<16xf32>,
        %mul3A_1381 = vector.broadcast %squeeze3A_1363 : f32 to vector<16xf32>
        %mul3A_1382 = arith.mulf %get3A_1380, %mul3A_1381 : vector<16xf32>
        %add3A_1383 = arith.constant 10 : i32
        %add3A_1384 = arith.addi %mul3A_383, %add3A_1383 : i32
        %swap3A_1385 = arith.index_cast %add3A_1384 : i32 to index
        %swap3A_1386 = arith.constant 16 : index
        %swap3A_1387 = tpu.vector_load %arg12[%swap3A_1385, %swap3A_1386] {strides = array<i32>} : memref<128x128xf32, #tpu.memory_space<vmem>>, vector<16xf32>,
        tpu.vector_store %arg12[%swap3A_1385, %swap3A_1386], %mul3A_1382 {strides = array<i32>} : memref<128x128xf32, #tpu.memory_space<vmem>>, vector<16xf32>,
        %add3A_1388 = arith.constant 10 : i32
        %add3A_1389 = arith.addi %mul3A_383, %add3A_1388 : i32
        %get3A_1390 = arith.index_cast %add3A_1389 : i32 to index
        %get3A_1391 = arith.constant 32 : index
        %get3A_1392 = tpu.vector_load %arg12[%get3A_1390, %get3A_1391] {strides = array<i32>} : memref<128x128xf32, #tpu.memory_space<vmem>>, vector<16xf32>,
        %mul3A_1393 = vector.broadcast %squeeze3A_1363 : f32 to vector<16xf32>
        %mul3A_1394 = arith.mulf %get3A_1392, %mul3A_1393 : vector<16xf32>
        %add3A_1395 = arith.constant 10 : i32
        %add3A_1396 = arith.addi %mul3A_383, %add3A_1395 : i32
        %swap3A_1397 = arith.index_cast %add3A_1396 : i32 to index
        %swap3A_1398 = arith.constant 32 : index
        %swap3A_1399 = tpu.vector_load %arg12[%swap3A_1397, %swap3A_1398] {strides = array<i32>} : memref<128x128xf32, #tpu.memory_space<vmem>>, vector<16xf32>,
        tpu.vector_store %arg12[%swap3A_1397, %swap3A_1398], %mul3A_1394 {strides = array<i32>} : memref<128x128xf32, #tpu.memory_space<vmem>>, vector<16xf32>,
        %add3A_1400 = arith.constant 10 : i32
        %add3A_1401 = arith.addi %mul3A_383, %add3A_1400 : i32
        %get3A_1402 = arith.index_cast %add3A_1401 : i32 to index
        %get3A_1403 = arith.constant 48 : index
        %get3A_1404 = tpu.vector_load %arg12[%get3A_1402, %get3A_1403] {strides = array<i32>} : memref<128x128xf32, #tpu.memory_space<vmem>>, vector<16xf32>,
        %mul3A_1405 = vector.broadcast %squeeze3A_1363 : f32 to vector<16xf32>
        %mul3A_1406 = arith.mulf %get3A_1404, %mul3A_1405 : vector<16xf32>
        %add3A_1407 = arith.constant 10 : i32
        %add3A_1408 = arith.addi %mul3A_383, %add3A_1407 : i32
        %swap3A_1409 = arith.index_cast %add3A_1408 : i32 to index
        %swap3A_1410 = arith.constant 48 : index
        %swap3A_1411 = tpu.vector_load %arg12[%swap3A_1409, %swap3A_1410] {strides = array<i32>} : memref<128x128xf32, #tpu.memory_space<vmem>>, vector<16xf32>,
        tpu.vector_store %arg12[%swap3A_1409, %swap3A_1410], %mul3A_1406 {strides = array<i32>} : memref<128x128xf32, #tpu.memory_space<vmem>>, vector<16xf32>,
        %add3A_1412 = arith.constant 10 : i32
        %add3A_1413 = arith.addi %mul3A_383, %add3A_1412 : i32
        %get3A_1414 = arith.index_cast %add3A_1413 : i32 to index
        %get3A_1415 = arith.constant 64 : index
        %get3A_1416 = tpu.vector_load %arg12[%get3A_1414, %get3A_1415] {strides = array<i32>} : memref<128x128xf32, #tpu.memory_space<vmem>>, vector<16xf32>,
        %mul3A_1417 = vector.broadcast %squeeze3A_1363 : f32 to vector<16xf32>
        %mul3A_1418 = arith.mulf %get3A_1416, %mul3A_1417 : vector<16xf32>
        %add3A_1419 = arith.constant 10 : i32
        %add3A_1420 = arith.addi %mul3A_383, %add3A_1419 : i32
        %swap3A_1421 = arith.index_cast %add3A_1420 : i32 to index
        %swap3A_1422 = arith.constant 64 : index
        %swap3A_1423 = tpu.vector_load %arg12[%swap3A_1421, %swap3A_1422] {strides = array<i32>} : memref<128x128xf32, #tpu.memory_space<vmem>>, vector<16xf32>,
        tpu.vector_store %arg12[%swap3A_1421, %swap3A_1422], %mul3A_1418 {strides = array<i32>} : memref<128x128xf32, #tpu.memory_space<vmem>>, vector<16xf32>,
        %add3A_1424 = arith.constant 10 : i32
        %add3A_1425 = arith.addi %mul3A_383, %add3A_1424 : i32
        %get3A_1426 = arith.index_cast %add3A_1425 : i32 to index
        %get3A_1427 = arith.constant 80 : index
        %get3A_1428 = tpu.vector_load %arg12[%get3A_1426, %get3A_1427] {strides = array<i32>} : memref<128x128xf32, #tpu.memory_space<vmem>>, vector<16xf32>,
        %mul3A_1429 = vector.broadcast %squeeze3A_1363 : f32 to vector<16xf32>
        %mul3A_1430 = arith.mulf %get3A_1428, %mul3A_1429 : vector<16xf32>
        %add3A_1431 = arith.constant 10 : i32
        %add3A_1432 = arith.addi %mul3A_383, %add3A_1431 : i32
        %swap3A_1433 = arith.index_cast %add3A_1432 : i32 to index
        %swap3A_1434 = arith.constant 80 : index
        %swap3A_1435 = tpu.vector_load %arg12[%swap3A_1433, %swap3A_1434] {strides = array<i32>} : memref<128x128xf32, #tpu.memory_space<vmem>>, vector<16xf32>,
        tpu.vector_store %arg12[%swap3A_1433, %swap3A_1434], %mul3A_1430 {strides = array<i32>} : memref<128x128xf32, #tpu.memory_space<vmem>>, vector<16xf32>,
        %add3A_1436 = arith.constant 10 : i32
        %add3A_1437 = arith.addi %mul3A_383, %add3A_1436 : i32
        %get3A_1438 = arith.index_cast %add3A_1437 : i32 to index
        %get3A_1439 = arith.constant 96 : index
        %get3A_1440 = tpu.vector_load %arg12[%get3A_1438, %get3A_1439] {strides = array<i32>} : memref<128x128xf32, #tpu.memory_space<vmem>>, vector<16xf32>,
        %mul3A_1441 = vector.broadcast %squeeze3A_1363 : f32 to vector<16xf32>
        %mul3A_1442 = arith.mulf %get3A_1440, %mul3A_1441 : vector<16xf32>
        %add3A_1443 = arith.constant 10 : i32
        %add3A_1444 = arith.addi %mul3A_383, %add3A_1443 : i32
        %swap3A_1445 = arith.index_cast %add3A_1444 : i32 to index
        %swap3A_1446 = arith.constant 96 : index
        %swap3A_1447 = tpu.vector_load %arg12[%swap3A_1445, %swap3A_1446] {strides = array<i32>} : memref<128x128xf32, #tpu.memory_space<vmem>>, vector<16xf32>,
        tpu.vector_store %arg12[%swap3A_1445, %swap3A_1446], %mul3A_1442 {strides = array<i32>} : memref<128x128xf32, #tpu.memory_space<vmem>>, vector<16xf32>,
        %add3A_1448 = arith.constant 10 : i32
        %add3A_1449 = arith.addi %mul3A_383, %add3A_1448 : i32
        %get3A_1450 = arith.index_cast %add3A_1449 : i32 to index
        %get3A_1451 = arith.constant 112 : index
        %get3A_1452 = tpu.vector_load %arg12[%get3A_1450, %get3A_1451] {strides = array<i32>} : memref<128x128xf32, #tpu.memory_space<vmem>>, vector<16xf32>,
        %mul3A_1453 = vector.broadcast %squeeze3A_1363 : f32 to vector<16xf32>
        %mul3A_1454 = arith.mulf %get3A_1452, %mul3A_1453 : vector<16xf32>
        %add3A_1455 = arith.constant 10 : i32
        %add3A_1456 = arith.addi %mul3A_383, %add3A_1455 : i32
        %swap3A_1457 = arith.index_cast %add3A_1456 : i32 to index
        %swap3A_1458 = arith.constant 112 : index
        %swap3A_1459 = tpu.vector_load %arg12[%swap3A_1457, %swap3A_1458] {strides = array<i32>} : memref<128x128xf32, #tpu.memory_space<vmem>>, vector<16xf32>,
        tpu.vector_store %arg12[%swap3A_1457, %swap3A_1458], %mul3A_1454 {strides = array<i32>} : memref<128x128xf32, #tpu.memory_space<vmem>>, vector<16xf32>,
        %slice3A_1460 = vector.extract_strided_slice %get3A_381 {offsets = [11], sizes = [1], strides = [1]} : vector<16xf32> to vector<1xf32>
        %squeeze3A_1461 = vector.extract %slice3A_1460[0] : f32 from vector<1xf32>
        %add3A_1462 = arith.constant 11 : i32
        %add3A_1463 = arith.addi %mul3A_383, %add3A_1462 : i32
        %get3A_1464 = arith.index_cast %add3A_1463 : i32 to index
        %get3A_1465 = arith.constant 0 : index
        %get3A_1466 = tpu.vector_load %arg12[%get3A_1464, %get3A_1465] {strides = array<i32>} : memref<128x128xf32, #tpu.memory_space<vmem>>, vector<16xf32>,
        %mul3A_1467 = vector.broadcast %squeeze3A_1461 : f32 to vector<16xf32>
        %mul3A_1468 = arith.mulf %get3A_1466, %mul3A_1467 : vector<16xf32>
        %add3A_1469 = arith.constant 11 : i32
        %add3A_1470 = arith.addi %mul3A_383, %add3A_1469 : i32
        %swap3A_1471 = arith.index_cast %add3A_1470 : i32 to index
        %swap3A_1472 = arith.constant 0 : index
        %swap3A_1473 = tpu.vector_load %arg12[%swap3A_1471, %swap3A_1472] {strides = array<i32>} : memref<128x128xf32, #tpu.memory_space<vmem>>, vector<16xf32>,
        tpu.vector_store %arg12[%swap3A_1471, %swap3A_1472], %mul3A_1468 {strides = array<i32>} : memref<128x128xf32, #tpu.memory_space<vmem>>, vector<16xf32>,
        %add3A_1474 = arith.constant 11 : i32
        %add3A_1475 = arith.addi %mul3A_383, %add3A_1474 : i32
        %get3A_1476 = arith.index_cast %add3A_1475 : i32 to index
        %get3A_1477 = arith.constant 16 : index
        %get3A_1478 = tpu.vector_load %arg12[%get3A_1476, %get3A_1477] {strides = array<i32>} : memref<128x128xf32, #tpu.memory_space<vmem>>, vector<16xf32>,
        %mul3A_1479 = vector.broadcast %squeeze3A_1461 : f32 to vector<16xf32>
        %mul3A_1480 = arith.mulf %get3A_1478, %mul3A_1479 : vector<16xf32>
        %add3A_1481 = arith.constant 11 : i32
        %add3A_1482 = arith.addi %mul3A_383, %add3A_1481 : i32
        %swap3A_1483 = arith.index_cast %add3A_1482 : i32 to index
        %swap3A_1484 = arith.constant 16 : index
        %swap3A_1485 = tpu.vector_load %arg12[%swap3A_1483, %swap3A_1484] {strides = array<i32>} : memref<128x128xf32, #tpu.memory_space<vmem>>, vector<16xf32>,
        tpu.vector_store %arg12[%swap3A_1483, %swap3A_1484], %mul3A_1480 {strides = array<i32>} : memref<128x128xf32, #tpu.memory_space<vmem>>, vector<16xf32>,
        %add3A_1486 = arith.constant 11 : i32
        %add3A_1487 = arith.addi %mul3A_383, %add3A_1486 : i32
        %get3A_1488 = arith.index_cast %add3A_1487 : i32 to index
        %get3A_1489 = arith.constant 32 : index
        %get3A_1490 = tpu.vector_load %arg12[%get3A_1488, %get3A_1489] {strides = array<i32>} : memref<128x128xf32, #tpu.memory_space<vmem>>, vector<16xf32>,
        %mul3A_1491 = vector.broadcast %squeeze3A_1461 : f32 to vector<16xf32>
        %mul3A_1492 = arith.mulf %get3A_1490, %mul3A_1491 : vector<16xf32>
        %add3A_1493 = arith.constant 11 : i32
        %add3A_1494 = arith.addi %mul3A_383, %add3A_1493 : i32
        %swap3A_1495 = arith.index_cast %add3A_1494 : i32 to index
        %swap3A_1496 = arith.constant 32 : index
        %swap3A_1497 = tpu.vector_load %arg12[%swap3A_1495, %swap3A_1496] {strides = array<i32>} : memref<128x128xf32, #tpu.memory_space<vmem>>, vector<16xf32>,
        tpu.vector_store %arg12[%swap3A_1495, %swap3A_1496], %mul3A_1492 {strides = array<i32>} : memref<128x128xf32, #tpu.memory_space<vmem>>, vector<16xf32>,
        %add3A_1498 = arith.constant 11 : i32
        %add3A_1499 = arith.addi %mul3A_383, %add3A_1498 : i32
        %get3A_1500 = arith.index_cast %add3A_1499 : i32 to index
        %get3A_1501 = arith.constant 48 : index
        %get3A_1502 = tpu.vector_load %arg12[%get3A_1500, %get3A_1501] {strides = array<i32>} : memref<128x128xf32, #tpu.memory_space<vmem>>, vector<16xf32>,
        %mul3A_1503 = vector.broadcast %squeeze3A_1461 : f32 to vector<16xf32>
        %mul3A_1504 = arith.mulf %get3A_1502, %mul3A_1503 : vector<16xf32>
        %add3A_1505 = arith.constant 11 : i32
        %add3A_1506 = arith.addi %mul3A_383, %add3A_1505 : i32
        %swap3A_1507 = arith.index_cast %add3A_1506 : i32 to index
        %swap3A_1508 = arith.constant 48 : index
        %swap3A_1509 = tpu.vector_load %arg12[%swap3A_1507, %swap3A_1508] {strides = array<i32>} : memref<128x128xf32, #tpu.memory_space<vmem>>, vector<16xf32>,
        tpu.vector_store %arg12[%swap3A_1507, %swap3A_1508], %mul3A_1504 {strides = array<i32>} : memref<128x128xf32, #tpu.memory_space<vmem>>, vector<16xf32>,
        %add3A_1510 = arith.constant 11 : i32
        %add3A_1511 = arith.addi %mul3A_383, %add3A_1510 : i32
        %get3A_1512 = arith.index_cast %add3A_1511 : i32 to index
        %get3A_1513 = arith.constant 64 : index
        %get3A_1514 = tpu.vector_load %arg12[%get3A_1512, %get3A_1513] {strides = array<i32>} : memref<128x128xf32, #tpu.memory_space<vmem>>, vector<16xf32>,
        %mul3A_1515 = vector.broadcast %squeeze3A_1461 : f32 to vector<16xf32>
        %mul3A_1516 = arith.mulf %get3A_1514, %mul3A_1515 : vector<16xf32>
        %add3A_1517 = arith.constant 11 : i32
        %add3A_1518 = arith.addi %mul3A_383, %add3A_1517 : i32
        %swap3A_1519 = arith.index_cast %add3A_1518 : i32 to index
        %swap3A_1520 = arith.constant 64 : index
        %swap3A_1521 = tpu.vector_load %arg12[%swap3A_1519, %swap3A_1520] {strides = array<i32>} : memref<128x128xf32, #tpu.memory_space<vmem>>, vector<16xf32>,
        tpu.vector_store %arg12[%swap3A_1519, %swap3A_1520], %mul3A_1516 {strides = array<i32>} : memref<128x128xf32, #tpu.memory_space<vmem>>, vector<16xf32>,
        %add3A_1522 = arith.constant 11 : i32
        %add3A_1523 = arith.addi %mul3A_383, %add3A_1522 : i32
        %get3A_1524 = arith.index_cast %add3A_1523 : i32 to index
        %get3A_1525 = arith.constant 80 : index
        %get3A_1526 = tpu.vector_load %arg12[%get3A_1524, %get3A_1525] {strides = array<i32>} : memref<128x128xf32, #tpu.memory_space<vmem>>, vector<16xf32>,
        %mul3A_1527 = vector.broadcast %squeeze3A_1461 : f32 to vector<16xf32>
        %mul3A_1528 = arith.mulf %get3A_1526, %mul3A_1527 : vector<16xf32>
        %add3A_1529 = arith.constant 11 : i32
        %add3A_1530 = arith.addi %mul3A_383, %add3A_1529 : i32
        %swap3A_1531 = arith.index_cast %add3A_1530 : i32 to index
        %swap3A_1532 = arith.constant 80 : index
        %swap3A_1533 = tpu.vector_load %arg12[%swap3A_1531, %swap3A_1532] {strides = array<i32>} : memref<128x128xf32, #tpu.memory_space<vmem>>, vector<16xf32>,
        tpu.vector_store %arg12[%swap3A_1531, %swap3A_1532], %mul3A_1528 {strides = array<i32>} : memref<128x128xf32, #tpu.memory_space<vmem>>, vector<16xf32>,
        %add3A_1534 = arith.constant 11 : i32
        %add3A_1535 = arith.addi %mul3A_383, %add3A_1534 : i32
        %get3A_1536 = arith.index_cast %add3A_1535 : i32 to index
        %get3A_1537 = arith.constant 96 : index
        %get3A_1538 = tpu.vector_load %arg12[%get3A_1536, %get3A_1537] {strides = array<i32>} : memref<128x128xf32, #tpu.memory_space<vmem>>, vector<16xf32>,
        %mul3A_1539 = vector.broadcast %squeeze3A_1461 : f32 to vector<16xf32>
        %mul3A_1540 = arith.mulf %get3A_1538, %mul3A_1539 : vector<16xf32>
        %add3A_1541 = arith.constant 11 : i32
        %add3A_1542 = arith.addi %mul3A_383, %add3A_1541 : i32
        %swap3A_1543 = arith.index_cast %add3A_1542 : i32 to index
        %swap3A_1544 = arith.constant 96 : index
        %swap3A_1545 = tpu.vector_load %arg12[%swap3A_1543, %swap3A_1544] {strides = array<i32>} : memref<128x128xf32, #tpu.memory_space<vmem>>, vector<16xf32>,
        tpu.vector_store %arg12[%swap3A_1543, %swap3A_1544], %mul3A_1540 {strides = array<i32>} : memref<128x128xf32, #tpu.memory_space<vmem>>, vector<16xf32>,
        %add3A_1546 = arith.constant 11 : i32
        %add3A_1547 = arith.addi %mul3A_383, %add3A_1546 : i32
        %get3A_1548 = arith.index_cast %add3A_1547 : i32 to index
        %get3A_1549 = arith.constant 112 : index
        %get3A_1550 = tpu.vector_load %arg12[%get3A_1548, %get3A_1549] {strides = array<i32>} : memref<128x128xf32, #tpu.memory_space<vmem>>, vector<16xf32>,
        %mul3A_1551 = vector.broadcast %squeeze3A_1461 : f32 to vector<16xf32>
        %mul3A_1552 = arith.mulf %get3A_1550, %mul3A_1551 : vector<16xf32>
        %add3A_1553 = arith.constant 11 : i32
        %add3A_1554 = arith.addi %mul3A_383, %add3A_1553 : i32
        %swap3A_1555 = arith.index_cast %add3A_1554 : i32 to index
        %swap3A_1556 = arith.constant 112 : index
        %swap3A_1557 = tpu.vector_load %arg12[%swap3A_1555, %swap3A_1556] {strides = array<i32>} : memref<128x128xf32, #tpu.memory_space<vmem>>, vector<16xf32>,
        tpu.vector_store %arg12[%swap3A_1555, %swap3A_1556], %mul3A_1552 {strides = array<i32>} : memref<128x128xf32, #tpu.memory_space<vmem>>, vector<16xf32>,
        %slice3A_1558 = vector.extract_strided_slice %get3A_381 {offsets = [12], sizes = [1], strides = [1]} : vector<16xf32> to vector<1xf32>
        %squeeze3A_1559 = vector.extract %slice3A_1558[0] : f32 from vector<1xf32>
        %add3A_1560 = arith.constant 12 : i32
        %add3A_1561 = arith.addi %mul3A_383, %add3A_1560 : i32
        %get3A_1562 = arith.index_cast %add3A_1561 : i32 to index
        %get3A_1563 = arith.constant 0 : index
        %get3A_1564 = tpu.vector_load %arg12[%get3A_1562, %get3A_1563] {strides = array<i32>} : memref<128x128xf32, #tpu.memory_space<vmem>>, vector<16xf32>,
        %mul3A_1565 = vector.broadcast %squeeze3A_1559 : f32 to vector<16xf32>
        %mul3A_1566 = arith.mulf %get3A_1564, %mul3A_1565 : vector<16xf32>
        %add3A_1567 = arith.constant 12 : i32
        %add3A_1568 = arith.addi %mul3A_383, %add3A_1567 : i32
        %swap3A_1569 = arith.index_cast %add3A_1568 : i32 to index
        %swap3A_1570 = arith.constant 0 : index
        %swap3A_1571 = tpu.vector_load %arg12[%swap3A_1569, %swap3A_1570] {strides = array<i32>} : memref<128x128xf32, #tpu.memory_space<vmem>>, vector<16xf32>,
        tpu.vector_store %arg12[%swap3A_1569, %swap3A_1570], %mul3A_1566 {strides = array<i32>} : memref<128x128xf32, #tpu.memory_space<vmem>>, vector<16xf32>,
        %add3A_1572 = arith.constant 12 : i32
        %add3A_1573 = arith.addi %mul3A_383, %add3A_1572 : i32
        %get3A_1574 = arith.index_cast %add3A_1573 : i32 to index
        %get3A_1575 = arith.constant 16 : index
        %get3A_1576 = tpu.vector_load %arg12[%get3A_1574, %get3A_1575] {strides = array<i32>} : memref<128x128xf32, #tpu.memory_space<vmem>>, vector<16xf32>,
        %mul3A_1577 = vector.broadcast %squeeze3A_1559 : f32 to vector<16xf32>
        %mul3A_1578 = arith.mulf %get3A_1576, %mul3A_1577 : vector<16xf32>
        %add3A_1579 = arith.constant 12 : i32
        %add3A_1580 = arith.addi %mul3A_383, %add3A_1579 : i32
        %swap3A_1581 = arith.index_cast %add3A_1580 : i32 to index
        %swap3A_1582 = arith.constant 16 : index
        %swap3A_1583 = tpu.vector_load %arg12[%swap3A_1581, %swap3A_1582] {strides = array<i32>} : memref<128x128xf32, #tpu.memory_space<vmem>>, vector<16xf32>,
        tpu.vector_store %arg12[%swap3A_1581, %swap3A_1582], %mul3A_1578 {strides = array<i32>} : memref<128x128xf32, #tpu.memory_space<vmem>>, vector<16xf32>,
        %add3A_1584 = arith.constant 12 : i32
        %add3A_1585 = arith.addi %mul3A_383, %add3A_1584 : i32
        %get3A_1586 = arith.index_cast %add3A_1585 : i32 to index
        %get3A_1587 = arith.constant 32 : index
        %get3A_1588 = tpu.vector_load %arg12[%get3A_1586, %get3A_1587] {strides = array<i32>} : memref<128x128xf32, #tpu.memory_space<vmem>>, vector<16xf32>,
        %mul3A_1589 = vector.broadcast %squeeze3A_1559 : f32 to vector<16xf32>
        %mul3A_1590 = arith.mulf %get3A_1588, %mul3A_1589 : vector<16xf32>
        %add3A_1591 = arith.constant 12 : i32
        %add3A_1592 = arith.addi %mul3A_383, %add3A_1591 : i32
        %swap3A_1593 = arith.index_cast %add3A_1592 : i32 to index
        %swap3A_1594 = arith.constant 32 : index
        %swap3A_1595 = tpu.vector_load %arg12[%swap3A_1593, %swap3A_1594] {strides = array<i32>} : memref<128x128xf32, #tpu.memory_space<vmem>>, vector<16xf32>,
        tpu.vector_store %arg12[%swap3A_1593, %swap3A_1594], %mul3A_1590 {strides = array<i32>} : memref<128x128xf32, #tpu.memory_space<vmem>>, vector<16xf32>,
        %add3A_1596 = arith.constant 12 : i32
        %add3A_1597 = arith.addi %mul3A_383, %add3A_1596 : i32
        %get3A_1598 = arith.index_cast %add3A_1597 : i32 to index
        %get3A_1599 = arith.constant 48 : index
        %get3A_1600 = tpu.vector_load %arg12[%get3A_1598, %get3A_1599] {strides = array<i32>} : memref<128x128xf32, #tpu.memory_space<vmem>>, vector<16xf32>,
        %mul3A_1601 = vector.broadcast %squeeze3A_1559 : f32 to vector<16xf32>
        %mul3A_1602 = arith.mulf %get3A_1600, %mul3A_1601 : vector<16xf32>
        %add3A_1603 = arith.constant 12 : i32
        %add3A_1604 = arith.addi %mul3A_383, %add3A_1603 : i32
        %swap3A_1605 = arith.index_cast %add3A_1604 : i32 to index
        %swap3A_1606 = arith.constant 48 : index
        %swap3A_1607 = tpu.vector_load %arg12[%swap3A_1605, %swap3A_1606] {strides = array<i32>} : memref<128x128xf32, #tpu.memory_space<vmem>>, vector<16xf32>,
        tpu.vector_store %arg12[%swap3A_1605, %swap3A_1606], %mul3A_1602 {strides = array<i32>} : memref<128x128xf32, #tpu.memory_space<vmem>>, vector<16xf32>,
        %add3A_1608 = arith.constant 12 : i32
        %add3A_1609 = arith.addi %mul3A_383, %add3A_1608 : i32
        %get3A_1610 = arith.index_cast %add3A_1609 : i32 to index
        %get3A_1611 = arith.constant 64 : index
        %get3A_1612 = tpu.vector_load %arg12[%get3A_1610, %get3A_1611] {strides = array<i32>} : memref<128x128xf32, #tpu.memory_space<vmem>>, vector<16xf32>,
        %mul3A_1613 = vector.broadcast %squeeze3A_1559 : f32 to vector<16xf32>
        %mul3A_1614 = arith.mulf %get3A_1612, %mul3A_1613 : vector<16xf32>
        %add3A_1615 = arith.constant 12 : i32
        %add3A_1616 = arith.addi %mul3A_383, %add3A_1615 : i32
        %swap3A_1617 = arith.index_cast %add3A_1616 : i32 to index
        %swap3A_1618 = arith.constant 64 : index
        %swap3A_1619 = tpu.vector_load %arg12[%swap3A_1617, %swap3A_1618] {strides = array<i32>} : memref<128x128xf32, #tpu.memory_space<vmem>>, vector<16xf32>,
        tpu.vector_store %arg12[%swap3A_1617, %swap3A_1618], %mul3A_1614 {strides = array<i32>} : memref<128x128xf32, #tpu.memory_space<vmem>>, vector<16xf32>,
        %add3A_1620 = arith.constant 12 : i32
        %add3A_1621 = arith.addi %mul3A_383, %add3A_1620 : i32
        %get3A_1622 = arith.index_cast %add3A_1621 : i32 to index
        %get3A_1623 = arith.constant 80 : index
        %get3A_1624 = tpu.vector_load %arg12[%get3A_1622, %get3A_1623] {strides = array<i32>} : memref<128x128xf32, #tpu.memory_space<vmem>>, vector<16xf32>,
        %mul3A_1625 = vector.broadcast %squeeze3A_1559 : f32 to vector<16xf32>
        %mul3A_1626 = arith.mulf %get3A_1624, %mul3A_1625 : vector<16xf32>
        %add3A_1627 = arith.constant 12 : i32
        %add3A_1628 = arith.addi %mul3A_383, %add3A_1627 : i32
        %swap3A_1629 = arith.index_cast %add3A_1628 : i32 to index
        %swap3A_1630 = arith.constant 80 : index
        %swap3A_1631 = tpu.vector_load %arg12[%swap3A_1629, %swap3A_1630] {strides = array<i32>} : memref<128x128xf32, #tpu.memory_space<vmem>>, vector<16xf32>,
        tpu.vector_store %arg12[%swap3A_1629, %swap3A_1630], %mul3A_1626 {strides = array<i32>} : memref<128x128xf32, #tpu.memory_space<vmem>>, vector<16xf32>,
        %add3A_1632 = arith.constant 12 : i32
        %add3A_1633 = arith.addi %mul3A_383, %add3A_1632 : i32
        %get3A_1634 = arith.index_cast %add3A_1633 : i32 to index
        %get3A_1635 = arith.constant 96 : index
        %get3A_1636 = tpu.vector_load %arg12[%get3A_1634, %get3A_1635] {strides = array<i32>} : memref<128x128xf32, #tpu.memory_space<vmem>>, vector<16xf32>,
        %mul3A_1637 = vector.broadcast %squeeze3A_1559 : f32 to vector<16xf32>
        %mul3A_1638 = arith.mulf %get3A_1636, %mul3A_1637 : vector<16xf32>
        %add3A_1639 = arith.constant 12 : i32
        %add3A_1640 = arith.addi %mul3A_383, %add3A_1639 : i32
        %swap3A_1641 = arith.index_cast %add3A_1640 : i32 to index
        %swap3A_1642 = arith.constant 96 : index
        %swap3A_1643 = tpu.vector_load %arg12[%swap3A_1641, %swap3A_1642] {strides = array<i32>} : memref<128x128xf32, #tpu.memory_space<vmem>>, vector<16xf32>,
        tpu.vector_store %arg12[%swap3A_1641, %swap3A_1642], %mul3A_1638 {strides = array<i32>} : memref<128x128xf32, #tpu.memory_space<vmem>>, vector<16xf32>,
        %add3A_1644 = arith.constant 12 : i32
        %add3A_1645 = arith.addi %mul3A_383, %add3A_1644 : i32
        %get3A_1646 = arith.index_cast %add3A_1645 : i32 to index
        %get3A_1647 = arith.constant 112 : index
        %get3A_1648 = tpu.vector_load %arg12[%get3A_1646, %get3A_1647] {strides = array<i32>} : memref<128x128xf32, #tpu.memory_space<vmem>>, vector<16xf32>,
        %mul3A_1649 = vector.broadcast %squeeze3A_1559 : f32 to vector<16xf32>
        %mul3A_1650 = arith.mulf %get3A_1648, %mul3A_1649 : vector<16xf32>
        %add3A_1651 = arith.constant 12 : i32
        %add3A_1652 = arith.addi %mul3A_383, %add3A_1651 : i32
        %swap3A_1653 = arith.index_cast %add3A_1652 : i32 to index
        %swap3A_1654 = arith.constant 112 : index
        %swap3A_1655 = tpu.vector_load %arg12[%swap3A_1653, %swap3A_1654] {strides = array<i32>} : memref<128x128xf32, #tpu.memory_space<vmem>>, vector<16xf32>,
        tpu.vector_store %arg12[%swap3A_1653, %swap3A_1654], %mul3A_1650 {strides = array<i32>} : memref<128x128xf32, #tpu.memory_space<vmem>>, vector<16xf32>,
        %slice3A_1656 = vector.extract_strided_slice %get3A_381 {offsets = [13], sizes = [1], strides = [1]} : vector<16xf32> to vector<1xf32>
        %squeeze3A_1657 = vector.extract %slice3A_1656[0] : f32 from vector<1xf32>
        %add3A_1658 = arith.constant 13 : i32
        %add3A_1659 = arith.addi %mul3A_383, %add3A_1658 : i32
        %get3A_1660 = arith.index_cast %add3A_1659 : i32 to index
        %get3A_1661 = arith.constant 0 : index
        %get3A_1662 = tpu.vector_load %arg12[%get3A_1660, %get3A_1661] {strides = array<i32>} : memref<128x128xf32, #tpu.memory_space<vmem>>, vector<16xf32>,
        %mul3A_1663 = vector.broadcast %squeeze3A_1657 : f32 to vector<16xf32>
        %mul3A_1664 = arith.mulf %get3A_1662, %mul3A_1663 : vector<16xf32>
        %add3A_1665 = arith.constant 13 : i32
        %add3A_1666 = arith.addi %mul3A_383, %add3A_1665 : i32
        %swap3A_1667 = arith.index_cast %add3A_1666 : i32 to index
        %swap3A_1668 = arith.constant 0 : index
        %swap3A_1669 = tpu.vector_load %arg12[%swap3A_1667, %swap3A_1668] {strides = array<i32>} : memref<128x128xf32, #tpu.memory_space<vmem>>, vector<16xf32>,
        tpu.vector_store %arg12[%swap3A_1667, %swap3A_1668], %mul3A_1664 {strides = array<i32>} : memref<128x128xf32, #tpu.memory_space<vmem>>, vector<16xf32>,
        %add3A_1670 = arith.constant 13 : i32
        %add3A_1671 = arith.addi %mul3A_383, %add3A_1670 : i32
        %get3A_1672 = arith.index_cast %add3A_1671 : i32 to index
        %get3A_1673 = arith.constant 16 : index
        %get3A_1674 = tpu.vector_load %arg12[%get3A_1672, %get3A_1673] {strides = array<i32>} : memref<128x128xf32, #tpu.memory_space<vmem>>, vector<16xf32>,
        %mul3A_1675 = vector.broadcast %squeeze3A_1657 : f32 to vector<16xf32>
        %mul3A_1676 = arith.mulf %get3A_1674, %mul3A_1675 : vector<16xf32>
        %add3A_1677 = arith.constant 13 : i32
        %add3A_1678 = arith.addi %mul3A_383, %add3A_1677 : i32
        %swap3A_1679 = arith.index_cast %add3A_1678 : i32 to index
        %swap3A_1680 = arith.constant 16 : index
        %swap3A_1681 = tpu.vector_load %arg12[%swap3A_1679, %swap3A_1680] {strides = array<i32>} : memref<128x128xf32, #tpu.memory_space<vmem>>, vector<16xf32>,
        tpu.vector_store %arg12[%swap3A_1679, %swap3A_1680], %mul3A_1676 {strides = array<i32>} : memref<128x128xf32, #tpu.memory_space<vmem>>, vector<16xf32>,
        %add3A_1682 = arith.constant 13 : i32
        %add3A_1683 = arith.addi %mul3A_383, %add3A_1682 : i32
        %get3A_1684 = arith.index_cast %add3A_1683 : i32 to index
        %get3A_1685 = arith.constant 32 : index
        %get3A_1686 = tpu.vector_load %arg12[%get3A_1684, %get3A_1685] {strides = array<i32>} : memref<128x128xf32, #tpu.memory_space<vmem>>, vector<16xf32>,
        %mul3A_1687 = vector.broadcast %squeeze3A_1657 : f32 to vector<16xf32>
        %mul3A_1688 = arith.mulf %get3A_1686, %mul3A_1687 : vector<16xf32>
        %add3A_1689 = arith.constant 13 : i32
        %add3A_1690 = arith.addi %mul3A_383, %add3A_1689 : i32
        %swap3A_1691 = arith.index_cast %add3A_1690 : i32 to index
        %swap3A_1692 = arith.constant 32 : index
        %swap3A_1693 = tpu.vector_load %arg12[%swap3A_1691, %swap3A_1692] {strides = array<i32>} : memref<128x128xf32, #tpu.memory_space<vmem>>, vector<16xf32>,
        tpu.vector_store %arg12[%swap3A_1691, %swap3A_1692], %mul3A_1688 {strides = array<i32>} : memref<128x128xf32, #tpu.memory_space<vmem>>, vector<16xf32>,
        %add3A_1694 = arith.constant 13 : i32
        %add3A_1695 = arith.addi %mul3A_383, %add3A_1694 : i32
        %get3A_1696 = arith.index_cast %add3A_1695 : i32 to index
        %get3A_1697 = arith.constant 48 : index
        %get3A_1698 = tpu.vector_load %arg12[%get3A_1696, %get3A_1697] {strides = array<i32>} : memref<128x128xf32, #tpu.memory_space<vmem>>, vector<16xf32>,
        %mul3A_1699 = vector.broadcast %squeeze3A_1657 : f32 to vector<16xf32>
        %mul3A_1700 = arith.mulf %get3A_1698, %mul3A_1699 : vector<16xf32>
        %add3A_1701 = arith.constant 13 : i32
        %add3A_1702 = arith.addi %mul3A_383, %add3A_1701 : i32
        %swap3A_1703 = arith.index_cast %add3A_1702 : i32 to index
        %swap3A_1704 = arith.constant 48 : index
        %swap3A_1705 = tpu.vector_load %arg12[%swap3A_1703, %swap3A_1704] {strides = array<i32>} : memref<128x128xf32, #tpu.memory_space<vmem>>, vector<16xf32>,
        tpu.vector_store %arg12[%swap3A_1703, %swap3A_1704], %mul3A_1700 {strides = array<i32>} : memref<128x128xf32, #tpu.memory_space<vmem>>, vector<16xf32>,
        %add3A_1706 = arith.constant 13 : i32
        %add3A_1707 = arith.addi %mul3A_383, %add3A_1706 : i32
        %get3A_1708 = arith.index_cast %add3A_1707 : i32 to index
        %get3A_1709 = arith.constant 64 : index
        %get3A_1710 = tpu.vector_load %arg12[%get3A_1708, %get3A_1709] {strides = array<i32>} : memref<128x128xf32, #tpu.memory_space<vmem>>, vector<16xf32>,
        %mul3A_1711 = vector.broadcast %squeeze3A_1657 : f32 to vector<16xf32>
        %mul3A_1712 = arith.mulf %get3A_1710, %mul3A_1711 : vector<16xf32>
        %add3A_1713 = arith.constant 13 : i32
        %add3A_1714 = arith.addi %mul3A_383, %add3A_1713 : i32
        %swap3A_1715 = arith.index_cast %add3A_1714 : i32 to index
        %swap3A_1716 = arith.constant 64 : index
        %swap3A_1717 = tpu.vector_load %arg12[%swap3A_1715, %swap3A_1716] {strides = array<i32>} : memref<128x128xf32, #tpu.memory_space<vmem>>, vector<16xf32>,
        tpu.vector_store %arg12[%swap3A_1715, %swap3A_1716], %mul3A_1712 {strides = array<i32>} : memref<128x128xf32, #tpu.memory_space<vmem>>, vector<16xf32>,
        %add3A_1718 = arith.constant 13 : i32
        %add3A_1719 = arith.addi %mul3A_383, %add3A_1718 : i32
        %get3A_1720 = arith.index_cast %add3A_1719 : i32 to index
        %get3A_1721 = arith.constant 80 : index
        %get3A_1722 = tpu.vector_load %arg12[%get3A_1720, %get3A_1721] {strides = array<i32>} : memref<128x128xf32, #tpu.memory_space<vmem>>, vector<16xf32>,
        %mul3A_1723 = vector.broadcast %squeeze3A_1657 : f32 to vector<16xf32>
        %mul3A_1724 = arith.mulf %get3A_1722, %mul3A_1723 : vector<16xf32>
        %add3A_1725 = arith.constant 13 : i32
        %add3A_1726 = arith.addi %mul3A_383, %add3A_1725 : i32
        %swap3A_1727 = arith.index_cast %add3A_1726 : i32 to index
        %swap3A_1728 = arith.constant 80 : index
        %swap3A_1729 = tpu.vector_load %arg12[%swap3A_1727, %swap3A_1728] {strides = array<i32>} : memref<128x128xf32, #tpu.memory_space<vmem>>, vector<16xf32>,
        tpu.vector_store %arg12[%swap3A_1727, %swap3A_1728], %mul3A_1724 {strides = array<i32>} : memref<128x128xf32, #tpu.memory_space<vmem>>, vector<16xf32>,
        %add3A_1730 = arith.constant 13 : i32
        %add3A_1731 = arith.addi %mul3A_383, %add3A_1730 : i32
        %get3A_1732 = arith.index_cast %add3A_1731 : i32 to index
        %get3A_1733 = arith.constant 96 : index
        %get3A_1734 = tpu.vector_load %arg12[%get3A_1732, %get3A_1733] {strides = array<i32>} : memref<128x128xf32, #tpu.memory_space<vmem>>, vector<16xf32>,
        %mul3A_1735 = vector.broadcast %squeeze3A_1657 : f32 to vector<16xf32>
        %mul3A_1736 = arith.mulf %get3A_1734, %mul3A_1735 : vector<16xf32>
        %add3A_1737 = arith.constant 13 : i32
        %add3A_1738 = arith.addi %mul3A_383, %add3A_1737 : i32
        %swap3A_1739 = arith.index_cast %add3A_1738 : i32 to index
        %swap3A_1740 = arith.constant 96 : index
        %swap3A_1741 = tpu.vector_load %arg12[%swap3A_1739, %swap3A_1740] {strides = array<i32>} : memref<128x128xf32, #tpu.memory_space<vmem>>, vector<16xf32>,
        tpu.vector_store %arg12[%swap3A_1739, %swap3A_1740], %mul3A_1736 {strides = array<i32>} : memref<128x128xf32, #tpu.memory_space<vmem>>, vector<16xf32>,
        %add3A_1742 = arith.constant 13 : i32
        %add3A_1743 = arith.addi %mul3A_383, %add3A_1742 : i32
        %get3A_1744 = arith.index_cast %add3A_1743 : i32 to index
        %get3A_1745 = arith.constant 112 : index
        %get3A_1746 = tpu.vector_load %arg12[%get3A_1744, %get3A_1745] {strides = array<i32>} : memref<128x128xf32, #tpu.memory_space<vmem>>, vector<16xf32>,
        %mul3A_1747 = vector.broadcast %squeeze3A_1657 : f32 to vector<16xf32>
        %mul3A_1748 = arith.mulf %get3A_1746, %mul3A_1747 : vector<16xf32>
        %add3A_1749 = arith.constant 13 : i32
        %add3A_1750 = arith.addi %mul3A_383, %add3A_1749 : i32
        %swap3A_1751 = arith.index_cast %add3A_1750 : i32 to index
        %swap3A_1752 = arith.constant 112 : index
        %swap3A_1753 = tpu.vector_load %arg12[%swap3A_1751, %swap3A_1752] {strides = array<i32>} : memref<128x128xf32, #tpu.memory_space<vmem>>, vector<16xf32>,
        tpu.vector_store %arg12[%swap3A_1751, %swap3A_1752], %mul3A_1748 {strides = array<i32>} : memref<128x128xf32, #tpu.memory_space<vmem>>, vector<16xf32>,
        %slice3A_1754 = vector.extract_strided_slice %get3A_381 {offsets = [14], sizes = [1], strides = [1]} : vector<16xf32> to vector<1xf32>
        %squeeze3A_1755 = vector.extract %slice3A_1754[0] : f32 from vector<1xf32>
        %add3A_1756 = arith.constant 14 : i32
        %add3A_1757 = arith.addi %mul3A_383, %add3A_1756 : i32
        %get3A_1758 = arith.index_cast %add3A_1757 : i32 to index
        %get3A_1759 = arith.constant 0 : index
        %get3A_1760 = tpu.vector_load %arg12[%get3A_1758, %get3A_1759] {strides = array<i32>} : memref<128x128xf32, #tpu.memory_space<vmem>>, vector<16xf32>,
        %mul3A_1761 = vector.broadcast %squeeze3A_1755 : f32 to vector<16xf32>
        %mul3A_1762 = arith.mulf %get3A_1760, %mul3A_1761 : vector<16xf32>
        %add3A_1763 = arith.constant 14 : i32
        %add3A_1764 = arith.addi %mul3A_383, %add3A_1763 : i32
        %swap3A_1765 = arith.index_cast %add3A_1764 : i32 to index
        %swap3A_1766 = arith.constant 0 : index
        %swap3A_1767 = tpu.vector_load %arg12[%swap3A_1765, %swap3A_1766] {strides = array<i32>} : memref<128x128xf32, #tpu.memory_space<vmem>>, vector<16xf32>,
        tpu.vector_store %arg12[%swap3A_1765, %swap3A_1766], %mul3A_1762 {strides = array<i32>} : memref<128x128xf32, #tpu.memory_space<vmem>>, vector<16xf32>,
        %add3A_1768 = arith.constant 14 : i32
        %add3A_1769 = arith.addi %mul3A_383, %add3A_1768 : i32
        %get3A_1770 = arith.index_cast %add3A_1769 : i32 to index
        %get3A_1771 = arith.constant 16 : index
        %get3A_1772 = tpu.vector_load %arg12[%get3A_1770, %get3A_1771] {strides = array<i32>} : memref<128x128xf32, #tpu.memory_space<vmem>>, vector<16xf32>,
        %mul3A_1773 = vector.broadcast %squeeze3A_1755 : f32 to vector<16xf32>
        %mul3A_1774 = arith.mulf %get3A_1772, %mul3A_1773 : vector<16xf32>
        %add3A_1775 = arith.constant 14 : i32
        %add3A_1776 = arith.addi %mul3A_383, %add3A_1775 : i32
        %swap3A_1777 = arith.index_cast %add3A_1776 : i32 to index
        %swap3A_1778 = arith.constant 16 : index
        %swap3A_1779 = tpu.vector_load %arg12[%swap3A_1777, %swap3A_1778] {strides = array<i32>} : memref<128x128xf32, #tpu.memory_space<vmem>>, vector<16xf32>,
        tpu.vector_store %arg12[%swap3A_1777, %swap3A_1778], %mul3A_1774 {strides = array<i32>} : memref<128x128xf32, #tpu.memory_space<vmem>>, vector<16xf32>,
        %add3A_1780 = arith.constant 14 : i32
        %add3A_1781 = arith.addi %mul3A_383, %add3A_1780 : i32
        %get3A_1782 = arith.index_cast %add3A_1781 : i32 to index
        %get3A_1783 = arith.constant 32 : index
        %get3A_1784 = tpu.vector_load %arg12[%get3A_1782, %get3A_1783] {strides = array<i32>} : memref<128x128xf32, #tpu.memory_space<vmem>>, vector<16xf32>,
        %mul3A_1785 = vector.broadcast %squeeze3A_1755 : f32 to vector<16xf32>
        %mul3A_1786 = arith.mulf %get3A_1784, %mul3A_1785 : vector<16xf32>
        %add3A_1787 = arith.constant 14 : i32
        %add3A_1788 = arith.addi %mul3A_383, %add3A_1787 : i32
        %swap3A_1789 = arith.index_cast %add3A_1788 : i32 to index
        %swap3A_1790 = arith.constant 32 : index
        %swap3A_1791 = tpu.vector_load %arg12[%swap3A_1789, %swap3A_1790] {strides = array<i32>} : memref<128x128xf32, #tpu.memory_space<vmem>>, vector<16xf32>,
        tpu.vector_store %arg12[%swap3A_1789, %swap3A_1790], %mul3A_1786 {strides = array<i32>} : memref<128x128xf32, #tpu.memory_space<vmem>>, vector<16xf32>,
        %add3A_1792 = arith.constant 14 : i32
        %add3A_1793 = arith.addi %mul3A_383, %add3A_1792 : i32
        %get3A_1794 = arith.index_cast %add3A_1793 : i32 to index
        %get3A_1795 = arith.constant 48 : index
        %get3A_1796 = tpu.vector_load %arg12[%get3A_1794, %get3A_1795] {strides = array<i32>} : memref<128x128xf32, #tpu.memory_space<vmem>>, vector<16xf32>,
        %mul3A_1797 = vector.broadcast %squeeze3A_1755 : f32 to vector<16xf32>
        %mul3A_1798 = arith.mulf %get3A_1796, %mul3A_1797 : vector<16xf32>
        %add3A_1799 = arith.constant 14 : i32
        %add3A_1800 = arith.addi %mul3A_383, %add3A_1799 : i32
        %swap3A_1801 = arith.index_cast %add3A_1800 : i32 to index
        %swap3A_1802 = arith.constant 48 : index
        %swap3A_1803 = tpu.vector_load %arg12[%swap3A_1801, %swap3A_1802] {strides = array<i32>} : memref<128x128xf32, #tpu.memory_space<vmem>>, vector<16xf32>,
        tpu.vector_store %arg12[%swap3A_1801, %swap3A_1802], %mul3A_1798 {strides = array<i32>} : memref<128x128xf32, #tpu.memory_space<vmem>>, vector<16xf32>,
        %add3A_1804 = arith.constant 14 : i32
        %add3A_1805 = arith.addi %mul3A_383, %add3A_1804 : i32
        %get3A_1806 = arith.index_cast %add3A_1805 : i32 to index
        %get3A_1807 = arith.constant 64 : index
        %get3A_1808 = tpu.vector_load %arg12[%get3A_1806, %get3A_1807] {strides = array<i32>} : memref<128x128xf32, #tpu.memory_space<vmem>>, vector<16xf32>,
        %mul3A_1809 = vector.broadcast %squeeze3A_1755 : f32 to vector<16xf32>
        %mul3A_1810 = arith.mulf %get3A_1808, %mul3A_1809 : vector<16xf32>
        %add3A_1811 = arith.constant 14 : i32
        %add3A_1812 = arith.addi %mul3A_383, %add3A_1811 : i32
        %swap3A_1813 = arith.index_cast %add3A_1812 : i32 to index
        %swap3A_1814 = arith.constant 64 : index
        %swap3A_1815 = tpu.vector_load %arg12[%swap3A_1813, %swap3A_1814] {strides = array<i32>} : memref<128x128xf32, #tpu.memory_space<vmem>>, vector<16xf32>,
        tpu.vector_store %arg12[%swap3A_1813, %swap3A_1814], %mul3A_1810 {strides = array<i32>} : memref<128x128xf32, #tpu.memory_space<vmem>>, vector<16xf32>,
        %add3A_1816 = arith.constant 14 : i32
        %add3A_1817 = arith.addi %mul3A_383, %add3A_1816 : i32
        %get3A_1818 = arith.index_cast %add3A_1817 : i32 to index
        %get3A_1819 = arith.constant 80 : index
        %get3A_1820 = tpu.vector_load %arg12[%get3A_1818, %get3A_1819] {strides = array<i32>} : memref<128x128xf32, #tpu.memory_space<vmem>>, vector<16xf32>,
        %mul3A_1821 = vector.broadcast %squeeze3A_1755 : f32 to vector<16xf32>
        %mul3A_1822 = arith.mulf %get3A_1820, %mul3A_1821 : vector<16xf32>
        %add3A_1823 = arith.constant 14 : i32
        %add3A_1824 = arith.addi %mul3A_383, %add3A_1823 : i32
        %swap3A_1825 = arith.index_cast %add3A_1824 : i32 to index
        %swap3A_1826 = arith.constant 80 : index
        %swap3A_1827 = tpu.vector_load %arg12[%swap3A_1825, %swap3A_1826] {strides = array<i32>} : memref<128x128xf32, #tpu.memory_space<vmem>>, vector<16xf32>,
        tpu.vector_store %arg12[%swap3A_1825, %swap3A_1826], %mul3A_1822 {strides = array<i32>} : memref<128x128xf32, #tpu.memory_space<vmem>>, vector<16xf32>,
        %add3A_1828 = arith.constant 14 : i32
        %add3A_1829 = arith.addi %mul3A_383, %add3A_1828 : i32
        %get3A_1830 = arith.index_cast %add3A_1829 : i32 to index
        %get3A_1831 = arith.constant 96 : index
        %get3A_1832 = tpu.vector_load %arg12[%get3A_1830, %get3A_1831] {strides = array<i32>} : memref<128x128xf32, #tpu.memory_space<vmem>>, vector<16xf32>,
        %mul3A_1833 = vector.broadcast %squeeze3A_1755 : f32 to vector<16xf32>
        %mul3A_1834 = arith.mulf %get3A_1832, %mul3A_1833 : vector<16xf32>
        %add3A_1835 = arith.constant 14 : i32
        %add3A_1836 = arith.addi %mul3A_383, %add3A_1835 : i32
        %swap3A_1837 = arith.index_cast %add3A_1836 : i32 to index
        %swap3A_1838 = arith.constant 96 : index
        %swap3A_1839 = tpu.vector_load %arg12[%swap3A_1837, %swap3A_1838] {strides = array<i32>} : memref<128x128xf32, #tpu.memory_space<vmem>>, vector<16xf32>,
        tpu.vector_store %arg12[%swap3A_1837, %swap3A_1838], %mul3A_1834 {strides = array<i32>} : memref<128x128xf32, #tpu.memory_space<vmem>>, vector<16xf32>,
        %add3A_1840 = arith.constant 14 : i32
        %add3A_1841 = arith.addi %mul3A_383, %add3A_1840 : i32
        %get3A_1842 = arith.index_cast %add3A_1841 : i32 to index
        %get3A_1843 = arith.constant 112 : index
        %get3A_1844 = tpu.vector_load %arg12[%get3A_1842, %get3A_1843] {strides = array<i32>} : memref<128x128xf32, #tpu.memory_space<vmem>>, vector<16xf32>,
        %mul3A_1845 = vector.broadcast %squeeze3A_1755 : f32 to vector<16xf32>
        %mul3A_1846 = arith.mulf %get3A_1844, %mul3A_1845 : vector<16xf32>
        %add3A_1847 = arith.constant 14 : i32
        %add3A_1848 = arith.addi %mul3A_383, %add3A_1847 : i32
        %swap3A_1849 = arith.index_cast %add3A_1848 : i32 to index
        %swap3A_1850 = arith.constant 112 : index
        %swap3A_1851 = tpu.vector_load %arg12[%swap3A_1849, %swap3A_1850] {strides = array<i32>} : memref<128x128xf32, #tpu.memory_space<vmem>>, vector<16xf32>,
        tpu.vector_store %arg12[%swap3A_1849, %swap3A_1850], %mul3A_1846 {strides = array<i32>} : memref<128x128xf32, #tpu.memory_space<vmem>>, vector<16xf32>,
        %slice3A_1852 = vector.extract_strided_slice %get3A_381 {offsets = [15], sizes = [1], strides = [1]} : vector<16xf32> to vector<1xf32>
        %squeeze3A_1853 = vector.extract %slice3A_1852[0] : f32 from vector<1xf32>
        %add3A_1854 = arith.constant 15 : i32
        %add3A_1855 = arith.addi %mul3A_383, %add3A_1854 : i32
        %get3A_1856 = arith.index_cast %add3A_1855 : i32 to index
        %get3A_1857 = arith.constant 0 : index
        %get3A_1858 = tpu.vector_load %arg12[%get3A_1856, %get3A_1857] {strides = array<i32>} : memref<128x128xf32, #tpu.memory_space<vmem>>, vector<16xf32>,
        %mul3A_1859 = vector.broadcast %squeeze3A_1853 : f32 to vector<16xf32>
        %mul3A_1860 = arith.mulf %get3A_1858, %mul3A_1859 : vector<16xf32>
        %add3A_1861 = arith.constant 15 : i32
        %add3A_1862 = arith.addi %mul3A_383, %add3A_1861 : i32
        %swap3A_1863 = arith.index_cast %add3A_1862 : i32 to index
        %swap3A_1864 = arith.constant 0 : index
        %swap3A_1865 = tpu.vector_load %arg12[%swap3A_1863, %swap3A_1864] {strides = array<i32>} : memref<128x128xf32, #tpu.memory_space<vmem>>, vector<16xf32>,
        tpu.vector_store %arg12[%swap3A_1863, %swap3A_1864], %mul3A_1860 {strides = array<i32>} : memref<128x128xf32, #tpu.memory_space<vmem>>, vector<16xf32>,
        %add3A_1866 = arith.constant 15 : i32
        %add3A_1867 = arith.addi %mul3A_383, %add3A_1866 : i32
        %get3A_1868 = arith.index_cast %add3A_1867 : i32 to index
        %get3A_1869 = arith.constant 16 : index
        %get3A_1870 = tpu.vector_load %arg12[%get3A_1868, %get3A_1869] {strides = array<i32>} : memref<128x128xf32, #tpu.memory_space<vmem>>, vector<16xf32>,
        %mul3A_1871 = vector.broadcast %squeeze3A_1853 : f32 to vector<16xf32>
        %mul3A_1872 = arith.mulf %get3A_1870, %mul3A_1871 : vector<16xf32>
        %add3A_1873 = arith.constant 15 : i32
        %add3A_1874 = arith.addi %mul3A_383, %add3A_1873 : i32
        %swap3A_1875 = arith.index_cast %add3A_1874 : i32 to index
        %swap3A_1876 = arith.constant 16 : index
        %swap3A_1877 = tpu.vector_load %arg12[%swap3A_1875, %swap3A_1876] {strides = array<i32>} : memref<128x128xf32, #tpu.memory_space<vmem>>, vector<16xf32>,
        tpu.vector_store %arg12[%swap3A_1875, %swap3A_1876], %mul3A_1872 {strides = array<i32>} : memref<128x128xf32, #tpu.memory_space<vmem>>, vector<16xf32>,
        %add3A_1878 = arith.constant 15 : i32
        %add3A_1879 = arith.addi %mul3A_383, %add3A_1878 : i32
        %get3A_1880 = arith.index_cast %add3A_1879 : i32 to index
        %get3A_1881 = arith.constant 32 : index
        %get3A_1882 = tpu.vector_load %arg12[%get3A_1880, %get3A_1881] {strides = array<i32>} : memref<128x128xf32, #tpu.memory_space<vmem>>, vector<16xf32>,
        %mul3A_1883 = vector.broadcast %squeeze3A_1853 : f32 to vector<16xf32>
        %mul3A_1884 = arith.mulf %get3A_1882, %mul3A_1883 : vector<16xf32>
        %add3A_1885 = arith.constant 15 : i32
        %add3A_1886 = arith.addi %mul3A_383, %add3A_1885 : i32
        %swap3A_1887 = arith.index_cast %add3A_1886 : i32 to index
        %swap3A_1888 = arith.constant 32 : index
        %swap3A_1889 = tpu.vector_load %arg12[%swap3A_1887, %swap3A_1888] {strides = array<i32>} : memref<128x128xf32, #tpu.memory_space<vmem>>, vector<16xf32>,
        tpu.vector_store %arg12[%swap3A_1887, %swap3A_1888], %mul3A_1884 {strides = array<i32>} : memref<128x128xf32, #tpu.memory_space<vmem>>, vector<16xf32>,
        %add3A_1890 = arith.constant 15 : i32
        %add3A_1891 = arith.addi %mul3A_383, %add3A_1890 : i32
        %get3A_1892 = arith.index_cast %add3A_1891 : i32 to index
        %get3A_1893 = arith.constant 48 : index
        %get3A_1894 = tpu.vector_load %arg12[%get3A_1892, %get3A_1893] {strides = array<i32>} : memref<128x128xf32, #tpu.memory_space<vmem>>, vector<16xf32>,
        %mul3A_1895 = vector.broadcast %squeeze3A_1853 : f32 to vector<16xf32>
        %mul3A_1896 = arith.mulf %get3A_1894, %mul3A_1895 : vector<16xf32>
        %add3A_1897 = arith.constant 15 : i32
        %add3A_1898 = arith.addi %mul3A_383, %add3A_1897 : i32
        %swap3A_1899 = arith.index_cast %add3A_1898 : i32 to index
        %swap3A_1900 = arith.constant 48 : index
        %swap3A_1901 = tpu.vector_load %arg12[%swap3A_1899, %swap3A_1900] {strides = array<i32>} : memref<128x128xf32, #tpu.memory_space<vmem>>, vector<16xf32>,
        tpu.vector_store %arg12[%swap3A_1899, %swap3A_1900], %mul3A_1896 {strides = array<i32>} : memref<128x128xf32, #tpu.memory_space<vmem>>, vector<16xf32>,
        %add3A_1902 = arith.constant 15 : i32
        %add3A_1903 = arith.addi %mul3A_383, %add3A_1902 : i32
        %get3A_1904 = arith.index_cast %add3A_1903 : i32 to index
        %get3A_1905 = arith.constant 64 : index
        %get3A_1906 = tpu.vector_load %arg12[%get3A_1904, %get3A_1905] {strides = array<i32>} : memref<128x128xf32, #tpu.memory_space<vmem>>, vector<16xf32>,
        %mul3A_1907 = vector.broadcast %squeeze3A_1853 : f32 to vector<16xf32>
        %mul3A_1908 = arith.mulf %get3A_1906, %mul3A_1907 : vector<16xf32>
        %add3A_1909 = arith.constant 15 : i32
        %add3A_1910 = arith.addi %mul3A_383, %add3A_1909 : i32
        %swap3A_1911 = arith.index_cast %add3A_1910 : i32 to index
        %swap3A_1912 = arith.constant 64 : index
        %swap3A_1913 = tpu.vector_load %arg12[%swap3A_1911, %swap3A_1912] {strides = array<i32>} : memref<128x128xf32, #tpu.memory_space<vmem>>, vector<16xf32>,
        tpu.vector_store %arg12[%swap3A_1911, %swap3A_1912], %mul3A_1908 {strides = array<i32>} : memref<128x128xf32, #tpu.memory_space<vmem>>, vector<16xf32>,
        %add3A_1914 = arith.constant 15 : i32
        %add3A_1915 = arith.addi %mul3A_383, %add3A_1914 : i32
        %get3A_1916 = arith.index_cast %add3A_1915 : i32 to index
        %get3A_1917 = arith.constant 80 : index
        %get3A_1918 = tpu.vector_load %arg12[%get3A_1916, %get3A_1917] {strides = array<i32>} : memref<128x128xf32, #tpu.memory_space<vmem>>, vector<16xf32>,
        %mul3A_1919 = vector.broadcast %squeeze3A_1853 : f32 to vector<16xf32>
        %mul3A_1920 = arith.mulf %get3A_1918, %mul3A_1919 : vector<16xf32>
        %add3A_1921 = arith.constant 15 : i32
        %add3A_1922 = arith.addi %mul3A_383, %add3A_1921 : i32
        %swap3A_1923 = arith.index_cast %add3A_1922 : i32 to index
        %swap3A_1924 = arith.constant 80 : index
        %swap3A_1925 = tpu.vector_load %arg12[%swap3A_1923, %swap3A_1924] {strides = array<i32>} : memref<128x128xf32, #tpu.memory_space<vmem>>, vector<16xf32>,
        tpu.vector_store %arg12[%swap3A_1923, %swap3A_1924], %mul3A_1920 {strides = array<i32>} : memref<128x128xf32, #tpu.memory_space<vmem>>, vector<16xf32>,
        %add3A_1926 = arith.constant 15 : i32
        %add3A_1927 = arith.addi %mul3A_383, %add3A_1926 : i32
        %get3A_1928 = arith.index_cast %add3A_1927 : i32 to index
        %get3A_1929 = arith.constant 96 : index
        %get3A_1930 = tpu.vector_load %arg12[%get3A_1928, %get3A_1929] {strides = array<i32>} : memref<128x128xf32, #tpu.memory_space<vmem>>, vector<16xf32>,
        %mul3A_1931 = vector.broadcast %squeeze3A_1853 : f32 to vector<16xf32>
        %mul3A_1932 = arith.mulf %get3A_1930, %mul3A_1931 : vector<16xf32>
        %add3A_1933 = arith.constant 15 : i32
        %add3A_1934 = arith.addi %mul3A_383, %add3A_1933 : i32
        %swap3A_1935 = arith.index_cast %add3A_1934 : i32 to index
        %swap3A_1936 = arith.constant 96 : index
        %swap3A_1937 = tpu.vector_load %arg12[%swap3A_1935, %swap3A_1936] {strides = array<i32>} : memref<128x128xf32, #tpu.memory_space<vmem>>, vector<16xf32>,
        tpu.vector_store %arg12[%swap3A_1935, %swap3A_1936], %mul3A_1932 {strides = array<i32>} : memref<128x128xf32, #tpu.memory_space<vmem>>, vector<16xf32>,
        %add3A_1938 = arith.constant 15 : i32
        %add3A_1939 = arith.addi %mul3A_383, %add3A_1938 : i32
        %get3A_1940 = arith.index_cast %add3A_1939 : i32 to index
        %get3A_1941 = arith.constant 112 : index
        %get3A_1942 = tpu.vector_load %arg12[%get3A_1940, %get3A_1941] {strides = array<i32>} : memref<128x128xf32, #tpu.memory_space<vmem>>, vector<16xf32>,
        %mul3A_1943 = vector.broadcast %squeeze3A_1853 : f32 to vector<16xf32>
        %mul3A_1944 = arith.mulf %get3A_1942, %mul3A_1943 : vector<16xf32>
        %add3A_1945 = arith.constant 15 : i32
        %add3A_1946 = arith.addi %mul3A_383, %add3A_1945 : i32
        %swap3A_1947 = arith.index_cast %add3A_1946 : i32 to index
        %swap3A_1948 = arith.constant 112 : index
        %swap3A_1949 = tpu.vector_load %arg12[%swap3A_1947, %swap3A_1948] {strides = array<i32>} : memref<128x128xf32, #tpu.memory_space<vmem>>, vector<16xf32>,
        tpu.vector_store %arg12[%swap3A_1947, %swap3A_1948], %mul3A_1944 {strides = array<i32>} : memref<128x128xf32, #tpu.memory_space<vmem>>, vector<16xf32>,
      }
      %scan3A_373 = arith.constant 8 : i32
      %dma_start3A_374 = arith.constant 0 : i32
      %dma_start3A_375 = arith.constant 0 : i32
      %dma_start3A_376 = tpu.memref_slice %arg20[%dma_start3A_374, %dma_start3A_375] : memref<5248x128xf32, #tpu.memory_space<vmem_shared>> -> memref<5248x128xf32, #tpu.memory_space<vmem_shared>>
      tpu.enqueue_indirect_dma source(%arg12 : memref<128x128xf32, #tpu.memory_space<vmem>>) target(%dma_start3A_376 : memref<5248x128xf32, #tpu.memory_space<vmem_shared>>) offsets(%arg18 : memref<128xi32, #tpu.memory_space<vmem>>) semaphore(%arg24 : memref<!tpu.dma_semaphore, #tpu.memory_space<semaphore_mem>>) {add = true}
    }
    %scan3A_309 = arith.constant 80 : i32
    %dma_wait3A = arith.constant 0 : i32
    %dma_wait3A_310 = arith.constant 0 : i32
    %dma_wait3A_311 = tpu.memref_slice %arg20[%dma_wait3A, %dma_wait3A_310] : memref<5248x128xf32, #tpu.memory_space<vmem_shared>> -> memref<5248x128xf32, #tpu.memory_space<vmem_shared>>
    tpu.wait_indirect_dma semaphore(%arg23 : memref<!tpu.dma_semaphore, #tpu.memory_space<semaphore_mem>>) src(%arg11 : memref<128x128xf32, #tpu.memory_space<vmem>>) dst(%dma_wait3A_311 : memref<5248x128xf32, #tpu.memory_space<vmem_shared>>)
    %dma_wait3A_312 = arith.constant 0 : i32
    %dma_wait3A_313 = arith.constant 0 : i32
    %dma_wait3A_314 = tpu.memref_slice %arg20[%dma_wait3A_312, %dma_wait3A_313] : memref<5248x128xf32, #tpu.memory_space<vmem_shared>> -> memref<5248x128xf32, #tpu.memory_space<vmem_shared>>
    tpu.wait_indirect_dma semaphore(%arg24 : memref<!tpu.dma_semaphore, #tpu.memory_space<semaphore_mem>>) src(%arg12 : memref<128x128xf32, #tpu.memory_space<vmem>>) dst(%dma_wait3A_314 : memref<5248x128xf32, #tpu.memory_space<vmem_shared>>)
    %barrier3A_315 = arith.constant 0 : index
    tpu.barrier barrier_id(%barrier3A_315)
    %mul3A_316 = arith.constant 328 : i32
    %mul3A_317 = arith.muli %arg1, %mul3A_316 : i32
    %mul3A_318 = arith.constant 328 : i32
    %mul3A_319 = arith.muli %arg1, %mul3A_318 : i32
    %add3A_320 = arith.addi %mul3A_2, %mul3A_319 : i32
    "tpu.region"() ({
      %run_scoped3A = tpu.sem_alloc : memref<!tpu.dma_semaphore, #tpu.memory_space<semaphore_mem>>
      %dma_start3A_324 = arith.constant 0 : i32
      %dma_start3A_325 = tpu.memref_slice %arg6[%add3A_320, %dma_start3A_324] : memref<10496x128xf32, #tpu.memory_space<hbm>> -> memref<328x128xf32, #tpu.memory_space<hbm>>
      %dma_start3A_326 = arith.constant 0 : i32
      %dma_start3A_327 = tpu.memref_slice %arg20[%mul3A_317, %dma_start3A_326] : memref<5248x128xf32, #tpu.memory_space<vmem_shared>> -> memref<328x128xf32, #tpu.memory_space<vmem_shared>>
      tpu.enqueue_dma source(%dma_start3A_327 : memref<328x128xf32, #tpu.memory_space<vmem_shared>>) target(%dma_start3A_325 : memref<328x128xf32, #tpu.memory_space<hbm>>) target_semaphore(%run_scoped3A : memref<!tpu.dma_semaphore, #tpu.memory_space<semaphore_mem>>)
      %dma_wait3A_328 = arith.constant 0 : i32
      %dma_wait3A_329 = tpu.memref_slice %arg6[%add3A_320, %dma_wait3A_328] : memref<10496x128xf32, #tpu.memory_space<hbm>> -> memref<328x128xf32, #tpu.memory_space<hbm>>
      %dma_wait3A_330 = arith.constant 0 : i32
      %dma_wait3A_331 = tpu.memref_slice %arg20[%mul3A_317, %dma_wait3A_330] : memref<5248x128xf32, #tpu.memory_space<vmem_shared>> -> memref<328x128xf32, #tpu.memory_space<vmem_shared>>
      tpu.wait_dma2 semaphore(%run_scoped3A : memref<!tpu.dma_semaphore, #tpu.memory_space<semaphore_mem>>) src(%dma_wait3A_331 : memref<328x128xf32, #tpu.memory_space<vmem_shared>>) dst(%dma_wait3A_329 : memref<328x128xf32, #tpu.memory_space<hbm>>)
      tpu.yield
    }) : () -> ()
    %mul3A_321 = arith.constant 16 : i32
    %mul3A_322 = arith.muli %arg0, %mul3A_321 : i32
    %add3A_323 = arith.addi %mul3A_322, %arg1 : i32
    "tpu.region"() ({
      %run_scoped3A = tpu.sem_alloc : memref<!tpu.dma_semaphore, #tpu.memory_space<semaphore_mem>>
      %dma_start3A_324 = arith.constant 0 : i32
      %dma_start3A_325 = tpu.memref_slice %arg7[%add3A_323, %dma_start3A_324] : memref<32x5248xf32, #tpu.memory_space<hbm>> -> memref<1x5248xf32, #tpu.memory_space<hbm>>
      %dma_start3A_326 = tpu.memref_squeeze %dma_start3A_325 : memref<1x5248xf32, #tpu.memory_space<hbm>> -> memref<5248xf32, #tpu.memory_space<hbm>>
      %dma_start3A_327 = arith.constant 0 : i32
      %dma_start3A_328 = tpu.memref_slice %arg7[%add3A_323, %dma_start3A_327] : memref<32x5248xf32, #tpu.memory_space<hbm>> -> memref<1x5248xf32, #tpu.memory_space<hbm>>
      %dma_start3A_329 = tpu.memref_squeeze %dma_start3A_328 : memref<1x5248xf32, #tpu.memory_space<hbm>> -> memref<5248xf32, #tpu.memory_space<hbm>>
      tpu.enqueue_dma source(%arg19 : memref<5248xf32, #tpu.memory_space<vmem>>) target(%dma_start3A_329 : memref<5248xf32, #tpu.memory_space<hbm>>) target_semaphore(%run_scoped3A : memref<!tpu.dma_semaphore, #tpu.memory_space<semaphore_mem>>)
      %dma_wait3A_330 = arith.constant 0 : i32
      %dma_wait3A_331 = tpu.memref_slice %arg7[%add3A_323, %dma_wait3A_330] : memref<32x5248xf32, #tpu.memory_space<hbm>> -> memref<1x5248xf32, #tpu.memory_space<hbm>>
      %dma_wait3A_332 = tpu.memref_squeeze %dma_wait3A_331 : memref<1x5248xf32, #tpu.memory_space<hbm>> -> memref<5248xf32, #tpu.memory_space<hbm>>
      %dma_wait3A_333 = arith.constant 0 : i32
      %dma_wait3A_334 = tpu.memref_slice %arg7[%add3A_323, %dma_wait3A_333] : memref<32x5248xf32, #tpu.memory_space<hbm>> -> memref<1x5248xf32, #tpu.memory_space<hbm>>
      %dma_wait3A_335 = tpu.memref_squeeze %dma_wait3A_334 : memref<1x5248xf32, #tpu.memory_space<hbm>> -> memref<5248xf32, #tpu.memory_space<hbm>>
      tpu.wait_dma2 semaphore(%run_scoped3A : memref<!tpu.dma_semaphore, #tpu.memory_space<semaphore_mem>>) src(%arg19 : memref<5248xf32, #tpu.memory_space<vmem>>) dst(%dma_wait3A_335 : memref<5248xf32, #tpu.memory_space<hbm>>)
      tpu.yield
    }) : () -> ()
    return
  }
}

module attributes {stable_mosaic.version = 14 : i64} {
  func.func @_pre_body(%arg0: i32, %arg1: memref<1280x128xf32, #tpu.memory_space<vmem>>, %arg2: memref<128x128xf32, #tpu.memory_space<vmem>>, %arg3: memref<128x2xf32, #tpu.memory_space<vmem>>, %arg4: memref<1280x128xf32, #tpu.memory_space<vmem>>, %arg5: memref<1280x2xf32, #tpu.memory_space<vmem>>) attributes {dimension_semantics = [#tpu.dimension_semantics<arbitrary>], iteration_bounds = array<i64: 8>, scalar_prefetch = 0 : i64, scratch_operands = 0 : i64, tpu.core_type = #tpu.core_type<tc>, window_params = [{transform_indices = @transform_0, window_bounds = array<i64: 1280, 128>}, {pipeline_mode = #tpu.pipeline_mode<synchronous>, transform_indices = @transform_1, window_bounds = array<i64: 128, 128>}, {pipeline_mode = #tpu.pipeline_mode<synchronous>, transform_indices = @transform_2, window_bounds = array<i64: 128, 2>}, {transform_indices = @transform_3, window_bounds = array<i64: 1280, 128>}, {transform_indices = @transform_4, window_bounds = array<i64: 1280, 2>}]} {
    %get3A = arith.constant 0 : index
    %get3A_0 = arith.constant 0 : index
    %get3A_1 = vector.load %arg1[%get3A, %get3A_0] : memref<1280x128xf32, #tpu.memory_space<vmem>>, vector<1280x128xf32>
    %get3A_2 = arith.constant 0 : index
    %get3A_3 = arith.constant 0 : index
    %get3A_4 = vector.load %arg2[%get3A_2, %get3A_3] : memref<128x128xf32, #tpu.memory_space<vmem>>, vector<128x128xf32>
    %dot_general3A = arith.constant dense<0.000000e+00> : vector<1280x128xf32>
    %dot_general3A_5 = tpu.matmul %get3A_1, %get3A_4, %dot_general3A {dimension_numbers = #tpu.dot_dimension_numbers<[1], [0], [0], [1], [0, 0, 1, 1], [], []>, transpose_lhs_hint = false} : vector<1280x128xf32>, vector<128x128xf32>, vector<1280x128xf32> -> vector<1280x128xf32>
    %swap3A = arith.constant 0 : index
    %swap3A_6 = arith.constant 0 : index
    %swap3A_7 = vector.load %arg4[%swap3A, %swap3A_6] : memref<1280x128xf32, #tpu.memory_space<vmem>>, vector<1280x128xf32>
    tpu.vector_store %arg4[%swap3A, %swap3A_6], %dot_general3A_5 {strides = array<i32>} : memref<1280x128xf32, #tpu.memory_space<vmem>>, vector<1280x128xf32>,
    %get3A_8 = arith.constant 0 : index
    %get3A_9 = arith.constant 0 : index
    %get3A_10 = vector.load %arg3[%get3A_8, %get3A_9] : memref<128x2xf32, #tpu.memory_space<vmem>>, vector<128x2xf32>
    %dot_general3A_11 = arith.constant dense<0.000000e+00> : vector<1280x2xf32>
    %dot_general3A_12 = tpu.matmul %dot_general3A_5, %get3A_10, %dot_general3A_11 {dimension_numbers = #tpu.dot_dimension_numbers<[1], [0], [0], [1], [0, 0, 1, 1], [], []>, transpose_lhs_hint = false} : vector<1280x128xf32>, vector<128x2xf32>, vector<1280x2xf32> -> vector<1280x2xf32>
    %swap3A_13 = arith.constant 0 : index
    %swap3A_14 = arith.constant 0 : index
    %swap3A_15 = vector.load %arg5[%swap3A_13, %swap3A_14] : memref<1280x2xf32, #tpu.memory_space<vmem>>, vector<1280x2xf32>
    tpu.vector_store %arg5[%swap3A_13, %swap3A_14], %dot_general3A_12 {strides = array<i32>} : memref<1280x2xf32, #tpu.memory_space<vmem>>, vector<1280x2xf32>,
    return
  }
  func.func @transform_0(%arg0: i32) -> (i32, i32) {
    %c0_i32 = arith.constant 0 : i32
    %c0_i32_0 = arith.constant 0 : i32
    return %arg0, %c0_i32 : i32, i32
  }
  func.func @transform_1(%arg0: i32) -> (i32, i32) {
    %c0_i32 = arith.constant 0 : i32
    %c0_i32_0 = arith.constant 0 : i32
    %c0_i32_1 = arith.constant 0 : i32
    return %c0_i32, %c0_i32_0 : i32, i32
  }
  func.func @transform_2(%arg0: i32) -> (i32, i32) {
    %c0_i32 = arith.constant 0 : i32
    %c0_i32_0 = arith.constant 0 : i32
    %c0_i32_1 = arith.constant 0 : i32
    return %c0_i32, %c0_i32_0 : i32, i32
  }
  func.func @transform_3(%arg0: i32) -> (i32, i32) {
    %c0_i32 = arith.constant 0 : i32
    %c0_i32_0 = arith.constant 0 : i32
    return %arg0, %c0_i32 : i32, i32
  }
  func.func @transform_4(%arg0: i32) -> (i32, i32) {
    %c0_i32 = arith.constant 0 : i32
    %c0_i32_0 = arith.constant 0 : i32
    return %arg0, %c0_i32 : i32, i32
  }
}

module attributes {stable_mosaic.version = 14 : i64} {
  func.func @_post_body(%arg0: i32, %arg1: memref<1x1280x128xf32, #tpu.memory_space<vmem>>, %arg2: memref<1x16x1280xf32, #tpu.memory_space<vmem>>, %arg3: memref<1280x128xf32, #tpu.memory_space<vmem>>, %arg4: memref<1280x2xf32, #tpu.memory_space<vmem>>, %arg5: memref<1280x128xf32, #tpu.memory_space<vmem>>, %arg6: memref<1x1x1280xi32, #tpu.memory_space<vmem>>, %arg7: memref<1x128xf32, #tpu.memory_space<vmem>>, %arg8: memref<1x128xf32, #tpu.memory_space<vmem>>, %arg9: memref<1x128xf32, #tpu.memory_space<vmem>>, %arg10: memref<64x128xf32, #tpu.memory_space<vmem>>, %arg11: memref<64x128xf32, #tpu.memory_space<vmem>>) attributes {dimension_semantics = [#tpu.dimension_semantics<arbitrary>], iteration_bounds = array<i64: 8>, scalar_prefetch = 0 : i64, scratch_operands = 0 : i64, tpu.core_type = #tpu.core_type<tc>, window_params = [{transform_indices = @transform_0, window_bounds = array<i64: 1, 1280, 128>}, {transform_indices = @transform_1, window_bounds = array<i64: 1, 16, 1280>}, {transform_indices = @transform_2, window_bounds = array<i64: 1280, 128>}, {transform_indices = @transform_3, window_bounds = array<i64: 1280, 2>}, {transform_indices = @transform_4, window_bounds = array<i64: 1280, 128>}, {transform_indices = @transform_5, window_bounds = array<i64: 1, 1, 1280>}, {pipeline_mode = #tpu.pipeline_mode<synchronous>, transform_indices = @transform_6, window_bounds = array<i64: 1, 128>}, {pipeline_mode = #tpu.pipeline_mode<synchronous>, transform_indices = @transform_7, window_bounds = array<i64: 1, 128>}, {pipeline_mode = #tpu.pipeline_mode<synchronous>, transform_indices = @transform_8, window_bounds = array<i64: 1, 128>}, {pipeline_mode = #tpu.pipeline_mode<synchronous>, transform_indices = @transform_9, window_bounds = array<i64: 64, 128>}, {pipeline_mode = #tpu.pipeline_mode<synchronous>, transform_indices = @transform_10, window_bounds = array<i64: 64, 128>}]} {
    %eq3A = arith.constant 0 : i32
    %eq3A_0 = arith.cmpi eq, %arg0, %eq3A : i32
    %convert_element_type3A = arith.extui %eq3A_0 : i1 to i32
    %cond3A = arith.constant 0 : i32
    %cond3A_1 = arith.cmpi ne, %convert_element_type3A, %cond3A : i32
    scf.if %cond3A_1 {
      %broadcast_in_dim3A_105 = arith.constant 0.000000e+00 : f32
      %broadcast_in_dim3A_106 = vector.broadcast %broadcast_in_dim3A_105 : f32 to vector<64x128xf32>
      %swap3A_107 = arith.constant 0 : index
      %swap3A_108 = arith.constant 0 : index
      %swap3A_109 = vector.load %arg10[%swap3A_107, %swap3A_108] : memref<64x128xf32, #tpu.memory_space<vmem>>, vector<64x128xf32>
      tpu.vector_store %arg10[%swap3A_107, %swap3A_108], %broadcast_in_dim3A_106 {strides = array<i32>} : memref<64x128xf32, #tpu.memory_space<vmem>>, vector<64x128xf32>,
      %broadcast_in_dim3A_110 = arith.constant 0.000000e+00 : f32
      %broadcast_in_dim3A_111 = vector.broadcast %broadcast_in_dim3A_110 : f32 to vector<64x128xf32>
      %swap3A_112 = arith.constant 0 : index
      %swap3A_113 = arith.constant 0 : index
      %swap3A_114 = vector.load %arg11[%swap3A_112, %swap3A_113] : memref<64x128xf32, #tpu.memory_space<vmem>>, vector<64x128xf32>
      tpu.vector_store %arg11[%swap3A_112, %swap3A_113], %broadcast_in_dim3A_111 {strides = array<i32>} : memref<64x128xf32, #tpu.memory_space<vmem>>, vector<64x128xf32>,
    } else {
    }
    %get3A = arith.constant 0 : index
    %get3A_2 = arith.constant 0 : index
    %get3A_3 = arith.constant 0 : index
    %get3A_4 = vector.load %arg1[%get3A, %get3A_2, %get3A_3] : memref<1x1280x128xf32, #tpu.memory_space<vmem>>, vector<1x1280x128xf32>
    %get3A_5 = vector.shape_cast %get3A_4 : vector<1x1280x128xf32> to vector<1280x128xf32>
    %get3A_6 = arith.constant 0 : index
    %get3A_7 = arith.constant 0 : index
    %get3A_8 = arith.constant 0 : index
    %get3A_9 = vector.load %arg2[%get3A_6, %get3A_7, %get3A_8] : memref<1x16x1280xf32, #tpu.memory_space<vmem>>, vector<1x16x1280xf32>
    %get3A_10 = vector.shape_cast %get3A_9 : vector<1x16x1280xf32> to vector<16x1280xf32>
    %reduce_sum3A = arith.constant dense<0.000000e+00> : vector<1280xf32>
    %reduce_sum3A_11 = vector.multi_reduction <add>, %get3A_10, %reduce_sum3A [0] : vector<16x1280xf32> to vector<1280xf32>
    %broadcast_in_dim3A = vector.shape_cast %reduce_sum3A_11 : vector<1280xf32> to vector<1x1280xf32>
    %transpose3A = tpu.transpose %broadcast_in_dim3A, [1, 0] : vector<1x1280xf32> -> vector<1280x1xf32>
    %get3A_12 = arith.constant 0 : index
    %get3A_13 = arith.constant 0 : index
    %get3A_14 = vector.load %arg4[%get3A_12, %get3A_13] : memref<1280x2xf32, #tpu.memory_space<vmem>>, vector<1280x2xf32>
    %slice3A = vector.extract_strided_slice %get3A_14 {offsets = [0, 0], sizes = [1280, 1], strides = [1, 1]} : vector<1280x2xf32> to vector<1280x1xf32>
    %slice3A_15 = vector.extract_strided_slice %get3A_14 {offsets = [0, 1], sizes = [1280, 1], strides = [1, 1]} : vector<1280x2xf32> to vector<1280x1xf32>
    %add3A = arith.addf %slice3A, %slice3A_15 : vector<1280x1xf32>
    %mul3A = arith.constant 2.000000e-01 : f32
    %mul3A_16 = vector.broadcast %mul3A : f32 to vector<1280x1xf32>
    %mul3A_17 = arith.mulf %mul3A_16, %add3A : vector<1280x1xf32>
    %max3A = arith.maximumf %add3A, %mul3A_17 : vector<1280x1xf32>
    %exp3A = math.exp %max3A : vector<1280x1xf32>
    %get3A_18 = arith.constant 0 : index
    %get3A_19 = arith.constant 0 : index
    %get3A_20 = vector.load %arg3[%get3A_18, %get3A_19] : memref<1280x128xf32, #tpu.memory_space<vmem>>, vector<1280x128xf32>
    %mul3A_21 = vector.broadcast %exp3A : vector<1280x1xf32> to vector<1280x128xf32>
    %mul3A_22 = arith.mulf %mul3A_21, %get3A_20 : vector<1280x128xf32>
    %add3A_23 = arith.addf %get3A_5, %mul3A_22 : vector<1280x128xf32>
    %add3A_24 = arith.addf %transpose3A, %exp3A : vector<1280x1xf32>
    %add3A_25 = arith.constant 1.000000e-16 : f32
    %add3A_26 = vector.broadcast %add3A_25 : f32 to vector<1280x1xf32>
    %add3A_27 = arith.addf %add3A_24, %add3A_26 : vector<1280x1xf32>
    %div3A = vector.broadcast %add3A_27 : vector<1280x1xf32> to vector<1280x128xf32>
    %div3A_28 = arith.divf %add3A_23, %div3A : vector<1280x128xf32>
    %get3A_29 = arith.constant 0 : index
    %get3A_30 = arith.constant 0 : index
    %get3A_31 = vector.load %arg7[%get3A_29, %get3A_30] : memref<1x128xf32, #tpu.memory_space<vmem>>, vector<1x128xf32>
    %add3A_32 = vector.broadcast %get3A_31 : vector<1x128xf32> to vector<1280x128xf32>
    %add3A_33 = arith.addf %div3A_28, %add3A_32 : vector<1280x128xf32>
    %get3A_34 = arith.constant 0 : index
    %get3A_35 = arith.constant 0 : index
    %get3A_36 = vector.load %arg5[%get3A_34, %get3A_35] : memref<1280x128xf32, #tpu.memory_space<vmem>>, vector<1280x128xf32>
    %add3A_37 = arith.addf %add3A_33, %get3A_36 : vector<1280x128xf32>
    %reduce_sum3A_38 = arith.constant dense<0.000000e+00> : vector<1280xf32>
    %reduce_sum3A_39 = vector.multi_reduction <add>, %add3A_37, %reduce_sum3A_38 [1] : vector<1280x128xf32> to vector<1280xf32>
    %broadcast_in_dim3A_40 = vector.shape_cast %reduce_sum3A_39 : vector<1280xf32> to vector<1280x1xf32>
    %div3A_41 = arith.constant 1.280000e+02 : f32
    %div3A_42 = vector.broadcast %div3A_41 : f32 to vector<1280x1xf32>
    %div3A_43 = arith.divf %broadcast_in_dim3A_40, %div3A_42 : vector<1280x1xf32>
    %sub3A = vector.broadcast %div3A_43 : vector<1280x1xf32> to vector<1280x128xf32>
    %sub3A_44 = arith.subf %add3A_37, %sub3A : vector<1280x128xf32>
    %integer_pow3A = arith.mulf %sub3A_44, %sub3A_44 : vector<1280x128xf32>
    %reduce_sum3A_45 = arith.constant dense<0.000000e+00> : vector<1280xf32>
    %reduce_sum3A_46 = vector.multi_reduction <add>, %integer_pow3A, %reduce_sum3A_45 [1] : vector<1280x128xf32> to vector<1280xf32>
    %broadcast_in_dim3A_47 = vector.shape_cast %reduce_sum3A_46 : vector<1280xf32> to vector<1280x1xf32>
    %div3A_48 = arith.constant 1.280000e+02 : f32
    %div3A_49 = vector.broadcast %div3A_48 : f32 to vector<1280x1xf32>
    %div3A_50 = arith.divf %broadcast_in_dim3A_47, %div3A_49 : vector<1280x1xf32>
    %sub3A_51 = vector.broadcast %div3A_43 : vector<1280x1xf32> to vector<1280x128xf32>
    %sub3A_52 = arith.subf %add3A_37, %sub3A_51 : vector<1280x128xf32>
    %add3A_53 = arith.constant 9.99999974E-6 : f32
    %add3A_54 = vector.broadcast %add3A_53 : f32 to vector<1280x1xf32>
    %add3A_55 = arith.addf %div3A_50, %add3A_54 : vector<1280x1xf32>
    %sqrt3A = math.sqrt %add3A_55 : vector<1280x1xf32>
    %div3A_56 = vector.broadcast %sqrt3A : vector<1280x1xf32> to vector<1280x128xf32>
    %div3A_57 = arith.divf %sub3A_52, %div3A_56 : vector<1280x128xf32>
    %get3A_58 = arith.constant 0 : index
    %get3A_59 = arith.constant 0 : index
    %get3A_60 = vector.load %arg8[%get3A_58, %get3A_59] : memref<1x128xf32, #tpu.memory_space<vmem>>, vector<1x128xf32>
    %mul3A_61 = vector.broadcast %get3A_60 : vector<1x128xf32> to vector<1280x128xf32>
    %mul3A_62 = arith.mulf %div3A_57, %mul3A_61 : vector<1280x128xf32>
    %get3A_63 = arith.constant 0 : index
    %get3A_64 = arith.constant 0 : index
    %get3A_65 = vector.load %arg9[%get3A_63, %get3A_64] : memref<1x128xf32, #tpu.memory_space<vmem>>, vector<1x128xf32>
    %add3A_66 = vector.broadcast %get3A_65 : vector<1x128xf32> to vector<1280x128xf32>
    %add3A_67 = arith.addf %mul3A_62, %add3A_66 : vector<1280x128xf32>
    %get3A_68 = arith.constant 0 : index
    %get3A_69 = arith.constant 0 : index
    %get3A_70 = arith.constant 0 : index
    %get3A_71 = vector.load %arg6[%get3A_68, %get3A_69, %get3A_70] : memref<1x1x1280xi32, #tpu.memory_space<vmem>>, vector<1x1x1280xi32>
    %get3A_72 = vector.shape_cast %get3A_71 : vector<1x1x1280xi32> to vector<1280xi32>
    %iota3A = tpu.iota {dimensions = array<i32: 0>} : vector<64x1280xi32>
    %reshape3A = vector.shape_cast %get3A_72 : vector<1280xi32> to vector<1x1280xi32>
    %broadcast_in_dim3A_73 = vector.shape_cast %reshape3A : vector<1x1280xi32> to vector<1x1280xi32>
    %broadcast_in_dim3A_74 = vector.broadcast %broadcast_in_dim3A_73 : vector<1x1280xi32> to vector<64x1280xi32>
    %mul3A_75 = arith.constant 1280 : i32
    %mul3A_76 = arith.muli %arg0, %mul3A_75 : i32
    %iota3A_77 = tpu.iota {dimensions = array<i32: 1>} : vector<64x1280xi32>
    %add3A_78 = vector.broadcast %mul3A_76 : i32 to vector<64x1280xi32>
    %add3A_79 = arith.addi %add3A_78, %iota3A_77 : vector<64x1280xi32>
    %eq3A_80 = arith.cmpi eq, %broadcast_in_dim3A_74, %iota3A : vector<64x1280xi32>
    %lt3A = arith.constant 10000 : i32
    %lt3A_81 = vector.broadcast %lt3A : i32 to vector<64x1280xi32>
    %lt3A_82 = arith.cmpi slt, %add3A_79, %lt3A_81 : vector<64x1280xi32>
    %and3A = arith.andi %eq3A_80, %lt3A_82 : vector<64x1280xi1>
    %jit3A = arith.constant 1.000000e+00 : f32
    %jit3A_83 = arith.constant 0.000000e+00 : f32
    %broadcast_in_dim3A_84 = vector.broadcast %jit3A : f32 to vector<64x1280xf32>
    %broadcast_in_dim3A_85 = vector.broadcast %jit3A_83 : f32 to vector<64x1280xf32>
    %select_n3A = arith.select %and3A, %broadcast_in_dim3A_84, %broadcast_in_dim3A_85 : vector<64x1280xi1>, vector<64x1280xf32>
    %get3A_86 = arith.constant 0 : index
    %get3A_87 = arith.constant 0 : index
    %get3A_88 = vector.load %arg10[%get3A_86, %get3A_87] : memref<64x128xf32, #tpu.memory_space<vmem>>, vector<64x128xf32>
    %dot_general3A = arith.constant dense<0.000000e+00> : vector<64x128xf32>
    %dot_general3A_89 = tpu.matmul %select_n3A, %add3A_67, %dot_general3A {dimension_numbers = #tpu.dot_dimension_numbers<[1], [0], [0], [1], [0, 0, 1, 1], [], []>, transpose_lhs_hint = false} : vector<64x1280xf32>, vector<1280x128xf32>, vector<64x128xf32> -> vector<64x128xf32>
    %add3A_90 = arith.addf %get3A_88, %dot_general3A_89 : vector<64x128xf32>
    %swap3A = arith.constant 0 : index
    %swap3A_91 = arith.constant 0 : index
    %swap3A_92 = vector.load %arg10[%swap3A, %swap3A_91] : memref<64x128xf32, #tpu.memory_space<vmem>>, vector<64x128xf32>
    tpu.vector_store %arg10[%swap3A, %swap3A_91], %add3A_90 {strides = array<i32>} : memref<64x128xf32, #tpu.memory_space<vmem>>, vector<64x128xf32>,
    %get3A_93 = arith.constant 0 : index
    %get3A_94 = arith.constant 0 : index
    %get3A_95 = vector.load %arg11[%get3A_93, %get3A_94] : memref<64x128xf32, #tpu.memory_space<vmem>>, vector<64x128xf32>
    %reduce_sum3A_96 = arith.constant dense<0.000000e+00> : vector<64xf32>
    %reduce_sum3A_97 = vector.multi_reduction <add>, %select_n3A, %reduce_sum3A_96 [1] : vector<64x1280xf32> to vector<64xf32>
    %broadcast_in_dim3A_98 = vector.shape_cast %reduce_sum3A_97 : vector<64xf32> to vector<64x1xf32>
    %broadcast_in_dim3A_99 = vector.shape_cast %broadcast_in_dim3A_98 : vector<64x1xf32> to vector<64x1xf32>
    %broadcast_in_dim3A_100 = vector.broadcast %broadcast_in_dim3A_99 : vector<64x1xf32> to vector<64x128xf32>
    %add3A_101 = arith.addf %get3A_95, %broadcast_in_dim3A_100 : vector<64x128xf32>
    %swap3A_102 = arith.constant 0 : index
    %swap3A_103 = arith.constant 0 : index
    %swap3A_104 = vector.load %arg11[%swap3A_102, %swap3A_103] : memref<64x128xf32, #tpu.memory_space<vmem>>, vector<64x128xf32>
    tpu.vector_store %arg11[%swap3A_102, %swap3A_103], %add3A_101 {strides = array<i32>} : memref<64x128xf32, #tpu.memory_space<vmem>>, vector<64x128xf32>,
    return
  }
  func.func @transform_0(%arg0: i32) -> (i32, i32, i32) {
    %jit3A = arith.constant 4 : i32
    %div3A = arith.divsi %arg0, %jit3A : i32
    %sign3A = arith.constant 0 : i32
    %sign3A_0 = arith.cmpi sgt, %arg0, %sign3A : i32
    %sign3A_1 = arith.extui %sign3A_0 : i1 to i32
    %sign3A_2 = arith.constant 0 : i32
    %sign3A_3 = arith.cmpi slt, %arg0, %sign3A_2 : i32
    %sign3A_4 = arith.extui %sign3A_3 : i1 to i32
    %sign3A_5 = arith.subi %sign3A_1, %sign3A_4 : i32
    %sign3A_6 = arith.constant 0 : i32
    %sign3A_7 = arith.cmpi sgt, %jit3A, %sign3A_6 : i32
    %sign3A_8 = arith.extui %sign3A_7 : i1 to i32
    %sign3A_9 = arith.constant 0 : i32
    %sign3A_10 = arith.cmpi slt, %jit3A, %sign3A_9 : i32
    %sign3A_11 = arith.extui %sign3A_10 : i1 to i32
    %sign3A_12 = arith.subi %sign3A_8, %sign3A_11 : i32
    %ne3A = arith.cmpi ne, %sign3A_5, %sign3A_12 : i32
    %rem3A = arith.remsi %arg0, %jit3A : i32
    %ne3A_13 = arith.constant 0 : i32
    %ne3A_14 = arith.cmpi ne, %rem3A, %ne3A_13 : i32
    %and3A = arith.andi %ne3A, %ne3A_14 : i1
    %sub3A = arith.constant 1 : i32
    %sub3A_15 = arith.subi %div3A, %sub3A : i32
    %select_n3A = arith.select %and3A, %sub3A_15, %div3A : i32
    %jit3A_16 = arith.constant 4 : i32
    %eq3A = arith.constant 0 : i32
    %eq3A_17 = arith.cmpi eq, %jit3A_16, %eq3A : i32
    %jit3A_18 = arith.constant 1 : i32
    %select_n3A_19 = arith.select %eq3A_17, %jit3A_18, %jit3A_16 : i32
    %rem3A_20 = arith.remsi %arg0, %select_n3A_19 : i32
    %ne3A_21 = arith.constant 0 : i32
    %ne3A_22 = arith.cmpi ne, %rem3A_20, %ne3A_21 : i32
    %lt3A = arith.constant 0 : i32
    %lt3A_23 = arith.cmpi slt, %rem3A_20, %lt3A : i32
    %lt3A_24 = arith.constant 0 : i32
    %lt3A_25 = arith.cmpi slt, %select_n3A_19, %lt3A_24 : i32
    %ne3A_26 = arith.xori %lt3A_23, %lt3A_25 : i1
    %and3A_27 = arith.andi %ne3A_26, %ne3A_22 : i1
    %add3A = arith.addi %rem3A_20, %select_n3A_19 : i32
    %select_n3A_28 = arith.select %and3A_27, %add3A, %rem3A_20 : i32
    %c0_i32 = arith.constant 0 : i32
    %c0_i32_29 = arith.constant 0 : i32
    return %select_n3A, %select_n3A_28, %c0_i32 : i32, i32, i32
  }
  func.func @transform_1(%arg0: i32) -> (i32, i32, i32) {
    %jit3A = arith.constant 4 : i32
    %div3A = arith.divsi %arg0, %jit3A : i32
    %sign3A = arith.constant 0 : i32
    %sign3A_0 = arith.cmpi sgt, %arg0, %sign3A : i32
    %sign3A_1 = arith.extui %sign3A_0 : i1 to i32
    %sign3A_2 = arith.constant 0 : i32
    %sign3A_3 = arith.cmpi slt, %arg0, %sign3A_2 : i32
    %sign3A_4 = arith.extui %sign3A_3 : i1 to i32
    %sign3A_5 = arith.subi %sign3A_1, %sign3A_4 : i32
    %sign3A_6 = arith.constant 0 : i32
    %sign3A_7 = arith.cmpi sgt, %jit3A, %sign3A_6 : i32
    %sign3A_8 = arith.extui %sign3A_7 : i1 to i32
    %sign3A_9 = arith.constant 0 : i32
    %sign3A_10 = arith.cmpi slt, %jit3A, %sign3A_9 : i32
    %sign3A_11 = arith.extui %sign3A_10 : i1 to i32
    %sign3A_12 = arith.subi %sign3A_8, %sign3A_11 : i32
    %ne3A = arith.cmpi ne, %sign3A_5, %sign3A_12 : i32
    %rem3A = arith.remsi %arg0, %jit3A : i32
    %ne3A_13 = arith.constant 0 : i32
    %ne3A_14 = arith.cmpi ne, %rem3A, %ne3A_13 : i32
    %and3A = arith.andi %ne3A, %ne3A_14 : i1
    %sub3A = arith.constant 1 : i32
    %sub3A_15 = arith.subi %div3A, %sub3A : i32
    %select_n3A = arith.select %and3A, %sub3A_15, %div3A : i32
    %jit3A_16 = arith.constant 4 : i32
    %eq3A = arith.constant 0 : i32
    %eq3A_17 = arith.cmpi eq, %jit3A_16, %eq3A : i32
    %jit3A_18 = arith.constant 1 : i32
    %select_n3A_19 = arith.select %eq3A_17, %jit3A_18, %jit3A_16 : i32
    %rem3A_20 = arith.remsi %arg0, %select_n3A_19 : i32
    %ne3A_21 = arith.constant 0 : i32
    %ne3A_22 = arith.cmpi ne, %rem3A_20, %ne3A_21 : i32
    %lt3A = arith.constant 0 : i32
    %lt3A_23 = arith.cmpi slt, %rem3A_20, %lt3A : i32
    %lt3A_24 = arith.constant 0 : i32
    %lt3A_25 = arith.cmpi slt, %select_n3A_19, %lt3A_24 : i32
    %ne3A_26 = arith.xori %lt3A_23, %lt3A_25 : i1
    %and3A_27 = arith.andi %ne3A_26, %ne3A_22 : i1
    %add3A = arith.addi %rem3A_20, %select_n3A_19 : i32
    %select_n3A_28 = arith.select %and3A_27, %add3A, %rem3A_20 : i32
    %c0_i32 = arith.constant 0 : i32
    %c0_i32_29 = arith.constant 0 : i32
    return %select_n3A, %c0_i32, %select_n3A_28 : i32, i32, i32
  }
  func.func @transform_2(%arg0: i32) -> (i32, i32) {
    %c0_i32 = arith.constant 0 : i32
    %c0_i32_0 = arith.constant 0 : i32
    return %arg0, %c0_i32 : i32, i32
  }
  func.func @transform_3(%arg0: i32) -> (i32, i32) {
    %c0_i32 = arith.constant 0 : i32
    %c0_i32_0 = arith.constant 0 : i32
    return %arg0, %c0_i32 : i32, i32
  }
  func.func @transform_4(%arg0: i32) -> (i32, i32) {
    %c0_i32 = arith.constant 0 : i32
    %c0_i32_0 = arith.constant 0 : i32
    return %arg0, %c0_i32 : i32, i32
  }
  func.func @transform_5(%arg0: i32) -> (i32, i32, i32) {
    %c0_i32 = arith.constant 0 : i32
    %c0_i32_0 = arith.constant 0 : i32
    %c0_i32_1 = arith.constant 0 : i32
    return %arg0, %c0_i32, %c0_i32_0 : i32, i32, i32
  }
  func.func @transform_6(%arg0: i32) -> (i32, i32) {
    %c0_i32 = arith.constant 0 : i32
    %c0_i32_0 = arith.constant 0 : i32
    %c0_i32_1 = arith.constant 0 : i32
    return %c0_i32, %c0_i32_0 : i32, i32
  }
  func.func @transform_7(%arg0: i32) -> (i32, i32) {
    %c0_i32 = arith.constant 0 : i32
    %c0_i32_0 = arith.constant 0 : i32
    %c0_i32_1 = arith.constant 0 : i32
    return %c0_i32, %c0_i32_0 : i32, i32
  }
  func.func @transform_8(%arg0: i32) -> (i32, i32) {
    %c0_i32 = arith.constant 0 : i32
    %c0_i32_0 = arith.constant 0 : i32
    %c0_i32_1 = arith.constant 0 : i32
    return %c0_i32, %c0_i32_0 : i32, i32
  }
  func.func @transform_9(%arg0: i32) -> (i32, i32) {
    %c0_i32 = arith.constant 0 : i32
    %c0_i32_0 = arith.constant 0 : i32
    %c0_i32_1 = arith.constant 0 : i32
    return %c0_i32, %c0_i32_0 : i32, i32
  }
  func.func @transform_10(%arg0: i32) -> (i32, i32) {
    %c0_i32 = arith.constant 0 : i32
    %c0_i32_0 = arith.constant 0 : i32
    %c0_i32_1 = arith.constant 0 : i32
    return %c0_i32, %c0_i32_0 : i32, i32
  }
}

module attributes {stable_mosaic.version = 14 : i64} {
  func.func @_clf_body(%arg0: memref<64x128xf32, #tpu.memory_space<vmem>>, %arg1: memref<64x128xf32, #tpu.memory_space<vmem>>, %arg2: memref<128x323xf32, #tpu.memory_space<vmem>>, %arg3: memref<1x323xf32, #tpu.memory_space<vmem>>, %arg4: memref<64x323xf32, #tpu.memory_space<vmem>>) attributes {dimension_semantics = [], scalar_prefetch = 0 : i64, scratch_operands = 0 : i64, tpu.core_type = #tpu.core_type<tc>} {
    %get3A = arith.constant 0 : index
    %get3A_0 = arith.constant 0 : index
    %get3A_1 = vector.load %arg0[%get3A, %get3A_0] : memref<64x128xf32, #tpu.memory_space<vmem>>, vector<64x128xf32>
    %get3A_2 = arith.constant 0 : index
    %get3A_3 = arith.constant 0 : index
    %get3A_4 = vector.load %arg1[%get3A_2, %get3A_3] : memref<64x128xf32, #tpu.memory_space<vmem>>, vector<64x128xf32>
    %max3A = arith.constant 1.000000e+00 : f32
    %max3A_5 = vector.broadcast %max3A : f32 to vector<64x128xf32>
    %max3A_6 = arith.maximumf %get3A_4, %max3A_5 : vector<64x128xf32>
    %div3A = arith.divf %get3A_1, %max3A_6 : vector<64x128xf32>
    %get3A_7 = arith.constant 0 : index
    %get3A_8 = arith.constant 0 : index
    %get3A_9 = vector.load %arg2[%get3A_7, %get3A_8] : memref<128x323xf32, #tpu.memory_space<vmem>>, vector<128x323xf32>
    %dot_general3A = arith.constant dense<0.000000e+00> : vector<64x323xf32>
    %dot_general3A_10 = tpu.matmul %div3A, %get3A_9, %dot_general3A {dimension_numbers = #tpu.dot_dimension_numbers<[1], [0], [0], [1], [0, 0, 1, 1], [], []>, transpose_lhs_hint = false} : vector<64x128xf32>, vector<128x323xf32>, vector<64x323xf32> -> vector<64x323xf32>
    %get3A_11 = arith.constant 0 : index
    %get3A_12 = arith.constant 0 : index
    %get3A_13 = vector.load %arg3[%get3A_11, %get3A_12] : memref<1x323xf32, #tpu.memory_space<vmem>>, vector<1x323xf32>
    %add3A = vector.broadcast %get3A_13 : vector<1x323xf32> to vector<64x323xf32>
    %add3A_14 = arith.addf %dot_general3A_10, %add3A : vector<64x323xf32>
    %swap3A = arith.constant 0 : index
    %swap3A_15 = arith.constant 0 : index
    %swap3A_16 = vector.load %arg4[%swap3A, %swap3A_15] : memref<64x323xf32, #tpu.memory_space<vmem>>, vector<64x323xf32>
    tpu.vector_store %arg4[%swap3A, %swap3A_15], %add3A_14 {strides = array<i32>} : memref<64x323xf32, #tpu.memory_space<vmem>>, vector<64x323xf32>,
    return
  }
}

</mosaic_0001>

<sc_bundles>
// kernel: kernel.6.cloned.1.call-start
scs
__scs_entry_jumppad:
0x0: {  	(pc) =	sbr.rel $0x88, $3  }
0x1: {  	(tag) =	ssettag $0x0;
	lr =	simm.s32 $0x1  }
0x2: {  	[smem:$0x3F96] =	sst lr;
	_ =	strace $0xD0000000  }
0x3: {  	_ = 	snop  }
0x4: {  	_ = 	snop  }
0x5: {  	_ = 	snop  }
0x6: {  	_ = 	snop  }
0x7: {  	_ = 	snop  }
__scs_overlays_trampoline_lowered:
0x8: {  	[smem:$0x3FA5] =	sst s0  }
0x9: {  	[smem:$0x3FA6] =	sst s1  }
0xa: {  	[smem:$0x3FA7] =	sst s2  }
0xb: {  	[smem:$0x3FA8] =	sst s3  }
0xc: {  	[smem:$0x3FA9] =	sst s4  }
0xd: {  	[smem:$0x3FAA] =	sst s5  }
0xe: {  	[smem:$0x3FAB] =	sst s6  }
0xf: {  	[smem:$0x3FAC] =	sst s7  }
0x10: {  	[smem:$0x3FAD] =	sst s8  }
0x11: {  	[smem:$0x3FAE] =	sst s9;
	s0 =	simm.s32 @!p0 $0x0  }
0x12: {  	s1 =	sld [smem:$0x3F94];
	s0 =	simm.s32 @p0 $0x1  }
0x13: {  	[smem:$0x3FAF] =	sst s0;
	s0 =	simm.s32 @!p1 $0x0  }
0x14: {  	s2 =	sld [smem:$0x3F93];
	s0 =	simm.s32 @p1 $0x1  }
0x15: {  	[smem:$0x3FB0] =	sst s0;
	s0 =	simm.s32 @!p2 $0x0  }
0x16: {  	s3 =	sld [smem:$0x3FDB];
	s0 =	simm.s32 @p2 $0x1  }
0x17: {  	s4 =	simm.s32 $0x1BF5;
	[smem:$0x3FB2] =	sst s0  }
0x18: {  	s0 =	sld [smem:$0x3F95];
	_ =	swait.ge [sflag:s4], $0x0  }
0x19: {  	s7 =	sld [smem:$0x3F96]  }
0x1a: {  	s8 =	sadd.s32 $0xFFFFE003, lr  }
0x1b: {  	s9 =	sadd.s32 $0xFFFFFEF7, lr;
	s5 =	simm.s32 $0xFFFFFFFF;
	p2 =	slt.u32 s8, $0xFFFFF086  }
0x1c: {  	p1 =	slt.u32 s9, $0xF7A;
	s5 =	simm.s32 @!p2 $0x0  }
0x1d: {  	s5 =	simm.s32 @p1 $0x1;
	p0 =	seq.s32 s7, s2  }
0x1e: {  	s7 =	smul.u32 @!p0 $0xF7A, s2;
	p2 =	seq.s32 @!p0 s5, $0x0  }
0x1f: {  	s9 =	smul.u32 $0xF7A, s1;
	s8 =	simm.s32 @!p0 $0x1BF5;
	p2 =	por !p2, p0  }
0x20: {  	[sflag:s8] =	ssyncset.s32 @!p0 $0xFFFFF086;
	s6 =	sadd.s32 @!p0 s3, s7;
	s7 =	simm.s32 @!p0 $0x108  }
0x21: {  	s3 =	sadd.s32 s3, s9;
	s6 =	sadd.s32 @!p0 $0x88, s6;
	s7 =	simm.s32 @p2 $0x1082  }
0x22: {  	[simem:s7], [sflag:s8] =	dma.local @!p0 [hbm:s6], $0xF7A  }
0x23: {  	s9 =	sor.u32 $0xD0000000, s2;
	s6 =	simm.s32 $0x108;
	_ =	swait.ge @!p0 [sflag:s8], $0x0  }
0x24: {  	s3 =	sadd.s32 $0x88, s3;
	s6 =	simm.s32 @!p1 $0x1082;
	[sflag:s4] =	ssyncset.s32 $0xFFFFF086  }
0x25: {  	[simem:s6], [sflag:s4] =	dma.local [hbm:s3], $0xF7A  }
0x26: {  	[smem:$0x3F96] =	sst s1;
	(tag) =	ssettag s2;
	_ =	strace s9  }
0x27: {  	s1 =	sld [smem:$0x3FA6]  }
0x28: {  	s2 =	sld [smem:$0x3FA7]  }
0x29: {  	s4 =	sld [smem:$0x3FA9]  }
0x2a: {  	p0 =	seq.s32 s5, $0x0;
	s5 =	sld [smem:$0x3FAA]  }
0x2b: {  	s6 =	sld [smem:$0x3FAB]  }
0x2c: {  	s7 =	sld [smem:$0x3FAC]  }
0x2d: {  	s3 =	simm.s32 $0x108;
	s8 =	sld [smem:$0x3FAD]  }
0x2e: {  	s3 =	simm.s32 @!p0 $0x1082;
	s9 =	sld [smem:$0x3FAE]  }
0x2f: {  	lr =	sadd.s32 s0, s3;
	s0 =	sld [smem:$0x3FA5]  }
0x30: {  	s3 =	sld [smem:$0x3FA8]  }
0x31: {  	[smem:$0x3FB1] =	sst s10  }
0x32: {  	s10 =	sld [smem:$0x3FAF];
	_ =	sdelay $0x3  }
0x33: {  	p0 =	seq.s32 s10, $0x1;
	s10 =	sld [smem:$0x3FB1];
	_ =	sdelay $0x3  }
0x34: {  	[smem:$0x3FB1] =	sst s10  }
0x35: {  	s10 =	sld [smem:$0x3FB0];
	_ =	sdelay $0x3  }
0x36: {  	p1 =	seq.s32 s10, $0x1;
	s10 =	sld [smem:$0x3FB1];
	_ =	sdelay $0x3  }
0x37: {  	[smem:$0x3FB1] =	sst s10  }
0x38: {  	s10 =	sld [smem:$0x3FB2]  }
0x39: {  	_ = 	snop;
	(pc) =	sbr.ind lr, $3  }
0x3a: {  	_ = 	snop  }
0x3b: {  	_ = 	snop  }
0x3c: {  	p2 =	seq.s32 s10, $0x1;
	s10 =	sld [smem:$0x3FB1]  }
0x3d: {  	_ =	shalt  }
0x3e: {  	_ =	shalt  }
0x3f: {  	_ =	shalt  }
0x40: {  	_ =	shalt  }
0x41: {  	_ =	shalt  }
0x42: {  	_ =	shalt  }
0x43: {  	_ =	shalt  }
0x44: {  	_ =	shalt  }
0x45: {  	_ =	shalt  }
0x46: {  	_ =	shalt  }
0x47: {  	_ =	shalt  }
0x48: {  	_ =	shalt  }
0x49: {  	_ =	shalt  }
0x4a: {  	_ =	shalt  }
0x4b: {  	_ =	shalt  }
0x4c: {  	_ =	shalt  }
0x4d: {  	_ =	shalt  }
0x4e: {  	_ =	shalt  }
0x4f: {  	_ =	shalt  }
0x50: {  	_ =	shalt  }
0x51: {  	_ =	shalt  }
0x52: {  	_ =	shalt  }
0x53: {  	_ =	shalt  }
0x54: {  	_ =	shalt  }
0x55: {  	_ =	shalt  }
0x56: {  	_ =	shalt  }
0x57: {  	_ =	shalt  }
0x58: {  	_ =	shalt  }
0x59: {  	_ =	shalt  }
0x5a: {  	_ =	shalt  }
0x5b: {  	_ =	shalt  }
0x5c: {  	_ =	shalt  }
0x5d: {  	_ =	shalt  }
0x5e: {  	_ =	shalt  }
0x5f: {  	_ =	shalt  }
0x60: {  	_ =	shalt  }
0x61: {  	_ =	shalt  }
0x62: {  	_ =	shalt  }
0x63: {  	_ =	shalt  }
0x64: {  	_ =	shalt  }
0x65: {  	_ =	shalt  }
0x66: {  	_ =	shalt  }
0x67: {  	_ =	shalt  }
0x68: {  	_ =	shalt  }
0x69: {  	_ =	shalt  }
0x6a: {  	_ =	shalt  }
0x6b: {  	_ =	shalt  }
0x6c: {  	_ =	shalt  }
0x6d: {  	_ =	shalt  }
0x6e: {  	_ =	shalt  }
0x6f: {  	_ =	shalt  }
0x70: {  	_ =	shalt  }
0x71: {  	_ =	shalt  }
0x72: {  	_ =	shalt  }
0x73: {  	_ =	shalt  }
0x74: {  	_ =	shalt  }
0x75: {  	_ =	shalt  }
0x76: {  	_ =	shalt  }
0x77: {  	_ =	shalt  }
0x78: {  	_ =	shalt  }
0x79: {  	_ =	shalt  }
0x7a: {  	_ =	shalt  }
0x7b: {  	_ =	shalt  }
0x7c: {  	_ =	shalt  }
0x7d: {  	_ =	shalt  }
0x7e: {  	_ =	shalt  }
0x7f: {  	_ =	shalt  }
0x80: {  	_ =	shalt  }
0x81: {  	_ =	shalt  }
0x82: {  	_ =	shalt  }
0x83: {  	_ =	shalt  }
0x84: {  	_ =	shalt  }
0x85: {  	_ =	shalt  }
0x86: {  	_ =	shalt  }
0x87: {  	_ =	shalt  }
.Lfunc_end0:
.L_simem_size_0:
called_computation_lowered:
.L_overlay_start_0:
0x88: {  	s2 =	sld [smem:$0x3FD9]  }
0x89: {  	s3 =	sld [smem:$0x3FFE];
	_ =	sdelay $0x1  }
0x8a: {  	s1 =	srdreg.scid  }
0x8b: {  	s0 =	sand.u32 $0x1, s1  }
0x8c: {  	s17 =	sshll.u32 s0, $0xA;
	s2 =	sadd.s32 s3, s2  }
0x8d: {  	s2 =	sadd.s32 s2, s17  }
0x8e: {  	[smem:$0x3FBD] =	sst s2  }
0x8f: {  	_ = 	snop  }
0x90: {  	s2 =	sld [smem:$0x3FD0];
	(tm) =	ssettm $0x1  }
0x91: {  	s18 =	sld [smem:$0x3FFB];
	_ =	sdelay $0x3  }
0x92: {  	_ =	strace s18  }
0x93: {  	s3 =	sld [smem:$0x3FFC];
	_ =	sdelay $0x3  }
0x94: {  	_ =	strace s3  }
0x95: {  	s3 =	sld [smem:$0x3FFD];
	_ =	sdelay $0x3  }
0x96: {  	_ =	strace s3  }
0x97: {  	_ =	strace $0x8FFFFFFF  }
0x98: {  	s19 =	sld [smem:$0x3FDB];
	_ =	sdelay $0x1  }
0x99: {  	s4 =	simm.s32 $_scs_section_size  }
0x9a: {  	s5 =	simm.s32 $_size__tile_overlayer_lowered;
	s6 =	simm.s32 $_tile_overlayer_lowered  }
0x9b: {  	s22 =	simm.s32 $0x1BFF;
	s21 =	sshll.u32 s6, $0x1;
	s3 =	sadd.s32 s4, s19  }
0x9c: {  	s7 =	simm.s32 $0x0;
	s20 =	sshll.u32 s5, $0x1;
	s5 =	sadd.s32 s21, s3  }
0x9d: {  	[timem:s7], [sflag:s22] =	dma.local [hbm:s5], s20  }
0x9e: {  	_ =	swait.ge [sflag:s22], s20  }
0x9f: {  	s4 =	ssub.s32 $0x0, s20;
	[sflag:s22] =	ssyncset.done $0x0  }
0xa0: {  	[sflag:s22] =	ssyncadd.s32 s4;
	_ =	sdelay $0x1  }
0xa1: {  	s23 =	simm.s32 $0x1B8B  }
0xa2: {  	_ =	swait.ge [sflag:s23], $0x1  }
0xa3: {  	[sflag:s23] =	ssyncset.done $0x0  }
0xa4: {  	s25 =	simm.s32 $0x1B8E;
	s24 =	sld [smem:$0x3FFE];
	[sflag:s23] =	ssyncadd.s32 $0xFFFFFFFF  }
0xa5: {  	s26 =	simm.s32 $execute0_lowered;
	[smem:$0x3FD2] =	sst s25  }
0xa6: {  	s5 =	sshll.u32 s26, $0x1;
	_ =	strace $0x80000046;
	[dreg:$0x1] =	wrdreg $0xFFFFFFFF  }
0xa7: {  	s28 =	simm.s32 $_size_execute0_lowered;
	s3 =	sadd.s32 s3, s5;
	[dreg:$0x0] =	wrdreg $0x0  }
0xa8: {  	s5 =	sshll.u32 s28, $0x1;
	[dreg:$0x2] =	wrdreg s3  }
0xa9: {  	[dreg:$0x3] =	wrdreg s5  }
0xaa: {  	[dreg:$0x4] =	wrdreg $0xC0  }
0xab: {  	_ =	task [dreg:s7], $0x5FFFF  }
0xac: {  	[dreg:$0x1] =	wrdreg $0xFFFFFFFF  }
0xad: {  	[dreg:$0x0] =	wrdreg $0x60  }
0xae: {  	[dreg:$0x2] =	wrdreg s24  }
0xaf: {  	[dreg:$0x3] =	wrdreg s2  }
0xb0: {  	[dreg:$0x4] =	wrdreg $0x137800  }
0xb1: {  	[dreg:$0x5] =	wrdreg $0x9  }
0xb2: {  	_ =	task.clear_ibuf [dreg:s7], $0x6FFFF;
	_ =	strace $0x90000046  }
0xb3: {  	s29 =	simm.s32 $0x9;
	_ =	strace $0x80000048  }
0xb4: {  	_ =	swait.ge [sflag:s29], $0x1  }
0xb5: {  	[sflag:s29] =	ssyncadd.s32 $0xFFFFFFFF  }
0xb6: {  	_ =	strace $0x90000048  }
0xb7: {  	_ =	sfence  }
0xb8: {  	s30 =	sld [smem:$0x0];
	_ =	sdelay $0x2  }
0xb9: {  	s31 =	sshll.u32 s1, $0xD;
	s1 =	sshrl.u32 s1, $0x2  }
0xba: {  	s3 =	sand.u32 $0x4000, s31;
	s1 =	sadd.s32 s1, s30  }
0xbb: {  	s0 =	sor.u32 s3, s0;
	s1 =	sshll.u32 s1, $0x11  }
0xbc: {  	s0 =	sor.u32 s1, s0  }
0xbd: {  	s0 =	sadd.s32 $0x8F2B, s0  }
0xbe: {  	[sflag:s0] =	ssyncadd.remote.s32 $0x1  }
0xbf: {  	_ =	sfence.sel $0xFFFF  }
0xc0: {  	[dreg:$0x0] =	wrdreg $0xFFFFFFFF;
	(pc) =	sbr.abs _section_cstart, $3  }
0xc1: {  	[dreg:$0x1] =	wrdreg $0xFFFFFFFF  }
0xc2: {  	_ =	task.clear_ibuf [dreg:s7], $0x2FFFF;
	_ =	strace $0x9FFFFFFF  }
0xc3: {  	(tm) =	ssettm $0x7FFFFFFF  }
tec
execute0_lowered:
.L_overlay_start_1:
0x0: {  	(tag) =	ssettag $0x1  }
0x1: {  	s0 =	rddreg [dreg:$0x0]  }
0x2: {  	s2 =	rddreg [dreg:$0x2];
	s4 =	simm.s32 $0x0  }
0x3: {  	s1 =	srdreg.scid;
	s11 =	stileid.u32;
	s14 =	simm.s32 $0x5  }
0x4: {  	s15 =	simm.s32 $0x2800;
	s17 =	simm.s32 $0xA000;
	s18 =	simm.s32 $0x12300  }
0x5: {  	s19 =	simm.s32 $0x80;
	s20 =	simm.s32 $0x12100;
	s28 =	simm.s32 $0x3  }
0x6: {  	s29 =	simm.s32 $0x4;
	s31 =	simm.s32 $0x0;
	[smem:$0x7FF] =	sst s4  }
0x7: {  	s1 =	sand.u32 $0x1, s1;
	s3 =	smul.u32 $0xA00, s11;
	s5 =	sadd.s32 $0x1800, s0  }
0x8: {  	s21 =	sadd.s32 $0x29800, s0;
	s9 =	smul.u32 $0x1480, s11;
	s10 =	sshll.u32 s11, $0x7  }
0x9: {  	s23 =	smul.u32 $0x29000, s11;
	_ =	strace $0x80000047;
	s6 =	sshll.u32 s1, $0x4  }
0xa: {  	s7 =	smul.u32 $0x14800, s1;
	[dreg:$0x4] =	wrdreg s21;
	s22 =	sand.u32 $0x380, s10  }
0xb: {  	s26 =	ssub.s32 $0x2, s1;
	s1 =	smul.u32 $0x1400, s1;
	s21 =	simm.s32 $0x12180  }
0xc: {  	s8 =	sor.u32 s11, s6;
	s3 =	sadd.s32 s3, s0;
	s30 =	sshrl.u32 s26, $0x1  }
0xd: {  	s10 =	sshrl.u32 s23, $0x2;
	s23 =	simm.s32 $0x1;
	s8 =	sshrl.u32 s8, $0x3  }
0xe: {  	s7 =	sadd.s32 s9, s7;
	s13 =	ssub.s32 s26, s30;
	s8 =	smul.u32 $0xA400, s8  }
0xf: {  	s26 =	simm.s32 $0x12280;
	s24 =	sadd.s32 s7, s0;
	s13 =	smax.u32 s13, $0x1  }
0x10: {  	s11 =	sadd.s32 $0x33E00, s24;
	s24 =	simm.s32 $0x12200;
	s25 =	sor.u32 s22, s8  }
0x11: {  	s8 =	sadd.s32 $0x29E00, s3;
	s22 =	simm.s32 $0xE000;
	s7 =	sshrl.u32 s25, $0x3  }
0x12: {  	s25 =	simm.s32 $0x2;
	s0 =	sadd.s32 s7, s0;
	s7 =	sadd.s32 s10, s2  }
0x13: {  	v1 =	vimm.f32 $0.0e+00;
	v0 =	vmov s1;
	s9 =	sadd.s32 $0x4000, s7;
	s10 =	sadd.s32 $0x8000, s7;
	s12 =	sadd.s32 $0x5CE00, s0  }
.LBB2_1:
0x14: {  	s0 =	rddreg [dreg:$0x4]  }
0x15: {  	[tilespmem:s4], [sflag:$0x5] =	stream.linear.gather [hbm4b:s0+s4], $0x2800, $0x38;
	[tilespmem:$0x1DB80] =	vst v63  }
0x16: {  	_ =	swait.ge [sflag:s14], $0x2800  }
0x17: {  	[sflag:s14] =	ssyncset.done $0x0  }
0x18: {  	[sflag:s14] =	ssyncadd.s32 $0xFFFFD800  }
0x19: {  	s16 =	rddreg [dreg:$0x1]  }
0x1a: {  	[tilespmem:s15], [sflag:$0x5] =	stream.linear.gather [hbm4b:s16+s4], $0x2800, $0x38;
	[tilespmem:$0x1DB80] =	vst v63  }
0x1b: {  	_ =	swait.ge [sflag:s14], $0x2800  }
0x1c: {  	[sflag:s14] =	ssyncset.done $0x0  }
0x1d: {  	s30 =	simm.s32 $0x5000;
	[sflag:s14] =	ssyncadd.s32 $0xFFFFD800  }
0x1e: {  	[tilespmem:s30], [sflag:$0x5] =	stream.linear.gather [hbm4b:s8+s4], $0x5000, $0x38;
	[tilespmem:$0x1DB80] =	vst v63  }
0x1f: {  	_ =	swait.ge [sflag:s14], $0x5000  }
0x20: {  	[sflag:s14] =	ssyncset.done $0x0  }
0x21: {  	s1 =	simm.s32 $0x200;
	s0 =	simm.s32 $0x0;
	[sflag:s14] =	ssyncadd.s32 $0xFFFFB000  }
.LBB2_2:
0x22: {  	p0 =	sne.s32 s1, $0xFE00;
	[tilespmem:s0+$0xA070] =	vst v1  }
0x23: {  	[tilespmem:s0+$0xA000] =	vst v1  }
0x24: {  	[tilespmem:s0+$0xA010] =	vst v1  }
.Ltmp0:
0x25: {  	[tilespmem:s0+$0xA020] =	vst v1;
	(pc) =	sbr.rel @p0 .LBB2_2-.Ltmp0, $4  }
0x26: {  	[tilespmem:s0+$0xA030] =	vst v1  }
0x27: {  	[tilespmem:s0+$0xA040] =	vst v1  }
0x28: {  	[tilespmem:s0+$0xA050] =	vst v1  }
0x29: {  	[tilespmem:s0+$0xA060] =	vst v1;
	s0 =	sshra.s32 s1, $0x2;
	s1 =	sadd.s32 $0x200, s1  }
0x2a: {  	[tilespmem:s0+$0xA070] =	vst v1  }
0x2b: {  	[tilespmem:s0+$0xA000] =	vst v1  }
0x2c: {  	[tilespmem:s0+$0xA010] =	vst v1  }
0x2d: {  	[tilespmem:s0+$0xA020] =	vst v1  }
0x2e: {  	[tilespmem:s0+$0xA030] =	vst v1  }
0x2f: {  	[tilespmem:s0+$0xA040] =	vst v1  }
0x30: {  	[tilespmem:s0+$0xA050] =	vst v1  }
0x31: {  	[tilespmem:s0+$0xA060] =	vst v1;
	s0 =	simm.s32 $0x40;
	s1 =	simm.s32 $0x0  }
.LBB2_4:
0x32: {  	p0 =	sne.s32 s0, $0x51C0;
	[tilespmem:s1+$0x12300] =	vst v1;
	s1 =	smov.u32 s0;
	s0 =	sadd.s32 $0x40, s0  }
.Ltmp1:
0x33: {  	(pc) =	sbr.rel @p0 .LBB2_4-.Ltmp1, $2  }
0x34: {  	_ =	sdelay $0x2  }
0x35: {  	s1 =	sshra.s32 s1, $0x2  }
0x36: {  	[tilespmem:s1+$0x12300] =	vst v1  }
0x37: {  	[spmem:s7] =	stream.linear.scatter [tilespmem:s17], [sflag:$0x5], $0x4000, $0x38;
	[tilespmem:$0x1DB80] =	vst v63  }
0x38: {  	_ =	swait.ge [sflag:s14], $0x4000  }
0x39: {  	[sflag:s14] =	ssyncset.done $0x0  }
0x3a: {  	[sflag:s14] =	ssyncadd.s32 $0xFFFFC000  }
0x3b: {  	[spmem:s9] =	stream.linear.scatter [tilespmem:s17], [sflag:$0x5], $0x4000, $0x38;
	[tilespmem:$0x1DB80] =	vst v63  }
0x3c: {  	_ =	swait.ge [sflag:s14], $0x4000  }
0x3d: {  	[sflag:s14] =	ssyncset.done $0x0  }
0x3e: {  	[sflag:s14] =	ssyncadd.s32 $0xFFFFC000  }
0x3f: {  	[spmem:s10] =	stream.linear.scatter [tilespmem:s17], [sflag:$0x5], $0x2400, $0x38;
	[tilespmem:$0x1DB80] =	vst v63  }
0x40: {  	_ =	swait.ge [sflag:s14], $0x2400  }
0x41: {  	[sflag:s14] =	ssyncset.done $0x0  }
0x42: {  	[sflag:s14] =	ssyncadd.s32 $0xFFFFDC00  }
0x43: {  	[bflag:$0x0] =	sbarrier.arrive $0xFFFF  }
0x44: {  	v2 =	vld [tilespmem:$0x5000];
	_ =	sdelay $0x4  }
0x45: {  	v3 =	vshrl.u32 v2, $0xE  }
0x46: {  	v2 =	vand.u32 $0x3FFF, v2  }
0x47: {  	v4 =	vsub.s32 v2, v0  }
0x48: {  	[tilespmem:$0x12100] =	vst v3;
	v4 =	vmin.u32 v4, $0x1400  }
0x49: {  	s0 =	simm.s32 $0x0;
	[tilespmem:$0x12200] =	vst v4  }
0x4a: {  	v3 =	vld.idx.msk [tilespmem:v3+s0+$0x0], $0xffff  }
0x4b: {  	v2 =	vld.idx.msk [tilespmem:v2+s15+$0x0], $0xffff;
	_ =	sdelay $0x4  }
0x4c: {  	v2 =	vadd.f32 v2, v3;
	_ =	sdelay $0x1  }
0x4d: {  	v3 =	vmul.f32 $2.000000030e-01, v2;
	_ =	sdelay $0x1  }
0x4e: {  	v2 =	vmax.f32 v2, v3  }
0x4f: {  	v2 =	vmul.f32 $1.442695020e+00, v2;
	_ =	sdelay $0x1  }
0x50: {  	(erf) = vpow2.f32 v2;
	_ =	sdelay $0x8  }
0x51: {  	v2 =	vpop (erf)  }
0x52: {  	[tilespmem:$0x12000] =	vst v2  }
0x53: {  	[tilespmem:v4+s18+$0x0] =	vst.idx.add.f32.msk $0xffff, v2  }
0x54: {  	v2 =	vld [tilespmem:$0x5010];
	_ =	sdelay $0x4  }
0x55: {  	v3 =	vshrl.u32 v2, $0xE  }
0x56: {  	v2 =	vand.u32 $0x3FFF, v2  }
0x57: {  	v57 =	vsub.s32 v2, v0  }
0x58: {  	[tilespmem:$0x12110] =	vst v3;
	v4 =	vmin.u32 v57, $0x1400  }
0x59: {  	[tilespmem:$0x12210] =	vst v4  }
0x5a: {  	v3 =	vld.idx.msk [tilespmem:v3+s0+$0x0], $0xffff  }
0x5b: {  	v2 =	vld.idx.msk [tilespmem:v2+s15+$0x0], $0xffff;
	_ =	sdelay $0x4  }
0x5c: {  	v2 =	vadd.f32 v2, v3;
	_ =	sdelay $0x1  }
0x5d: {  	v3 =	vmul.f32 $2.000000030e-01, v2;
	_ =	sdelay $0x1  }
0x5e: {  	v2 =	vmax.f32 v2, v3  }
0x5f: {  	v2 =	vmul.f32 $1.442695020e+00, v2;
	_ =	sdelay $0x1  }
0x60: {  	(erf) = vpow2.f32 v2;
	_ =	sdelay $0x8  }
0x61: {  	v2 =	vpop (erf)  }
0x62: {  	[tilespmem:$0x12010] =	vst v2  }
0x63: {  	[tilespmem:v4+s18+$0x0] =	vst.idx.add.f32.msk $0xffff, v2  }
0x64: {  	v2 =	vld [tilespmem:$0x5020];
	_ =	sdelay $0x4  }
0x65: {  	v3 =	vshrl.u32 v2, $0xE  }
0x66: {  	v2 =	vand.u32 $0x3FFF, v2  }
0x67: {  	v58 =	vsub.s32 v2, v0  }
0x68: {  	[tilespmem:$0x12120] =	vst v3;
	v4 =	vmin.u32 v58, $0x1400  }
0x69: {  	[tilespmem:$0x12220] =	vst v4  }
0x6a: {  	v3 =	vld.idx.msk [tilespmem:v3+s0+$0x0], $0xffff  }
0x6b: {  	v2 =	vld.idx.msk [tilespmem:v2+s15+$0x0], $0xffff;
	_ =	sdelay $0x4  }
0x6c: {  	v2 =	vadd.f32 v2, v3;
	_ =	sdelay $0x1  }
0x6d: {  	v3 =	vmul.f32 $2.000000030e-01, v2;
	_ =	sdelay $0x1  }
0x6e: {  	v2 =	vmax.f32 v2, v3  }
0x6f: {  	v2 =	vmul.f32 $1.442695020e+00, v2;
	_ =	sdelay $0x1  }
0x70: {  	(erf) = vpow2.f32 v2;
	_ =	sdelay $0x8  }
0x71: {  	v2 =	vpop (erf)  }
0x72: {  	[tilespmem:$0x12020] =	vst v2  }
0x73: {  	[tilespmem:v4+s18+$0x0] =	vst.idx.add.f32.msk $0xffff, v2  }
0x74: {  	v2 =	vld [tilespmem:$0x5030];
	_ =	sdelay $0x4  }
0x75: {  	v3 =	vshrl.u32 v2, $0xE  }
0x76: {  	v2 =	vand.u32 $0x3FFF, v2  }
0x77: {  	v59 =	vsub.s32 v2, v0  }
0x78: {  	[tilespmem:$0x12130] =	vst v3;
	v4 =	vmin.u32 v59, $0x1400  }
0x79: {  	[tilespmem:$0x12230] =	vst v4  }
0x7a: {  	v3 =	vld.idx.msk [tilespmem:v3+s0+$0x0], $0xffff  }
0x7b: {  	v2 =	vld.idx.msk [tilespmem:v2+s15+$0x0], $0xffff;
	_ =	sdelay $0x4  }
0x7c: {  	v2 =	vadd.f32 v2, v3;
	_ =	sdelay $0x1  }
0x7d: {  	v3 =	vmul.f32 $2.000000030e-01, v2;
	_ =	sdelay $0x1  }
0x7e: {  	v2 =	vmax.f32 v2, v3  }
0x7f: {  	v2 =	vmul.f32 $1.442695020e+00, v2;
	_ =	sdelay $0x1  }
0x80: {  	(erf) = vpow2.f32 v2;
	_ =	sdelay $0x8  }
0x81: {  	v2 =	vpop (erf)  }
0x82: {  	[tilespmem:$0x12030] =	vst v2  }
0x83: {  	[tilespmem:v4+s18+$0x0] =	vst.idx.add.f32.msk $0xffff, v2  }
0x84: {  	v2 =	vld [tilespmem:$0x5040];
	_ =	sdelay $0x4  }
0x85: {  	v3 =	vshrl.u32 v2, $0xE  }
0x86: {  	v2 =	vand.u32 $0x3FFF, v2  }
0x87: {  	v60 =	vsub.s32 v2, v0  }
0x88: {  	[tilespmem:$0x12140] =	vst v3;
	v4 =	vmin.u32 v60, $0x1400  }
0x89: {  	[tilespmem:$0x12240] =	vst v4  }
0x8a: {  	v3 =	vld.idx.msk [tilespmem:v3+s0+$0x0], $0xffff  }
0x8b: {  	v2 =	vld.idx.msk [tilespmem:v2+s15+$0x0], $0xffff;
	_ =	sdelay $0x4  }
0x8c: {  	v2 =	vadd.f32 v2, v3;
	_ =	sdelay $0x1  }
0x8d: {  	v3 =	vmul.f32 $2.000000030e-01, v2;
	_ =	sdelay $0x1  }
0x8e: {  	v2 =	vmax.f32 v2, v3  }
0x8f: {  	v2 =	vmul.f32 $1.442695020e+00, v2;
	_ =	sdelay $0x1  }
0x90: {  	(erf) = vpow2.f32 v2;
	_ =	sdelay $0x8  }
0x91: {  	v2 =	vpop (erf)  }
0x92: {  	[tilespmem:$0x12040] =	vst v2  }
0x93: {  	[tilespmem:v4+s18+$0x0] =	vst.idx.add.f32.msk $0xffff, v2  }
0x94: {  	v2 =	vld [tilespmem:$0x5050];
	_ =	sdelay $0x4  }
0x95: {  	v3 =	vshrl.u32 v2, $0xE  }
0x96: {  	v2 =	vand.u32 $0x3FFF, v2  }
0x97: {  	v61 =	vsub.s32 v2, v0  }
0x98: {  	[tilespmem:$0x12150] =	vst v3;
	v4 =	vmin.u32 v61, $0x1400  }
0x99: {  	[tilespmem:$0x12250] =	vst v4  }
0x9a: {  	v3 =	vld.idx.msk [tilespmem:v3+s0+$0x0], $0xffff  }
0x9b: {  	v2 =	vld.idx.msk [tilespmem:v2+s15+$0x0], $0xffff;
	_ =	sdelay $0x4  }
0x9c: {  	v2 =	vadd.f32 v2, v3;
	_ =	sdelay $0x1  }
0x9d: {  	v3 =	vmul.f32 $2.000000030e-01, v2;
	_ =	sdelay $0x1  }
0x9e: {  	v2 =	vmax.f32 v2, v3  }
0x9f: {  	v2 =	vmul.f32 $1.442695020e+00, v2;
	_ =	sdelay $0x1  }
0xa0: {  	(erf) = vpow2.f32 v2;
	_ =	sdelay $0x8  }
0xa1: {  	v2 =	vpop (erf)  }
0xa2: {  	[tilespmem:$0x12050] =	vst v2  }
0xa3: {  	[tilespmem:v4+s18+$0x0] =	vst.idx.add.f32.msk $0xffff, v2  }
0xa4: {  	v2 =	vld [tilespmem:$0x5060];
	_ =	sdelay $0x4  }
0xa5: {  	v3 =	vshrl.u32 v2, $0xE  }
0xa6: {  	v2 =	vand.u32 $0x3FFF, v2  }
0xa7: {  	v62 =	vsub.s32 v2, v0  }
0xa8: {  	[tilespmem:$0x12160] =	vst v3;
	v4 =	vmin.u32 v62, $0x1400  }
0xa9: {  	[tilespmem:$0x12260] =	vst v4  }
0xaa: {  	v3 =	vld.idx.msk [tilespmem:v3+s0+$0x0], $0xffff  }
0xab: {  	v2 =	vld.idx.msk [tilespmem:v2+s15+$0x0], $0xffff;
	_ =	sdelay $0x4  }
0xac: {  	v2 =	vadd.f32 v2, v3;
	_ =	sdelay $0x1  }
0xad: {  	v3 =	vmul.f32 $2.000000030e-01, v2;
	_ =	sdelay $0x1  }
0xae: {  	v2 =	vmax.f32 v2, v3  }
0xaf: {  	v2 =	vmul.f32 $1.442695020e+00, v2;
	_ =	sdelay $0x1  }
0xb0: {  	(erf) = vpow2.f32 v2;
	_ =	sdelay $0x8  }
0xb1: {  	v2 =	vpop (erf)  }
0xb2: {  	[tilespmem:$0x12060] =	vst v2  }
0xb3: {  	[tilespmem:v4+s18+$0x0] =	vst.idx.add.f32.msk $0xffff, v2  }
0xb4: {  	v2 =	vld [tilespmem:$0x5070];
	_ =	sdelay $0x4  }
0xb5: {  	v3 =	vshrl.u32 v2, $0xE  }
0xb6: {  	v2 =	vand.u32 $0x3FFF, v2  }
0xb7: {  	v63 =	vsub.s32 v2, v0  }
0xb8: {  	[tilespmem:$0x12170] =	vst v3;
	v4 =	vmin.u32 v63, $0x1400  }
0xb9: {  	[tilespmem:$0x12270] =	vst v4  }
0xba: {  	v3 =	vld.idx.msk [tilespmem:v3+s0+$0x0], $0xffff  }
0xbb: {  	v2 =	vld.idx.msk [tilespmem:v2+s15+$0x0], $0xffff;
	_ =	sdelay $0x4  }
0xbc: {  	v2 =	vadd.f32 v2, v3;
	_ =	sdelay $0x1  }
0xbd: {  	v3 =	vmul.f32 $2.000000030e-01, v2;
	_ =	sdelay $0x1  }
0xbe: {  	v2 =	vmax.f32 v2, v3  }
0xbf: {  	v2 =	vmul.f32 $1.442695020e+00, v2;
	_ =	sdelay $0x1  }
0xc0: {  	(erf) = vpow2.f32 v2;
	_ =	sdelay $0x8  }
0xc1: {  	v2 =	vpop (erf)  }
0xc2: {  	[tilespmem:$0x12070] =	vst v2  }
0xc3: {  	s1 =	simm.s32 $0x0;
	[tilespmem:v4+s18+$0x0] =	vst.idx.add.f32.msk $0xffff, v2  }
0xc4: {  	[tilespmem:s17], [sflag:$0x1] =	stream.indirect.gather [hbm4b:s5+s19], $0x80, s20, s19, $0xb8;
	[tilespmem:$0x1DB80] =	vst v63  }
.LBB2_6:
0xc5: {  	p0 =	seq.s32 s1, $0x0  }
0xc6: {  	s3 =	simm.s32 @!p0 $0x4  }
0xc7: {  	_ =	swait.ge @!p0 [sflag:s3], $0x4000  }
0xc8: {  	s16 =	sshll.u32 s1, $0xA;
	[sflag:s3] =	ssyncset.done @!p0 $0x0  }
0xc9: {  	s16 =	sshra.s32 s16, $0x2;
	[sflag:s3] =	ssyncadd.s32 @!p0 $0xFFFFC000  }
0xca: {  	v2 =	vld [tilespmem:s16+$0x5080];
	_ =	sdelay $0x4  }
0xcb: {  	v3 =	vshrl.u32 v2, $0xE  }
0xcc: {  	v2 =	vand.u32 $0x3FFF, v2  }
0xcd: {  	v4 =	vsub.s32 v2, v0  }
0xce: {  	[tilespmem:$0x12180] =	vst v3;
	v4 =	vmin.u32 v4, $0x1400  }
0xcf: {  	[tilespmem:$0x12280] =	vst v4  }
0xd0: {  	v3 =	vld.idx.msk [tilespmem:v3+s0+$0x0], $0xffff  }
0xd1: {  	v2 =	vld.idx.msk [tilespmem:v2+s15+$0x0], $0xffff;
	_ =	sdelay $0x4  }
0xd2: {  	v2 =	vadd.f32 v2, v3;
	_ =	sdelay $0x1  }
0xd3: {  	v3 =	vmul.f32 $2.000000030e-01, v2;
	_ =	sdelay $0x1  }
0xd4: {  	v2 =	vmax.f32 v2, v3  }
0xd5: {  	v2 =	vmul.f32 $1.442695020e+00, v2;
	_ =	sdelay $0x1  }
0xd6: {  	(erf) = vpow2.f32 v2;
	_ =	sdelay $0x8  }
0xd7: {  	v2 =	vpop (erf)  }
0xd8: {  	[tilespmem:$0x12080] =	vst v2  }
0xd9: {  	[tilespmem:v4+s18+$0x0] =	vst.idx.add.f32.msk $0xffff, v2  }
0xda: {  	v2 =	vld [tilespmem:s16+$0x5090];
	_ =	sdelay $0x4  }
0xdb: {  	v3 =	vshrl.u32 v2, $0xE  }
0xdc: {  	v2 =	vand.u32 $0x3FFF, v2  }
0xdd: {  	v4 =	vsub.s32 v2, v0  }
0xde: {  	[tilespmem:$0x12190] =	vst v3;
	v4 =	vmin.u32 v4, $0x1400  }
0xdf: {  	[tilespmem:$0x12290] =	vst v4  }
0xe0: {  	v3 =	vld.idx.msk [tilespmem:v3+s0+$0x0], $0xffff  }
0xe1: {  	v2 =	vld.idx.msk [tilespmem:v2+s15+$0x0], $0xffff;
	_ =	sdelay $0x4  }
0xe2: {  	v2 =	vadd.f32 v2, v3;
	_ =	sdelay $0x1  }
0xe3: {  	v3 =	vmul.f32 $2.000000030e-01, v2;
	_ =	sdelay $0x1  }
0xe4: {  	v2 =	vmax.f32 v2, v3  }
0xe5: {  	v2 =	vmul.f32 $1.442695020e+00, v2;
	_ =	sdelay $0x1  }
0xe6: {  	(erf) = vpow2.f32 v2;
	_ =	sdelay $0x8  }
0xe7: {  	v2 =	vpop (erf)  }
0xe8: {  	[tilespmem:$0x12090] =	vst v2  }
0xe9: {  	[tilespmem:v4+s18+$0x0] =	vst.idx.add.f32.msk $0xffff, v2  }
0xea: {  	v2 =	vld [tilespmem:s16+$0x50A0];
	_ =	sdelay $0x4  }
0xeb: {  	v3 =	vshrl.u32 v2, $0xE  }
0xec: {  	v2 =	vand.u32 $0x3FFF, v2  }
0xed: {  	v4 =	vsub.s32 v2, v0  }
0xee: {  	[tilespmem:$0x121A0] =	vst v3;
	v4 =	vmin.u32 v4, $0x1400  }
0xef: {  	[tilespmem:$0x122A0] =	vst v4  }
0xf0: {  	v3 =	vld.idx.msk [tilespmem:v3+s0+$0x0], $0xffff  }
0xf1: {  	v2 =	vld.idx.msk [tilespmem:v2+s15+$0x0], $0xffff;
	_ =	sdelay $0x4  }
0xf2: {  	v2 =	vadd.f32 v2, v3;
	_ =	sdelay $0x1  }
0xf3: {  	v3 =	vmul.f32 $2.000000030e-01, v2;
	_ =	sdelay $0x1  }
0xf4: {  	v2 =	vmax.f32 v2, v3  }
0xf5: {  	v2 =	vmul.f32 $1.442695020e+00, v2;
	_ =	sdelay $0x1  }
0xf6: {  	(erf) = vpow2.f32 v2;
	_ =	sdelay $0x8  }
0xf7: {  	v2 =	vpop (erf)  }
0xf8: {  	[tilespmem:$0x120A0] =	vst v2  }
0xf9: {  	[tilespmem:v4+s18+$0x0] =	vst.idx.add.f32.msk $0xffff, v2  }
0xfa: {  	v2 =	vld [tilespmem:s16+$0x50B0];
	_ =	sdelay $0x4  }
0xfb: {  	v3 =	vshrl.u32 v2, $0xE  }
0xfc: {  	v2 =	vand.u32 $0x3FFF, v2  }
0xfd: {  	v4 =	vsub.s32 v2, v0  }
0xfe: {  	[tilespmem:$0x121B0] =	vst v3;
	v4 =	vmin.u32 v4, $0x1400  }
0xff: {  	[tilespmem:$0x122B0] =	vst v4  }
0x100: {  	v3 =	vld.idx.msk [tilespmem:v3+s0+$0x0], $0xffff  }
0x101: {  	v2 =	vld.idx.msk [tilespmem:v2+s15+$0x0], $0xffff;
	_ =	sdelay $0x4  }
0x102: {  	v2 =	vadd.f32 v2, v3;
	_ =	sdelay $0x1  }
0x103: {  	v3 =	vmul.f32 $2.000000030e-01, v2;
	_ =	sdelay $0x1  }
0x104: {  	v2 =	vmax.f32 v2, v3  }
0x105: {  	v2 =	vmul.f32 $1.442695020e+00, v2;
	_ =	sdelay $0x1  }
0x106: {  	(erf) = vpow2.f32 v2;
	_ =	sdelay $0x8  }
0x107: {  	v2 =	vpop (erf)  }
0x108: {  	[tilespmem:$0x120B0] =	vst v2  }
0x109: {  	[tilespmem:v4+s18+$0x0] =	vst.idx.add.f32.msk $0xffff, v2  }
0x10a: {  	v2 =	vld [tilespmem:s16+$0x50C0];
	_ =	sdelay $0x4  }
0x10b: {  	v3 =	vshrl.u32 v2, $0xE  }
0x10c: {  	v2 =	vand.u32 $0x3FFF, v2  }
0x10d: {  	v4 =	vsub.s32 v2, v0  }
0x10e: {  	[tilespmem:$0x121C0] =	vst v3;
	v4 =	vmin.u32 v4, $0x1400  }
0x10f: {  	[tilespmem:$0x122C0] =	vst v4  }
0x110: {  	v3 =	vld.idx.msk [tilespmem:v3+s0+$0x0], $0xffff  }
0x111: {  	v2 =	vld.idx.msk [tilespmem:v2+s15+$0x0], $0xffff;
	_ =	sdelay $0x4  }
0x112: {  	v2 =	vadd.f32 v2, v3;
	_ =	sdelay $0x1  }
0x113: {  	v3 =	vmul.f32 $2.000000030e-01, v2;
	_ =	sdelay $0x1  }
0x114: {  	v2 =	vmax.f32 v2, v3  }
0x115: {  	v2 =	vmul.f32 $1.442695020e+00, v2;
	_ =	sdelay $0x1  }
0x116: {  	(erf) = vpow2.f32 v2;
	_ =	sdelay $0x8  }
0x117: {  	v2 =	vpop (erf)  }
0x118: {  	[tilespmem:$0x120C0] =	vst v2  }
0x119: {  	[tilespmem:v4+s18+$0x0] =	vst.idx.add.f32.msk $0xffff, v2  }
0x11a: {  	v2 =	vld [tilespmem:s16+$0x50D0];
	_ =	sdelay $0x4  }
0x11b: {  	v3 =	vshrl.u32 v2, $0xE  }
0x11c: {  	v2 =	vand.u32 $0x3FFF, v2  }
0x11d: {  	v4 =	vsub.s32 v2, v0  }
0x11e: {  	[tilespmem:$0x121D0] =	vst v3;
	v4 =	vmin.u32 v4, $0x1400  }
0x11f: {  	[tilespmem:$0x122D0] =	vst v4  }
0x120: {  	v3 =	vld.idx.msk [tilespmem:v3+s0+$0x0], $0xffff  }
0x121: {  	v2 =	vld.idx.msk [tilespmem:v2+s15+$0x0], $0xffff;
	_ =	sdelay $0x4  }
0x122: {  	v2 =	vadd.f32 v2, v3;
	_ =	sdelay $0x1  }
0x123: {  	v3 =	vmul.f32 $2.000000030e-01, v2;
	_ =	sdelay $0x1  }
0x124: {  	v2 =	vmax.f32 v2, v3  }
0x125: {  	v2 =	vmul.f32 $1.442695020e+00, v2;
	_ =	sdelay $0x1  }
0x126: {  	(erf) = vpow2.f32 v2;
	_ =	sdelay $0x8  }
0x127: {  	v2 =	vpop (erf)  }
0x128: {  	[tilespmem:$0x120D0] =	vst v2  }
0x129: {  	[tilespmem:v4+s18+$0x0] =	vst.idx.add.f32.msk $0xffff, v2  }
0x12a: {  	v2 =	vld [tilespmem:s16+$0x50E0];
	_ =	sdelay $0x4  }
0x12b: {  	v3 =	vshrl.u32 v2, $0xE  }
0x12c: {  	v2 =	vand.u32 $0x3FFF, v2  }
0x12d: {  	v4 =	vsub.s32 v2, v0  }
0x12e: {  	[tilespmem:$0x121E0] =	vst v3;
	v4 =	vmin.u32 v4, $0x1400  }
0x12f: {  	[tilespmem:$0x122E0] =	vst v4  }
0x130: {  	v3 =	vld.idx.msk [tilespmem:v3+s0+$0x0], $0xffff  }
0x131: {  	v2 =	vld.idx.msk [tilespmem:v2+s15+$0x0], $0xffff;
	_ =	sdelay $0x4  }
0x132: {  	v2 =	vadd.f32 v2, v3;
	_ =	sdelay $0x1  }
0x133: {  	v3 =	vmul.f32 $2.000000030e-01, v2;
	_ =	sdelay $0x1  }
0x134: {  	v2 =	vmax.f32 v2, v3  }
0x135: {  	v2 =	vmul.f32 $1.442695020e+00, v2;
	_ =	sdelay $0x1  }
0x136: {  	(erf) = vpow2.f32 v2;
	_ =	sdelay $0x8  }
0x137: {  	v2 =	vpop (erf)  }
0x138: {  	[tilespmem:$0x120E0] =	vst v2  }
0x139: {  	[tilespmem:v4+s18+$0x0] =	vst.idx.add.f32.msk $0xffff, v2  }
0x13a: {  	v2 =	vld [tilespmem:s16+$0x50F0];
	_ =	sdelay $0x4  }
0x13b: {  	v3 =	vshrl.u32 v2, $0xE  }
0x13c: {  	v2 =	vand.u32 $0x3FFF, v2  }
0x13d: {  	v4 =	vsub.s32 v2, v0  }
0x13e: {  	[tilespmem:$0x121F0] =	vst v3;
	v4 =	vmin.u32 v4, $0x1400  }
0x13f: {  	[tilespmem:$0x122F0] =	vst v4  }
0x140: {  	v3 =	vld.idx.msk [tilespmem:v3+s0+$0x0], $0xffff  }
0x141: {  	v2 =	vld.idx.msk [tilespmem:v2+s15+$0x0], $0xffff;
	_ =	sdelay $0x4  }
0x142: {  	v2 =	vadd.f32 v2, v3;
	_ =	sdelay $0x1  }
0x143: {  	v3 =	vmul.f32 $2.000000030e-01, v2;
	_ =	sdelay $0x1  }
0x144: {  	v2 =	vmax.f32 v2, v3  }
0x145: {  	v2 =	vmul.f32 $1.442695020e+00, v2;
	_ =	sdelay $0x1  }
0x146: {  	(erf) = vpow2.f32 v2;
	_ =	sdelay $0x8  }
0x147: {  	v2 =	vpop (erf)  }
0x148: {  	[tilespmem:$0x120F0] =	vst v2  }
0x149: {  	[tilespmem:v4+s18+$0x0] =	vst.idx.add.f32.msk $0xffff, v2  }
0x14a: {  	[tilespmem:s22], [sflag:$0x2] =	stream.indirect.gather [hbm4b:s5+s19], $0x80, s21, s19, $0xb8;
	[tilespmem:$0x1DB80] =	vst v63  }
0x14b: {  	_ =	swait.ge [sflag:s23], $0x4000  }
0x14c: {  	s6 =	simm.s32 $0x0;
	[sflag:s23] =	ssyncset.done $0x0  }
0x14d: {  	s30 =	simm.s32 $0x0;
	s3 =	sand.u32 $0x3FFFFFF0, s6;
	[sflag:s23] =	ssyncadd.s32 $0xFFFFC000  }
0x14e: {  	s30 =	sand.u32 $0x3FFFF800, s30;
	v2 =	vld [tilespmem:s3+$0x12000]  }
0x14f: {  	v8 =	vld [tilespmem:s30+$0xA0C0]  }
0x150: {  	v4 =	vld [tilespmem:s30+$0xA020]  }
0x151: {  	v5 =	vld [tilespmem:s30+$0xA030]  }
0x152: {  	v11 =	vld [tilespmem:s30+$0xA060]  }
0x153: {  	v12 =	vld [tilespmem:s30+$0xA070];
	v3 =	vbroadcast v2, $0x0  }
0x154: {  	v13 =	vld [tilespmem:s30+$0xA080]  }
0x155: {  	v14 =	vld [tilespmem:s30+$0xA090];
	v4 =	vmul.f32 v4, v3  }
0x156: {  	v15 =	vld [tilespmem:s30+$0xA0A0];
	v5 =	vmul.f32 v5, v3  }
0x157: {  	v10 =	vld [tilespmem:s30+$0xA0B0];
	v21 =	vbroadcast v2, $0x1;
	v20 =	vmul.f32 v11, v3;
	[tilespmem:s30+$0xA020] =	vst v4  }
0x158: {  	v9 =	vld [tilespmem:s30+$0xA0D0];
	v12 =	vmul.f32 v12, v3;
	[tilespmem:s30+$0xA030] =	vst v5  }
0x159: {  	v7 =	vld [tilespmem:s30+$0xA570];
	v13 =	vmul.f32 v13, v21;
	[tilespmem:s30+$0xA060] =	vst v20  }
0x15a: {  	v23 =	vld [tilespmem:s30+$0xA0F0];
	v14 =	vmul.f32 v14, v21;
	[tilespmem:s30+$0xA070] =	vst v12  }
0x15b: {  	v24 =	vld [tilespmem:s30+$0xA100];
	v15 =	vmul.f32 v15, v21;
	[tilespmem:s30+$0xA080] =	vst v13  }
0x15c: {  	v25 =	vld [tilespmem:s30+$0xA110];
	v10 =	vmul.f32 v10, v21;
	[tilespmem:s30+$0xA090] =	vst v14  }
0x15d: {  	v22 =	vld [tilespmem:s30+$0xA0E0];
	v8 =	vmul.f32 v8, v21;
	[tilespmem:s30+$0xA0A0] =	vst v15  }
0x15e: {  	v26 =	vld [tilespmem:s30+$0xA120];
	v16 =	vbroadcast v2, $0x2;
	v9 =	vmul.f32 v9, v21;
	[tilespmem:s30+$0xA0B0] =	vst v10  }
0x15f: {  	v27 =	vld [tilespmem:s30+$0xA130];
	v11 =	vmul.f32 v23, v21;
	[tilespmem:s30+$0xA0C0] =	vst v8  }
0x160: {  	v28 =	vld [tilespmem:s30+$0xA140];
	v6 =	vbroadcast v2, $0xA;
	v30 =	vmul.f32 v24, v16;
	[tilespmem:s30+$0xA0D0] =	vst v9  }
0x161: {  	v29 =	vld [tilespmem:s30+$0xA150];
	v32 =	vmul.f32 v25, v16;
	[tilespmem:s30+$0xA0F0] =	vst v11  }
0x162: {  	v31 =	vld [tilespmem:s30+$0xA160];
	v4 =	vmul.f32 v7, v6;
	[tilespmem:s30+$0xA100] =	vst v30  }
0x163: {  	v33 =	vld [tilespmem:s30+$0xA170];
	v12 =	vmul.f32 v22, v21;
	[tilespmem:s30+$0xA110] =	vst v32  }
0x164: {  	v34 =	vld [tilespmem:s30+$0xA180];
	v10 =	vmul.f32 v26, v16;
	[tilespmem:s30+$0xA570] =	vst v4  }
0x165: {  	v35 =	vld [tilespmem:s30+$0xA190];
	v8 =	vmul.f32 v27, v16;
	[tilespmem:s30+$0xA0E0] =	vst v12  }
0x166: {  	v36 =	vld [tilespmem:s30+$0xA1A0];
	v9 =	vmul.f32 v28, v16;
	[tilespmem:s30+$0xA120] =	vst v10  }
0x167: {  	v37 =	vld [tilespmem:s30+$0xA1B0];
	v39 =	vbroadcast v2, $0x3;
	v11 =	vmul.f32 v31, v16;
	[tilespmem:s30+$0xA130] =	vst v8  }
0x168: {  	v38 =	vld [tilespmem:s30+$0xA1C0];
	v13 =	vmul.f32 v33, v16;
	[tilespmem:s30+$0xA140] =	vst v9  }
0x169: {  	v40 =	vld [tilespmem:s30+$0xA1D0];
	v14 =	vmul.f32 v34, v39;
	[tilespmem:s30+$0xA160] =	vst v11  }
0x16a: {  	v41 =	vld [tilespmem:s30+$0xA1E0];
	v12 =	vmul.f32 v29, v16;
	[tilespmem:s30+$0xA170] =	vst v13  }
0x16b: {  	v42 =	vld [tilespmem:s30+$0xA1F0];
	v10 =	vmul.f32 v35, v39;
	[tilespmem:s30+$0xA180] =	vst v14  }
0x16c: {  	v43 =	vld [tilespmem:s30+$0xA200];
	v8 =	vmul.f32 v36, v39;
	[tilespmem:s30+$0xA150] =	vst v12  }
0x16d: {  	v44 =	vld [tilespmem:s30+$0xA210];
	v9 =	vmul.f32 v37, v39;
	[tilespmem:s30+$0xA190] =	vst v10  }
0x16e: {  	v45 =	vld [tilespmem:s30+$0xA220];
	v11 =	vmul.f32 v40, v39;
	[tilespmem:s30+$0xA1A0] =	vst v8  }
0x16f: {  	v46 =	vld [tilespmem:s30+$0xA230];
	v13 =	vmul.f32 v41, v39;
	[tilespmem:s30+$0xA1B0] =	vst v9  }
0x170: {  	v47 =	vld [tilespmem:s30+$0xA240];
	v48 =	vbroadcast v2, $0x4;
	v14 =	vmul.f32 v42, v39;
	[tilespmem:s30+$0xA1D0] =	vst v11  }
0x171: {  	v49 =	vld [tilespmem:s30+$0xA250];
	v12 =	vmul.f32 v38, v39;
	[tilespmem:s30+$0xA1E0] =	vst v13  }
0x172: {  	v50 =	vld [tilespmem:s30+$0xA260];
	v10 =	vmul.f32 v43, v48;
	[tilespmem:s30+$0xA1F0] =	vst v14  }
0x173: {  	v51 =	vld [tilespmem:s30+$0xA270];
	v8 =	vmul.f32 v44, v48;
	[tilespmem:s30+$0xA1C0] =	vst v12  }
0x174: {  	v52 =	vld [tilespmem:s30+$0xA280];
	v9 =	vmul.f32 v45, v48;
	[tilespmem:s30+$0xA200] =	vst v10  }
0x175: {  	v53 =	vld [tilespmem:s30+$0xA290];
	v11 =	vmul.f32 v47, v48;
	[tilespmem:s30+$0xA210] =	vst v8  }
0x176: {  	v54 =	vld [tilespmem:s30+$0xA2A0];
	v13 =	vmul.f32 v49, v48;
	[tilespmem:s30+$0xA220] =	vst v9  }
0x177: {  	v55 =	vld [tilespmem:s30+$0xA2B0];
	v14 =	vmul.f32 v50, v48;
	[tilespmem:s30+$0xA240] =	vst v11  }
0x178: {  	v56 =	vld [tilespmem:s30+$0xA2C0];
	v57 =	vbroadcast v2, $0x5;
	v12 =	vmul.f32 v46, v48;
	[tilespmem:s30+$0xA250] =	vst v13  }
0x179: {  	v58 =	vld [tilespmem:s30+$0xA2D0];
	v10 =	vmul.f32 v51, v48;
	[tilespmem:s30+$0xA260] =	vst v14  }
0x17a: {  	v59 =	vld [tilespmem:s30+$0xA2E0];
	v8 =	vmul.f32 v52, v57;
	[tilespmem:s30+$0xA230] =	vst v12  }
0x17b: {  	v60 =	vld [tilespmem:s30+$0xA2F0];
	v9 =	vmul.f32 v53, v57;
	[tilespmem:s30+$0xA270] =	vst v10  }
0x17c: {  	v61 =	vld [tilespmem:s30+$0xA300];
	v11 =	vmul.f32 v55, v57;
	[tilespmem:s30+$0xA280] =	vst v8  }
0x17d: {  	v62 =	vld [tilespmem:s30+$0xA310];
	v13 =	vmul.f32 v56, v57;
	[tilespmem:s30+$0xA290] =	vst v9  }
0x17e: {  	v63 =	vld [tilespmem:s30+$0xA320];
	v14 =	vmul.f32 v58, v57;
	[tilespmem:s30+$0xA2B0] =	vst v11  }
0x17f: {  	v20 =	vld [tilespmem:s30+$0xA330];
	v12 =	vmul.f32 v54, v57;
	[tilespmem:s30+$0xA2C0] =	vst v13  }
0x180: {  	v21 =	vld [tilespmem:s30+$0xA340];
	v22 =	vbroadcast v2, $0x6;
	v10 =	vmul.f32 v59, v57;
	[tilespmem:s30+$0xA2D0] =	vst v14  }
0x181: {  	v23 =	vld [tilespmem:s30+$0xA350];
	v8 =	vmul.f32 v60, v57;
	[tilespmem:s30+$0xA2A0] =	vst v12  }
0x182: {  	v24 =	vld [tilespmem:s30+$0xA360];
	v9 =	vmul.f32 v61, v22;
	[tilespmem:s30+$0xA2E0] =	vst v10  }
0x183: {  	v25 =	vld [tilespmem:s30+$0xA370];
	v11 =	vmul.f32 v63, v22;
	[tilespmem:s30+$0xA2F0] =	vst v8  }
0x184: {  	v5 =	vld [tilespmem:s30+$0xA580];
	v13 =	vmul.f32 v20, v22;
	[tilespmem:s30+$0xA300] =	vst v9  }
0x185: {  	v27 =	vld [tilespmem:s30+$0xA390];
	v14 =	vmul.f32 v21, v22;
	[tilespmem:s30+$0xA320] =	vst v11  }
0x186: {  	v28 =	vld [tilespmem:s30+$0xA3A0];
	v12 =	vmul.f32 v62, v22;
	[tilespmem:s30+$0xA330] =	vst v13  }
0x187: {  	v29 =	vld [tilespmem:s30+$0xA3B0];
	v10 =	vmul.f32 v23, v22;
	[tilespmem:s30+$0xA340] =	vst v14  }
0x188: {  	v31 =	vbroadcast v2, $0x7;
	v53 =	vld [tilespmem:s30+$0xA500];
	v8 =	vmul.f32 v24, v22;
	[tilespmem:s30+$0xA310] =	vst v12  }
0x189: {  	v58 =	vld [tilespmem:s30+$0xA550];
	v9 =	vmul.f32 v25, v22;
	[tilespmem:s30+$0xA350] =	vst v10  }
0x18a: {  	v26 =	vld [tilespmem:s30+$0xA380];
	v11 =	vmul.f32 v27, v31;
	[tilespmem:s30+$0xA360] =	vst v8  }
0x18b: {  	v30 =	vld [tilespmem:s30+$0xA3C0];
	v13 =	vmul.f32 v28, v31;
	[tilespmem:s30+$0xA370] =	vst v9  }
0x18c: {  	v32 =	vld [tilespmem:s30+$0xA3D0];
	v14 =	vmul.f32 v29, v31;
	[tilespmem:s30+$0xA390] =	vst v11  }
0x18d: {  	v33 =	vld [tilespmem:s30+$0xA3E0];
	v59 =	vmul.f32 v53, v6;
	[tilespmem:s30+$0xA3A0] =	vst v13  }
0x18e: {  	v35 =	vld [tilespmem:s30+$0xA400];
	v21 =	vmul.f32 v58, v6;
	[tilespmem:s30+$0xA3B0] =	vst v14  }
0x18f: {  	v36 =	vld [tilespmem:s30+$0xA410];
	v12 =	vmul.f32 v26, v31;
	[tilespmem:s30+$0xA500] =	vst v59  }
0x190: {  	v37 =	vld [tilespmem:s30+$0xA420];
	v10 =	vmul.f32 v30, v31;
	[tilespmem:s30+$0xA550] =	vst v21  }
0x191: {  	v7 =	vld [tilespmem:s30+$0xA590];
	v40 =	vbroadcast v2, $0x8;
	v8 =	vmul.f32 v32, v31;
	[tilespmem:s30+$0xA380] =	vst v12  }
0x192: {  	v34 =	vld [tilespmem:s30+$0xA3F0];
	v9 =	vmul.f32 v33, v31;
	[tilespmem:s30+$0xA3C0] =	vst v10  }
0x193: {  	v57 =	vld [tilespmem:s30+$0xA540];
	v11 =	vmul.f32 v35, v40;
	[tilespmem:s30+$0xA3D0] =	vst v8  }
0x194: {  	v61 =	vld [tilespmem:s30+$0xA000];
	v24 =	vbroadcast v2, $0xB;
	v13 =	vmul.f32 v36, v40;
	[tilespmem:s30+$0xA3E0] =	vst v9  }
0x195: {  	v4 =	vld [tilespmem:s30+$0xA7D0];
	v14 =	vmul.f32 v37, v40;
	[tilespmem:s30+$0xA400] =	vst v11  }
0x196: {  	v38 =	vld [tilespmem:s30+$0xA430];
	v5 =	vmul.f32 v5, v24;
	[tilespmem:s30+$0xA410] =	vst v13  }
0x197: {  	v39 =	vld [tilespmem:s30+$0xA440];
	v7 =	vmul.f32 v7, v24;
	[tilespmem:s30+$0xA420] =	vst v14  }
0x198: {  	v41 =	vld [tilespmem:s30+$0xA450];
	v19 =	vmul.f32 v57, v6;
	[tilespmem:s30+$0xA580] =	vst v5  }
0x199: {  	v43 =	vld [tilespmem:s30+$0xA470];
	v25 =	vmul.f32 v3, v61;
	[tilespmem:s30+$0xA590] =	vst v7  }
0x19a: {  	v44 =	vld [tilespmem:s30+$0xA480];
	v12 =	vmul.f32 v34, v31;
	[tilespmem:s30+$0xA540] =	vst v19  }
0x19b: {  	v45 =	vld [tilespmem:s30+$0xA490];
	v10 =	vmul.f32 v38, v40;
	[tilespmem:s30+$0xA000] =	vst v25  }
0x19c: {  	v27 =	vld [tilespmem:s30+$0xA5D0];
	v8 =	vmul.f32 v39, v40;
	[tilespmem:s30+$0xA3F0] =	vst v12  }
0x19d: {  	v49 =	vbroadcast v2, $0x9;
	v29 =	vld [tilespmem:s30+$0xA5F0];
	v9 =	vmul.f32 v41, v40;
	[tilespmem:s30+$0xA430] =	vst v10  }
0x19e: {  	v42 =	vld [tilespmem:s30+$0xA460];
	v11 =	vmul.f32 v43, v40;
	[tilespmem:s30+$0xA440] =	vst v8  }
0x19f: {  	v46 =	vld [tilespmem:s30+$0xA4A0];
	v13 =	vmul.f32 v44, v49;
	[tilespmem:s30+$0xA450] =	vst v9  }
0x1a0: {  	v47 =	vld [tilespmem:s30+$0xA4B0];
	v14 =	vmul.f32 v45, v49;
	[tilespmem:s30+$0xA470] =	vst v11  }
0x1a1: {  	v48 =	vld [tilespmem:s30+$0xA4C0];
	v32 =	vmul.f32 v27, v24;
	[tilespmem:s30+$0xA480] =	vst v13  }
0x1a2: {  	v51 =	vld [tilespmem:s30+$0xA4E0];
	v7 =	vmul.f32 v29, v24;
	[tilespmem:s30+$0xA490] =	vst v14  }
0x1a3: {  	v52 =	vld [tilespmem:s30+$0xA4F0];
	v12 =	vmul.f32 v42, v40;
	[tilespmem:s30+$0xA5D0] =	vst v32  }
0x1a4: {  	v10 =	vmul.f32 v46, v49;
	[tilespmem:s30+$0xA5F0] =	vst v7  }
0x1a5: {  	v28 =	vld [tilespmem:s30+$0xA5E0];
	v8 =	vmul.f32 v47, v49;
	[tilespmem:s30+$0xA460] =	vst v12  }
0x1a6: {  	v30 =	vld [tilespmem:s30+$0xA600];
	v9 =	vmul.f32 v48, v49;
	[tilespmem:s30+$0xA4A0] =	vst v10  }
0x1a7: {  	v50 =	vld [tilespmem:s30+$0xA4D0];
	v5 =	vbroadcast v2, $0xF;
	v11 =	vmul.f32 v51, v49;
	[tilespmem:s30+$0xA4B0] =	vst v8  }
0x1a8: {  	v54 =	vld [tilespmem:s30+$0xA510];
	v13 =	vmul.f32 v52, v49;
	[tilespmem:s30+$0xA4C0] =	vst v9  }
0x1a9: {  	v55 =	vld [tilespmem:s30+$0xA520];
	v35 =	vbroadcast v2, $0xC;
	v4 =	vmul.f32 v4, v5;
	[tilespmem:s30+$0xA4E0] =	vst v11  }
0x1aa: {  	v56 =	vld [tilespmem:s30+$0xA530];
	v40 =	vmul.f32 v28, v24;
	[tilespmem:s30+$0xA4F0] =	vst v13  }
0x1ab: {  	v60 =	vld [tilespmem:s30+$0xA560];
	v16 =	vmul.f32 v30, v35;
	[tilespmem:s30+$0xA7D0] =	vst v4  }
0x1ac: {  	v62 =	vld [tilespmem:s30+$0xA010];
	v12 =	vmul.f32 v50, v49;
	[tilespmem:s30+$0xA5E0] =	vst v40  }
0x1ad: {  	v63 =	vld [tilespmem:s30+$0xA040];
	v10 =	vmul.f32 v54, v6;
	[tilespmem:s30+$0xA600] =	vst v16  }
0x1ae: {  	v20 =	vld [tilespmem:s30+$0xA050];
	v8 =	vmul.f32 v55, v6;
	[tilespmem:s30+$0xA4D0] =	vst v12  }
0x1af: {  	v33 =	vld [tilespmem:s30+$0xA630];
	v9 =	vmul.f32 v56, v6;
	[tilespmem:s30+$0xA510] =	vst v10  }
0x1b0: {  	v61 =	vld [tilespmem:s30+$0xA7F0];
	v6 =	vmul.f32 v60, v6;
	[tilespmem:s30+$0xA520] =	vst v8  }
0x1b1: {  	v38 =	vld [tilespmem:s30+$0xA670];
	v13 =	vmul.f32 v62, v3;
	[tilespmem:s30+$0xA530] =	vst v9  }
0x1b2: {  	v22 =	vld [tilespmem:s30+$0xA5A0];
	v4 =	vmul.f32 v63, v3;
	[tilespmem:s30+$0xA560] =	vst v6  }
0x1b3: {  	v23 =	vld [tilespmem:s30+$0xA5B0];
	v3 =	vmul.f32 v20, v3;
	[tilespmem:s30+$0xA010] =	vst v13  }
0x1b4: {  	v26 =	vld [tilespmem:s30+$0xA5C0];
	v62 =	vmul.f32 v33, v35;
	[tilespmem:s30+$0xA040] =	vst v4  }
0x1b5: {  	v31 =	vld [tilespmem:s30+$0xA610];
	v63 =	vmul.f32 v61, v5;
	[tilespmem:s30+$0xA050] =	vst v3  }
0x1b6: {  	v34 =	vld [tilespmem:s30+$0xA640];
	v16 =	vmul.f32 v38, v35;
	[tilespmem:s30+$0xA630] =	vst v62  }
0x1b7: {  	v41 =	vld [tilespmem:s30+$0xA6A0];
	v8 =	vmul.f32 v22, v24;
	[tilespmem:s30+$0xA7F0] =	vst v63  }
0x1b8: {  	v46 =	vld [tilespmem:s30+$0xA6E0];
	v9 =	vmul.f32 v23, v24;
	[tilespmem:s30+$0xA670] =	vst v16  }
0x1b9: {  	v6 =	vmul.f32 v26, v24;
	v3 =	vld [tilespmem:s30+$0xA690];
	[tilespmem:s30+$0xA5A0] =	vst v8  }
0x1ba: {  	v36 =	vld [tilespmem:s30+$0xA650];
	v44 =	vbroadcast v2, $0xD;
	v10 =	vmul.f32 v31, v35;
	[tilespmem:s30+$0xA5B0] =	vst v9  }
0x1bb: {  	v37 =	vld [tilespmem:s30+$0xA660];
	v13 =	vmul.f32 v34, v35;
	[tilespmem:s30+$0xA5C0] =	vst v6  }
0x1bc: {  	v39 =	vld [tilespmem:s30+$0xA680];
	v12 =	vmul.f32 v41, v44;
	[tilespmem:s30+$0xA610] =	vst v10  }
0x1bd: {  	v42 =	vld [tilespmem:s30+$0xA6B0];
	v51 =	vmul.f32 v46, v44;
	[tilespmem:s30+$0xA640] =	vst v13  }
0x1be: {  	v48 =	vld [tilespmem:s30+$0xA710];
	[tilespmem:s30+$0xA6A0] =	vst v12;
	v3 =	vmul.f32 v3, v44  }
0x1bf: {  	v49 =	vld [tilespmem:s30+$0xA720];
	v9 =	vmul.f32 v36, v35;
	[tilespmem:s30+$0xA6E0] =	vst v51  }
0x1c0: {  	v6 =	vmul.f32 v37, v35;
	[tilespmem:s30+$0xA690] =	vst v3;
	v3 =	vld [tilespmem:s30+$0xA700]  }
0x1c1: {  	v2 =	vbroadcast v2, $0xE;
	v50 =	vld [tilespmem:s30+$0xA730];
	v10 =	vmul.f32 v39, v44;
	[tilespmem:s30+$0xA650] =	vst v9  }
0x1c2: {  	v45 =	vld [tilespmem:s30+$0xA6D0];
	v13 =	vmul.f32 v42, v44;
	[tilespmem:s30+$0xA660] =	vst v6  }
0x1c3: {  	v47 =	vld [tilespmem:s30+$0xA6F0];
	v12 =	vmul.f32 v48, v2;
	[tilespmem:s30+$0xA680] =	vst v10  }
0x1c4: {  	v43 =	vld [tilespmem:s30+$0xA6C0];
	v11 =	vmul.f32 v49, v2;
	[tilespmem:s30+$0xA6B0] =	vst v13  }
0x1c5: {  	v55 =	vld [tilespmem:s30+$0xA780];
	[tilespmem:s30+$0xA710] =	vst v12;
	v3 =	vmul.f32 v3, v2  }
0x1c6: {  	v57 =	vld [tilespmem:s30+$0xA7A0];
	v7 =	vmul.f32 v50, v2;
	[tilespmem:s30+$0xA720] =	vst v11  }
0x1c7: {  	v6 =	vmul.f32 v45, v44;
	[tilespmem:s30+$0xA700] =	vst v3;
	v3 =	vld [tilespmem:s30+$0xA770]  }
0x1c8: {  	v52 =	vld [tilespmem:s30+$0xA740];
	v10 =	vmul.f32 v47, v44;
	[tilespmem:s30+$0xA730] =	vst v7  }
0x1c9: {  	v56 =	vld [tilespmem:s30+$0xA790];
	v9 =	vmul.f32 v43, v44;
	[tilespmem:s30+$0xA6D0] =	vst v6  }
0x1ca: {  	v54 =	vld [tilespmem:s30+$0xA760];
	v12 =	vmul.f32 v55, v5;
	[tilespmem:s30+$0xA6F0] =	vst v10  }
0x1cb: {  	v58 =	vld [tilespmem:s30+$0xA7B0];
	v7 =	vmul.f32 v57, v5;
	[tilespmem:s30+$0xA6C0] =	vst v9  }
0x1cc: {  	v53 =	vld [tilespmem:s30+$0xA750];
	[tilespmem:s30+$0xA780] =	vst v12;
	v3 =	vmul.f32 v3, v2  }
0x1cd: {  	v59 =	vld [tilespmem:s30+$0xA7C0];
	v6 =	vmul.f32 v52, v2;
	[tilespmem:s30+$0xA7A0] =	vst v7  }
0x1ce: {  	v60 =	vld [tilespmem:s30+$0xA7E0];
	[tilespmem:s30+$0xA770] =	vst v3;
	v3 =	vmul.f32 v56, v5  }
0x1cf: {  	v10 =	vmul.f32 v54, v2;
	[tilespmem:s30+$0xA740] =	vst v6  }
0x1d0: {  	v4 =	vld [tilespmem:s30+$0xA620];
	[tilespmem:s30+$0xA790] =	vst v3;
	v3 =	vmul.f32 v58, v5  }
0x1d1: {  	[tilespmem:s30+$0xA760] =	vst v10;
	v2 =	vmul.f32 v53, v2  }
0x1d2: {  	[tilespmem:s30+$0xA7B0] =	vst v3;
	v3 =	vmul.f32 v59, v5  }
0x1d3: {  	[tilespmem:s30+$0xA750] =	vst v2;
	v5 =	vmul.f32 v60, v5  }
0x1d4: {  	[tilespmem:s30+$0xA7C0] =	vst v3  }
0x1d5: {  	s3 =	simm.s32 $0x1;
	v3 =	vmul.f32 v4, v35;
	[tilespmem:s30+$0xA7E0] =	vst v5  }
.LBB2_7:
0x1d6: {  	s6 =	sshll.u32 s3, $0x4  }
0x1d7: {  	p0 =	sne.s32 s3, $0x7;
	[tilespmem:s30+$0xA620] =	vst v3;
	s30 =	smov.u32 s3;
	s3 =	sadd.s32 $0x1, s3  }
0x1d8: {  	s6 =	sand.u32 $0x3FFFFFF0, s6  }
0x1d9: {  	v2 =	vld [tilespmem:s6+$0x12000];
	s6 =	sshll.u32 s30, $0xB  }
0x1da: {  	s30 =	sand.u32 $0x3FFFF800, s6  }
0x1db: {  	v9 =	vld [tilespmem:s30+$0xA0C0]  }
0x1dc: {  	v10 =	vld [tilespmem:s30+$0xA0D0]  }
0x1dd: {  	v11 =	vld [tilespmem:s30+$0xA0B0]  }
0x1de: {  	v3 =	vbroadcast v2, $0x0;
	v4 =	vld [tilespmem:s30+$0xA020];
	v8 =	vbroadcast v2, $0x4  }
0x1df: {  	v6 =	vld [tilespmem:s30+$0xA030]  }
0x1e0: {  	v7 =	vld [tilespmem:s30+$0xA570]  }
0x1e1: {  	v12 =	vld [tilespmem:s30+$0xA060]  }
0x1e2: {  	v13 =	vld [tilespmem:s30+$0xA070]  }
0x1e3: {  	v5 =	vbroadcast v2, $0xA;
	v4 =	vmul.f32 v4, v3;
	v14 =	vld [tilespmem:s30+$0xA080]  }
0x1e4: {  	v6 =	vmul.f32 v6, v3;
	v15 =	vld [tilespmem:s30+$0xA090]  }
0x1e5: {  	[tilespmem:s30+$0xA020] =	vst v4;
	v16 =	vld [tilespmem:s30+$0xA0A0];
	v4 =	vmul.f32 v7, v5  }
0x1e6: {  	[tilespmem:s30+$0xA030] =	vst v6;
	v7 =	vmul.f32 v12, v3;
	v12 =	vbroadcast v2, $0x1;
	v6 =	vld [tilespmem:s30+$0xA580]  }
0x1e7: {  	v13 =	vmul.f32 v13, v3;
	[tilespmem:s30+$0xA570] =	vst v4;
	v4 =	vld [tilespmem:s30+$0xA7D0]  }
0x1e8: {  	[tilespmem:s30+$0xA060] =	vst v7;
	v14 =	vmul.f32 v14, v12;
	v7 =	vld [tilespmem:s30+$0xA590]  }
0x1e9: {  	[tilespmem:s30+$0xA070] =	vst v13;
	v13 =	vmul.f32 v15, v12;
	v15 =	vld [tilespmem:s30+$0xA0E0]  }
0x1ea: {  	[tilespmem:s30+$0xA080] =	vst v14;
	v14 =	vmul.f32 v16, v12;
	v16 =	vld [tilespmem:s30+$0xA0F0]  }
0x1eb: {  	v11 =	vmul.f32 v11, v12;
	[tilespmem:s30+$0xA090] =	vst v13;
	v13 =	vld [tilespmem:s30+$0xA100]  }
0x1ec: {  	v9 =	vmul.f32 v9, v12;
	[tilespmem:s30+$0xA0A0] =	vst v14;
	v14 =	vld [tilespmem:s30+$0xA110]  }
0x1ed: {  	v10 =	vmul.f32 v10, v12;
	[tilespmem:s30+$0xA0B0] =	vst v11;
	v11 =	vld [tilespmem:s30+$0xA120]  }
0x1ee: {  	[tilespmem:s30+$0xA0C0] =	vst v9;
	v9 =	vmul.f32 v15, v12;
	v15 =	vbroadcast v2, $0x2;
	v17 =	vld [tilespmem:s30+$0xA130]  }
0x1ef: {  	[tilespmem:s30+$0xA0D0] =	vst v10;
	v10 =	vmul.f32 v16, v12;
	v12 =	vld [tilespmem:s30+$0xA140]  }
0x1f0: {  	[tilespmem:s30+$0xA0E0] =	vst v9;
	v9 =	vmul.f32 v13, v15;
	v13 =	vld [tilespmem:s30+$0xA150]  }
0x1f1: {  	[tilespmem:s30+$0xA0F0] =	vst v10;
	v10 =	vmul.f32 v14, v15;
	v14 =	vld [tilespmem:s30+$0xA160]  }
0x1f2: {  	[tilespmem:s30+$0xA100] =	vst v9;
	v9 =	vmul.f32 v11, v15;
	v11 =	vld [tilespmem:s30+$0xA170]  }
0x1f3: {  	[tilespmem:s30+$0xA110] =	vst v10;
	v10 =	vmul.f32 v17, v15;
	v16 =	vld [tilespmem:s30+$0xA180]  }
0x1f4: {  	[tilespmem:s30+$0xA120] =	vst v9;
	v9 =	vmul.f32 v12, v15;
	v12 =	vld [tilespmem:s30+$0xA190]  }
0x1f5: {  	[tilespmem:s30+$0xA130] =	vst v10;
	v10 =	vmul.f32 v13, v15;
	v13 =	vld [tilespmem:s30+$0xA1A0]  }
0x1f6: {  	[tilespmem:s30+$0xA140] =	vst v9;
	v9 =	vmul.f32 v14, v15;
	v14 =	vbroadcast v2, $0x3;
	v17 =	vld [tilespmem:s30+$0xA1B0]  }
0x1f7: {  	[tilespmem:s30+$0xA150] =	vst v10;
	v10 =	vmul.f32 v11, v15;
	v11 =	vld [tilespmem:s30+$0xA1C0]  }
0x1f8: {  	[tilespmem:s30+$0xA160] =	vst v9;
	v9 =	vmul.f32 v16, v14;
	v15 =	vld [tilespmem:s30+$0xA1D0]  }
0x1f9: {  	[tilespmem:s30+$0xA170] =	vst v10;
	v10 =	vmul.f32 v12, v14;
	v12 =	vld [tilespmem:s30+$0xA1E0]  }
0x1fa: {  	[tilespmem:s30+$0xA180] =	vst v9;
	v9 =	vmul.f32 v13, v14;
	v13 =	vld [tilespmem:s30+$0xA1F0]  }
0x1fb: {  	[tilespmem:s30+$0xA190] =	vst v10;
	v10 =	vmul.f32 v17, v14;
	v16 =	vld [tilespmem:s30+$0xA200]  }
0x1fc: {  	[tilespmem:s30+$0xA1A0] =	vst v9;
	v9 =	vmul.f32 v11, v14;
	v11 =	vld [tilespmem:s30+$0xA210]  }
0x1fd: {  	[tilespmem:s30+$0xA1B0] =	vst v10;
	v10 =	vmul.f32 v15, v14;
	v15 =	vld [tilespmem:s30+$0xA220]  }
0x1fe: {  	[tilespmem:s30+$0xA1C0] =	vst v9;
	v9 =	vmul.f32 v12, v14;
	v12 =	vld [tilespmem:s30+$0xA230]  }
0x1ff: {  	[tilespmem:s30+$0xA1D0] =	vst v10;
	v10 =	vmul.f32 v13, v14;
	v13 =	vld [tilespmem:s30+$0xA240]  }
0x200: {  	[tilespmem:s30+$0xA1E0] =	vst v9;
	v9 =	vmul.f32 v16, v8;
	v14 =	vld [tilespmem:s30+$0xA250]  }
0x201: {  	[tilespmem:s30+$0xA1F0] =	vst v10;
	v10 =	vmul.f32 v11, v8;
	v11 =	vld [tilespmem:s30+$0xA260]  }
0x202: {  	[tilespmem:s30+$0xA200] =	vst v9;
	v9 =	vmul.f32 v15, v8;
	v15 =	vld [tilespmem:s30+$0xA270]  }
0x203: {  	[tilespmem:s30+$0xA210] =	vst v10;
	v10 =	vmul.f32 v12, v8;
	v12 =	vld [tilespmem:s30+$0xA280]  }
0x204: {  	[tilespmem:s30+$0xA220] =	vst v9;
	v9 =	vmul.f32 v13, v8;
	v13 =	vld [tilespmem:s30+$0xA290]  }
0x205: {  	[tilespmem:s30+$0xA230] =	vst v10;
	v10 =	vmul.f32 v14, v8;
	v14 =	vld [tilespmem:s30+$0xA2A0]  }
0x206: {  	[tilespmem:s30+$0xA240] =	vst v9;
	v9 =	vmul.f32 v11, v8;
	v11 =	vbroadcast v2, $0x5;
	v16 =	vld [tilespmem:s30+$0xA2B0]  }
0x207: {  	[tilespmem:s30+$0xA250] =	vst v10;
	v8 =	vmul.f32 v15, v8;
	v10 =	vld [tilespmem:s30+$0xA2C0]  }
0x208: {  	[tilespmem:s30+$0xA260] =	vst v9;
	v9 =	vmul.f32 v12, v11;
	v12 =	vld [tilespmem:s30+$0xA2D0]  }
0x209: {  	[tilespmem:s30+$0xA270] =	vst v8;
	v8 =	vmul.f32 v13, v11;
	v13 =	vld [tilespmem:s30+$0xA2E0]  }
0x20a: {  	[tilespmem:s30+$0xA280] =	vst v9;
	v9 =	vmul.f32 v14, v11;
	v14 =	vld [tilespmem:s30+$0xA2F0]  }
0x20b: {  	[tilespmem:s30+$0xA290] =	vst v8;
	v8 =	vmul.f32 v16, v11;
	v15 =	vld [tilespmem:s30+$0xA300]  }
0x20c: {  	[tilespmem:s30+$0xA2A0] =	vst v9;
	v9 =	vmul.f32 v10, v11;
	v10 =	vld [tilespmem:s30+$0xA310]  }
0x20d: {  	[tilespmem:s30+$0xA2B0] =	vst v8;
	v8 =	vmul.f32 v12, v11;
	v12 =	vld [tilespmem:s30+$0xA320]  }
0x20e: {  	[tilespmem:s30+$0xA2C0] =	vst v9;
	v9 =	vmul.f32 v13, v11;
	v13 =	vbroadcast v2, $0x6;
	v16 =	vld [tilespmem:s30+$0xA330]  }
0x20f: {  	[tilespmem:s30+$0xA2D0] =	vst v8;
	v8 =	vmul.f32 v14, v11;
	v11 =	vld [tilespmem:s30+$0xA340]  }
0x210: {  	[tilespmem:s30+$0xA2E0] =	vst v9;
	v9 =	vmul.f32 v15, v13;
	v14 =	vld [tilespmem:s30+$0xA350]  }
0x211: {  	[tilespmem:s30+$0xA2F0] =	vst v8;
	v8 =	vmul.f32 v10, v13;
	v10 =	vld [tilespmem:s30+$0xA360]  }
0x212: {  	[tilespmem:s30+$0xA300] =	vst v9;
	v9 =	vmul.f32 v12, v13;
	v12 =	vld [tilespmem:s30+$0xA370]  }
0x213: {  	[tilespmem:s30+$0xA310] =	vst v8;
	v8 =	vmul.f32 v16, v13;
	v15 =	vld [tilespmem:s30+$0xA380]  }
0x214: {  	[tilespmem:s30+$0xA320] =	vst v9;
	v9 =	vmul.f32 v11, v13;
	v11 =	vld [tilespmem:s30+$0xA390]  }
0x215: {  	[tilespmem:s30+$0xA330] =	vst v8;
	v8 =	vmul.f32 v14, v13;
	v14 =	vld [tilespmem:s30+$0xA3A0]  }
0x216: {  	[tilespmem:s30+$0xA340] =	vst v9;
	v9 =	vmul.f32 v10, v13;
	v10 =	vbroadcast v2, $0x7;
	v16 =	vld [tilespmem:s30+$0xA3B0]  }
0x217: {  	[tilespmem:s30+$0xA350] =	vst v8;
	v8 =	vmul.f32 v12, v13;
	v12 =	vld [tilespmem:s30+$0xA3C0]  }
0x218: {  	[tilespmem:s30+$0xA360] =	vst v9;
	v9 =	vmul.f32 v15, v10;
	v13 =	vld [tilespmem:s30+$0xA3D0]  }
0x219: {  	[tilespmem:s30+$0xA370] =	vst v8;
	v8 =	vmul.f32 v11, v10;
	v11 =	vld [tilespmem:s30+$0xA3E0]  }
0x21a: {  	[tilespmem:s30+$0xA380] =	vst v9;
	v9 =	vmul.f32 v14, v10;
	v14 =	vld [tilespmem:s30+$0xA3F0]  }
0x21b: {  	[tilespmem:s30+$0xA390] =	vst v8;
	v8 =	vmul.f32 v16, v10;
	v15 =	vld [tilespmem:s30+$0xA400]  }
0x21c: {  	[tilespmem:s30+$0xA3A0] =	vst v9;
	v9 =	vmul.f32 v12, v10;
	v12 =	vld [tilespmem:s30+$0xA410]  }
0x21d: {  	[tilespmem:s30+$0xA3B0] =	vst v8;
	v8 =	vmul.f32 v13, v10;
	v13 =	vld [tilespmem:s30+$0xA420]  }
0x21e: {  	[tilespmem:s30+$0xA3C0] =	vst v9;
	v9 =	vmul.f32 v11, v10;
	v11 =	vbroadcast v2, $0x8;
	v16 =	vld [tilespmem:s30+$0xA430]  }
0x21f: {  	[tilespmem:s30+$0xA3D0] =	vst v8;
	v8 =	vmul.f32 v14, v10;
	v10 =	vld [tilespmem:s30+$0xA440]  }
0x220: {  	[tilespmem:s30+$0xA3E0] =	vst v9;
	v9 =	vmul.f32 v15, v11;
	v14 =	vld [tilespmem:s30+$0xA450]  }
0x221: {  	[tilespmem:s30+$0xA3F0] =	vst v8;
	v8 =	vmul.f32 v12, v11;
	v12 =	vld [tilespmem:s30+$0xA460]  }
0x222: {  	[tilespmem:s30+$0xA400] =	vst v9;
	v9 =	vmul.f32 v13, v11;
	v13 =	vld [tilespmem:s30+$0xA470]  }
0x223: {  	[tilespmem:s30+$0xA410] =	vst v8;
	v8 =	vmul.f32 v16, v11;
	v15 =	vld [tilespmem:s30+$0xA480]  }
0x224: {  	[tilespmem:s30+$0xA420] =	vst v9;
	v9 =	vmul.f32 v10, v11;
	v10 =	vld [tilespmem:s30+$0xA490]  }
0x225: {  	[tilespmem:s30+$0xA430] =	vst v8;
	v8 =	vmul.f32 v14, v11;
	v14 =	vld [tilespmem:s30+$0xA4A0]  }
0x226: {  	[tilespmem:s30+$0xA440] =	vst v9;
	v9 =	vmul.f32 v12, v11;
	v12 =	vbroadcast v2, $0x9;
	v16 =	vld [tilespmem:s30+$0xA4B0]  }
0x227: {  	[tilespmem:s30+$0xA450] =	vst v8;
	v8 =	vmul.f32 v13, v11;
	v11 =	vld [tilespmem:s30+$0xA4C0]  }
0x228: {  	[tilespmem:s30+$0xA460] =	vst v9;
	v9 =	vmul.f32 v15, v12;
	v13 =	vld [tilespmem:s30+$0xA4D0]  }
0x229: {  	[tilespmem:s30+$0xA470] =	vst v8;
	v8 =	vmul.f32 v10, v12;
	v10 =	vld [tilespmem:s30+$0xA4E0]  }
0x22a: {  	[tilespmem:s30+$0xA480] =	vst v9;
	v9 =	vmul.f32 v14, v12;
	v14 =	vld [tilespmem:s30+$0xA4F0]  }
0x22b: {  	[tilespmem:s30+$0xA490] =	vst v8;
	v8 =	vmul.f32 v16, v12;
	v15 =	vld [tilespmem:s30+$0xA500]  }
0x22c: {  	[tilespmem:s30+$0xA4A0] =	vst v9;
	v9 =	vmul.f32 v11, v12;
	v11 =	vld [tilespmem:s30+$0xA510]  }
0x22d: {  	[tilespmem:s30+$0xA4B0] =	vst v8;
	v8 =	vmul.f32 v13, v12;
	v13 =	vld [tilespmem:s30+$0xA520]  }
0x22e: {  	[tilespmem:s30+$0xA4C0] =	vst v9;
	v9 =	vmul.f32 v10, v12;
	v10 =	vld [tilespmem:s30+$0xA530]  }
0x22f: {  	[tilespmem:s30+$0xA4D0] =	vst v8;
	v8 =	vmul.f32 v14, v12;
	v12 =	vld [tilespmem:s30+$0xA540]  }
0x230: {  	[tilespmem:s30+$0xA4E0] =	vst v9;
	v9 =	vmul.f32 v15, v5;
	v14 =	vld [tilespmem:s30+$0xA550]  }
0x231: {  	[tilespmem:s30+$0xA4F0] =	vst v8;
	v8 =	vmul.f32 v11, v5;
	v11 =	vld [tilespmem:s30+$0xA560]  }
0x232: {  	v15 =	vld [tilespmem:s30+$0xA000];
	[tilespmem:s30+$0xA500] =	vst v9;
	v9 =	vmul.f32 v13, v5  }
0x233: {  	v13 =	vld [tilespmem:s30+$0xA010];
	[tilespmem:s30+$0xA510] =	vst v8;
	v8 =	vmul.f32 v10, v5  }
0x234: {  	v10 =	vld [tilespmem:s30+$0xA040];
	[tilespmem:s30+$0xA520] =	vst v9;
	v9 =	vmul.f32 v12, v5  }
0x235: {  	v12 =	vld [tilespmem:s30+$0xA050];
	[tilespmem:s30+$0xA530] =	vst v8;
	v8 =	vmul.f32 v14, v5  }
0x236: {  	[tilespmem:s30+$0xA540] =	vst v9;
	v9 =	vmul.f32 v11, v5;
	v11 =	vbroadcast v2, $0xB;
	v14 =	vld [tilespmem:s30+$0xA5A0]  }
0x237: {  	v5 =	vbroadcast v2, $0xF;
	v15 =	vmul.f32 v3, v15;
	[tilespmem:s30+$0xA550] =	vst v8;
	v8 =	vld [tilespmem:s30+$0xA5B0]  }
0x238: {  	v13 =	vmul.f32 v13, v3;
	[tilespmem:s30+$0xA560] =	vst v9;
	v6 =	vmul.f32 v6, v11;
	v9 =	vld [tilespmem:s30+$0xA5C0]  }
0x239: {  	v7 =	vmul.f32 v7, v11;
	[tilespmem:s30+$0xA000] =	vst v15;
	v10 =	vmul.f32 v10, v3;
	v15 =	vld [tilespmem:s30+$0xA5D0]  }
0x23a: {  	v4 =	vmul.f32 v4, v5;
	v12 =	vmul.f32 v12, v3;
	[tilespmem:s30+$0xA580] =	vst v6;
	v3 =	vld [tilespmem:s30+$0xA5E0]  }
0x23b: {  	[tilespmem:s30+$0xA590] =	vst v7;
	v6 =	vmul.f32 v14, v11;
	v7 =	vld [tilespmem:s30+$0xA5F0]  }
0x23c: {  	v8 =	vmul.f32 v8, v11;
	v14 =	vld [tilespmem:s30+$0xA600];
	[tilespmem:s30+$0xA7D0] =	vst v4  }
0x23d: {  	[tilespmem:s30+$0xA010] =	vst v13;
	v4 =	vmul.f32 v9, v11;
	v9 =	vld [tilespmem:s30+$0xA610]  }
0x23e: {  	[tilespmem:s30+$0xA040] =	vst v10;
	v10 =	vmul.f32 v15, v11;
	v13 =	vld [tilespmem:s30+$0xA620]  }
0x23f: {  	v15 =	vbroadcast v2, $0xC;
	[tilespmem:s30+$0xA5A0] =	vst v6;
	v6 =	vmul.f32 v3, v11;
	v16 =	vld [tilespmem:s30+$0xA630]  }
0x240: {  	[tilespmem:s30+$0xA5D0] =	vst v10;
	v7 =	vmul.f32 v7, v11;
	v10 =	vld [tilespmem:s30+$0xA640]  }
0x241: {  	[tilespmem:s30+$0xA5B0] =	vst v8;
	v3 =	vmul.f32 v14, v15;
	v8 =	vld [tilespmem:s30+$0xA650]  }
0x242: {  	[tilespmem:s30+$0xA5C0] =	vst v4;
	v4 =	vmul.f32 v9, v15;
	v9 =	vld [tilespmem:s30+$0xA660]  }
0x243: {  	[tilespmem:s30+$0xA600] =	vst v3;
	v3 =	vmul.f32 v13, v15;
	v11 =	vld [tilespmem:s30+$0xA670]  }
0x244: {  	[tilespmem:s30+$0xA610] =	vst v4;
	v4 =	vld [tilespmem:s30+$0xA680]  }
0x245: {  	[tilespmem:s30+$0xA050] =	vst v12;
	v10 =	vmul.f32 v10, v15;
	v12 =	vld [tilespmem:s30+$0xA690]  }
0x246: {  	[tilespmem:s30+$0xA5E0] =	vst v6;
	v6 =	vmul.f32 v8, v15;
	v8 =	vld [tilespmem:s30+$0xA6A0]  }
0x247: {  	[tilespmem:s30+$0xA640] =	vst v10;
	v9 =	vmul.f32 v9, v15;
	v10 =	vbroadcast v2, $0xD;
	v13 =	vld [tilespmem:s30+$0xA6B0]  }
0x248: {  	[tilespmem:s30+$0xA650] =	vst v6;
	v6 =	vmul.f32 v11, v15;
	v11 =	vld [tilespmem:s30+$0xA6C0]  }
0x249: {  	[tilespmem:s30+$0xA660] =	vst v9;
	v4 =	vmul.f32 v4, v10;
	v9 =	vld [tilespmem:s30+$0xA6D0]  }
0x24a: {  	[tilespmem:s30+$0xA670] =	vst v6;
	v6 =	vmul.f32 v12, v10;
	v12 =	vld [tilespmem:s30+$0xA6E0]  }
0x24b: {  	[tilespmem:s30+$0xA680] =	vst v4;
	v4 =	vmul.f32 v8, v10;
	v8 =	vld [tilespmem:s30+$0xA6F0]  }
0x24c: {  	[tilespmem:s30+$0xA690] =	vst v6;
	v6 =	vmul.f32 v13, v10;
	v13 =	vld [tilespmem:s30+$0xA700]  }
0x24d: {  	[tilespmem:s30+$0xA6A0] =	vst v4;
	v4 =	vmul.f32 v11, v10;
	v11 =	vld [tilespmem:s30+$0xA710]  }
0x24e: {  	[tilespmem:s30+$0xA6B0] =	vst v6;
	v6 =	vmul.f32 v9, v10;
	v9 =	vld [tilespmem:s30+$0xA720]  }
0x24f: {  	v2 =	vbroadcast v2, $0xE;
	[tilespmem:s30+$0xA5F0] =	vst v7;
	v7 =	vmul.f32 v12, v10;
	v12 =	vld [tilespmem:s30+$0xA730]  }
0x250: {  	[tilespmem:s30+$0xA6D0] =	vst v6;
	v6 =	vmul.f32 v8, v10;
	v8 =	vld [tilespmem:s30+$0xA740]  }
0x251: {  	[tilespmem:s30+$0xA6E0] =	vst v7;
	v7 =	vmul.f32 v13, v2;
	v10 =	vld [tilespmem:s30+$0xA750]  }
0x252: {  	[tilespmem:s30+$0xA6F0] =	vst v6;
	v6 =	vmul.f32 v11, v2;
	v11 =	vld [tilespmem:s30+$0xA760]  }
0x253: {  	[tilespmem:s30+$0xA700] =	vst v7;
	v7 =	vmul.f32 v9, v2;
	v9 =	vld [tilespmem:s30+$0xA770]  }
0x254: {  	[tilespmem:s30+$0xA710] =	vst v6;
	v6 =	vmul.f32 v12, v2;
	v12 =	vld [tilespmem:s30+$0xA780]  }
0x255: {  	[tilespmem:s30+$0xA720] =	vst v7;
	v7 =	vmul.f32 v8, v2;
	v8 =	vld [tilespmem:s30+$0xA790]  }
0x256: {  	[tilespmem:s30+$0xA730] =	vst v6;
	v6 =	vmul.f32 v10, v2;
	v10 =	vld [tilespmem:s30+$0xA7A0]  }
0x257: {  	[tilespmem:s30+$0xA740] =	vst v7;
	v7 =	vmul.f32 v11, v2;
	v11 =	vld [tilespmem:s30+$0xA7B0]  }
0x258: {  	[tilespmem:s30+$0xA6C0] =	vst v4;
	v2 =	vmul.f32 v9, v2;
	v4 =	vld [tilespmem:s30+$0xA7C0]  }
0x259: {  	[tilespmem:s30+$0xA760] =	vst v7;
	v7 =	vmul.f32 v12, v5;
	v9 =	vld [tilespmem:s30+$0xA7E0]  }
0x25a: {  	[tilespmem:s30+$0xA770] =	vst v2;
	v2 =	vmul.f32 v8, v5;
	v8 =	vld [tilespmem:s30+$0xA7F0]  }
0x25b: {  	[tilespmem:s30+$0xA780] =	vst v7;
	v7 =	vmul.f32 v10, v5  }
0x25c: {  	[tilespmem:s30+$0xA790] =	vst v2;
	v2 =	vmul.f32 v11, v5  }
0x25d: {  	v10 =	vmul.f32 v16, v15;
	[tilespmem:s30+$0xA7A0] =	vst v7  }
0x25e: {  	[tilespmem:s30+$0xA7B0] =	vst v2;
	v2 =	vmul.f32 v4, v5  }
.Ltmp2:
0x25f: {  	[tilespmem:s30+$0xA630] =	vst v10;
	v4 =	vmul.f32 v8, v5;
	(pc) =	sbr.rel @p0 .LBB2_7-.Ltmp2, $4  }
0x260: {  	[tilespmem:s30+$0xA7C0] =	vst v2  }
0x261: {  	v2 =	vmul.f32 v9, v5;
	[tilespmem:s30+$0xA7F0] =	vst v4  }
0x262: {  	[tilespmem:s30+$0xA750] =	vst v6  }
0x263: {  	[tilespmem:s30+$0xA7E0] =	vst v2  }
0x264: {  	p0 =	seq.s32 s1, $0x4F  }
.Ltmp3:
0x265: {  	_ = 	snop;
	(pc) =	sbr.rel @p0 .LBB2_10-.Ltmp3, $3  }
0x266: {  	_ =	sdelay $0x1  }
0x267: {  	[tilespmem:s30+$0xA620] =	vst v3  }
0x268: {  	[spmem:s2] =	stream.indirect.scatter.add.f32 [tilespmem:s17], [sflag:$0x3], $0x80, s24, s19, $0xb8;
	[tilespmem:$0x1DB80] =	vst v63  }
0x269: {  	_ =	swait.ge [sflag:s28], $0x4000  }
0x26a: {  	[sflag:s28] =	ssyncset.done $0x0  }
0x26b: {  	[sflag:s28] =	ssyncadd.s32 $0xFFFFC000  }
0x26c: {  	v2 =	vld [tilespmem:s16+$0x5100];
	_ =	sdelay $0x4  }
0x26d: {  	v3 =	vshrl.u32 v2, $0xE  }
0x26e: {  	v2 =	vand.u32 $0x3FFF, v2  }
0x26f: {  	v4 =	vsub.s32 v2, v0  }
0x270: {  	[tilespmem:$0x12100] =	vst v3;
	v4 =	vmin.u32 v4, $0x1400  }
0x271: {  	[tilespmem:$0x12200] =	vst v4  }
0x272: {  	v3 =	vld.idx.msk [tilespmem:v3+s4+$0x0], $0xffff  }
0x273: {  	v2 =	vld.idx.msk [tilespmem:v2+s15+$0x0], $0xffff;
	_ =	sdelay $0x4  }
0x274: {  	v2 =	vadd.f32 v2, v3;
	_ =	sdelay $0x1  }
0x275: {  	v3 =	vmul.f32 $2.000000030e-01, v2;
	_ =	sdelay $0x1  }
0x276: {  	v2 =	vmax.f32 v2, v3  }
0x277: {  	v2 =	vmul.f32 $1.442695020e+00, v2;
	_ =	sdelay $0x1  }
0x278: {  	(erf) = vpow2.f32 v2;
	_ =	sdelay $0x8  }
0x279: {  	v2 =	vpop (erf)  }
0x27a: {  	[tilespmem:$0x12000] =	vst v2  }
0x27b: {  	[tilespmem:v4+s18+$0x0] =	vst.idx.add.f32.msk $0xffff, v2  }
0x27c: {  	v2 =	vld [tilespmem:s16+$0x5110];
	_ =	sdelay $0x4  }
0x27d: {  	v3 =	vshrl.u32 v2, $0xE  }
0x27e: {  	v2 =	vand.u32 $0x3FFF, v2  }
0x27f: {  	v57 =	vsub.s32 v2, v0  }
0x280: {  	[tilespmem:$0x12110] =	vst v3;
	v4 =	vmin.u32 v57, $0x1400  }
0x281: {  	[tilespmem:$0x12210] =	vst v4  }
0x282: {  	v3 =	vld.idx.msk [tilespmem:v3+s4+$0x0], $0xffff  }
0x283: {  	v2 =	vld.idx.msk [tilespmem:v2+s15+$0x0], $0xffff;
	_ =	sdelay $0x4  }
0x284: {  	v2 =	vadd.f32 v2, v3;
	_ =	sdelay $0x1  }
0x285: {  	v3 =	vmul.f32 $2.000000030e-01, v2;
	_ =	sdelay $0x1  }
0x286: {  	v2 =	vmax.f32 v2, v3  }
0x287: {  	v2 =	vmul.f32 $1.442695020e+00, v2;
	_ =	sdelay $0x1  }
0x288: {  	(erf) = vpow2.f32 v2;
	_ =	sdelay $0x8  }
0x289: {  	v2 =	vpop (erf)  }
0x28a: {  	[tilespmem:$0x12010] =	vst v2  }
0x28b: {  	[tilespmem:v4+s18+$0x0] =	vst.idx.add.f32.msk $0xffff, v2  }
0x28c: {  	v2 =	vld [tilespmem:s16+$0x5120];
	_ =	sdelay $0x4  }
0x28d: {  	v3 =	vshrl.u32 v2, $0xE  }
0x28e: {  	v2 =	vand.u32 $0x3FFF, v2  }
0x28f: {  	v58 =	vsub.s32 v2, v0  }
0x290: {  	[tilespmem:$0x12120] =	vst v3;
	v4 =	vmin.u32 v58, $0x1400  }
0x291: {  	[tilespmem:$0x12220] =	vst v4  }
0x292: {  	v3 =	vld.idx.msk [tilespmem:v3+s4+$0x0], $0xffff  }
0x293: {  	v2 =	vld.idx.msk [tilespmem:v2+s15+$0x0], $0xffff;
	_ =	sdelay $0x4  }
0x294: {  	v2 =	vadd.f32 v2, v3;
	_ =	sdelay $0x1  }
0x295: {  	v3 =	vmul.f32 $2.000000030e-01, v2;
	_ =	sdelay $0x1  }
0x296: {  	v2 =	vmax.f32 v2, v3  }
0x297: {  	v2 =	vmul.f32 $1.442695020e+00, v2;
	_ =	sdelay $0x1  }
0x298: {  	(erf) = vpow2.f32 v2;
	_ =	sdelay $0x8  }
0x299: {  	v2 =	vpop (erf)  }
0x29a: {  	[tilespmem:$0x12020] =	vst v2  }
0x29b: {  	[tilespmem:v4+s18+$0x0] =	vst.idx.add.f32.msk $0xffff, v2  }
0x29c: {  	v2 =	vld [tilespmem:s16+$0x5130];
	_ =	sdelay $0x4  }
0x29d: {  	v3 =	vshrl.u32 v2, $0xE  }
0x29e: {  	v2 =	vand.u32 $0x3FFF, v2  }
0x29f: {  	v59 =	vsub.s32 v2, v0  }
0x2a0: {  	[tilespmem:$0x12130] =	vst v3;
	v4 =	vmin.u32 v59, $0x1400  }
0x2a1: {  	[tilespmem:$0x12230] =	vst v4  }
0x2a2: {  	v3 =	vld.idx.msk [tilespmem:v3+s4+$0x0], $0xffff  }
0x2a3: {  	v2 =	vld.idx.msk [tilespmem:v2+s15+$0x0], $0xffff;
	_ =	sdelay $0x4  }
0x2a4: {  	v2 =	vadd.f32 v2, v3;
	_ =	sdelay $0x1  }
0x2a5: {  	v3 =	vmul.f32 $2.000000030e-01, v2;
	_ =	sdelay $0x1  }
0x2a6: {  	v2 =	vmax.f32 v2, v3  }
0x2a7: {  	v2 =	vmul.f32 $1.442695020e+00, v2;
	_ =	sdelay $0x1  }
0x2a8: {  	(erf) = vpow2.f32 v2;
	_ =	sdelay $0x8  }
0x2a9: {  	v2 =	vpop (erf)  }
0x2aa: {  	[tilespmem:$0x12030] =	vst v2  }
0x2ab: {  	[tilespmem:v4+s18+$0x0] =	vst.idx.add.f32.msk $0xffff, v2  }
0x2ac: {  	v2 =	vld [tilespmem:s16+$0x5140];
	_ =	sdelay $0x4  }
0x2ad: {  	v3 =	vshrl.u32 v2, $0xE  }
0x2ae: {  	v2 =	vand.u32 $0x3FFF, v2  }
0x2af: {  	v60 =	vsub.s32 v2, v0  }
0x2b0: {  	[tilespmem:$0x12140] =	vst v3;
	v4 =	vmin.u32 v60, $0x1400  }
0x2b1: {  	[tilespmem:$0x12240] =	vst v4  }
0x2b2: {  	v3 =	vld.idx.msk [tilespmem:v3+s4+$0x0], $0xffff  }
0x2b3: {  	v2 =	vld.idx.msk [tilespmem:v2+s15+$0x0], $0xffff;
	_ =	sdelay $0x4  }
0x2b4: {  	v2 =	vadd.f32 v2, v3;
	_ =	sdelay $0x1  }
0x2b5: {  	v3 =	vmul.f32 $2.000000030e-01, v2;
	_ =	sdelay $0x1  }
0x2b6: {  	v2 =	vmax.f32 v2, v3  }
0x2b7: {  	v2 =	vmul.f32 $1.442695020e+00, v2;
	_ =	sdelay $0x1  }
0x2b8: {  	(erf) = vpow2.f32 v2;
	_ =	sdelay $0x8  }
0x2b9: {  	v2 =	vpop (erf)  }
0x2ba: {  	[tilespmem:$0x12040] =	vst v2  }
0x2bb: {  	[tilespmem:v4+s18+$0x0] =	vst.idx.add.f32.msk $0xffff, v2  }
0x2bc: {  	v2 =	vld [tilespmem:s16+$0x5150];
	_ =	sdelay $0x4  }
0x2bd: {  	v3 =	vshrl.u32 v2, $0xE  }
0x2be: {  	v2 =	vand.u32 $0x3FFF, v2  }
0x2bf: {  	v61 =	vsub.s32 v2, v0  }
0x2c0: {  	[tilespmem:$0x12150] =	vst v3;
	v4 =	vmin.u32 v61, $0x1400  }
0x2c1: {  	[tilespmem:$0x12250] =	vst v4  }
0x2c2: {  	v3 =	vld.idx.msk [tilespmem:v3+s4+$0x0], $0xffff  }
0x2c3: {  	v2 =	vld.idx.msk [tilespmem:v2+s15+$0x0], $0xffff;
	_ =	sdelay $0x4  }
0x2c4: {  	v2 =	vadd.f32 v2, v3;
	_ =	sdelay $0x1  }
0x2c5: {  	v3 =	vmul.f32 $2.000000030e-01, v2;
	_ =	sdelay $0x1  }
0x2c6: {  	v2 =	vmax.f32 v2, v3  }
0x2c7: {  	v2 =	vmul.f32 $1.442695020e+00, v2;
	_ =	sdelay $0x1  }
0x2c8: {  	(erf) = vpow2.f32 v2;
	_ =	sdelay $0x8  }
0x2c9: {  	v2 =	vpop (erf)  }
0x2ca: {  	[tilespmem:$0x12050] =	vst v2  }
0x2cb: {  	[tilespmem:v4+s18+$0x0] =	vst.idx.add.f32.msk $0xffff, v2  }
0x2cc: {  	v2 =	vld [tilespmem:s16+$0x5160];
	_ =	sdelay $0x4  }
0x2cd: {  	v3 =	vshrl.u32 v2, $0xE  }
0x2ce: {  	v2 =	vand.u32 $0x3FFF, v2  }
0x2cf: {  	v62 =	vsub.s32 v2, v0  }
0x2d0: {  	[tilespmem:$0x12160] =	vst v3;
	v4 =	vmin.u32 v62, $0x1400  }
0x2d1: {  	[tilespmem:$0x12260] =	vst v4  }
0x2d2: {  	v3 =	vld.idx.msk [tilespmem:v3+s4+$0x0], $0xffff  }
0x2d3: {  	v2 =	vld.idx.msk [tilespmem:v2+s15+$0x0], $0xffff;
	_ =	sdelay $0x4  }
0x2d4: {  	v2 =	vadd.f32 v2, v3;
	_ =	sdelay $0x1  }
0x2d5: {  	v3 =	vmul.f32 $2.000000030e-01, v2;
	_ =	sdelay $0x1  }
0x2d6: {  	v2 =	vmax.f32 v2, v3  }
0x2d7: {  	v2 =	vmul.f32 $1.442695020e+00, v2;
	_ =	sdelay $0x1  }
0x2d8: {  	(erf) = vpow2.f32 v2;
	_ =	sdelay $0x8  }
0x2d9: {  	v2 =	vpop (erf)  }
0x2da: {  	[tilespmem:$0x12060] =	vst v2  }
0x2db: {  	[tilespmem:v4+s18+$0x0] =	vst.idx.add.f32.msk $0xffff, v2  }
0x2dc: {  	v2 =	vld [tilespmem:s16+$0x5170];
	_ =	sdelay $0x4  }
0x2dd: {  	v3 =	vshrl.u32 v2, $0xE  }
0x2de: {  	v2 =	vand.u32 $0x3FFF, v2  }
0x2df: {  	v63 =	vsub.s32 v2, v0  }
0x2e0: {  	[tilespmem:$0x12170] =	vst v3;
	v4 =	vmin.u32 v63, $0x1400  }
0x2e1: {  	[tilespmem:$0x12270] =	vst v4  }
0x2e2: {  	v3 =	vld.idx.msk [tilespmem:v3+s4+$0x0], $0xffff  }
0x2e3: {  	v2 =	vld.idx.msk [tilespmem:v2+s15+$0x0], $0xffff;
	_ =	sdelay $0x4  }
0x2e4: {  	v2 =	vadd.f32 v2, v3;
	_ =	sdelay $0x1  }
0x2e5: {  	v3 =	vmul.f32 $2.000000030e-01, v2;
	_ =	sdelay $0x1  }
0x2e6: {  	v2 =	vmax.f32 v2, v3  }
0x2e7: {  	v2 =	vmul.f32 $1.442695020e+00, v2;
	_ =	sdelay $0x1  }
0x2e8: {  	(erf) = vpow2.f32 v2;
	_ =	sdelay $0x8  }
0x2e9: {  	v2 =	vpop (erf)  }
0x2ea: {  	[tilespmem:$0x12070] =	vst v2  }
0x2eb: {  	[tilespmem:v4+s18+$0x0] =	vst.idx.add.f32.msk $0xffff, v2  }
0x2ec: {  	[tilespmem:s17], [sflag:$0x1] =	stream.indirect.gather [hbm4b:s5+s19], $0x80, s20, s19, $0xb8;
	[tilespmem:$0x1DB80] =	vst v63  }
.LBB2_10:
0x2ed: {  	_ =	swait.ge [sflag:s25], $0x4000  }
0x2ee: {  	s3 =	simm.s32 $0x0;
	[sflag:s25] =	ssyncset.done $0x0  }
0x2ef: {  	s6 =	simm.s32 $0x0;
	s3 =	sand.u32 $0x3FFFFFF0, s3;
	[sflag:s25] =	ssyncadd.s32 $0xFFFFC000  }
0x2f0: {  	s16 =	sand.u32 $0x3FFFF800, s6;
	v2 =	vld [tilespmem:s3+$0x12080]  }
0x2f1: {  	v8 =	vld [tilespmem:s16+$0xE0C0]  }
0x2f2: {  	v4 =	vld [tilespmem:s16+$0xE020]  }
0x2f3: {  	v5 =	vld [tilespmem:s16+$0xE030]  }
0x2f4: {  	v11 =	vld [tilespmem:s16+$0xE060]  }
0x2f5: {  	v12 =	vld [tilespmem:s16+$0xE070];
	v3 =	vbroadcast v2, $0x0  }
0x2f6: {  	v13 =	vld [tilespmem:s16+$0xE080]  }
0x2f7: {  	v14 =	vld [tilespmem:s16+$0xE090];
	v4 =	vmul.f32 v4, v3  }
0x2f8: {  	v15 =	vld [tilespmem:s16+$0xE0A0];
	v5 =	vmul.f32 v5, v3  }
0x2f9: {  	v10 =	vld [tilespmem:s16+$0xE0B0];
	v21 =	vbroadcast v2, $0x1;
	v20 =	vmul.f32 v11, v3;
	[tilespmem:s16+$0xE020] =	vst v4  }
0x2fa: {  	v9 =	vld [tilespmem:s16+$0xE0D0];
	v12 =	vmul.f32 v12, v3;
	[tilespmem:s16+$0xE030] =	vst v5  }
0x2fb: {  	v7 =	vld [tilespmem:s16+$0xE570];
	v13 =	vmul.f32 v13, v21;
	[tilespmem:s16+$0xE060] =	vst v20  }
0x2fc: {  	v23 =	vld [tilespmem:s16+$0xE0F0];
	v14 =	vmul.f32 v14, v21;
	[tilespmem:s16+$0xE070] =	vst v12  }
0x2fd: {  	v24 =	vld [tilespmem:s16+$0xE100];
	v15 =	vmul.f32 v15, v21;
	[tilespmem:s16+$0xE080] =	vst v13  }
0x2fe: {  	v25 =	vld [tilespmem:s16+$0xE110];
	v10 =	vmul.f32 v10, v21;
	[tilespmem:s16+$0xE090] =	vst v14  }
0x2ff: {  	v22 =	vld [tilespmem:s16+$0xE0E0];
	v8 =	vmul.f32 v8, v21;
	[tilespmem:s16+$0xE0A0] =	vst v15  }
0x300: {  	v26 =	vld [tilespmem:s16+$0xE120];
	v16 =	vbroadcast v2, $0x2;
	v9 =	vmul.f32 v9, v21;
	[tilespmem:s16+$0xE0B0] =	vst v10  }
0x301: {  	v27 =	vld [tilespmem:s16+$0xE130];
	v11 =	vmul.f32 v23, v21;
	[tilespmem:s16+$0xE0C0] =	vst v8  }
0x302: {  	v28 =	vld [tilespmem:s16+$0xE140];
	v6 =	vbroadcast v2, $0xA;
	v30 =	vmul.f32 v24, v16;
	[tilespmem:s16+$0xE0D0] =	vst v9  }
0x303: {  	v29 =	vld [tilespmem:s16+$0xE150];
	v32 =	vmul.f32 v25, v16;
	[tilespmem:s16+$0xE0F0] =	vst v11  }
0x304: {  	v31 =	vld [tilespmem:s16+$0xE160];
	v4 =	vmul.f32 v7, v6;
	[tilespmem:s16+$0xE100] =	vst v30  }
0x305: {  	v33 =	vld [tilespmem:s16+$0xE170];
	v12 =	vmul.f32 v22, v21;
	[tilespmem:s16+$0xE110] =	vst v32  }
0x306: {  	v34 =	vld [tilespmem:s16+$0xE180];
	v10 =	vmul.f32 v26, v16;
	[tilespmem:s16+$0xE570] =	vst v4  }
0x307: {  	v35 =	vld [tilespmem:s16+$0xE190];
	v8 =	vmul.f32 v27, v16;
	[tilespmem:s16+$0xE0E0] =	vst v12  }
0x308: {  	v36 =	vld [tilespmem:s16+$0xE1A0];
	v9 =	vmul.f32 v28, v16;
	[tilespmem:s16+$0xE120] =	vst v10  }
0x309: {  	v37 =	vld [tilespmem:s16+$0xE1B0];
	v39 =	vbroadcast v2, $0x3;
	v11 =	vmul.f32 v31, v16;
	[tilespmem:s16+$0xE130] =	vst v8  }
0x30a: {  	v38 =	vld [tilespmem:s16+$0xE1C0];
	v13 =	vmul.f32 v33, v16;
	[tilespmem:s16+$0xE140] =	vst v9  }
0x30b: {  	v40 =	vld [tilespmem:s16+$0xE1D0];
	v14 =	vmul.f32 v34, v39;
	[tilespmem:s16+$0xE160] =	vst v11  }
0x30c: {  	v41 =	vld [tilespmem:s16+$0xE1E0];
	v12 =	vmul.f32 v29, v16;
	[tilespmem:s16+$0xE170] =	vst v13  }
0x30d: {  	v42 =	vld [tilespmem:s16+$0xE1F0];
	v10 =	vmul.f32 v35, v39;
	[tilespmem:s16+$0xE180] =	vst v14  }
0x30e: {  	v43 =	vld [tilespmem:s16+$0xE200];
	v8 =	vmul.f32 v36, v39;
	[tilespmem:s16+$0xE150] =	vst v12  }
0x30f: {  	v44 =	vld [tilespmem:s16+$0xE210];
	v9 =	vmul.f32 v37, v39;
	[tilespmem:s16+$0xE190] =	vst v10  }
0x310: {  	v45 =	vld [tilespmem:s16+$0xE220];
	v11 =	vmul.f32 v40, v39;
	[tilespmem:s16+$0xE1A0] =	vst v8  }
0x311: {  	v46 =	vld [tilespmem:s16+$0xE230];
	v13 =	vmul.f32 v41, v39;
	[tilespmem:s16+$0xE1B0] =	vst v9  }
0x312: {  	v47 =	vld [tilespmem:s16+$0xE240];
	v48 =	vbroadcast v2, $0x4;
	v14 =	vmul.f32 v42, v39;
	[tilespmem:s16+$0xE1D0] =	vst v11  }
0x313: {  	v49 =	vld [tilespmem:s16+$0xE250];
	v12 =	vmul.f32 v38, v39;
	[tilespmem:s16+$0xE1E0] =	vst v13  }
0x314: {  	v50 =	vld [tilespmem:s16+$0xE260];
	v10 =	vmul.f32 v43, v48;
	[tilespmem:s16+$0xE1F0] =	vst v14  }
0x315: {  	v51 =	vld [tilespmem:s16+$0xE270];
	v8 =	vmul.f32 v44, v48;
	[tilespmem:s16+$0xE1C0] =	vst v12  }
0x316: {  	v52 =	vld [tilespmem:s16+$0xE280];
	v9 =	vmul.f32 v45, v48;
	[tilespmem:s16+$0xE200] =	vst v10  }
0x317: {  	v53 =	vld [tilespmem:s16+$0xE290];
	v11 =	vmul.f32 v47, v48;
	[tilespmem:s16+$0xE210] =	vst v8  }
0x318: {  	v54 =	vld [tilespmem:s16+$0xE2A0];
	v13 =	vmul.f32 v49, v48;
	[tilespmem:s16+$0xE220] =	vst v9  }
0x319: {  	v55 =	vld [tilespmem:s16+$0xE2B0];
	v14 =	vmul.f32 v50, v48;
	[tilespmem:s16+$0xE240] =	vst v11  }
0x31a: {  	v56 =	vld [tilespmem:s16+$0xE2C0];
	v57 =	vbroadcast v2, $0x5;
	v12 =	vmul.f32 v46, v48;
	[tilespmem:s16+$0xE250] =	vst v13  }
0x31b: {  	v58 =	vld [tilespmem:s16+$0xE2D0];
	v10 =	vmul.f32 v51, v48;
	[tilespmem:s16+$0xE260] =	vst v14  }
0x31c: {  	v59 =	vld [tilespmem:s16+$0xE2E0];
	v8 =	vmul.f32 v52, v57;
	[tilespmem:s16+$0xE230] =	vst v12  }
0x31d: {  	v60 =	vld [tilespmem:s16+$0xE2F0];
	v9 =	vmul.f32 v53, v57;
	[tilespmem:s16+$0xE270] =	vst v10  }
0x31e: {  	v61 =	vld [tilespmem:s16+$0xE300];
	v11 =	vmul.f32 v55, v57;
	[tilespmem:s16+$0xE280] =	vst v8  }
0x31f: {  	v62 =	vld [tilespmem:s16+$0xE310];
	v13 =	vmul.f32 v56, v57;
	[tilespmem:s16+$0xE290] =	vst v9  }
0x320: {  	v63 =	vld [tilespmem:s16+$0xE320];
	v14 =	vmul.f32 v58, v57;
	[tilespmem:s16+$0xE2B0] =	vst v11  }
0x321: {  	v20 =	vld [tilespmem:s16+$0xE330];
	v12 =	vmul.f32 v54, v57;
	[tilespmem:s16+$0xE2C0] =	vst v13  }
0x322: {  	v21 =	vld [tilespmem:s16+$0xE340];
	v22 =	vbroadcast v2, $0x6;
	v10 =	vmul.f32 v59, v57;
	[tilespmem:s16+$0xE2D0] =	vst v14  }
0x323: {  	v23 =	vld [tilespmem:s16+$0xE350];
	v8 =	vmul.f32 v60, v57;
	[tilespmem:s16+$0xE2A0] =	vst v12  }
0x324: {  	v24 =	vld [tilespmem:s16+$0xE360];
	v9 =	vmul.f32 v61, v22;
	[tilespmem:s16+$0xE2E0] =	vst v10  }
0x325: {  	v25 =	vld [tilespmem:s16+$0xE370];
	v11 =	vmul.f32 v63, v22;
	[tilespmem:s16+$0xE2F0] =	vst v8  }
0x326: {  	v5 =	vld [tilespmem:s16+$0xE580];
	v13 =	vmul.f32 v20, v22;
	[tilespmem:s16+$0xE300] =	vst v9  }
0x327: {  	v27 =	vld [tilespmem:s16+$0xE390];
	v14 =	vmul.f32 v21, v22;
	[tilespmem:s16+$0xE320] =	vst v11  }
0x328: {  	v28 =	vld [tilespmem:s16+$0xE3A0];
	v12 =	vmul.f32 v62, v22;
	[tilespmem:s16+$0xE330] =	vst v13  }
0x329: {  	v29 =	vld [tilespmem:s16+$0xE3B0];
	v10 =	vmul.f32 v23, v22;
	[tilespmem:s16+$0xE340] =	vst v14  }
0x32a: {  	v31 =	vbroadcast v2, $0x7;
	v53 =	vld [tilespmem:s16+$0xE500];
	v8 =	vmul.f32 v24, v22;
	[tilespmem:s16+$0xE310] =	vst v12  }
0x32b: {  	v58 =	vld [tilespmem:s16+$0xE550];
	v9 =	vmul.f32 v25, v22;
	[tilespmem:s16+$0xE350] =	vst v10  }
0x32c: {  	v26 =	vld [tilespmem:s16+$0xE380];
	v11 =	vmul.f32 v27, v31;
	[tilespmem:s16+$0xE360] =	vst v8  }
0x32d: {  	v30 =	vld [tilespmem:s16+$0xE3C0];
	v13 =	vmul.f32 v28, v31;
	[tilespmem:s16+$0xE370] =	vst v9  }
0x32e: {  	v32 =	vld [tilespmem:s16+$0xE3D0];
	v14 =	vmul.f32 v29, v31;
	[tilespmem:s16+$0xE390] =	vst v11  }
0x32f: {  	v33 =	vld [tilespmem:s16+$0xE3E0];
	v59 =	vmul.f32 v53, v6;
	[tilespmem:s16+$0xE3A0] =	vst v13  }
0x330: {  	v35 =	vld [tilespmem:s16+$0xE400];
	v21 =	vmul.f32 v58, v6;
	[tilespmem:s16+$0xE3B0] =	vst v14  }
0x331: {  	v36 =	vld [tilespmem:s16+$0xE410];
	v12 =	vmul.f32 v26, v31;
	[tilespmem:s16+$0xE500] =	vst v59  }
0x332: {  	v37 =	vld [tilespmem:s16+$0xE420];
	v10 =	vmul.f32 v30, v31;
	[tilespmem:s16+$0xE550] =	vst v21  }
0x333: {  	v7 =	vld [tilespmem:s16+$0xE590];
	v40 =	vbroadcast v2, $0x8;
	v8 =	vmul.f32 v32, v31;
	[tilespmem:s16+$0xE380] =	vst v12  }
0x334: {  	v34 =	vld [tilespmem:s16+$0xE3F0];
	v9 =	vmul.f32 v33, v31;
	[tilespmem:s16+$0xE3C0] =	vst v10  }
0x335: {  	v57 =	vld [tilespmem:s16+$0xE540];
	v11 =	vmul.f32 v35, v40;
	[tilespmem:s16+$0xE3D0] =	vst v8  }
0x336: {  	v61 =	vld [tilespmem:s16+$0xE000];
	v24 =	vbroadcast v2, $0xB;
	v13 =	vmul.f32 v36, v40;
	[tilespmem:s16+$0xE3E0] =	vst v9  }
0x337: {  	v4 =	vld [tilespmem:s16+$0xE7D0];
	v14 =	vmul.f32 v37, v40;
	[tilespmem:s16+$0xE400] =	vst v11  }
0x338: {  	v38 =	vld [tilespmem:s16+$0xE430];
	v5 =	vmul.f32 v5, v24;
	[tilespmem:s16+$0xE410] =	vst v13  }
0x339: {  	v39 =	vld [tilespmem:s16+$0xE440];
	v7 =	vmul.f32 v7, v24;
	[tilespmem:s16+$0xE420] =	vst v14  }
0x33a: {  	v41 =	vld [tilespmem:s16+$0xE450];
	v19 =	vmul.f32 v57, v6;
	[tilespmem:s16+$0xE580] =	vst v5  }
0x33b: {  	v43 =	vld [tilespmem:s16+$0xE470];
	v25 =	vmul.f32 v3, v61;
	[tilespmem:s16+$0xE590] =	vst v7  }
0x33c: {  	v44 =	vld [tilespmem:s16+$0xE480];
	v12 =	vmul.f32 v34, v31;
	[tilespmem:s16+$0xE540] =	vst v19  }
0x33d: {  	v45 =	vld [tilespmem:s16+$0xE490];
	v10 =	vmul.f32 v38, v40;
	[tilespmem:s16+$0xE000] =	vst v25  }
0x33e: {  	v27 =	vld [tilespmem:s16+$0xE5D0];
	v8 =	vmul.f32 v39, v40;
	[tilespmem:s16+$0xE3F0] =	vst v12  }
0x33f: {  	v49 =	vbroadcast v2, $0x9;
	v29 =	vld [tilespmem:s16+$0xE5F0];
	v9 =	vmul.f32 v41, v40;
	[tilespmem:s16+$0xE430] =	vst v10  }
0x340: {  	v42 =	vld [tilespmem:s16+$0xE460];
	v11 =	vmul.f32 v43, v40;
	[tilespmem:s16+$0xE440] =	vst v8  }
0x341: {  	v46 =	vld [tilespmem:s16+$0xE4A0];
	v13 =	vmul.f32 v44, v49;
	[tilespmem:s16+$0xE450] =	vst v9  }
0x342: {  	v47 =	vld [tilespmem:s16+$0xE4B0];
	v14 =	vmul.f32 v45, v49;
	[tilespmem:s16+$0xE470] =	vst v11  }
0x343: {  	v48 =	vld [tilespmem:s16+$0xE4C0];
	v32 =	vmul.f32 v27, v24;
	[tilespmem:s16+$0xE480] =	vst v13  }
0x344: {  	v51 =	vld [tilespmem:s16+$0xE4E0];
	v7 =	vmul.f32 v29, v24;
	[tilespmem:s16+$0xE490] =	vst v14  }
0x345: {  	v52 =	vld [tilespmem:s16+$0xE4F0];
	v12 =	vmul.f32 v42, v40;
	[tilespmem:s16+$0xE5D0] =	vst v32  }
0x346: {  	v10 =	vmul.f32 v46, v49;
	[tilespmem:s16+$0xE5F0] =	vst v7  }
0x347: {  	v28 =	vld [tilespmem:s16+$0xE5E0];
	v8 =	vmul.f32 v47, v49;
	[tilespmem:s16+$0xE460] =	vst v12  }
0x348: {  	v30 =	vld [tilespmem:s16+$0xE600];
	v9 =	vmul.f32 v48, v49;
	[tilespmem:s16+$0xE4A0] =	vst v10  }
0x349: {  	v50 =	vld [tilespmem:s16+$0xE4D0];
	v5 =	vbroadcast v2, $0xF;
	v11 =	vmul.f32 v51, v49;
	[tilespmem:s16+$0xE4B0] =	vst v8  }
0x34a: {  	v54 =	vld [tilespmem:s16+$0xE510];
	v13 =	vmul.f32 v52, v49;
	[tilespmem:s16+$0xE4C0] =	vst v9  }
0x34b: {  	v55 =	vld [tilespmem:s16+$0xE520];
	v35 =	vbroadcast v2, $0xC;
	v4 =	vmul.f32 v4, v5;
	[tilespmem:s16+$0xE4E0] =	vst v11  }
0x34c: {  	v56 =	vld [tilespmem:s16+$0xE530];
	v40 =	vmul.f32 v28, v24;
	[tilespmem:s16+$0xE4F0] =	vst v13  }
0x34d: {  	v60 =	vld [tilespmem:s16+$0xE560];
	v16 =	vmul.f32 v30, v35;
	[tilespmem:s16+$0xE7D0] =	vst v4  }
0x34e: {  	v62 =	vld [tilespmem:s16+$0xE010];
	v12 =	vmul.f32 v50, v49;
	[tilespmem:s16+$0xE5E0] =	vst v40  }
0x34f: {  	v63 =	vld [tilespmem:s16+$0xE040];
	v10 =	vmul.f32 v54, v6;
	[tilespmem:s16+$0xE600] =	vst v16  }
0x350: {  	v20 =	vld [tilespmem:s16+$0xE050];
	v8 =	vmul.f32 v55, v6;
	[tilespmem:s16+$0xE4D0] =	vst v12  }
0x351: {  	v33 =	vld [tilespmem:s16+$0xE630];
	v9 =	vmul.f32 v56, v6;
	[tilespmem:s16+$0xE510] =	vst v10  }
0x352: {  	v61 =	vld [tilespmem:s16+$0xE7F0];
	v6 =	vmul.f32 v60, v6;
	[tilespmem:s16+$0xE520] =	vst v8  }
0x353: {  	v38 =	vld [tilespmem:s16+$0xE670];
	v13 =	vmul.f32 v62, v3;
	[tilespmem:s16+$0xE530] =	vst v9  }
0x354: {  	v22 =	vld [tilespmem:s16+$0xE5A0];
	v4 =	vmul.f32 v63, v3;
	[tilespmem:s16+$0xE560] =	vst v6  }
0x355: {  	v23 =	vld [tilespmem:s16+$0xE5B0];
	v3 =	vmul.f32 v20, v3;
	[tilespmem:s16+$0xE010] =	vst v13  }
0x356: {  	v26 =	vld [tilespmem:s16+$0xE5C0];
	v62 =	vmul.f32 v33, v35;
	[tilespmem:s16+$0xE040] =	vst v4  }
0x357: {  	v31 =	vld [tilespmem:s16+$0xE610];
	v63 =	vmul.f32 v61, v5;
	[tilespmem:s16+$0xE050] =	vst v3  }
0x358: {  	v34 =	vld [tilespmem:s16+$0xE640];
	v16 =	vmul.f32 v38, v35;
	[tilespmem:s16+$0xE630] =	vst v62  }
0x359: {  	v41 =	vld [tilespmem:s16+$0xE6A0];
	v8 =	vmul.f32 v22, v24;
	[tilespmem:s16+$0xE7F0] =	vst v63  }
0x35a: {  	v46 =	vld [tilespmem:s16+$0xE6E0];
	v9 =	vmul.f32 v23, v24;
	[tilespmem:s16+$0xE670] =	vst v16  }
0x35b: {  	v6 =	vmul.f32 v26, v24;
	v3 =	vld [tilespmem:s16+$0xE690];
	[tilespmem:s16+$0xE5A0] =	vst v8  }
0x35c: {  	v36 =	vld [tilespmem:s16+$0xE650];
	v44 =	vbroadcast v2, $0xD;
	v10 =	vmul.f32 v31, v35;
	[tilespmem:s16+$0xE5B0] =	vst v9  }
0x35d: {  	v37 =	vld [tilespmem:s16+$0xE660];
	v13 =	vmul.f32 v34, v35;
	[tilespmem:s16+$0xE5C0] =	vst v6  }
0x35e: {  	v39 =	vld [tilespmem:s16+$0xE680];
	v12 =	vmul.f32 v41, v44;
	[tilespmem:s16+$0xE610] =	vst v10  }
0x35f: {  	v42 =	vld [tilespmem:s16+$0xE6B0];
	v51 =	vmul.f32 v46, v44;
	[tilespmem:s16+$0xE640] =	vst v13  }
0x360: {  	v48 =	vld [tilespmem:s16+$0xE710];
	[tilespmem:s16+$0xE6A0] =	vst v12;
	v3 =	vmul.f32 v3, v44  }
0x361: {  	v49 =	vld [tilespmem:s16+$0xE720];
	v9 =	vmul.f32 v36, v35;
	[tilespmem:s16+$0xE6E0] =	vst v51  }
0x362: {  	v6 =	vmul.f32 v37, v35;
	[tilespmem:s16+$0xE690] =	vst v3;
	v3 =	vld [tilespmem:s16+$0xE700]  }
0x363: {  	v2 =	vbroadcast v2, $0xE;
	v50 =	vld [tilespmem:s16+$0xE730];
	v10 =	vmul.f32 v39, v44;
	[tilespmem:s16+$0xE650] =	vst v9  }
0x364: {  	v45 =	vld [tilespmem:s16+$0xE6D0];
	v13 =	vmul.f32 v42, v44;
	[tilespmem:s16+$0xE660] =	vst v6  }
0x365: {  	v47 =	vld [tilespmem:s16+$0xE6F0];
	v12 =	vmul.f32 v48, v2;
	[tilespmem:s16+$0xE680] =	vst v10  }
0x366: {  	v43 =	vld [tilespmem:s16+$0xE6C0];
	v11 =	vmul.f32 v49, v2;
	[tilespmem:s16+$0xE6B0] =	vst v13  }
0x367: {  	v55 =	vld [tilespmem:s16+$0xE780];
	[tilespmem:s16+$0xE710] =	vst v12;
	v3 =	vmul.f32 v3, v2  }
0x368: {  	v57 =	vld [tilespmem:s16+$0xE7A0];
	v7 =	vmul.f32 v50, v2;
	[tilespmem:s16+$0xE720] =	vst v11  }
0x369: {  	v6 =	vmul.f32 v45, v44;
	[tilespmem:s16+$0xE700] =	vst v3;
	v3 =	vld [tilespmem:s16+$0xE770]  }
0x36a: {  	v52 =	vld [tilespmem:s16+$0xE740];
	v10 =	vmul.f32 v47, v44;
	[tilespmem:s16+$0xE730] =	vst v7  }
0x36b: {  	v56 =	vld [tilespmem:s16+$0xE790];
	v9 =	vmul.f32 v43, v44;
	[tilespmem:s16+$0xE6D0] =	vst v6  }
0x36c: {  	v54 =	vld [tilespmem:s16+$0xE760];
	v12 =	vmul.f32 v55, v5;
	[tilespmem:s16+$0xE6F0] =	vst v10  }
0x36d: {  	v58 =	vld [tilespmem:s16+$0xE7B0];
	v7 =	vmul.f32 v57, v5;
	[tilespmem:s16+$0xE6C0] =	vst v9  }
0x36e: {  	v53 =	vld [tilespmem:s16+$0xE750];
	[tilespmem:s16+$0xE780] =	vst v12;
	v3 =	vmul.f32 v3, v2  }
0x36f: {  	v59 =	vld [tilespmem:s16+$0xE7C0];
	v6 =	vmul.f32 v52, v2;
	[tilespmem:s16+$0xE7A0] =	vst v7  }
0x370: {  	v60 =	vld [tilespmem:s16+$0xE7E0];
	[tilespmem:s16+$0xE770] =	vst v3;
	v3 =	vmul.f32 v56, v5  }
0x371: {  	v10 =	vmul.f32 v54, v2;
	[tilespmem:s16+$0xE740] =	vst v6  }
0x372: {  	v4 =	vld [tilespmem:s16+$0xE620];
	[tilespmem:s16+$0xE790] =	vst v3;
	v3 =	vmul.f32 v58, v5  }
0x373: {  	[tilespmem:s16+$0xE760] =	vst v10;
	v2 =	vmul.f32 v53, v2  }
0x374: {  	[tilespmem:s16+$0xE7B0] =	vst v3;
	v3 =	vmul.f32 v59, v5  }
0x375: {  	[tilespmem:s16+$0xE750] =	vst v2;
	v5 =	vmul.f32 v60, v5  }
0x376: {  	[tilespmem:s16+$0xE7C0] =	vst v3  }
0x377: {  	s3 =	simm.s32 $0x1;
	v3 =	vmul.f32 v4, v35;
	[tilespmem:s16+$0xE7E0] =	vst v5  }
.LBB2_11:
0x378: {  	s6 =	sshll.u32 s3, $0x4  }
0x379: {  	p0 =	sne.s32 s3, $0x7;
	[tilespmem:s16+$0xE620] =	vst v3;
	s16 =	smov.u32 s3;
	s3 =	sadd.s32 $0x1, s3  }
0x37a: {  	s6 =	sand.u32 $0x3FFFFFF0, s6  }
0x37b: {  	v2 =	vld [tilespmem:s6+$0x12080];
	s6 =	sshll.u32 s16, $0xB  }
0x37c: {  	s16 =	sand.u32 $0x3FFFF800, s6  }
0x37d: {  	v9 =	vld [tilespmem:s16+$0xE0C0]  }
0x37e: {  	v10 =	vld [tilespmem:s16+$0xE0D0]  }
0x37f: {  	v11 =	vld [tilespmem:s16+$0xE0B0]  }
0x380: {  	v3 =	vbroadcast v2, $0x0;
	v4 =	vld [tilespmem:s16+$0xE020];
	v8 =	vbroadcast v2, $0x4  }
0x381: {  	v6 =	vld [tilespmem:s16+$0xE030]  }
0x382: {  	v7 =	vld [tilespmem:s16+$0xE570]  }
0x383: {  	v12 =	vld [tilespmem:s16+$0xE060]  }
0x384: {  	v13 =	vld [tilespmem:s16+$0xE070]  }
0x385: {  	v5 =	vbroadcast v2, $0xA;
	v4 =	vmul.f32 v4, v3;
	v14 =	vld [tilespmem:s16+$0xE080]  }
0x386: {  	v6 =	vmul.f32 v6, v3;
	v15 =	vld [tilespmem:s16+$0xE090]  }
0x387: {  	[tilespmem:s16+$0xE020] =	vst v4;
	v16 =	vld [tilespmem:s16+$0xE0A0];
	v4 =	vmul.f32 v7, v5  }
0x388: {  	[tilespmem:s16+$0xE030] =	vst v6;
	v7 =	vmul.f32 v12, v3;
	v12 =	vbroadcast v2, $0x1;
	v6 =	vld [tilespmem:s16+$0xE580]  }
0x389: {  	v13 =	vmul.f32 v13, v3;
	[tilespmem:s16+$0xE570] =	vst v4;
	v4 =	vld [tilespmem:s16+$0xE7D0]  }
0x38a: {  	[tilespmem:s16+$0xE060] =	vst v7;
	v14 =	vmul.f32 v14, v12;
	v7 =	vld [tilespmem:s16+$0xE590]  }
0x38b: {  	[tilespmem:s16+$0xE070] =	vst v13;
	v13 =	vmul.f32 v15, v12;
	v15 =	vld [tilespmem:s16+$0xE0E0]  }
0x38c: {  	[tilespmem:s16+$0xE080] =	vst v14;
	v14 =	vmul.f32 v16, v12;
	v16 =	vld [tilespmem:s16+$0xE0F0]  }
0x38d: {  	v11 =	vmul.f32 v11, v12;
	[tilespmem:s16+$0xE090] =	vst v13;
	v13 =	vld [tilespmem:s16+$0xE100]  }
0x38e: {  	v9 =	vmul.f32 v9, v12;
	[tilespmem:s16+$0xE0A0] =	vst v14;
	v14 =	vld [tilespmem:s16+$0xE110]  }
0x38f: {  	v10 =	vmul.f32 v10, v12;
	[tilespmem:s16+$0xE0B0] =	vst v11;
	v11 =	vld [tilespmem:s16+$0xE120]  }
0x390: {  	[tilespmem:s16+$0xE0C0] =	vst v9;
	v9 =	vmul.f32 v15, v12;
	v15 =	vbroadcast v2, $0x2;
	v17 =	vld [tilespmem:s16+$0xE130]  }
0x391: {  	[tilespmem:s16+$0xE0D0] =	vst v10;
	v10 =	vmul.f32 v16, v12;
	v12 =	vld [tilespmem:s16+$0xE140]  }
0x392: {  	[tilespmem:s16+$0xE0E0] =	vst v9;
	v9 =	vmul.f32 v13, v15;
	v13 =	vld [tilespmem:s16+$0xE150]  }
0x393: {  	[tilespmem:s16+$0xE0F0] =	vst v10;
	v10 =	vmul.f32 v14, v15;
	v14 =	vld [tilespmem:s16+$0xE160]  }
0x394: {  	[tilespmem:s16+$0xE100] =	vst v9;
	v9 =	vmul.f32 v11, v15;
	v11 =	vld [tilespmem:s16+$0xE170]  }
0x395: {  	[tilespmem:s16+$0xE110] =	vst v10;
	v10 =	vmul.f32 v17, v15;
	v16 =	vld [tilespmem:s16+$0xE180]  }
0x396: {  	[tilespmem:s16+$0xE120] =	vst v9;
	v9 =	vmul.f32 v12, v15;
	v12 =	vld [tilespmem:s16+$0xE190]  }
0x397: {  	[tilespmem:s16+$0xE130] =	vst v10;
	v10 =	vmul.f32 v13, v15;
	v13 =	vld [tilespmem:s16+$0xE1A0]  }
0x398: {  	[tilespmem:s16+$0xE140] =	vst v9;
	v9 =	vmul.f32 v14, v15;
	v14 =	vbroadcast v2, $0x3;
	v17 =	vld [tilespmem:s16+$0xE1B0]  }
0x399: {  	[tilespmem:s16+$0xE150] =	vst v10;
	v10 =	vmul.f32 v11, v15;
	v11 =	vld [tilespmem:s16+$0xE1C0]  }
0x39a: {  	[tilespmem:s16+$0xE160] =	vst v9;
	v9 =	vmul.f32 v16, v14;
	v15 =	vld [tilespmem:s16+$0xE1D0]  }
0x39b: {  	[tilespmem:s16+$0xE170] =	vst v10;
	v10 =	vmul.f32 v12, v14;
	v12 =	vld [tilespmem:s16+$0xE1E0]  }
0x39c: {  	[tilespmem:s16+$0xE180] =	vst v9;
	v9 =	vmul.f32 v13, v14;
	v13 =	vld [tilespmem:s16+$0xE1F0]  }
0x39d: {  	[tilespmem:s16+$0xE190] =	vst v10;
	v10 =	vmul.f32 v17, v14;
	v16 =	vld [tilespmem:s16+$0xE200]  }
0x39e: {  	[tilespmem:s16+$0xE1A0] =	vst v9;
	v9 =	vmul.f32 v11, v14;
	v11 =	vld [tilespmem:s16+$0xE210]  }
0x39f: {  	[tilespmem:s16+$0xE1B0] =	vst v10;
	v10 =	vmul.f32 v15, v14;
	v15 =	vld [tilespmem:s16+$0xE220]  }
0x3a0: {  	[tilespmem:s16+$0xE1C0] =	vst v9;
	v9 =	vmul.f32 v12, v14;
	v12 =	vld [tilespmem:s16+$0xE230]  }
0x3a1: {  	[tilespmem:s16+$0xE1D0] =	vst v10;
	v10 =	vmul.f32 v13, v14;
	v13 =	vld [tilespmem:s16+$0xE240]  }
0x3a2: {  	[tilespmem:s16+$0xE1E0] =	vst v9;
	v9 =	vmul.f32 v16, v8;
	v14 =	vld [tilespmem:s16+$0xE250]  }
0x3a3: {  	[tilespmem:s16+$0xE1F0] =	vst v10;
	v10 =	vmul.f32 v11, v8;
	v11 =	vld [tilespmem:s16+$0xE260]  }
0x3a4: {  	[tilespmem:s16+$0xE200] =	vst v9;
	v9 =	vmul.f32 v15, v8;
	v15 =	vld [tilespmem:s16+$0xE270]  }
0x3a5: {  	[tilespmem:s16+$0xE210] =	vst v10;
	v10 =	vmul.f32 v12, v8;
	v12 =	vld [tilespmem:s16+$0xE280]  }
0x3a6: {  	[tilespmem:s16+$0xE220] =	vst v9;
	v9 =	vmul.f32 v13, v8;
	v13 =	vld [tilespmem:s16+$0xE290]  }
0x3a7: {  	[tilespmem:s16+$0xE230] =	vst v10;
	v10 =	vmul.f32 v14, v8;
	v14 =	vld [tilespmem:s16+$0xE2A0]  }
0x3a8: {  	[tilespmem:s16+$0xE240] =	vst v9;
	v9 =	vmul.f32 v11, v8;
	v11 =	vbroadcast v2, $0x5;
	v16 =	vld [tilespmem:s16+$0xE2B0]  }
0x3a9: {  	[tilespmem:s16+$0xE250] =	vst v10;
	v8 =	vmul.f32 v15, v8;
	v10 =	vld [tilespmem:s16+$0xE2C0]  }
0x3aa: {  	[tilespmem:s16+$0xE260] =	vst v9;
	v9 =	vmul.f32 v12, v11;
	v12 =	vld [tilespmem:s16+$0xE2D0]  }
0x3ab: {  	[tilespmem:s16+$0xE270] =	vst v8;
	v8 =	vmul.f32 v13, v11;
	v13 =	vld [tilespmem:s16+$0xE2E0]  }
0x3ac: {  	[tilespmem:s16+$0xE280] =	vst v9;
	v9 =	vmul.f32 v14, v11;
	v14 =	vld [tilespmem:s16+$0xE2F0]  }
0x3ad: {  	[tilespmem:s16+$0xE290] =	vst v8;
	v8 =	vmul.f32 v16, v11;
	v15 =	vld [tilespmem:s16+$0xE300]  }
0x3ae: {  	[tilespmem:s16+$0xE2A0] =	vst v9;
	v9 =	vmul.f32 v10, v11;
	v10 =	vld [tilespmem:s16+$0xE310]  }
0x3af: {  	[tilespmem:s16+$0xE2B0] =	vst v8;
	v8 =	vmul.f32 v12, v11;
	v12 =	vld [tilespmem:s16+$0xE320]  }
0x3b0: {  	[tilespmem:s16+$0xE2C0] =	vst v9;
	v9 =	vmul.f32 v13, v11;
	v13 =	vbroadcast v2, $0x6;
	v16 =	vld [tilespmem:s16+$0xE330]  }
0x3b1: {  	[tilespmem:s16+$0xE2D0] =	vst v8;
	v8 =	vmul.f32 v14, v11;
	v11 =	vld [tilespmem:s16+$0xE340]  }
0x3b2: {  	[tilespmem:s16+$0xE2E0] =	vst v9;
	v9 =	vmul.f32 v15, v13;
	v14 =	vld [tilespmem:s16+$0xE350]  }
0x3b3: {  	[tilespmem:s16+$0xE2F0] =	vst v8;
	v8 =	vmul.f32 v10, v13;
	v10 =	vld [tilespmem:s16+$0xE360]  }
0x3b4: {  	[tilespmem:s16+$0xE300] =	vst v9;
	v9 =	vmul.f32 v12, v13;
	v12 =	vld [tilespmem:s16+$0xE370]  }
0x3b5: {  	[tilespmem:s16+$0xE310] =	vst v8;
	v8 =	vmul.f32 v16, v13;
	v15 =	vld [tilespmem:s16+$0xE380]  }
0x3b6: {  	[tilespmem:s16+$0xE320] =	vst v9;
	v9 =	vmul.f32 v11, v13;
	v11 =	vld [tilespmem:s16+$0xE390]  }
0x3b7: {  	[tilespmem:s16+$0xE330] =	vst v8;
	v8 =	vmul.f32 v14, v13;
	v14 =	vld [tilespmem:s16+$0xE3A0]  }
0x3b8: {  	[tilespmem:s16+$0xE340] =	vst v9;
	v9 =	vmul.f32 v10, v13;
	v10 =	vbroadcast v2, $0x7;
	v16 =	vld [tilespmem:s16+$0xE3B0]  }
0x3b9: {  	[tilespmem:s16+$0xE350] =	vst v8;
	v8 =	vmul.f32 v12, v13;
	v12 =	vld [tilespmem:s16+$0xE3C0]  }
0x3ba: {  	[tilespmem:s16+$0xE360] =	vst v9;
	v9 =	vmul.f32 v15, v10;
	v13 =	vld [tilespmem:s16+$0xE3D0]  }
0x3bb: {  	[tilespmem:s16+$0xE370] =	vst v8;
	v8 =	vmul.f32 v11, v10;
	v11 =	vld [tilespmem:s16+$0xE3E0]  }
0x3bc: {  	[tilespmem:s16+$0xE380] =	vst v9;
	v9 =	vmul.f32 v14, v10;
	v14 =	vld [tilespmem:s16+$0xE3F0]  }
0x3bd: {  	[tilespmem:s16+$0xE390] =	vst v8;
	v8 =	vmul.f32 v16, v10;
	v15 =	vld [tilespmem:s16+$0xE400]  }
0x3be: {  	[tilespmem:s16+$0xE3A0] =	vst v9;
	v9 =	vmul.f32 v12, v10;
	v12 =	vld [tilespmem:s16+$0xE410]  }
0x3bf: {  	[tilespmem:s16+$0xE3B0] =	vst v8;
	v8 =	vmul.f32 v13, v10;
	v13 =	vld [tilespmem:s16+$0xE420]  }
0x3c0: {  	[tilespmem:s16+$0xE3C0] =	vst v9;
	v9 =	vmul.f32 v11, v10;
	v11 =	vbroadcast v2, $0x8;
	v16 =	vld [tilespmem:s16+$0xE430]  }
0x3c1: {  	[tilespmem:s16+$0xE3D0] =	vst v8;
	v8 =	vmul.f32 v14, v10;
	v10 =	vld [tilespmem:s16+$0xE440]  }
0x3c2: {  	[tilespmem:s16+$0xE3E0] =	vst v9;
	v9 =	vmul.f32 v15, v11;
	v14 =	vld [tilespmem:s16+$0xE450]  }
0x3c3: {  	[tilespmem:s16+$0xE3F0] =	vst v8;
	v8 =	vmul.f32 v12, v11;
	v12 =	vld [tilespmem:s16+$0xE460]  }
0x3c4: {  	[tilespmem:s16+$0xE400] =	vst v9;
	v9 =	vmul.f32 v13, v11;
	v13 =	vld [tilespmem:s16+$0xE470]  }
0x3c5: {  	[tilespmem:s16+$0xE410] =	vst v8;
	v8 =	vmul.f32 v16, v11;
	v15 =	vld [tilespmem:s16+$0xE480]  }
0x3c6: {  	[tilespmem:s16+$0xE420] =	vst v9;
	v9 =	vmul.f32 v10, v11;
	v10 =	vld [tilespmem:s16+$0xE490]  }
0x3c7: {  	[tilespmem:s16+$0xE430] =	vst v8;
	v8 =	vmul.f32 v14, v11;
	v14 =	vld [tilespmem:s16+$0xE4A0]  }
0x3c8: {  	[tilespmem:s16+$0xE440] =	vst v9;
	v9 =	vmul.f32 v12, v11;
	v12 =	vbroadcast v2, $0x9;
	v16 =	vld [tilespmem:s16+$0xE4B0]  }
0x3c9: {  	[tilespmem:s16+$0xE450] =	vst v8;
	v8 =	vmul.f32 v13, v11;
	v11 =	vld [tilespmem:s16+$0xE4C0]  }
0x3ca: {  	[tilespmem:s16+$0xE460] =	vst v9;
	v9 =	vmul.f32 v15, v12;
	v13 =	vld [tilespmem:s16+$0xE4D0]  }
0x3cb: {  	[tilespmem:s16+$0xE470] =	vst v8;
	v8 =	vmul.f32 v10, v12;
	v10 =	vld [tilespmem:s16+$0xE4E0]  }
0x3cc: {  	[tilespmem:s16+$0xE480] =	vst v9;
	v9 =	vmul.f32 v14, v12;
	v14 =	vld [tilespmem:s16+$0xE4F0]  }
0x3cd: {  	[tilespmem:s16+$0xE490] =	vst v8;
	v8 =	vmul.f32 v16, v12;
	v15 =	vld [tilespmem:s16+$0xE500]  }
0x3ce: {  	[tilespmem:s16+$0xE4A0] =	vst v9;
	v9 =	vmul.f32 v11, v12;
	v11 =	vld [tilespmem:s16+$0xE510]  }
0x3cf: {  	[tilespmem:s16+$0xE4B0] =	vst v8;
	v8 =	vmul.f32 v13, v12;
	v13 =	vld [tilespmem:s16+$0xE520]  }
0x3d0: {  	[tilespmem:s16+$0xE4C0] =	vst v9;
	v9 =	vmul.f32 v10, v12;
	v10 =	vld [tilespmem:s16+$0xE530]  }
0x3d1: {  	[tilespmem:s16+$0xE4D0] =	vst v8;
	v8 =	vmul.f32 v14, v12;
	v12 =	vld [tilespmem:s16+$0xE540]  }
0x3d2: {  	[tilespmem:s16+$0xE4E0] =	vst v9;
	v9 =	vmul.f32 v15, v5;
	v14 =	vld [tilespmem:s16+$0xE550]  }
0x3d3: {  	[tilespmem:s16+$0xE4F0] =	vst v8;
	v8 =	vmul.f32 v11, v5;
	v11 =	vld [tilespmem:s16+$0xE560]  }
0x3d4: {  	v15 =	vld [tilespmem:s16+$0xE000];
	[tilespmem:s16+$0xE500] =	vst v9;
	v9 =	vmul.f32 v13, v5  }
0x3d5: {  	v13 =	vld [tilespmem:s16+$0xE010];
	[tilespmem:s16+$0xE510] =	vst v8;
	v8 =	vmul.f32 v10, v5  }
0x3d6: {  	v10 =	vld [tilespmem:s16+$0xE040];
	[tilespmem:s16+$0xE520] =	vst v9;
	v9 =	vmul.f32 v12, v5  }
0x3d7: {  	v12 =	vld [tilespmem:s16+$0xE050];
	[tilespmem:s16+$0xE530] =	vst v8;
	v8 =	vmul.f32 v14, v5  }
0x3d8: {  	[tilespmem:s16+$0xE540] =	vst v9;
	v9 =	vmul.f32 v11, v5;
	v11 =	vbroadcast v2, $0xB;
	v14 =	vld [tilespmem:s16+$0xE5A0]  }
0x3d9: {  	v5 =	vbroadcast v2, $0xF;
	v15 =	vmul.f32 v3, v15;
	[tilespmem:s16+$0xE550] =	vst v8;
	v8 =	vld [tilespmem:s16+$0xE5B0]  }
0x3da: {  	v13 =	vmul.f32 v13, v3;
	[tilespmem:s16+$0xE560] =	vst v9;
	v6 =	vmul.f32 v6, v11;
	v9 =	vld [tilespmem:s16+$0xE5C0]  }
0x3db: {  	v7 =	vmul.f32 v7, v11;
	[tilespmem:s16+$0xE000] =	vst v15;
	v10 =	vmul.f32 v10, v3;
	v15 =	vld [tilespmem:s16+$0xE5D0]  }
0x3dc: {  	v4 =	vmul.f32 v4, v5;
	v12 =	vmul.f32 v12, v3;
	[tilespmem:s16+$0xE580] =	vst v6;
	v3 =	vld [tilespmem:s16+$0xE5E0]  }
0x3dd: {  	[tilespmem:s16+$0xE590] =	vst v7;
	v6 =	vmul.f32 v14, v11;
	v7 =	vld [tilespmem:s16+$0xE5F0]  }
0x3de: {  	v8 =	vmul.f32 v8, v11;
	v14 =	vld [tilespmem:s16+$0xE600];
	[tilespmem:s16+$0xE7D0] =	vst v4  }
0x3df: {  	[tilespmem:s16+$0xE010] =	vst v13;
	v4 =	vmul.f32 v9, v11;
	v9 =	vld [tilespmem:s16+$0xE610]  }
0x3e0: {  	[tilespmem:s16+$0xE040] =	vst v10;
	v10 =	vmul.f32 v15, v11;
	v13 =	vld [tilespmem:s16+$0xE620]  }
0x3e1: {  	v15 =	vbroadcast v2, $0xC;
	[tilespmem:s16+$0xE5A0] =	vst v6;
	v6 =	vmul.f32 v3, v11;
	v16 =	vld [tilespmem:s16+$0xE630]  }
0x3e2: {  	[tilespmem:s16+$0xE5D0] =	vst v10;
	v7 =	vmul.f32 v7, v11;
	v10 =	vld [tilespmem:s16+$0xE640]  }
0x3e3: {  	[tilespmem:s16+$0xE5B0] =	vst v8;
	v3 =	vmul.f32 v14, v15;
	v8 =	vld [tilespmem:s16+$0xE650]  }
0x3e4: {  	[tilespmem:s16+$0xE5C0] =	vst v4;
	v4 =	vmul.f32 v9, v15;
	v9 =	vld [tilespmem:s16+$0xE660]  }
0x3e5: {  	[tilespmem:s16+$0xE600] =	vst v3;
	v3 =	vmul.f32 v13, v15;
	v11 =	vld [tilespmem:s16+$0xE670]  }
0x3e6: {  	[tilespmem:s16+$0xE610] =	vst v4;
	v4 =	vld [tilespmem:s16+$0xE680]  }
0x3e7: {  	[tilespmem:s16+$0xE050] =	vst v12;
	v10 =	vmul.f32 v10, v15;
	v12 =	vld [tilespmem:s16+$0xE690]  }
0x3e8: {  	[tilespmem:s16+$0xE5E0] =	vst v6;
	v6 =	vmul.f32 v8, v15;
	v8 =	vld [tilespmem:s16+$0xE6A0]  }
0x3e9: {  	[tilespmem:s16+$0xE640] =	vst v10;
	v9 =	vmul.f32 v9, v15;
	v10 =	vbroadcast v2, $0xD;
	v13 =	vld [tilespmem:s16+$0xE6B0]  }
0x3ea: {  	[tilespmem:s16+$0xE650] =	vst v6;
	v6 =	vmul.f32 v11, v15;
	v11 =	vld [tilespmem:s16+$0xE6C0]  }
0x3eb: {  	[tilespmem:s16+$0xE660] =	vst v9;
	v4 =	vmul.f32 v4, v10;
	v9 =	vld [tilespmem:s16+$0xE6D0]  }
0x3ec: {  	[tilespmem:s16+$0xE670] =	vst v6;
	v6 =	vmul.f32 v12, v10;
	v12 =	vld [tilespmem:s16+$0xE6E0]  }
0x3ed: {  	[tilespmem:s16+$0xE680] =	vst v4;
	v4 =	vmul.f32 v8, v10;
	v8 =	vld [tilespmem:s16+$0xE6F0]  }
0x3ee: {  	[tilespmem:s16+$0xE690] =	vst v6;
	v6 =	vmul.f32 v13, v10;
	v13 =	vld [tilespmem:s16+$0xE700]  }
0x3ef: {  	[tilespmem:s16+$0xE6A0] =	vst v4;
	v4 =	vmul.f32 v11, v10;
	v11 =	vld [tilespmem:s16+$0xE710]  }
0x3f0: {  	[tilespmem:s16+$0xE6B0] =	vst v6;
	v6 =	vmul.f32 v9, v10;
	v9 =	vld [tilespmem:s16+$0xE720]  }
0x3f1: {  	v2 =	vbroadcast v2, $0xE;
	[tilespmem:s16+$0xE5F0] =	vst v7;
	v7 =	vmul.f32 v12, v10;
	v12 =	vld [tilespmem:s16+$0xE730]  }
0x3f2: {  	[tilespmem:s16+$0xE6D0] =	vst v6;
	v6 =	vmul.f32 v8, v10;
	v8 =	vld [tilespmem:s16+$0xE740]  }
0x3f3: {  	[tilespmem:s16+$0xE6E0] =	vst v7;
	v7 =	vmul.f32 v13, v2;
	v10 =	vld [tilespmem:s16+$0xE750]  }
0x3f4: {  	[tilespmem:s16+$0xE6F0] =	vst v6;
	v6 =	vmul.f32 v11, v2;
	v11 =	vld [tilespmem:s16+$0xE760]  }
0x3f5: {  	[tilespmem:s16+$0xE700] =	vst v7;
	v7 =	vmul.f32 v9, v2;
	v9 =	vld [tilespmem:s16+$0xE770]  }
0x3f6: {  	[tilespmem:s16+$0xE710] =	vst v6;
	v6 =	vmul.f32 v12, v2;
	v12 =	vld [tilespmem:s16+$0xE780]  }
0x3f7: {  	[tilespmem:s16+$0xE720] =	vst v7;
	v7 =	vmul.f32 v8, v2;
	v8 =	vld [tilespmem:s16+$0xE790]  }
0x3f8: {  	[tilespmem:s16+$0xE730] =	vst v6;
	v6 =	vmul.f32 v10, v2;
	v10 =	vld [tilespmem:s16+$0xE7A0]  }
0x3f9: {  	[tilespmem:s16+$0xE740] =	vst v7;
	v7 =	vmul.f32 v11, v2;
	v11 =	vld [tilespmem:s16+$0xE7B0]  }
0x3fa: {  	[tilespmem:s16+$0xE6C0] =	vst v4;
	v2 =	vmul.f32 v9, v2;
	v4 =	vld [tilespmem:s16+$0xE7C0]  }
0x3fb: {  	[tilespmem:s16+$0xE760] =	vst v7;
	v7 =	vmul.f32 v12, v5;
	v9 =	vld [tilespmem:s16+$0xE7E0]  }
0x3fc: {  	[tilespmem:s16+$0xE770] =	vst v2;
	v2 =	vmul.f32 v8, v5;
	v8 =	vld [tilespmem:s16+$0xE7F0]  }
0x3fd: {  	[tilespmem:s16+$0xE780] =	vst v7;
	v7 =	vmul.f32 v10, v5  }
0x3fe: {  	[tilespmem:s16+$0xE790] =	vst v2;
	v2 =	vmul.f32 v11, v5  }
0x3ff: {  	v10 =	vmul.f32 v16, v15;
	[tilespmem:s16+$0xE7A0] =	vst v7  }
0x400: {  	[tilespmem:s16+$0xE7B0] =	vst v2;
	v2 =	vmul.f32 v4, v5  }
.Ltmp4:
0x401: {  	[tilespmem:s16+$0xE630] =	vst v10;
	v4 =	vmul.f32 v8, v5;
	(pc) =	sbr.rel @p0 .LBB2_11-.Ltmp4, $4  }
0x402: {  	[tilespmem:s16+$0xE7C0] =	vst v2  }
0x403: {  	v2 =	vmul.f32 v9, v5;
	[tilespmem:s16+$0xE7F0] =	vst v4  }
0x404: {  	[tilespmem:s16+$0xE750] =	vst v6  }
0x405: {  	[tilespmem:s16+$0xE7E0] =	vst v2  }
0x406: {  	s1 =	sadd.s32 $0x1, s1  }
0x407: {  	p0 =	sne.s32 s1, $0x50  }
.Ltmp5:
0x408: {  	_ = 	snop;
	(pc) =	sbr.rel @p0 .LBB2_6-.Ltmp5, $3  }
0x409: {  	_ =	sdelay $0x1  }
0x40a: {  	[tilespmem:s16+$0xE620] =	vst v3  }
0x40b: {  	[spmem:s2] =	stream.indirect.scatter.add.f32 [tilespmem:s22], [sflag:$0x4], $0x80, s26, s19, $0xb8;
	[tilespmem:$0x1DB80] =	vst v63  }
0x40c: {  	_ =	swait.ge [sflag:s28], $0x4000  }
0x40d: {  	[sflag:s28] =	ssyncset.done $0x0  }
0x40e: {  	[sflag:s28] =	ssyncadd.s32 $0xFFFFC000  }
0x40f: {  	_ =	swait.ge [sflag:s29], $0x4000  }
0x410: {  	s0 =	stileid.u32;
	[sflag:s29] =	ssyncset.done $0x0  }
0x411: {  	s0 =	sshll.u32 s0, $0x6;
	[sflag:s29] =	ssyncadd.s32 $0xFFFFC000  }
0x412: {  	s1 =	sshrl.u32 s7, $0x3;
	s0 =	sor.u32 $0x1C05, s0;
	[bflag:$0x0] =	sbarrier.arrive $0xFFFF  }
0x413: {  	[hbm:s11], [sflag:s0] =	dma.local [spmem:s1], $0x1480  }
0x414: {  	s31 =	sadd.s32 $0x1, s31;
	_ =	swait.ge [sflag:s14], $0x1480  }
0x415: {  	p0 =	sne.s32 s31, s13;
	[sflag:s14] =	ssyncset.done $0x0  }
.Ltmp6:
0x416: {  	s30 =	simm.s32 $0x400;
	[sflag:s14] =	ssyncadd.s32 $0xFFFFEB80;
	(pc) =	sbr.rel @p0 .LBB2_1-.Ltmp6, $4  }
0x417: {  	[hbm4b:s12+s19] =	stream.strided.scatter [tilespmem:s18], [sflag:$0x5], $0x1480, s30, s19, $0x38;
	[tilespmem:$0x1DB80] =	vst v63  }
0x418: {  	_ =	swait.ge [sflag:s14], $0x1480  }
0x419: {  	[sflag:s14] =	ssyncset.done $0x0  }
0x41a: {  	[sflag:s14] =	ssyncadd.s32 $0xFFFFEB80  }
0x41b: {  	_ =	sfence.sel $0x180000  }
0x41c: {  	[bflag:$0x0] =	sbarrier.arrive $0xFFFF  }
0x41d: {  	_ =	strace $0x90000047  }
0x41e: {  	s0 =	stileid.u32;
	[bflag:$0x2] =	sbarrier.arrive $0xFFFF  }
0x41f: {  	p0 =	sne.s32 s0, $0x0;
	s0 =	rddreg [dreg:$0x3]  }
0x420: {  	s0 =	sadd.s32 @!p0 $0x100000, s0  }
0x421: {  	[sflag:s0] =	ssyncadd.tile.s32 @!p0 $0x1;
	_ =	shalt  }
.Lfunc_end2:
_tile_overlayer_lowered:
.L_overlay_start_2:
0x422: {  	(tag) =	ssettag $0x2  }
0x423: {  	s0 =	rddreg [dreg:$0x0];
	s2 =	stileid.u32  }
0x424: {  	s1 =	rddreg [dreg:$0x1];
	p0 =	sne.s32 s2, $0x0  }
0x425: {  	s3 =	rddreg [dreg:$0x2];
	[bflag:$0x3] =	sbarrier.arrive $0xFFFF;
	s2 =	simm.s32 @!p0 $0x1C05  }
0x426: {  	[timem:s3], [sflag:s2] =	dma.local @!p0 [hbm:s0], s1  }
0x427: {  	s0 =	simm.s32 @!p0 $0x5  }
0x428: {  	_ =	swait.ge @!p0 [sflag:s0], s1  }
0x429: {  	s1 =	ssub.s32 @!p0 $0x0, s1;
	[sflag:s0] =	ssyncset.done @!p0 $0x0  }
0x42a: {  	[sflag:s0] =	ssyncadd.s32 @!p0 s1  }
0x42b: {  	[bflag:$0x3] =	sbarrier.arrive $0xFFFF  }
0x42c: {  	_ =	shalt  }

</sc_bundles>
